<compile_context>
chip_gen: v7x
topology: tpu7x:2x2x1
jax: 0.10.2.dev20260603
libtpu: 0.0.44.dev20260713+nightly
codegen_flags: <defaults>
</compile_context>

<pallas_src>
import functools

import jax
import jax.numpy as jnp
from jax import lax
from jax.experimental import pallas as pl
from jax.experimental.pallas import tpu as pltpu
from jax.experimental.pallas import tpu_sc as plsc

N = 10000
E = 320000
D_FEAT = 128
LATENT = 16
HIDDEN = 32

NC = 2
NS = 16
NW = NC * NS
EPW = E // NW
CH = 2000
NCH = EPW // CH
NPT = N // NS

_mesh = plsc.VectorSubcoreMesh(core_axis_name="c", subcore_axis_name="s")
_sc_params = pltpu.CompilerParams(use_tc_tiling_on_sc=False)


_NB = 3
_LA = 1


@functools.partial(
    pl.kernel,
    out_type=(jax.ShapeDtypeStruct((E, LATENT), jnp.float32),
              jax.ShapeDtypeStruct((E, LATENT), jnp.float32)),
    mesh=_mesh,
    scratch_types=[pltpu.VMEM((NCH, CH), jnp.int32),
                   pltpu.VMEM((NCH, CH), jnp.int32),
                   [pltpu.VMEM((CH, LATENT), jnp.float32)] * _NB,
                   pltpu.SemaphoreType.DMA,
                   [pltpu.SemaphoreType.DMA] * _NB,
                   [pltpu.SemaphoreType.DMA] * _NB],
    compiler_params=_sc_params,
)
def _sc_gather(x_hbm, snd_hbm, rcv_hbm, xs_hbm, xr_hbm,
               idxs_v, idxr_v, bufs, isem, gsems, wsems):
    wid = lax.axis_index("s") * NC + lax.axis_index("c")
    base0 = pl.multiple_of(wid * EPW, 8)
    idescs = []
    for c in range(NCH):
        b = base0 + c * CH
        idescs.append(pltpu.async_copy(snd_hbm.at[pl.ds(b, CH)],
                                       idxs_v.at[c], isem))
        idescs.append(pltpu.async_copy(rcv_hbm.at[pl.ds(b, CH)],
                                       idxr_v.at[c], isem))
    iwaited = 0

    nk = 2 * NCH
    g = [None] * _NB
    w = [None] * _NB
    for k in range(nk + _LA):
        if k < nk:
            j = k % _NB
            c = k // 2
            if w[j] is not None:
                w[j].wait()
            while iwaited <= k:
                idescs[iwaited].wait()
                iwaited += 1
            idx = idxs_v.at[c] if k % 2 == 0 else idxr_v.at[c]
            g[j] = pltpu.async_copy(x_hbm.at[idx], bufs[j], gsems[j])
        if k >= _LA:
            kp = k - _LA
            jp = kp % _NB
            cp = kp // 2
            b = base0 + cp * CH
            out = xs_hbm if kp % 2 == 0 else xr_hbm
            g[jp].wait()
            w[jp] = pltpu.async_copy(bufs[jp], out.at[pl.ds(b, CH)], wsems[jp])
    for j in range(_NB):
        if w[j] is not None:
            w[j].wait()


@functools.partial(
    pl.kernel,
    out_type=jax.ShapeDtypeStruct((NC, N, LATENT), jnp.float32),
    mesh=_mesh,
    scratch_types=[pltpu.VMEM((NCH, CH), jnp.int32),
                   [pltpu.VMEM((CH, LATENT), jnp.float32)] * 2,
                   pltpu.VMEM_SHARED((N, LATENT), jnp.float32),
                   pltpu.SemaphoreType.DMA,
                   [pltpu.SemaphoreType.DMA] * 2,
                   [pltpu.SemaphoreType.DMA] * 2],
    compiler_params=_sc_params,
)
def _sc_scatter(ne_hbm, rcv_hbm, zeros_hbm, out_hbm, idx_v, bufs, acc_sh,
                isem, lsems, asems):
    cid = lax.axis_index("c")
    sid = lax.axis_index("s")
    wid = sid * NC + cid
    base0 = pl.multiple_of(wid * EPW, 8)
    idescs = []
    for c in range(NCH):
        b = base0 + c * CH
        idescs.append(pltpu.async_copy(rcv_hbm.at[pl.ds(b, CH)],
                                       idx_v.at[c], isem))
    pltpu.sync_copy(zeros_hbm.at[pl.ds(sid * NPT, NPT)],
                    acc_sh.at[pl.ds(sid * NPT, NPT)])
    for d in idescs:
        d.wait()
    plsc.subcore_barrier()

    ld = [None] * 2
    ad = [None] * 2
    for c in range(NCH + 1):
        if c < NCH:
            j = c % 2
            b = base0 + c * CH
            if ad[j] is not None:
                ad[j].wait()
            ld[j] = pltpu.async_copy(ne_hbm.at[pl.ds(b, CH)], bufs[j],
                                     lsems[j])
        if c >= 1:
            jp = (c - 1) % 2
            ld[jp].wait()
            ad[jp] = pltpu.async_copy(bufs[jp], acc_sh.at[idx_v.at[c - 1]],
                                      asems[jp], add=True)
    for j in range(2):
        if ad[j] is not None:
            ad[j].wait()
    plsc.subcore_barrier()
    pltpu.sync_copy(acc_sh.at[pl.ds(sid * NPT, NPT)],
                    out_hbm.at[cid, pl.ds(sid * NPT, NPT)])


def _dot(a, b):
    return jnp.dot(a, b, preferred_element_type=jnp.float32)


def _embed_body(n_ref, w_ref, b_ref, x_ref):
    x_ref[...] = _dot(n_ref[...], w_ref[...]) + b_ref[...]


def _edge1_body(e_ref, xs_ref, xr_ref, w_ref, c1_ref, w2_ref, b2_ref, ne_ref):
    h = (_dot(e_ref[...], w_ref[0]) + _dot(xs_ref[...], w_ref[1])
         + _dot(xr_ref[...], w_ref[2]) + c1_ref[...])
    ne_ref[...] = _dot(jnp.maximum(h, 0.0), w2_ref[...]) + b2_ref[...]


def _edge2_body(e_ref, ne1_ref, xs_ref, xr_ref, w_ref, c1_ref, w2_ref, b2_ref,
                ne_ref):
    e2 = e_ref[...] + ne1_ref[...]
    h = (_dot(e2, w_ref[0]) + _dot(xs_ref[...], w_ref[1])
         + _dot(xr_ref[...], w_ref[2]) + c1_ref[...])
    ne_ref[...] = _dot(jnp.maximum(h, 0.0), w2_ref[...]) + b2_ref[...]


PK = 8
E8 = E // PK


def _ln(y, scale, bias):
    mu = jnp.mean(y, axis=-1, keepdims=True)
    var = jnp.mean((y - mu) * (y - mu), axis=-1, keepdims=True)
    return (y - mu) / jnp.sqrt(var + 1e-6) * scale + bias


def _node1_body(x_ref, part_ref, wx_ref, wr_ref, cn_ref, w2_ref, b2_ref,
                lns_ref, lnb_ref, xo_ref):
    x = x_ref[...]
    r = part_ref[0] + part_ref[1]
    h = jnp.maximum(_dot(x, wx_ref[...]) + _dot(r, wr_ref[...]) + cn_ref[...],
                    0.0)
    y = x + _dot(h, w2_ref[...]) + b2_ref[...]
    xo_ref[...] = _ln(y, lns_ref[...], lnb_ref[...])


def _node2_body(x_ref, part_ref, wx_ref, wr_ref, cn_ref, w2_ref, b2_ref,
                lns_ref, lnb_ref, dw_ref, db_ref, o_ref):
    x = x_ref[...]
    r = part_ref[0] + part_ref[1]
    h = jnp.maximum(_dot(x, wx_ref[...]) + _dot(r, wr_ref[...]) + cn_ref[...],
                    0.0)
    y = x + _dot(h, w2_ref[...]) + b2_ref[...]
    y = _ln(y, lns_ref[...], lnb_ref[...])
    o_ref[...] = _dot(y, dw_ref[...]) + db_ref[...]


def _full(shape):
    return pl.BlockSpec(shape, lambda *_: tuple(0 for _ in shape))


_BP = 1000

_tc_embed = pl.pallas_call(
    _embed_body,
    grid=(1,),
    in_specs=[_full((N, D_FEAT)), _full((D_FEAT, LATENT)), _full((1, LATENT))],
    out_specs=_full((N, LATENT)),
    out_shape=jax.ShapeDtypeStruct((N, LATENT), jnp.float32),
)

_edge_in_common = [_full((3, PK * LATENT, PK * HIDDEN)), _full((1, PK * HIDDEN)),
                   _full((PK * HIDDEN, PK * LATENT)), _full((1, PK * LATENT))]
_eblk = pl.BlockSpec((_BP, PK * LATENT), lambda i: (i, 0))

_tc_edge1 = pl.pallas_call(
    _edge1_body,
    grid=(E8 // _BP,),
    in_specs=[_eblk, _eblk, _eblk] + _edge_in_common,
    out_specs=_eblk,
    out_shape=jax.ShapeDtypeStruct((E8, PK * LATENT), jnp.float32),
)

_tc_edge2 = pl.pallas_call(
    _edge2_body,
    grid=(E8 // _BP,),
    in_specs=[_eblk, _eblk, _eblk, _eblk] + _edge_in_common,
    out_specs=_eblk,
    out_shape=jax.ShapeDtypeStruct((E8, PK * LATENT), jnp.float32),
)

_node_in_common = [
    _full((N, LATENT)), _full((NC, N, LATENT)),
    _full((LATENT, HIDDEN)), _full((LATENT, HIDDEN)), _full((1, HIDDEN)),
    _full((HIDDEN, LATENT)), _full((1, LATENT)),
    _full((1, LATENT)), _full((1, LATENT)),
]

_tc_node1 = pl.pallas_call(
    _node1_body,
    grid=(1,),
    in_specs=list(_node_in_common),
    out_specs=_full((N, LATENT)),
    out_shape=jax.ShapeDtypeStruct((N, LATENT), jnp.float32),
)

_tc_node2 = pl.pallas_call(
    _node2_body,
    grid=(1,),
    in_specs=list(_node_in_common) + [_full((LATENT, D_FEAT)),
                                      _full((1, D_FEAT))],
    out_specs=_full((N, D_FEAT)),
    out_shape=jax.ShapeDtypeStruct((N, D_FEAT), jnp.float32),
)


def kernel(nodes, edge_index, edges, globals_, params):
    senders = edge_index[0]
    receivers = edge_index[1]
    p = params
    x = _tc_embed(nodes, p["embed_W"], p["embed_b"].reshape(1, -1))
    zeros = jnp.zeros((N, LATENT), jnp.float32)
    ne1 = None
    out = None
    eye8 = jnp.eye(PK, dtype=jnp.float32)
    edges128 = edges.reshape(E8, PK * LATENT)
    for step in range(2):
        sp = p["steps"][step]
        gs = (globals_ * (2.0 ** step)).reshape(1, -1)
        (W1, b1), (W2, b2) = sp["edge"]
        wstack = jnp.stack([jnp.kron(eye8, W1[0:LATENT]),
                            jnp.kron(eye8, W1[LATENT:2 * LATENT]),
                            jnp.kron(eye8, W1[2 * LATENT:3 * LATENT])])
        c1 = jnp.tile(gs @ W1[3 * LATENT:] + b1, (1, PK))
        w2bd = jnp.kron(eye8, W2)
        b2t = jnp.tile(b2.reshape(1, -1), (1, PK))
        (Wn1, bn1), (Wn2, bn2) = sp["node"]
        cn = gs @ Wn1[2 * LATENT:] + bn1

        xs, xr = _sc_gather(x, senders, receivers)
        xs128 = xs.reshape(E8, PK * LATENT)
        xr128 = xr.reshape(E8, PK * LATENT)
        if step == 0:
            ne1 = _tc_edge1(edges128, xs128, xr128, wstack, c1, w2bd, b2t)
            ne = ne1
        else:
            ne = _tc_edge2(edges128, ne1, xs128, xr128, wstack, c1, w2bd, b2t)
        part = _sc_scatter(ne.reshape(E, LATENT), receivers, zeros)
        nargs = (x, part, Wn1[0:LATENT], Wn1[LATENT:2 * LATENT], cn,
                 Wn2, bn2.reshape(1, -1), sp["ln_scale"].reshape(1, -1),
                 sp["ln_bias"].reshape(1, -1))
        if step == 0:
            x = _tc_node1(*nargs)
        else:
            out = _tc_node2(*nargs, p["dec_W"], p["dec_b"].reshape(1, -1))
    return out

# --- scband reference (transcript-rebuilt; emitter-appended) ---
"""Pipeline reference for scband-graph-conv-net-28406913696300 (READ-ONLY COPY).

The authoritative reference and input builder live on the scoring server;
editing this copy changes nothing except your own understanding.
"""

import jax, jax.numpy as jnp
import numpy as np

N = 10000
E = 320000
D_FEAT = 128
D_EDGE = 16
D_GLOBAL = 16
LATENT = 16
HIDDEN = 32
NUM_MLP_LAYERS = 1
STEPS = 2


def _mlp_params(key, in_dim, sizes):
    layers = []
    for s in sizes:
        key, k = jax.random.split(key)
        W = jax.random.normal(k, (in_dim, s), dtype=jnp.float32) / jnp.sqrt(float(in_dim))
        b = jnp.zeros((s,), dtype=jnp.float32)
        layers.append((W, b))
        in_dim = s
    return layers


def _mlp_apply(layers, x):
    n = len(layers)
    for i, (W, b) in enumerate(layers):
        x = x @ W + b
        if i < n - 1:
            x = jax.nn.relu(x)
    return x


def setup_inputs(seed: int = 0):
    key = jax.random.key(seed)
    ks = jax.random.split(key, 8)
    nodes = jax.random.normal(ks[0], (N, D_FEAT), dtype=jnp.float32)
    edge_index = jax.random.randint(ks[1], (2, E), 0, N, dtype=jnp.int32)
    edges = jax.random.normal(ks[2], (E, D_EDGE), dtype=jnp.float32)
    globals_ = jax.random.normal(ks[3], (D_GLOBAL,), dtype=jnp.float32)
    sizes = [HIDDEN] * NUM_MLP_LAYERS + [LATENT]
    params = {
        "embed_W": jax.random.normal(ks[4], (D_FEAT, LATENT), dtype=jnp.float32) / jnp.sqrt(float(D_FEAT)),
        "embed_b": jnp.zeros((LATENT,), dtype=jnp.float32),
        "dec_W": jax.random.normal(ks[5], (LATENT, D_FEAT), dtype=jnp.float32) / jnp.sqrt(float(LATENT)),
        "dec_b": jnp.zeros((D_FEAT,), dtype=jnp.float32),
        "steps": [],
    }
    kk = ks[6]
    edge_in_dim = D_EDGE + 2 * LATENT + D_GLOBAL
    node_in_dim = LATENT + LATENT + D_GLOBAL
    for i in range(STEPS):
        kk, k1, k2 = jax.random.split(kk, 3)
        params["steps"].append({
            "edge": _mlp_params(k1, edge_in_dim, sizes),
            "node": _mlp_params(k2, node_in_dim, sizes),
            "ln_scale": jnp.ones((LATENT,), dtype=jnp.float32),
            "ln_bias": jnp.zeros((LATENT,), dtype=jnp.float32),
        })
    return {"nodes": nodes, "edge_index": edge_index, "edges": edges, "globals_": globals_, "params": params}


def _forward(nodes, edge_index, edges, globals_, params):
    senders = edge_index[0]
    receivers = edge_index[1]
    # embedder: Dense(latent_size) on nodes; globals reshaped to (1, -1)
    g = globals_.reshape(1, -1)
    x = nodes @ params["embed_W"] + params["embed_b"]
    e = edges
    for step in range(STEPS):
        sp = params["steps"][step]
        # edge update: MLP(concat([edges, senders_feats, receivers_feats, globals]))
        ge = jnp.broadcast_to(g, (e.shape[0], g.shape[-1]))
        edge_inputs = jnp.concatenate([e, x[senders], x[receivers], ge], axis=1)
        new_e = _mlp_apply(sp["edge"], edge_inputs)
        # aggregate new edge features to receiver nodes (jraph default: segment_sum)
        received = jax.ops.segment_sum(new_e, receivers, num_segments=N)
        # node update: MLP(concat([nodes, received_attributes, globals]))
        gn = jnp.broadcast_to(g, (x.shape[0], g.shape[-1]))
        node_inputs = jnp.concatenate([x, received, gn], axis=1)
        new_x = _mlp_apply(sp["node"], node_inputs)
        # skip connections: add_graphs_tuples(graph_net(G), G)
        x = x + new_x
        e = e + new_e
        g = g + g
        # LayerNorm on nodes (flax default eps=1e-6)
        mean = jnp.mean(x, axis=-1, keepdims=True)
        var = jnp.var(x, axis=-1, keepdims=True)
        x = (x - mean) / jnp.sqrt(var + 1e-06) * sp["ln_scale"] + sp["ln_bias"]
    # decoder: Dense(in_features) on nodes
    out = x @ params["dec_W"] + params["dec_b"]
    return out


def reference(nodes, edge_index, edges, globals_, params):
    return _forward(nodes, edge_index, edges, globals_, params)

if __name__ == "__main__":
    import jax
    _d = setup_inputs()
    print(jax.jit(kernel)(*tuple(_d.values())))

</pallas_src>

<mosaic_0001>
#map = affine_map<(d0, d1) -> (0, 0)>
#map1 = affine_map<(d0, d1) -> (0)>
#map2 = affine_map<(d0, d1) -> (0, 0, 0)>
module attributes {stable_mosaic.version = 14 : i64} {
  func.func @_sc_scatter(%arg0: i32, %arg1: i32, %arg2: memref<320000x16xf32, #tpu.memory_space<hbm>>, %arg3: memref<320000xi32, #tpu.memory_space<hbm>>, %arg4: memref<10000x16xf32, #tpu.memory_space<hbm>>, %arg5: memref<2x10000x16xf32, #tpu.memory_space<hbm>>, %arg6: memref<5x2000xi32, #tpu.memory_space<vmem>>, %arg7: memref<2000x16xf32, #tpu.memory_space<vmem>>, %arg8: memref<2000x16xf32, #tpu.memory_space<vmem>>, %arg9: memref<10000x16xf32, #tpu.memory_space<vmem_shared>>, %arg10: memref<!tpu.dma_semaphore, #tpu.memory_space<semaphore_mem>>, %arg11: memref<!tpu.dma_semaphore, #tpu.memory_space<semaphore_mem>>, %arg12: memref<!tpu.dma_semaphore, #tpu.memory_space<semaphore_mem>>, %arg13: memref<!tpu.dma_semaphore, #tpu.memory_space<semaphore_mem>>, %arg14: memref<!tpu.dma_semaphore, #tpu.memory_space<semaphore_mem>>) attributes {dimension_semantics = [#tpu.dimension_semantics<core_parallel>, #tpu.dimension_semantics<subcore_parallel>], iteration_bounds = array<i64: 2, 16>, scalar_prefetch = 0 : i64, scratch_operands = 9 : i64, tpu.core_type = #tpu.core_type<sc_vector_subcore>, window_params = [{transform_indices = #map}, {transform_indices = #map1}, {transform_indices = #map}, {transform_indices = #map2}]} {
    %mul3A = arith.constant 2 : i32
    %mul3A_0 = arith.muli %arg1, %mul3A : i32
    %add3A = arith.addi %mul3A_0, %arg0 : i32
    %mul3A_1 = arith.constant 10000 : i32
    %mul3A_2 = arith.muli %add3A, %mul3A_1 : i32
    %multiple_of3A = tpu.assume_multiple %mul3A_2, 8 : i32
    %add3A_3 = arith.constant 0 : i32
    %add3A_4 = arith.addi %multiple_of3A, %add3A_3 : i32
    %dma_start3A = arith.constant 0 : i32
    %dma_start3A_5 = arith.constant 0 : i32
    %dma_start3A_6 = tpu.memref_slice %arg6[%dma_start3A, %dma_start3A_5] : memref<5x2000xi32, #tpu.memory_space<vmem>> -> memref<1x2000xi32, #tpu.memory_space<vmem>>
    %dma_start3A_7 = tpu.memref_squeeze %dma_start3A_6 : memref<1x2000xi32, #tpu.memory_space<vmem>> -> memref<2000xi32, #tpu.memory_space<vmem>>
    %dma_start3A_8 = tpu.memref_slice %arg3[%add3A_4] : memref<320000xi32, #tpu.memory_space<hbm>> -> memref<2000xi32, #tpu.memory_space<hbm>>
    %dma_start3A_9 = arith.constant 0 : i32
    %dma_start3A_10 = tpu.memref_slice %arg6[%dma_start3A, %dma_start3A_9] : memref<5x2000xi32, #tpu.memory_space<vmem>> -> memref<1x2000xi32, #tpu.memory_space<vmem>>
    %dma_start3A_11 = tpu.memref_squeeze %dma_start3A_10 : memref<1x2000xi32, #tpu.memory_space<vmem>> -> memref<2000xi32, #tpu.memory_space<vmem>>
    %dma_start3A_12 = tpu.memref_slice %arg3[%add3A_4] : memref<320000xi32, #tpu.memory_space<hbm>> -> memref<2000xi32, #tpu.memory_space<hbm>>
    tpu.enqueue_dma source(%dma_start3A_12 : memref<2000xi32, #tpu.memory_space<hbm>>) target(%dma_start3A_11 : memref<2000xi32, #tpu.memory_space<vmem>>) target_semaphore(%arg10 : memref<!tpu.dma_semaphore, #tpu.memory_space<semaphore_mem>>)
    %add3A_13 = arith.constant 2000 : i32
    %add3A_14 = arith.addi %multiple_of3A, %add3A_13 : i32
    %dma_start3A_15 = arith.constant 1 : i32
    %dma_start3A_16 = arith.constant 0 : i32
    %dma_start3A_17 = tpu.memref_slice %arg6[%dma_start3A_15, %dma_start3A_16] : memref<5x2000xi32, #tpu.memory_space<vmem>> -> memref<1x2000xi32, #tpu.memory_space<vmem>>
    %dma_start3A_18 = tpu.memref_squeeze %dma_start3A_17 : memref<1x2000xi32, #tpu.memory_space<vmem>> -> memref<2000xi32, #tpu.memory_space<vmem>>
    %dma_start3A_19 = tpu.memref_slice %arg3[%add3A_14] : memref<320000xi32, #tpu.memory_space<hbm>> -> memref<2000xi32, #tpu.memory_space<hbm>>
    %dma_start3A_20 = arith.constant 0 : i32
    %dma_start3A_21 = tpu.memref_slice %arg6[%dma_start3A_15, %dma_start3A_20] : memref<5x2000xi32, #tpu.memory_space<vmem>> -> memref<1x2000xi32, #tpu.memory_space<vmem>>
    %dma_start3A_22 = tpu.memref_squeeze %dma_start3A_21 : memref<1x2000xi32, #tpu.memory_space<vmem>> -> memref<2000xi32, #tpu.memory_space<vmem>>
    %dma_start3A_23 = tpu.memref_slice %arg3[%add3A_14] : memref<320000xi32, #tpu.memory_space<hbm>> -> memref<2000xi32, #tpu.memory_space<hbm>>
    tpu.enqueue_dma source(%dma_start3A_23 : memref<2000xi32, #tpu.memory_space<hbm>>) target(%dma_start3A_22 : memref<2000xi32, #tpu.memory_space<vmem>>) target_semaphore(%arg10 : memref<!tpu.dma_semaphore, #tpu.memory_space<semaphore_mem>>)
    %add3A_24 = arith.constant 4000 : i32
    %add3A_25 = arith.addi %multiple_of3A, %add3A_24 : i32
    %dma_start3A_26 = arith.constant 2 : i32
    %dma_start3A_27 = arith.constant 0 : i32
    %dma_start3A_28 = tpu.memref_slice %arg6[%dma_start3A_26, %dma_start3A_27] : memref<5x2000xi32, #tpu.memory_space<vmem>> -> memref<1x2000xi32, #tpu.memory_space<vmem>>
    %dma_start3A_29 = tpu.memref_squeeze %dma_start3A_28 : memref<1x2000xi32, #tpu.memory_space<vmem>> -> memref<2000xi32, #tpu.memory_space<vmem>>
    %dma_start3A_30 = tpu.memref_slice %arg3[%add3A_25] : memref<320000xi32, #tpu.memory_space<hbm>> -> memref<2000xi32, #tpu.memory_space<hbm>>
    %dma_start3A_31 = arith.constant 0 : i32
    %dma_start3A_32 = tpu.memref_slice %arg6[%dma_start3A_26, %dma_start3A_31] : memref<5x2000xi32, #tpu.memory_space<vmem>> -> memref<1x2000xi32, #tpu.memory_space<vmem>>
    %dma_start3A_33 = tpu.memref_squeeze %dma_start3A_32 : memref<1x2000xi32, #tpu.memory_space<vmem>> -> memref<2000xi32, #tpu.memory_space<vmem>>
    %dma_start3A_34 = tpu.memref_slice %arg3[%add3A_25] : memref<320000xi32, #tpu.memory_space<hbm>> -> memref<2000xi32, #tpu.memory_space<hbm>>
    tpu.enqueue_dma source(%dma_start3A_34 : memref<2000xi32, #tpu.memory_space<hbm>>) target(%dma_start3A_33 : memref<2000xi32, #tpu.memory_space<vmem>>) target_semaphore(%arg10 : memref<!tpu.dma_semaphore, #tpu.memory_space<semaphore_mem>>)
    %add3A_35 = arith.constant 6000 : i32
    %add3A_36 = arith.addi %multiple_of3A, %add3A_35 : i32
    %dma_start3A_37 = arith.constant 3 : i32
    %dma_start3A_38 = arith.constant 0 : i32
    %dma_start3A_39 = tpu.memref_slice %arg6[%dma_start3A_37, %dma_start3A_38] : memref<5x2000xi32, #tpu.memory_space<vmem>> -> memref<1x2000xi32, #tpu.memory_space<vmem>>
    %dma_start3A_40 = tpu.memref_squeeze %dma_start3A_39 : memref<1x2000xi32, #tpu.memory_space<vmem>> -> memref<2000xi32, #tpu.memory_space<vmem>>
    %dma_start3A_41 = tpu.memref_slice %arg3[%add3A_36] : memref<320000xi32, #tpu.memory_space<hbm>> -> memref<2000xi32, #tpu.memory_space<hbm>>
    %dma_start3A_42 = arith.constant 0 : i32
    %dma_start3A_43 = tpu.memref_slice %arg6[%dma_start3A_37, %dma_start3A_42] : memref<5x2000xi32, #tpu.memory_space<vmem>> -> memref<1x2000xi32, #tpu.memory_space<vmem>>
    %dma_start3A_44 = tpu.memref_squeeze %dma_start3A_43 : memref<1x2000xi32, #tpu.memory_space<vmem>> -> memref<2000xi32, #tpu.memory_space<vmem>>
    %dma_start3A_45 = tpu.memref_slice %arg3[%add3A_36] : memref<320000xi32, #tpu.memory_space<hbm>> -> memref<2000xi32, #tpu.memory_space<hbm>>
    tpu.enqueue_dma source(%dma_start3A_45 : memref<2000xi32, #tpu.memory_space<hbm>>) target(%dma_start3A_44 : memref<2000xi32, #tpu.memory_space<vmem>>) target_semaphore(%arg10 : memref<!tpu.dma_semaphore, #tpu.memory_space<semaphore_mem>>)
    %add3A_46 = arith.constant 8000 : i32
    %add3A_47 = arith.addi %multiple_of3A, %add3A_46 : i32
    %dma_start3A_48 = arith.constant 4 : i32
    %dma_start3A_49 = arith.constant 0 : i32
    %dma_start3A_50 = tpu.memref_slice %arg6[%dma_start3A_48, %dma_start3A_49] : memref<5x2000xi32, #tpu.memory_space<vmem>> -> memref<1x2000xi32, #tpu.memory_space<vmem>>
    %dma_start3A_51 = tpu.memref_squeeze %dma_start3A_50 : memref<1x2000xi32, #tpu.memory_space<vmem>> -> memref<2000xi32, #tpu.memory_space<vmem>>
    %dma_start3A_52 = tpu.memref_slice %arg3[%add3A_47] : memref<320000xi32, #tpu.memory_space<hbm>> -> memref<2000xi32, #tpu.memory_space<hbm>>
    %dma_start3A_53 = arith.constant 0 : i32
    %dma_start3A_54 = tpu.memref_slice %arg6[%dma_start3A_48, %dma_start3A_53] : memref<5x2000xi32, #tpu.memory_space<vmem>> -> memref<1x2000xi32, #tpu.memory_space<vmem>>
    %dma_start3A_55 = tpu.memref_squeeze %dma_start3A_54 : memref<1x2000xi32, #tpu.memory_space<vmem>> -> memref<2000xi32, #tpu.memory_space<vmem>>
    %dma_start3A_56 = tpu.memref_slice %arg3[%add3A_47] : memref<320000xi32, #tpu.memory_space<hbm>> -> memref<2000xi32, #tpu.memory_space<hbm>>
    tpu.enqueue_dma source(%dma_start3A_56 : memref<2000xi32, #tpu.memory_space<hbm>>) target(%dma_start3A_55 : memref<2000xi32, #tpu.memory_space<vmem>>) target_semaphore(%arg10 : memref<!tpu.dma_semaphore, #tpu.memory_space<semaphore_mem>>)
    %mul3A_57 = arith.constant 625 : i32
    %mul3A_58 = arith.muli %arg1, %mul3A_57 : i32
    %mul3A_59 = arith.constant 625 : i32
    %mul3A_60 = arith.muli %arg1, %mul3A_59 : i32
    "tpu.region"() ({
      %run_scoped3A = tpu.sem_alloc : memref<!tpu.dma_semaphore, #tpu.memory_space<semaphore_mem>>
      %dma_start3A_230 = arith.constant 0 : i32
      %dma_start3A_231 = tpu.memref_slice %arg9[%mul3A_60, %dma_start3A_230] : memref<10000x16xf32, #tpu.memory_space<vmem_shared>> -> memref<625x16xf32, #tpu.memory_space<vmem_shared>>
      %dma_start3A_232 = arith.constant 0 : i32
      %dma_start3A_233 = tpu.memref_slice %arg4[%mul3A_58, %dma_start3A_232] : memref<10000x16xf32, #tpu.memory_space<hbm>> -> memref<625x16xf32, #tpu.memory_space<hbm>>
      tpu.enqueue_dma source(%dma_start3A_233 : memref<625x16xf32, #tpu.memory_space<hbm>>) target(%dma_start3A_231 : memref<625x16xf32, #tpu.memory_space<vmem_shared>>) target_semaphore(%run_scoped3A : memref<!tpu.dma_semaphore, #tpu.memory_space<semaphore_mem>>)
      %dma_wait3A_234 = arith.constant 0 : i32
      %dma_wait3A_235 = tpu.memref_slice %arg9[%mul3A_60, %dma_wait3A_234] : memref<10000x16xf32, #tpu.memory_space<vmem_shared>> -> memref<625x16xf32, #tpu.memory_space<vmem_shared>>
      %dma_wait3A_236 = arith.constant 0 : i32
      %dma_wait3A_237 = tpu.memref_slice %arg4[%mul3A_58, %dma_wait3A_236] : memref<10000x16xf32, #tpu.memory_space<hbm>> -> memref<625x16xf32, #tpu.memory_space<hbm>>
      tpu.wait_dma2 semaphore(%run_scoped3A : memref<!tpu.dma_semaphore, #tpu.memory_space<semaphore_mem>>) src(%dma_wait3A_237 : memref<625x16xf32, #tpu.memory_space<hbm>>) dst(%dma_wait3A_235 : memref<625x16xf32, #tpu.memory_space<vmem_shared>>)
      tpu.yield
    }) : () -> ()
    %dma_wait3A = arith.constant 0 : i32
    %dma_wait3A_61 = arith.constant 0 : i32
    %dma_wait3A_62 = tpu.memref_slice %arg6[%dma_wait3A, %dma_wait3A_61] : memref<5x2000xi32, #tpu.memory_space<vmem>> -> memref<1x2000xi32, #tpu.memory_space<vmem>>
    %dma_wait3A_63 = tpu.memref_squeeze %dma_wait3A_62 : memref<1x2000xi32, #tpu.memory_space<vmem>> -> memref<2000xi32, #tpu.memory_space<vmem>>
    %dma_wait3A_64 = tpu.memref_slice %arg3[%add3A_4] : memref<320000xi32, #tpu.memory_space<hbm>> -> memref<2000xi32, #tpu.memory_space<hbm>>
    %dma_wait3A_65 = arith.constant 0 : i32
    %dma_wait3A_66 = tpu.memref_slice %arg6[%dma_wait3A, %dma_wait3A_65] : memref<5x2000xi32, #tpu.memory_space<vmem>> -> memref<1x2000xi32, #tpu.memory_space<vmem>>
    %dma_wait3A_67 = tpu.memref_squeeze %dma_wait3A_66 : memref<1x2000xi32, #tpu.memory_space<vmem>> -> memref<2000xi32, #tpu.memory_space<vmem>>
    %dma_wait3A_68 = tpu.memref_slice %arg3[%add3A_4] : memref<320000xi32, #tpu.memory_space<hbm>> -> memref<2000xi32, #tpu.memory_space<hbm>>
    tpu.wait_dma2 semaphore(%arg10 : memref<!tpu.dma_semaphore, #tpu.memory_space<semaphore_mem>>) src(%dma_wait3A_68 : memref<2000xi32, #tpu.memory_space<hbm>>) dst(%dma_wait3A_67 : memref<2000xi32, #tpu.memory_space<vmem>>)
    %dma_wait3A_69 = arith.constant 1 : i32
    %dma_wait3A_70 = arith.constant 0 : i32
    %dma_wait3A_71 = tpu.memref_slice %arg6[%dma_wait3A_69, %dma_wait3A_70] : memref<5x2000xi32, #tpu.memory_space<vmem>> -> memref<1x2000xi32, #tpu.memory_space<vmem>>
    %dma_wait3A_72 = tpu.memref_squeeze %dma_wait3A_71 : memref<1x2000xi32, #tpu.memory_space<vmem>> -> memref<2000xi32, #tpu.memory_space<vmem>>
    %dma_wait3A_73 = tpu.memref_slice %arg3[%add3A_14] : memref<320000xi32, #tpu.memory_space<hbm>> -> memref<2000xi32, #tpu.memory_space<hbm>>
    %dma_wait3A_74 = arith.constant 0 : i32
    %dma_wait3A_75 = tpu.memref_slice %arg6[%dma_wait3A_69, %dma_wait3A_74] : memref<5x2000xi32, #tpu.memory_space<vmem>> -> memref<1x2000xi32, #tpu.memory_space<vmem>>
    %dma_wait3A_76 = tpu.memref_squeeze %dma_wait3A_75 : memref<1x2000xi32, #tpu.memory_space<vmem>> -> memref<2000xi32, #tpu.memory_space<vmem>>
    %dma_wait3A_77 = tpu.memref_slice %arg3[%add3A_14] : memref<320000xi32, #tpu.memory_space<hbm>> -> memref<2000xi32, #tpu.memory_space<hbm>>
    tpu.wait_dma2 semaphore(%arg10 : memref<!tpu.dma_semaphore, #tpu.memory_space<semaphore_mem>>) src(%dma_wait3A_77 : memref<2000xi32, #tpu.memory_space<hbm>>) dst(%dma_wait3A_76 : memref<2000xi32, #tpu.memory_space<vmem>>)
    %dma_wait3A_78 = arith.constant 2 : i32
    %dma_wait3A_79 = arith.constant 0 : i32
    %dma_wait3A_80 = tpu.memref_slice %arg6[%dma_wait3A_78, %dma_wait3A_79] : memref<5x2000xi32, #tpu.memory_space<vmem>> -> memref<1x2000xi32, #tpu.memory_space<vmem>>
    %dma_wait3A_81 = tpu.memref_squeeze %dma_wait3A_80 : memref<1x2000xi32, #tpu.memory_space<vmem>> -> memref<2000xi32, #tpu.memory_space<vmem>>
    %dma_wait3A_82 = tpu.memref_slice %arg3[%add3A_25] : memref<320000xi32, #tpu.memory_space<hbm>> -> memref<2000xi32, #tpu.memory_space<hbm>>
    %dma_wait3A_83 = arith.constant 0 : i32
    %dma_wait3A_84 = tpu.memref_slice %arg6[%dma_wait3A_78, %dma_wait3A_83] : memref<5x2000xi32, #tpu.memory_space<vmem>> -> memref<1x2000xi32, #tpu.memory_space<vmem>>
    %dma_wait3A_85 = tpu.memref_squeeze %dma_wait3A_84 : memref<1x2000xi32, #tpu.memory_space<vmem>> -> memref<2000xi32, #tpu.memory_space<vmem>>
    %dma_wait3A_86 = tpu.memref_slice %arg3[%add3A_25] : memref<320000xi32, #tpu.memory_space<hbm>> -> memref<2000xi32, #tpu.memory_space<hbm>>
    tpu.wait_dma2 semaphore(%arg10 : memref<!tpu.dma_semaphore, #tpu.memory_space<semaphore_mem>>) src(%dma_wait3A_86 : memref<2000xi32, #tpu.memory_space<hbm>>) dst(%dma_wait3A_85 : memref<2000xi32, #tpu.memory_space<vmem>>)
    %dma_wait3A_87 = arith.constant 3 : i32
    %dma_wait3A_88 = arith.constant 0 : i32
    %dma_wait3A_89 = tpu.memref_slice %arg6[%dma_wait3A_87, %dma_wait3A_88] : memref<5x2000xi32, #tpu.memory_space<vmem>> -> memref<1x2000xi32, #tpu.memory_space<vmem>>
    %dma_wait3A_90 = tpu.memref_squeeze %dma_wait3A_89 : memref<1x2000xi32, #tpu.memory_space<vmem>> -> memref<2000xi32, #tpu.memory_space<vmem>>
    %dma_wait3A_91 = tpu.memref_slice %arg3[%add3A_36] : memref<320000xi32, #tpu.memory_space<hbm>> -> memref<2000xi32, #tpu.memory_space<hbm>>
    %dma_wait3A_92 = arith.constant 0 : i32
    %dma_wait3A_93 = tpu.memref_slice %arg6[%dma_wait3A_87, %dma_wait3A_92] : memref<5x2000xi32, #tpu.memory_space<vmem>> -> memref<1x2000xi32, #tpu.memory_space<vmem>>
    %dma_wait3A_94 = tpu.memref_squeeze %dma_wait3A_93 : memref<1x2000xi32, #tpu.memory_space<vmem>> -> memref<2000xi32, #tpu.memory_space<vmem>>
    %dma_wait3A_95 = tpu.memref_slice %arg3[%add3A_36] : memref<320000xi32, #tpu.memory_space<hbm>> -> memref<2000xi32, #tpu.memory_space<hbm>>
    tpu.wait_dma2 semaphore(%arg10 : memref<!tpu.dma_semaphore, #tpu.memory_space<semaphore_mem>>) src(%dma_wait3A_95 : memref<2000xi32, #tpu.memory_space<hbm>>) dst(%dma_wait3A_94 : memref<2000xi32, #tpu.memory_space<vmem>>)
    %dma_wait3A_96 = arith.constant 4 : i32
    %dma_wait3A_97 = arith.constant 0 : i32
    %dma_wait3A_98 = tpu.memref_slice %arg6[%dma_wait3A_96, %dma_wait3A_97] : memref<5x2000xi32, #tpu.memory_space<vmem>> -> memref<1x2000xi32, #tpu.memory_space<vmem>>
    %dma_wait3A_99 = tpu.memref_squeeze %dma_wait3A_98 : memref<1x2000xi32, #tpu.memory_space<vmem>> -> memref<2000xi32, #tpu.memory_space<vmem>>
    %dma_wait3A_100 = tpu.memref_slice %arg3[%add3A_47] : memref<320000xi32, #tpu.memory_space<hbm>> -> memref<2000xi32, #tpu.memory_space<hbm>>
    %dma_wait3A_101 = arith.constant 0 : i32
    %dma_wait3A_102 = tpu.memref_slice %arg6[%dma_wait3A_96, %dma_wait3A_101] : memref<5x2000xi32, #tpu.memory_space<vmem>> -> memref<1x2000xi32, #tpu.memory_space<vmem>>
    %dma_wait3A_103 = tpu.memref_squeeze %dma_wait3A_102 : memref<1x2000xi32, #tpu.memory_space<vmem>> -> memref<2000xi32, #tpu.memory_space<vmem>>
    %dma_wait3A_104 = tpu.memref_slice %arg3[%add3A_47] : memref<320000xi32, #tpu.memory_space<hbm>> -> memref<2000xi32, #tpu.memory_space<hbm>>
    tpu.wait_dma2 semaphore(%arg10 : memref<!tpu.dma_semaphore, #tpu.memory_space<semaphore_mem>>) src(%dma_wait3A_104 : memref<2000xi32, #tpu.memory_space<hbm>>) dst(%dma_wait3A_103 : memref<2000xi32, #tpu.memory_space<vmem>>)
    %barrier3A = arith.constant 0 : index
    tpu.barrier barrier_id(%barrier3A)
    %add3A_105 = arith.constant 0 : i32
    %add3A_106 = arith.addi %multiple_of3A, %add3A_105 : i32
    %dma_start3A_107 = arith.constant 0 : i32
    %dma_start3A_108 = tpu.memref_slice %arg2[%add3A_106, %dma_start3A_107] : memref<320000x16xf32, #tpu.memory_space<hbm>> -> memref<2000x16xf32, #tpu.memory_space<hbm>>
    %dma_start3A_109 = arith.constant 0 : i32
    %dma_start3A_110 = tpu.memref_slice %arg2[%add3A_106, %dma_start3A_109] : memref<320000x16xf32, #tpu.memory_space<hbm>> -> memref<2000x16xf32, #tpu.memory_space<hbm>>
    tpu.enqueue_dma source(%dma_start3A_110 : memref<2000x16xf32, #tpu.memory_space<hbm>>) target(%arg7 : memref<2000x16xf32, #tpu.memory_space<vmem>>) target_semaphore(%arg11 : memref<!tpu.dma_semaphore, #tpu.memory_space<semaphore_mem>>)
    %add3A_111 = arith.constant 2000 : i32
    %add3A_112 = arith.addi %multiple_of3A, %add3A_111 : i32
    %dma_start3A_113 = arith.constant 0 : i32
    %dma_start3A_114 = tpu.memref_slice %arg2[%add3A_112, %dma_start3A_113] : memref<320000x16xf32, #tpu.memory_space<hbm>> -> memref<2000x16xf32, #tpu.memory_space<hbm>>
    %dma_start3A_115 = arith.constant 0 : i32
    %dma_start3A_116 = tpu.memref_slice %arg2[%add3A_112, %dma_start3A_115] : memref<320000x16xf32, #tpu.memory_space<hbm>> -> memref<2000x16xf32, #tpu.memory_space<hbm>>
    tpu.enqueue_dma source(%dma_start3A_116 : memref<2000x16xf32, #tpu.memory_space<hbm>>) target(%arg8 : memref<2000x16xf32, #tpu.memory_space<vmem>>) target_semaphore(%arg12 : memref<!tpu.dma_semaphore, #tpu.memory_space<semaphore_mem>>)
    %dma_wait3A_117 = arith.constant 0 : i32
    %dma_wait3A_118 = tpu.memref_slice %arg2[%add3A_106, %dma_wait3A_117] : memref<320000x16xf32, #tpu.memory_space<hbm>> -> memref<2000x16xf32, #tpu.memory_space<hbm>>
    %dma_wait3A_119 = arith.constant 0 : i32
    %dma_wait3A_120 = tpu.memref_slice %arg2[%add3A_106, %dma_wait3A_119] : memref<320000x16xf32, #tpu.memory_space<hbm>> -> memref<2000x16xf32, #tpu.memory_space<hbm>>
    tpu.wait_dma2 semaphore(%arg11 : memref<!tpu.dma_semaphore, #tpu.memory_space<semaphore_mem>>) src(%dma_wait3A_120 : memref<2000x16xf32, #tpu.memory_space<hbm>>) dst(%arg7 : memref<2000x16xf32, #tpu.memory_space<vmem>>)
    %dma_start3A_121 = arith.constant 0 : i32
    %dma_start3A_122 = arith.constant 0 : i32
    %dma_start3A_123 = tpu.memref_slice %arg6[%dma_start3A_121, %dma_start3A_122] : memref<5x2000xi32, #tpu.memory_space<vmem>> -> memref<1x2000xi32, #tpu.memory_space<vmem>>
    %dma_start3A_124 = tpu.memref_squeeze %dma_start3A_123 : memref<1x2000xi32, #tpu.memory_space<vmem>> -> memref<2000xi32, #tpu.memory_space<vmem>>
    %dma_start3A_125 = arith.constant 0 : i32
    %dma_start3A_126 = arith.constant 0 : i32
    %dma_start3A_127 = tpu.memref_slice %arg9[%dma_start3A_125, %dma_start3A_126] : memref<10000x16xf32, #tpu.memory_space<vmem_shared>> -> memref<10000x16xf32, #tpu.memory_space<vmem_shared>>
    tpu.enqueue_indirect_dma source(%arg7 : memref<2000x16xf32, #tpu.memory_space<vmem>>) target(%dma_start3A_127 : memref<10000x16xf32, #tpu.memory_space<vmem_shared>>) offsets(%dma_start3A_124 : memref<2000xi32, #tpu.memory_space<vmem>>) semaphore(%arg13 : memref<!tpu.dma_semaphore, #tpu.memory_space<semaphore_mem>>) {add = true}
    %add3A_128 = arith.constant 4000 : i32
    %add3A_129 = arith.addi %multiple_of3A, %add3A_128 : i32
    %dma_wait3A_130 = arith.constant 0 : i32
    %dma_wait3A_131 = arith.constant 0 : i32
    %dma_wait3A_132 = tpu.memref_slice %arg6[%dma_wait3A_130, %dma_wait3A_131] : memref<5x2000xi32, #tpu.memory_space<vmem>> -> memref<1x2000xi32, #tpu.memory_space<vmem>>
    %dma_wait3A_133 = tpu.memref_squeeze %dma_wait3A_132 : memref<1x2000xi32, #tpu.memory_space<vmem>> -> memref<2000xi32, #tpu.memory_space<vmem>>
    %dma_wait3A_134 = arith.constant 0 : i32
    %dma_wait3A_135 = arith.constant 0 : i32
    %dma_wait3A_136 = tpu.memref_slice %arg9[%dma_wait3A_134, %dma_wait3A_135] : memref<10000x16xf32, #tpu.memory_space<vmem_shared>> -> memref<10000x16xf32, #tpu.memory_space<vmem_shared>>
    tpu.wait_indirect_dma semaphore(%arg13 : memref<!tpu.dma_semaphore, #tpu.memory_space<semaphore_mem>>) src(%arg7 : memref<2000x16xf32, #tpu.memory_space<vmem>>) dst(%dma_wait3A_136 : memref<10000x16xf32, #tpu.memory_space<vmem_shared>>)
    %dma_start3A_137 = arith.constant 0 : i32
    %dma_start3A_138 = tpu.memref_slice %arg2[%add3A_129, %dma_start3A_137] : memref<320000x16xf32, #tpu.memory_space<hbm>> -> memref<2000x16xf32, #tpu.memory_space<hbm>>
    %dma_start3A_139 = arith.constant 0 : i32
    %dma_start3A_140 = tpu.memref_slice %arg2[%add3A_129, %dma_start3A_139] : memref<320000x16xf32, #tpu.memory_space<hbm>> -> memref<2000x16xf32, #tpu.memory_space<hbm>>
    tpu.enqueue_dma source(%dma_start3A_140 : memref<2000x16xf32, #tpu.memory_space<hbm>>) target(%arg7 : memref<2000x16xf32, #tpu.memory_space<vmem>>) target_semaphore(%arg11 : memref<!tpu.dma_semaphore, #tpu.memory_space<semaphore_mem>>)
    %dma_wait3A_141 = arith.constant 0 : i32
    %dma_wait3A_142 = tpu.memref_slice %arg2[%add3A_112, %dma_wait3A_141] : memref<320000x16xf32, #tpu.memory_space<hbm>> -> memref<2000x16xf32, #tpu.memory_space<hbm>>
    %dma_wait3A_143 = arith.constant 0 : i32
    %dma_wait3A_144 = tpu.memref_slice %arg2[%add3A_112, %dma_wait3A_143] : memref<320000x16xf32, #tpu.memory_space<hbm>> -> memref<2000x16xf32, #tpu.memory_space<hbm>>
    tpu.wait_dma2 semaphore(%arg12 : memref<!tpu.dma_semaphore, #tpu.memory_space<semaphore_mem>>) src(%dma_wait3A_144 : memref<2000x16xf32, #tpu.memory_space<hbm>>) dst(%arg8 : memref<2000x16xf32, #tpu.memory_space<vmem>>)
    %dma_start3A_145 = arith.constant 1 : i32
    %dma_start3A_146 = arith.constant 0 : i32
    %dma_start3A_147 = tpu.memref_slice %arg6[%dma_start3A_145, %dma_start3A_146] : memref<5x2000xi32, #tpu.memory_space<vmem>> -> memref<1x2000xi32, #tpu.memory_space<vmem>>
    %dma_start3A_148 = tpu.memref_squeeze %dma_start3A_147 : memref<1x2000xi32, #tpu.memory_space<vmem>> -> memref<2000xi32, #tpu.memory_space<vmem>>
    %dma_start3A_149 = arith.constant 0 : i32
    %dma_start3A_150 = arith.constant 0 : i32
    %dma_start3A_151 = tpu.memref_slice %arg9[%dma_start3A_149, %dma_start3A_150] : memref<10000x16xf32, #tpu.memory_space<vmem_shared>> -> memref<10000x16xf32, #tpu.memory_space<vmem_shared>>
    tpu.enqueue_indirect_dma source(%arg8 : memref<2000x16xf32, #tpu.memory_space<vmem>>) target(%dma_start3A_151 : memref<10000x16xf32, #tpu.memory_space<vmem_shared>>) offsets(%dma_start3A_148 : memref<2000xi32, #tpu.memory_space<vmem>>) semaphore(%arg14 : memref<!tpu.dma_semaphore, #tpu.memory_space<semaphore_mem>>) {add = true}
    %add3A_152 = arith.constant 6000 : i32
    %add3A_153 = arith.addi %multiple_of3A, %add3A_152 : i32
    %dma_wait3A_154 = arith.constant 1 : i32
    %dma_wait3A_155 = arith.constant 0 : i32
    %dma_wait3A_156 = tpu.memref_slice %arg6[%dma_wait3A_154, %dma_wait3A_155] : memref<5x2000xi32, #tpu.memory_space<vmem>> -> memref<1x2000xi32, #tpu.memory_space<vmem>>
    %dma_wait3A_157 = tpu.memref_squeeze %dma_wait3A_156 : memref<1x2000xi32, #tpu.memory_space<vmem>> -> memref<2000xi32, #tpu.memory_space<vmem>>
    %dma_wait3A_158 = arith.constant 0 : i32
    %dma_wait3A_159 = arith.constant 0 : i32
    %dma_wait3A_160 = tpu.memref_slice %arg9[%dma_wait3A_158, %dma_wait3A_159] : memref<10000x16xf32, #tpu.memory_space<vmem_shared>> -> memref<10000x16xf32, #tpu.memory_space<vmem_shared>>
    tpu.wait_indirect_dma semaphore(%arg14 : memref<!tpu.dma_semaphore, #tpu.memory_space<semaphore_mem>>) src(%arg8 : memref<2000x16xf32, #tpu.memory_space<vmem>>) dst(%dma_wait3A_160 : memref<10000x16xf32, #tpu.memory_space<vmem_shared>>)
    %dma_start3A_161 = arith.constant 0 : i32
    %dma_start3A_162 = tpu.memref_slice %arg2[%add3A_153, %dma_start3A_161] : memref<320000x16xf32, #tpu.memory_space<hbm>> -> memref<2000x16xf32, #tpu.memory_space<hbm>>
    %dma_start3A_163 = arith.constant 0 : i32
    %dma_start3A_164 = tpu.memref_slice %arg2[%add3A_153, %dma_start3A_163] : memref<320000x16xf32, #tpu.memory_space<hbm>> -> memref<2000x16xf32, #tpu.memory_space<hbm>>
    tpu.enqueue_dma source(%dma_start3A_164 : memref<2000x16xf32, #tpu.memory_space<hbm>>) target(%arg8 : memref<2000x16xf32, #tpu.memory_space<vmem>>) target_semaphore(%arg12 : memref<!tpu.dma_semaphore, #tpu.memory_space<semaphore_mem>>)
    %dma_wait3A_165 = arith.constant 0 : i32
    %dma_wait3A_166 = tpu.memref_slice %arg2[%add3A_129, %dma_wait3A_165] : memref<320000x16xf32, #tpu.memory_space<hbm>> -> memref<2000x16xf32, #tpu.memory_space<hbm>>
    %dma_wait3A_167 = arith.constant 0 : i32
    %dma_wait3A_168 = tpu.memref_slice %arg2[%add3A_129, %dma_wait3A_167] : memref<320000x16xf32, #tpu.memory_space<hbm>> -> memref<2000x16xf32, #tpu.memory_space<hbm>>
    tpu.wait_dma2 semaphore(%arg11 : memref<!tpu.dma_semaphore, #tpu.memory_space<semaphore_mem>>) src(%dma_wait3A_168 : memref<2000x16xf32, #tpu.memory_space<hbm>>) dst(%arg7 : memref<2000x16xf32, #tpu.memory_space<vmem>>)
    %dma_start3A_169 = arith.constant 2 : i32
    %dma_start3A_170 = arith.constant 0 : i32
    %dma_start3A_171 = tpu.memref_slice %arg6[%dma_start3A_169, %dma_start3A_170] : memref<5x2000xi32, #tpu.memory_space<vmem>> -> memref<1x2000xi32, #tpu.memory_space<vmem>>
    %dma_start3A_172 = tpu.memref_squeeze %dma_start3A_171 : memref<1x2000xi32, #tpu.memory_space<vmem>> -> memref<2000xi32, #tpu.memory_space<vmem>>
    %dma_start3A_173 = arith.constant 0 : i32
    %dma_start3A_174 = arith.constant 0 : i32
    %dma_start3A_175 = tpu.memref_slice %arg9[%dma_start3A_173, %dma_start3A_174] : memref<10000x16xf32, #tpu.memory_space<vmem_shared>> -> memref<10000x16xf32, #tpu.memory_space<vmem_shared>>
    tpu.enqueue_indirect_dma source(%arg7 : memref<2000x16xf32, #tpu.memory_space<vmem>>) target(%dma_start3A_175 : memref<10000x16xf32, #tpu.memory_space<vmem_shared>>) offsets(%dma_start3A_172 : memref<2000xi32, #tpu.memory_space<vmem>>) semaphore(%arg13 : memref<!tpu.dma_semaphore, #tpu.memory_space<semaphore_mem>>) {add = true}
    %add3A_176 = arith.constant 8000 : i32
    %add3A_177 = arith.addi %multiple_of3A, %add3A_176 : i32
    %dma_wait3A_178 = arith.constant 2 : i32
    %dma_wait3A_179 = arith.constant 0 : i32
    %dma_wait3A_180 = tpu.memref_slice %arg6[%dma_wait3A_178, %dma_wait3A_179] : memref<5x2000xi32, #tpu.memory_space<vmem>> -> memref<1x2000xi32, #tpu.memory_space<vmem>>
    %dma_wait3A_181 = tpu.memref_squeeze %dma_wait3A_180 : memref<1x2000xi32, #tpu.memory_space<vmem>> -> memref<2000xi32, #tpu.memory_space<vmem>>
    %dma_wait3A_182 = arith.constant 0 : i32
    %dma_wait3A_183 = arith.constant 0 : i32
    %dma_wait3A_184 = tpu.memref_slice %arg9[%dma_wait3A_182, %dma_wait3A_183] : memref<10000x16xf32, #tpu.memory_space<vmem_shared>> -> memref<10000x16xf32, #tpu.memory_space<vmem_shared>>
    tpu.wait_indirect_dma semaphore(%arg13 : memref<!tpu.dma_semaphore, #tpu.memory_space<semaphore_mem>>) src(%arg7 : memref<2000x16xf32, #tpu.memory_space<vmem>>) dst(%dma_wait3A_184 : memref<10000x16xf32, #tpu.memory_space<vmem_shared>>)
    %dma_start3A_185 = arith.constant 0 : i32
    %dma_start3A_186 = tpu.memref_slice %arg2[%add3A_177, %dma_start3A_185] : memref<320000x16xf32, #tpu.memory_space<hbm>> -> memref<2000x16xf32, #tpu.memory_space<hbm>>
    %dma_start3A_187 = arith.constant 0 : i32
    %dma_start3A_188 = tpu.memref_slice %arg2[%add3A_177, %dma_start3A_187] : memref<320000x16xf32, #tpu.memory_space<hbm>> -> memref<2000x16xf32, #tpu.memory_space<hbm>>
    tpu.enqueue_dma source(%dma_start3A_188 : memref<2000x16xf32, #tpu.memory_space<hbm>>) target(%arg7 : memref<2000x16xf32, #tpu.memory_space<vmem>>) target_semaphore(%arg11 : memref<!tpu.dma_semaphore, #tpu.memory_space<semaphore_mem>>)
    %dma_wait3A_189 = arith.constant 0 : i32
    %dma_wait3A_190 = tpu.memref_slice %arg2[%add3A_153, %dma_wait3A_189] : memref<320000x16xf32, #tpu.memory_space<hbm>> -> memref<2000x16xf32, #tpu.memory_space<hbm>>
    %dma_wait3A_191 = arith.constant 0 : i32
    %dma_wait3A_192 = tpu.memref_slice %arg2[%add3A_153, %dma_wait3A_191] : memref<320000x16xf32, #tpu.memory_space<hbm>> -> memref<2000x16xf32, #tpu.memory_space<hbm>>
    tpu.wait_dma2 semaphore(%arg12 : memref<!tpu.dma_semaphore, #tpu.memory_space<semaphore_mem>>) src(%dma_wait3A_192 : memref<2000x16xf32, #tpu.memory_space<hbm>>) dst(%arg8 : memref<2000x16xf32, #tpu.memory_space<vmem>>)
    %dma_start3A_193 = arith.constant 3 : i32
    %dma_start3A_194 = arith.constant 0 : i32
    %dma_start3A_195 = tpu.memref_slice %arg6[%dma_start3A_193, %dma_start3A_194] : memref<5x2000xi32, #tpu.memory_space<vmem>> -> memref<1x2000xi32, #tpu.memory_space<vmem>>
    %dma_start3A_196 = tpu.memref_squeeze %dma_start3A_195 : memref<1x2000xi32, #tpu.memory_space<vmem>> -> memref<2000xi32, #tpu.memory_space<vmem>>
    %dma_start3A_197 = arith.constant 0 : i32
    %dma_start3A_198 = arith.constant 0 : i32
    %dma_start3A_199 = tpu.memref_slice %arg9[%dma_start3A_197, %dma_start3A_198] : memref<10000x16xf32, #tpu.memory_space<vmem_shared>> -> memref<10000x16xf32, #tpu.memory_space<vmem_shared>>
    tpu.enqueue_indirect_dma source(%arg8 : memref<2000x16xf32, #tpu.memory_space<vmem>>) target(%dma_start3A_199 : memref<10000x16xf32, #tpu.memory_space<vmem_shared>>) offsets(%dma_start3A_196 : memref<2000xi32, #tpu.memory_space<vmem>>) semaphore(%arg14 : memref<!tpu.dma_semaphore, #tpu.memory_space<semaphore_mem>>) {add = true}
    %dma_wait3A_200 = arith.constant 0 : i32
    %dma_wait3A_201 = tpu.memref_slice %arg2[%add3A_177, %dma_wait3A_200] : memref<320000x16xf32, #tpu.memory_space<hbm>> -> memref<2000x16xf32, #tpu.memory_space<hbm>>
    %dma_wait3A_202 = arith.constant 0 : i32
    %dma_wait3A_203 = tpu.memref_slice %arg2[%add3A_177, %dma_wait3A_202] : memref<320000x16xf32, #tpu.memory_space<hbm>> -> memref<2000x16xf32, #tpu.memory_space<hbm>>
    tpu.wait_dma2 semaphore(%arg11 : memref<!tpu.dma_semaphore, #tpu.memory_space<semaphore_mem>>) src(%dma_wait3A_203 : memref<2000x16xf32, #tpu.memory_space<hbm>>) dst(%arg7 : memref<2000x16xf32, #tpu.memory_space<vmem>>)
    %dma_start3A_204 = arith.constant 4 : i32
    %dma_start3A_205 = arith.constant 0 : i32
    %dma_start3A_206 = tpu.memref_slice %arg6[%dma_start3A_204, %dma_start3A_205] : memref<5x2000xi32, #tpu.memory_space<vmem>> -> memref<1x2000xi32, #tpu.memory_space<vmem>>
    %dma_start3A_207 = tpu.memref_squeeze %dma_start3A_206 : memref<1x2000xi32, #tpu.memory_space<vmem>> -> memref<2000xi32, #tpu.memory_space<vmem>>
    %dma_start3A_208 = arith.constant 0 : i32
    %dma_start3A_209 = arith.constant 0 : i32
    %dma_start3A_210 = tpu.memref_slice %arg9[%dma_start3A_208, %dma_start3A_209] : memref<10000x16xf32, #tpu.memory_space<vmem_shared>> -> memref<10000x16xf32, #tpu.memory_space<vmem_shared>>
    tpu.enqueue_indirect_dma source(%arg7 : memref<2000x16xf32, #tpu.memory_space<vmem>>) target(%dma_start3A_210 : memref<10000x16xf32, #tpu.memory_space<vmem_shared>>) offsets(%dma_start3A_207 : memref<2000xi32, #tpu.memory_space<vmem>>) semaphore(%arg13 : memref<!tpu.dma_semaphore, #tpu.memory_space<semaphore_mem>>) {add = true}
    %dma_wait3A_211 = arith.constant 4 : i32
    %dma_wait3A_212 = arith.constant 0 : i32
    %dma_wait3A_213 = tpu.memref_slice %arg6[%dma_wait3A_211, %dma_wait3A_212] : memref<5x2000xi32, #tpu.memory_space<vmem>> -> memref<1x2000xi32, #tpu.memory_space<vmem>>
    %dma_wait3A_214 = tpu.memref_squeeze %dma_wait3A_213 : memref<1x2000xi32, #tpu.memory_space<vmem>> -> memref<2000xi32, #tpu.memory_space<vmem>>
    %dma_wait3A_215 = arith.constant 0 : i32
    %dma_wait3A_216 = arith.constant 0 : i32
    %dma_wait3A_217 = tpu.memref_slice %arg9[%dma_wait3A_215, %dma_wait3A_216] : memref<10000x16xf32, #tpu.memory_space<vmem_shared>> -> memref<10000x16xf32, #tpu.memory_space<vmem_shared>>
    tpu.wait_indirect_dma semaphore(%arg13 : memref<!tpu.dma_semaphore, #tpu.memory_space<semaphore_mem>>) src(%arg7 : memref<2000x16xf32, #tpu.memory_space<vmem>>) dst(%dma_wait3A_217 : memref<10000x16xf32, #tpu.memory_space<vmem_shared>>)
    %dma_wait3A_218 = arith.constant 3 : i32
    %dma_wait3A_219 = arith.constant 0 : i32
    %dma_wait3A_220 = tpu.memref_slice %arg6[%dma_wait3A_218, %dma_wait3A_219] : memref<5x2000xi32, #tpu.memory_space<vmem>> -> memref<1x2000xi32, #tpu.memory_space<vmem>>
    %dma_wait3A_221 = tpu.memref_squeeze %dma_wait3A_220 : memref<1x2000xi32, #tpu.memory_space<vmem>> -> memref<2000xi32, #tpu.memory_space<vmem>>
    %dma_wait3A_222 = arith.constant 0 : i32
    %dma_wait3A_223 = arith.constant 0 : i32
    %dma_wait3A_224 = tpu.memref_slice %arg9[%dma_wait3A_222, %dma_wait3A_223] : memref<10000x16xf32, #tpu.memory_space<vmem_shared>> -> memref<10000x16xf32, #tpu.memory_space<vmem_shared>>
    tpu.wait_indirect_dma semaphore(%arg14 : memref<!tpu.dma_semaphore, #tpu.memory_space<semaphore_mem>>) src(%arg8 : memref<2000x16xf32, #tpu.memory_space<vmem>>) dst(%dma_wait3A_224 : memref<10000x16xf32, #tpu.memory_space<vmem_shared>>)
    %barrier3A_225 = arith.constant 0 : index
    tpu.barrier barrier_id(%barrier3A_225)
    %mul3A_226 = arith.constant 625 : i32
    %mul3A_227 = arith.muli %arg1, %mul3A_226 : i32
    %mul3A_228 = arith.constant 625 : i32
    %mul3A_229 = arith.muli %arg1, %mul3A_228 : i32
    "tpu.region"() ({
      %run_scoped3A = tpu.sem_alloc : memref<!tpu.dma_semaphore, #tpu.memory_space<semaphore_mem>>
      %dma_start3A_230 = arith.constant 0 : i32
      %dma_start3A_231 = tpu.memref_slice %arg5[%arg0, %mul3A_229, %dma_start3A_230] : memref<2x10000x16xf32, #tpu.memory_space<hbm>> -> memref<1x625x16xf32, #tpu.memory_space<hbm>>
      %dma_start3A_232 = tpu.memref_squeeze %dma_start3A_231 : memref<1x625x16xf32, #tpu.memory_space<hbm>> -> memref<625x16xf32, #tpu.memory_space<hbm>>
      %dma_start3A_233 = arith.constant 0 : i32
      %dma_start3A_234 = tpu.memref_slice %arg9[%mul3A_227, %dma_start3A_233] : memref<10000x16xf32, #tpu.memory_space<vmem_shared>> -> memref<625x16xf32, #tpu.memory_space<vmem_shared>>
      tpu.enqueue_dma source(%dma_start3A_234 : memref<625x16xf32, #tpu.memory_space<vmem_shared>>) target(%dma_start3A_232 : memref<625x16xf32, #tpu.memory_space<hbm>>) target_semaphore(%run_scoped3A : memref<!tpu.dma_semaphore, #tpu.memory_space<semaphore_mem>>)
      %dma_wait3A_235 = arith.constant 0 : i32
      %dma_wait3A_236 = tpu.memref_slice %arg5[%arg0, %mul3A_229, %dma_wait3A_235] : memref<2x10000x16xf32, #tpu.memory_space<hbm>> -> memref<1x625x16xf32, #tpu.memory_space<hbm>>
      %dma_wait3A_237 = tpu.memref_squeeze %dma_wait3A_236 : memref<1x625x16xf32, #tpu.memory_space<hbm>> -> memref<625x16xf32, #tpu.memory_space<hbm>>
      %dma_wait3A_238 = arith.constant 0 : i32
      %dma_wait3A_239 = tpu.memref_slice %arg9[%mul3A_227, %dma_wait3A_238] : memref<10000x16xf32, #tpu.memory_space<vmem_shared>> -> memref<625x16xf32, #tpu.memory_space<vmem_shared>>
      tpu.wait_dma2 semaphore(%run_scoped3A : memref<!tpu.dma_semaphore, #tpu.memory_space<semaphore_mem>>) src(%dma_wait3A_239 : memref<625x16xf32, #tpu.memory_space<vmem_shared>>) dst(%dma_wait3A_237 : memref<625x16xf32, #tpu.memory_space<hbm>>)
      tpu.yield
    }) : () -> ()
    return
  }
}

#map = affine_map<(d0, d1) -> (0, 0)>
#map1 = affine_map<(d0, d1) -> (0)>
#map2 = affine_map<(d0, d1) -> (0, 0, 0)>
module attributes {stable_mosaic.version = 14 : i64} {
  func.func @_sc_scatter(%arg0: i32, %arg1: i32, %arg2: memref<320000x16xf32, #tpu.memory_space<hbm>>, %arg3: memref<320000xi32, #tpu.memory_space<hbm>>, %arg4: memref<10000x16xf32, #tpu.memory_space<hbm>>, %arg5: memref<2x10000x16xf32, #tpu.memory_space<hbm>>, %arg6: memref<5x2000xi32, #tpu.memory_space<vmem>>, %arg7: memref<2000x16xf32, #tpu.memory_space<vmem>>, %arg8: memref<2000x16xf32, #tpu.memory_space<vmem>>, %arg9: memref<10000x16xf32, #tpu.memory_space<vmem_shared>>, %arg10: memref<!tpu.dma_semaphore, #tpu.memory_space<semaphore_mem>>, %arg11: memref<!tpu.dma_semaphore, #tpu.memory_space<semaphore_mem>>, %arg12: memref<!tpu.dma_semaphore, #tpu.memory_space<semaphore_mem>>, %arg13: memref<!tpu.dma_semaphore, #tpu.memory_space<semaphore_mem>>, %arg14: memref<!tpu.dma_semaphore, #tpu.memory_space<semaphore_mem>>) attributes {dimension_semantics = [#tpu.dimension_semantics<core_parallel>, #tpu.dimension_semantics<subcore_parallel>], iteration_bounds = array<i64: 2, 16>, scalar_prefetch = 0 : i64, scratch_operands = 9 : i64, tpu.core_type = #tpu.core_type<sc_vector_subcore>, window_params = [{transform_indices = #map}, {transform_indices = #map1}, {transform_indices = #map}, {transform_indices = #map2}]} {
    %mul3A = arith.constant 2 : i32
    %mul3A_0 = arith.muli %arg1, %mul3A : i32
    %add3A = arith.addi %mul3A_0, %arg0 : i32
    %mul3A_1 = arith.constant 10000 : i32
    %mul3A_2 = arith.muli %add3A, %mul3A_1 : i32
    %multiple_of3A = tpu.assume_multiple %mul3A_2, 8 : i32
    %add3A_3 = arith.constant 0 : i32
    %add3A_4 = arith.addi %multiple_of3A, %add3A_3 : i32
    %dma_start3A = arith.constant 0 : i32
    %dma_start3A_5 = arith.constant 0 : i32
    %dma_start3A_6 = tpu.memref_slice %arg6[%dma_start3A, %dma_start3A_5] : memref<5x2000xi32, #tpu.memory_space<vmem>> -> memref<1x2000xi32, #tpu.memory_space<vmem>>
    %dma_start3A_7 = tpu.memref_squeeze %dma_start3A_6 : memref<1x2000xi32, #tpu.memory_space<vmem>> -> memref<2000xi32, #tpu.memory_space<vmem>>
    %dma_start3A_8 = tpu.memref_slice %arg3[%add3A_4] : memref<320000xi32, #tpu.memory_space<hbm>> -> memref<2000xi32, #tpu.memory_space<hbm>>
    %dma_start3A_9 = arith.constant 0 : i32
    %dma_start3A_10 = tpu.memref_slice %arg6[%dma_start3A, %dma_start3A_9] : memref<5x2000xi32, #tpu.memory_space<vmem>> -> memref<1x2000xi32, #tpu.memory_space<vmem>>
    %dma_start3A_11 = tpu.memref_squeeze %dma_start3A_10 : memref<1x2000xi32, #tpu.memory_space<vmem>> -> memref<2000xi32, #tpu.memory_space<vmem>>
    %dma_start3A_12 = tpu.memref_slice %arg3[%add3A_4] : memref<320000xi32, #tpu.memory_space<hbm>> -> memref<2000xi32, #tpu.memory_space<hbm>>
    tpu.enqueue_dma source(%dma_start3A_12 : memref<2000xi32, #tpu.memory_space<hbm>>) target(%dma_start3A_11 : memref<2000xi32, #tpu.memory_space<vmem>>) target_semaphore(%arg10 : memref<!tpu.dma_semaphore, #tpu.memory_space<semaphore_mem>>)
    %add3A_13 = arith.constant 2000 : i32
    %add3A_14 = arith.addi %multiple_of3A, %add3A_13 : i32
    %dma_start3A_15 = arith.constant 1 : i32
    %dma_start3A_16 = arith.constant 0 : i32
    %dma_start3A_17 = tpu.memref_slice %arg6[%dma_start3A_15, %dma_start3A_16] : memref<5x2000xi32, #tpu.memory_space<vmem>> -> memref<1x2000xi32, #tpu.memory_space<vmem>>
    %dma_start3A_18 = tpu.memref_squeeze %dma_start3A_17 : memref<1x2000xi32, #tpu.memory_space<vmem>> -> memref<2000xi32, #tpu.memory_space<vmem>>
    %dma_start3A_19 = tpu.memref_slice %arg3[%add3A_14] : memref<320000xi32, #tpu.memory_space<hbm>> -> memref<2000xi32, #tpu.memory_space<hbm>>
    %dma_start3A_20 = arith.constant 0 : i32
    %dma_start3A_21 = tpu.memref_slice %arg6[%dma_start3A_15, %dma_start3A_20] : memref<5x2000xi32, #tpu.memory_space<vmem>> -> memref<1x2000xi32, #tpu.memory_space<vmem>>
    %dma_start3A_22 = tpu.memref_squeeze %dma_start3A_21 : memref<1x2000xi32, #tpu.memory_space<vmem>> -> memref<2000xi32, #tpu.memory_space<vmem>>
    %dma_start3A_23 = tpu.memref_slice %arg3[%add3A_14] : memref<320000xi32, #tpu.memory_space<hbm>> -> memref<2000xi32, #tpu.memory_space<hbm>>
    tpu.enqueue_dma source(%dma_start3A_23 : memref<2000xi32, #tpu.memory_space<hbm>>) target(%dma_start3A_22 : memref<2000xi32, #tpu.memory_space<vmem>>) target_semaphore(%arg10 : memref<!tpu.dma_semaphore, #tpu.memory_space<semaphore_mem>>)
    %add3A_24 = arith.constant 4000 : i32
    %add3A_25 = arith.addi %multiple_of3A, %add3A_24 : i32
    %dma_start3A_26 = arith.constant 2 : i32
    %dma_start3A_27 = arith.constant 0 : i32
    %dma_start3A_28 = tpu.memref_slice %arg6[%dma_start3A_26, %dma_start3A_27] : memref<5x2000xi32, #tpu.memory_space<vmem>> -> memref<1x2000xi32, #tpu.memory_space<vmem>>
    %dma_start3A_29 = tpu.memref_squeeze %dma_start3A_28 : memref<1x2000xi32, #tpu.memory_space<vmem>> -> memref<2000xi32, #tpu.memory_space<vmem>>
    %dma_start3A_30 = tpu.memref_slice %arg3[%add3A_25] : memref<320000xi32, #tpu.memory_space<hbm>> -> memref<2000xi32, #tpu.memory_space<hbm>>
    %dma_start3A_31 = arith.constant 0 : i32
    %dma_start3A_32 = tpu.memref_slice %arg6[%dma_start3A_26, %dma_start3A_31] : memref<5x2000xi32, #tpu.memory_space<vmem>> -> memref<1x2000xi32, #tpu.memory_space<vmem>>
    %dma_start3A_33 = tpu.memref_squeeze %dma_start3A_32 : memref<1x2000xi32, #tpu.memory_space<vmem>> -> memref<2000xi32, #tpu.memory_space<vmem>>
    %dma_start3A_34 = tpu.memref_slice %arg3[%add3A_25] : memref<320000xi32, #tpu.memory_space<hbm>> -> memref<2000xi32, #tpu.memory_space<hbm>>
    tpu.enqueue_dma source(%dma_start3A_34 : memref<2000xi32, #tpu.memory_space<hbm>>) target(%dma_start3A_33 : memref<2000xi32, #tpu.memory_space<vmem>>) target_semaphore(%arg10 : memref<!tpu.dma_semaphore, #tpu.memory_space<semaphore_mem>>)
    %add3A_35 = arith.constant 6000 : i32
    %add3A_36 = arith.addi %multiple_of3A, %add3A_35 : i32
    %dma_start3A_37 = arith.constant 3 : i32
    %dma_start3A_38 = arith.constant 0 : i32
    %dma_start3A_39 = tpu.memref_slice %arg6[%dma_start3A_37, %dma_start3A_38] : memref<5x2000xi32, #tpu.memory_space<vmem>> -> memref<1x2000xi32, #tpu.memory_space<vmem>>
    %dma_start3A_40 = tpu.memref_squeeze %dma_start3A_39 : memref<1x2000xi32, #tpu.memory_space<vmem>> -> memref<2000xi32, #tpu.memory_space<vmem>>
    %dma_start3A_41 = tpu.memref_slice %arg3[%add3A_36] : memref<320000xi32, #tpu.memory_space<hbm>> -> memref<2000xi32, #tpu.memory_space<hbm>>
    %dma_start3A_42 = arith.constant 0 : i32
    %dma_start3A_43 = tpu.memref_slice %arg6[%dma_start3A_37, %dma_start3A_42] : memref<5x2000xi32, #tpu.memory_space<vmem>> -> memref<1x2000xi32, #tpu.memory_space<vmem>>
    %dma_start3A_44 = tpu.memref_squeeze %dma_start3A_43 : memref<1x2000xi32, #tpu.memory_space<vmem>> -> memref<2000xi32, #tpu.memory_space<vmem>>
    %dma_start3A_45 = tpu.memref_slice %arg3[%add3A_36] : memref<320000xi32, #tpu.memory_space<hbm>> -> memref<2000xi32, #tpu.memory_space<hbm>>
    tpu.enqueue_dma source(%dma_start3A_45 : memref<2000xi32, #tpu.memory_space<hbm>>) target(%dma_start3A_44 : memref<2000xi32, #tpu.memory_space<vmem>>) target_semaphore(%arg10 : memref<!tpu.dma_semaphore, #tpu.memory_space<semaphore_mem>>)
    %add3A_46 = arith.constant 8000 : i32
    %add3A_47 = arith.addi %multiple_of3A, %add3A_46 : i32
    %dma_start3A_48 = arith.constant 4 : i32
    %dma_start3A_49 = arith.constant 0 : i32
    %dma_start3A_50 = tpu.memref_slice %arg6[%dma_start3A_48, %dma_start3A_49] : memref<5x2000xi32, #tpu.memory_space<vmem>> -> memref<1x2000xi32, #tpu.memory_space<vmem>>
    %dma_start3A_51 = tpu.memref_squeeze %dma_start3A_50 : memref<1x2000xi32, #tpu.memory_space<vmem>> -> memref<2000xi32, #tpu.memory_space<vmem>>
    %dma_start3A_52 = tpu.memref_slice %arg3[%add3A_47] : memref<320000xi32, #tpu.memory_space<hbm>> -> memref<2000xi32, #tpu.memory_space<hbm>>
    %dma_start3A_53 = arith.constant 0 : i32
    %dma_start3A_54 = tpu.memref_slice %arg6[%dma_start3A_48, %dma_start3A_53] : memref<5x2000xi32, #tpu.memory_space<vmem>> -> memref<1x2000xi32, #tpu.memory_space<vmem>>
    %dma_start3A_55 = tpu.memref_squeeze %dma_start3A_54 : memref<1x2000xi32, #tpu.memory_space<vmem>> -> memref<2000xi32, #tpu.memory_space<vmem>>
    %dma_start3A_56 = tpu.memref_slice %arg3[%add3A_47] : memref<320000xi32, #tpu.memory_space<hbm>> -> memref<2000xi32, #tpu.memory_space<hbm>>
    tpu.enqueue_dma source(%dma_start3A_56 : memref<2000xi32, #tpu.memory_space<hbm>>) target(%dma_start3A_55 : memref<2000xi32, #tpu.memory_space<vmem>>) target_semaphore(%arg10 : memref<!tpu.dma_semaphore, #tpu.memory_space<semaphore_mem>>)
    %mul3A_57 = arith.constant 625 : i32
    %mul3A_58 = arith.muli %arg1, %mul3A_57 : i32
    %mul3A_59 = arith.constant 625 : i32
    %mul3A_60 = arith.muli %arg1, %mul3A_59 : i32
    "tpu.region"() ({
      %run_scoped3A = tpu.sem_alloc : memref<!tpu.dma_semaphore, #tpu.memory_space<semaphore_mem>>
      %dma_start3A_230 = arith.constant 0 : i32
      %dma_start3A_231 = tpu.memref_slice %arg9[%mul3A_60, %dma_start3A_230] : memref<10000x16xf32, #tpu.memory_space<vmem_shared>> -> memref<625x16xf32, #tpu.memory_space<vmem_shared>>
      %dma_start3A_232 = arith.constant 0 : i32
      %dma_start3A_233 = tpu.memref_slice %arg4[%mul3A_58, %dma_start3A_232] : memref<10000x16xf32, #tpu.memory_space<hbm>> -> memref<625x16xf32, #tpu.memory_space<hbm>>
      tpu.enqueue_dma source(%dma_start3A_233 : memref<625x16xf32, #tpu.memory_space<hbm>>) target(%dma_start3A_231 : memref<625x16xf32, #tpu.memory_space<vmem_shared>>) target_semaphore(%run_scoped3A : memref<!tpu.dma_semaphore, #tpu.memory_space<semaphore_mem>>)
      %dma_wait3A_234 = arith.constant 0 : i32
      %dma_wait3A_235 = tpu.memref_slice %arg9[%mul3A_60, %dma_wait3A_234] : memref<10000x16xf32, #tpu.memory_space<vmem_shared>> -> memref<625x16xf32, #tpu.memory_space<vmem_shared>>
      %dma_wait3A_236 = arith.constant 0 : i32
      %dma_wait3A_237 = tpu.memref_slice %arg4[%mul3A_58, %dma_wait3A_236] : memref<10000x16xf32, #tpu.memory_space<hbm>> -> memref<625x16xf32, #tpu.memory_space<hbm>>
      tpu.wait_dma2 semaphore(%run_scoped3A : memref<!tpu.dma_semaphore, #tpu.memory_space<semaphore_mem>>) src(%dma_wait3A_237 : memref<625x16xf32, #tpu.memory_space<hbm>>) dst(%dma_wait3A_235 : memref<625x16xf32, #tpu.memory_space<vmem_shared>>)
      tpu.yield
    }) : () -> ()
    %dma_wait3A = arith.constant 0 : i32
    %dma_wait3A_61 = arith.constant 0 : i32
    %dma_wait3A_62 = tpu.memref_slice %arg6[%dma_wait3A, %dma_wait3A_61] : memref<5x2000xi32, #tpu.memory_space<vmem>> -> memref<1x2000xi32, #tpu.memory_space<vmem>>
    %dma_wait3A_63 = tpu.memref_squeeze %dma_wait3A_62 : memref<1x2000xi32, #tpu.memory_space<vmem>> -> memref<2000xi32, #tpu.memory_space<vmem>>
    %dma_wait3A_64 = tpu.memref_slice %arg3[%add3A_4] : memref<320000xi32, #tpu.memory_space<hbm>> -> memref<2000xi32, #tpu.memory_space<hbm>>
    %dma_wait3A_65 = arith.constant 0 : i32
    %dma_wait3A_66 = tpu.memref_slice %arg6[%dma_wait3A, %dma_wait3A_65] : memref<5x2000xi32, #tpu.memory_space<vmem>> -> memref<1x2000xi32, #tpu.memory_space<vmem>>
    %dma_wait3A_67 = tpu.memref_squeeze %dma_wait3A_66 : memref<1x2000xi32, #tpu.memory_space<vmem>> -> memref<2000xi32, #tpu.memory_space<vmem>>
    %dma_wait3A_68 = tpu.memref_slice %arg3[%add3A_4] : memref<320000xi32, #tpu.memory_space<hbm>> -> memref<2000xi32, #tpu.memory_space<hbm>>
    tpu.wait_dma2 semaphore(%arg10 : memref<!tpu.dma_semaphore, #tpu.memory_space<semaphore_mem>>) src(%dma_wait3A_68 : memref<2000xi32, #tpu.memory_space<hbm>>) dst(%dma_wait3A_67 : memref<2000xi32, #tpu.memory_space<vmem>>)
    %dma_wait3A_69 = arith.constant 1 : i32
    %dma_wait3A_70 = arith.constant 0 : i32
    %dma_wait3A_71 = tpu.memref_slice %arg6[%dma_wait3A_69, %dma_wait3A_70] : memref<5x2000xi32, #tpu.memory_space<vmem>> -> memref<1x2000xi32, #tpu.memory_space<vmem>>
    %dma_wait3A_72 = tpu.memref_squeeze %dma_wait3A_71 : memref<1x2000xi32, #tpu.memory_space<vmem>> -> memref<2000xi32, #tpu.memory_space<vmem>>
    %dma_wait3A_73 = tpu.memref_slice %arg3[%add3A_14] : memref<320000xi32, #tpu.memory_space<hbm>> -> memref<2000xi32, #tpu.memory_space<hbm>>
    %dma_wait3A_74 = arith.constant 0 : i32
    %dma_wait3A_75 = tpu.memref_slice %arg6[%dma_wait3A_69, %dma_wait3A_74] : memref<5x2000xi32, #tpu.memory_space<vmem>> -> memref<1x2000xi32, #tpu.memory_space<vmem>>
    %dma_wait3A_76 = tpu.memref_squeeze %dma_wait3A_75 : memref<1x2000xi32, #tpu.memory_space<vmem>> -> memref<2000xi32, #tpu.memory_space<vmem>>
    %dma_wait3A_77 = tpu.memref_slice %arg3[%add3A_14] : memref<320000xi32, #tpu.memory_space<hbm>> -> memref<2000xi32, #tpu.memory_space<hbm>>
    tpu.wait_dma2 semaphore(%arg10 : memref<!tpu.dma_semaphore, #tpu.memory_space<semaphore_mem>>) src(%dma_wait3A_77 : memref<2000xi32, #tpu.memory_space<hbm>>) dst(%dma_wait3A_76 : memref<2000xi32, #tpu.memory_space<vmem>>)
    %dma_wait3A_78 = arith.constant 2 : i32
    %dma_wait3A_79 = arith.constant 0 : i32
    %dma_wait3A_80 = tpu.memref_slice %arg6[%dma_wait3A_78, %dma_wait3A_79] : memref<5x2000xi32, #tpu.memory_space<vmem>> -> memref<1x2000xi32, #tpu.memory_space<vmem>>
    %dma_wait3A_81 = tpu.memref_squeeze %dma_wait3A_80 : memref<1x2000xi32, #tpu.memory_space<vmem>> -> memref<2000xi32, #tpu.memory_space<vmem>>
    %dma_wait3A_82 = tpu.memref_slice %arg3[%add3A_25] : memref<320000xi32, #tpu.memory_space<hbm>> -> memref<2000xi32, #tpu.memory_space<hbm>>
    %dma_wait3A_83 = arith.constant 0 : i32
    %dma_wait3A_84 = tpu.memref_slice %arg6[%dma_wait3A_78, %dma_wait3A_83] : memref<5x2000xi32, #tpu.memory_space<vmem>> -> memref<1x2000xi32, #tpu.memory_space<vmem>>
    %dma_wait3A_85 = tpu.memref_squeeze %dma_wait3A_84 : memref<1x2000xi32, #tpu.memory_space<vmem>> -> memref<2000xi32, #tpu.memory_space<vmem>>
    %dma_wait3A_86 = tpu.memref_slice %arg3[%add3A_25] : memref<320000xi32, #tpu.memory_space<hbm>> -> memref<2000xi32, #tpu.memory_space<hbm>>
    tpu.wait_dma2 semaphore(%arg10 : memref<!tpu.dma_semaphore, #tpu.memory_space<semaphore_mem>>) src(%dma_wait3A_86 : memref<2000xi32, #tpu.memory_space<hbm>>) dst(%dma_wait3A_85 : memref<2000xi32, #tpu.memory_space<vmem>>)
    %dma_wait3A_87 = arith.constant 3 : i32
    %dma_wait3A_88 = arith.constant 0 : i32
    %dma_wait3A_89 = tpu.memref_slice %arg6[%dma_wait3A_87, %dma_wait3A_88] : memref<5x2000xi32, #tpu.memory_space<vmem>> -> memref<1x2000xi32, #tpu.memory_space<vmem>>
    %dma_wait3A_90 = tpu.memref_squeeze %dma_wait3A_89 : memref<1x2000xi32, #tpu.memory_space<vmem>> -> memref<2000xi32, #tpu.memory_space<vmem>>
    %dma_wait3A_91 = tpu.memref_slice %arg3[%add3A_36] : memref<320000xi32, #tpu.memory_space<hbm>> -> memref<2000xi32, #tpu.memory_space<hbm>>
    %dma_wait3A_92 = arith.constant 0 : i32
    %dma_wait3A_93 = tpu.memref_slice %arg6[%dma_wait3A_87, %dma_wait3A_92] : memref<5x2000xi32, #tpu.memory_space<vmem>> -> memref<1x2000xi32, #tpu.memory_space<vmem>>
    %dma_wait3A_94 = tpu.memref_squeeze %dma_wait3A_93 : memref<1x2000xi32, #tpu.memory_space<vmem>> -> memref<2000xi32, #tpu.memory_space<vmem>>
    %dma_wait3A_95 = tpu.memref_slice %arg3[%add3A_36] : memref<320000xi32, #tpu.memory_space<hbm>> -> memref<2000xi32, #tpu.memory_space<hbm>>
    tpu.wait_dma2 semaphore(%arg10 : memref<!tpu.dma_semaphore, #tpu.memory_space<semaphore_mem>>) src(%dma_wait3A_95 : memref<2000xi32, #tpu.memory_space<hbm>>) dst(%dma_wait3A_94 : memref<2000xi32, #tpu.memory_space<vmem>>)
    %dma_wait3A_96 = arith.constant 4 : i32
    %dma_wait3A_97 = arith.constant 0 : i32
    %dma_wait3A_98 = tpu.memref_slice %arg6[%dma_wait3A_96, %dma_wait3A_97] : memref<5x2000xi32, #tpu.memory_space<vmem>> -> memref<1x2000xi32, #tpu.memory_space<vmem>>
    %dma_wait3A_99 = tpu.memref_squeeze %dma_wait3A_98 : memref<1x2000xi32, #tpu.memory_space<vmem>> -> memref<2000xi32, #tpu.memory_space<vmem>>
    %dma_wait3A_100 = tpu.memref_slice %arg3[%add3A_47] : memref<320000xi32, #tpu.memory_space<hbm>> -> memref<2000xi32, #tpu.memory_space<hbm>>
    %dma_wait3A_101 = arith.constant 0 : i32
    %dma_wait3A_102 = tpu.memref_slice %arg6[%dma_wait3A_96, %dma_wait3A_101] : memref<5x2000xi32, #tpu.memory_space<vmem>> -> memref<1x2000xi32, #tpu.memory_space<vmem>>
    %dma_wait3A_103 = tpu.memref_squeeze %dma_wait3A_102 : memref<1x2000xi32, #tpu.memory_space<vmem>> -> memref<2000xi32, #tpu.memory_space<vmem>>
    %dma_wait3A_104 = tpu.memref_slice %arg3[%add3A_47] : memref<320000xi32, #tpu.memory_space<hbm>> -> memref<2000xi32, #tpu.memory_space<hbm>>
    tpu.wait_dma2 semaphore(%arg10 : memref<!tpu.dma_semaphore, #tpu.memory_space<semaphore_mem>>) src(%dma_wait3A_104 : memref<2000xi32, #tpu.memory_space<hbm>>) dst(%dma_wait3A_103 : memref<2000xi32, #tpu.memory_space<vmem>>)
    %barrier3A = arith.constant 0 : index
    tpu.barrier barrier_id(%barrier3A)
    %add3A_105 = arith.constant 0 : i32
    %add3A_106 = arith.addi %multiple_of3A, %add3A_105 : i32
    %dma_start3A_107 = arith.constant 0 : i32
    %dma_start3A_108 = tpu.memref_slice %arg2[%add3A_106, %dma_start3A_107] : memref<320000x16xf32, #tpu.memory_space<hbm>> -> memref<2000x16xf32, #tpu.memory_space<hbm>>
    %dma_start3A_109 = arith.constant 0 : i32
    %dma_start3A_110 = tpu.memref_slice %arg2[%add3A_106, %dma_start3A_109] : memref<320000x16xf32, #tpu.memory_space<hbm>> -> memref<2000x16xf32, #tpu.memory_space<hbm>>
    tpu.enqueue_dma source(%dma_start3A_110 : memref<2000x16xf32, #tpu.memory_space<hbm>>) target(%arg7 : memref<2000x16xf32, #tpu.memory_space<vmem>>) target_semaphore(%arg11 : memref<!tpu.dma_semaphore, #tpu.memory_space<semaphore_mem>>)
    %add3A_111 = arith.constant 2000 : i32
    %add3A_112 = arith.addi %multiple_of3A, %add3A_111 : i32
    %dma_start3A_113 = arith.constant 0 : i32
    %dma_start3A_114 = tpu.memref_slice %arg2[%add3A_112, %dma_start3A_113] : memref<320000x16xf32, #tpu.memory_space<hbm>> -> memref<2000x16xf32, #tpu.memory_space<hbm>>
    %dma_start3A_115 = arith.constant 0 : i32
    %dma_start3A_116 = tpu.memref_slice %arg2[%add3A_112, %dma_start3A_115] : memref<320000x16xf32, #tpu.memory_space<hbm>> -> memref<2000x16xf32, #tpu.memory_space<hbm>>
    tpu.enqueue_dma source(%dma_start3A_116 : memref<2000x16xf32, #tpu.memory_space<hbm>>) target(%arg8 : memref<2000x16xf32, #tpu.memory_space<vmem>>) target_semaphore(%arg12 : memref<!tpu.dma_semaphore, #tpu.memory_space<semaphore_mem>>)
    %dma_wait3A_117 = arith.constant 0 : i32
    %dma_wait3A_118 = tpu.memref_slice %arg2[%add3A_106, %dma_wait3A_117] : memref<320000x16xf32, #tpu.memory_space<hbm>> -> memref<2000x16xf32, #tpu.memory_space<hbm>>
    %dma_wait3A_119 = arith.constant 0 : i32
    %dma_wait3A_120 = tpu.memref_slice %arg2[%add3A_106, %dma_wait3A_119] : memref<320000x16xf32, #tpu.memory_space<hbm>> -> memref<2000x16xf32, #tpu.memory_space<hbm>>
    tpu.wait_dma2 semaphore(%arg11 : memref<!tpu.dma_semaphore, #tpu.memory_space<semaphore_mem>>) src(%dma_wait3A_120 : memref<2000x16xf32, #tpu.memory_space<hbm>>) dst(%arg7 : memref<2000x16xf32, #tpu.memory_space<vmem>>)
    %dma_start3A_121 = arith.constant 0 : i32
    %dma_start3A_122 = arith.constant 0 : i32
    %dma_start3A_123 = tpu.memref_slice %arg6[%dma_start3A_121, %dma_start3A_122] : memref<5x2000xi32, #tpu.memory_space<vmem>> -> memref<1x2000xi32, #tpu.memory_space<vmem>>
    %dma_start3A_124 = tpu.memref_squeeze %dma_start3A_123 : memref<1x2000xi32, #tpu.memory_space<vmem>> -> memref<2000xi32, #tpu.memory_space<vmem>>
    %dma_start3A_125 = arith.constant 0 : i32
    %dma_start3A_126 = arith.constant 0 : i32
    %dma_start3A_127 = tpu.memref_slice %arg9[%dma_start3A_125, %dma_start3A_126] : memref<10000x16xf32, #tpu.memory_space<vmem_shared>> -> memref<10000x16xf32, #tpu.memory_space<vmem_shared>>
    tpu.enqueue_indirect_dma source(%arg7 : memref<2000x16xf32, #tpu.memory_space<vmem>>) target(%dma_start3A_127 : memref<10000x16xf32, #tpu.memory_space<vmem_shared>>) offsets(%dma_start3A_124 : memref<2000xi32, #tpu.memory_space<vmem>>) semaphore(%arg13 : memref<!tpu.dma_semaphore, #tpu.memory_space<semaphore_mem>>) {add = true}
    %add3A_128 = arith.constant 4000 : i32
    %add3A_129 = arith.addi %multiple_of3A, %add3A_128 : i32
    %dma_wait3A_130 = arith.constant 0 : i32
    %dma_wait3A_131 = arith.constant 0 : i32
    %dma_wait3A_132 = tpu.memref_slice %arg6[%dma_wait3A_130, %dma_wait3A_131] : memref<5x2000xi32, #tpu.memory_space<vmem>> -> memref<1x2000xi32, #tpu.memory_space<vmem>>
    %dma_wait3A_133 = tpu.memref_squeeze %dma_wait3A_132 : memref<1x2000xi32, #tpu.memory_space<vmem>> -> memref<2000xi32, #tpu.memory_space<vmem>>
    %dma_wait3A_134 = arith.constant 0 : i32
    %dma_wait3A_135 = arith.constant 0 : i32
    %dma_wait3A_136 = tpu.memref_slice %arg9[%dma_wait3A_134, %dma_wait3A_135] : memref<10000x16xf32, #tpu.memory_space<vmem_shared>> -> memref<10000x16xf32, #tpu.memory_space<vmem_shared>>
    tpu.wait_indirect_dma semaphore(%arg13 : memref<!tpu.dma_semaphore, #tpu.memory_space<semaphore_mem>>) src(%arg7 : memref<2000x16xf32, #tpu.memory_space<vmem>>) dst(%dma_wait3A_136 : memref<10000x16xf32, #tpu.memory_space<vmem_shared>>)
    %dma_start3A_137 = arith.constant 0 : i32
    %dma_start3A_138 = tpu.memref_slice %arg2[%add3A_129, %dma_start3A_137] : memref<320000x16xf32, #tpu.memory_space<hbm>> -> memref<2000x16xf32, #tpu.memory_space<hbm>>
    %dma_start3A_139 = arith.constant 0 : i32
    %dma_start3A_140 = tpu.memref_slice %arg2[%add3A_129, %dma_start3A_139] : memref<320000x16xf32, #tpu.memory_space<hbm>> -> memref<2000x16xf32, #tpu.memory_space<hbm>>
    tpu.enqueue_dma source(%dma_start3A_140 : memref<2000x16xf32, #tpu.memory_space<hbm>>) target(%arg7 : memref<2000x16xf32, #tpu.memory_space<vmem>>) target_semaphore(%arg11 : memref<!tpu.dma_semaphore, #tpu.memory_space<semaphore_mem>>)
    %dma_wait3A_141 = arith.constant 0 : i32
    %dma_wait3A_142 = tpu.memref_slice %arg2[%add3A_112, %dma_wait3A_141] : memref<320000x16xf32, #tpu.memory_space<hbm>> -> memref<2000x16xf32, #tpu.memory_space<hbm>>
    %dma_wait3A_143 = arith.constant 0 : i32
    %dma_wait3A_144 = tpu.memref_slice %arg2[%add3A_112, %dma_wait3A_143] : memref<320000x16xf32, #tpu.memory_space<hbm>> -> memref<2000x16xf32, #tpu.memory_space<hbm>>
    tpu.wait_dma2 semaphore(%arg12 : memref<!tpu.dma_semaphore, #tpu.memory_space<semaphore_mem>>) src(%dma_wait3A_144 : memref<2000x16xf32, #tpu.memory_space<hbm>>) dst(%arg8 : memref<2000x16xf32, #tpu.memory_space<vmem>>)
    %dma_start3A_145 = arith.constant 1 : i32
    %dma_start3A_146 = arith.constant 0 : i32
    %dma_start3A_147 = tpu.memref_slice %arg6[%dma_start3A_145, %dma_start3A_146] : memref<5x2000xi32, #tpu.memory_space<vmem>> -> memref<1x2000xi32, #tpu.memory_space<vmem>>
    %dma_start3A_148 = tpu.memref_squeeze %dma_start3A_147 : memref<1x2000xi32, #tpu.memory_space<vmem>> -> memref<2000xi32, #tpu.memory_space<vmem>>
    %dma_start3A_149 = arith.constant 0 : i32
    %dma_start3A_150 = arith.constant 0 : i32
    %dma_start3A_151 = tpu.memref_slice %arg9[%dma_start3A_149, %dma_start3A_150] : memref<10000x16xf32, #tpu.memory_space<vmem_shared>> -> memref<10000x16xf32, #tpu.memory_space<vmem_shared>>
    tpu.enqueue_indirect_dma source(%arg8 : memref<2000x16xf32, #tpu.memory_space<vmem>>) target(%dma_start3A_151 : memref<10000x16xf32, #tpu.memory_space<vmem_shared>>) offsets(%dma_start3A_148 : memref<2000xi32, #tpu.memory_space<vmem>>) semaphore(%arg14 : memref<!tpu.dma_semaphore, #tpu.memory_space<semaphore_mem>>) {add = true}
    %add3A_152 = arith.constant 6000 : i32
    %add3A_153 = arith.addi %multiple_of3A, %add3A_152 : i32
    %dma_wait3A_154 = arith.constant 1 : i32
    %dma_wait3A_155 = arith.constant 0 : i32
    %dma_wait3A_156 = tpu.memref_slice %arg6[%dma_wait3A_154, %dma_wait3A_155] : memref<5x2000xi32, #tpu.memory_space<vmem>> -> memref<1x2000xi32, #tpu.memory_space<vmem>>
    %dma_wait3A_157 = tpu.memref_squeeze %dma_wait3A_156 : memref<1x2000xi32, #tpu.memory_space<vmem>> -> memref<2000xi32, #tpu.memory_space<vmem>>
    %dma_wait3A_158 = arith.constant 0 : i32
    %dma_wait3A_159 = arith.constant 0 : i32
    %dma_wait3A_160 = tpu.memref_slice %arg9[%dma_wait3A_158, %dma_wait3A_159] : memref<10000x16xf32, #tpu.memory_space<vmem_shared>> -> memref<10000x16xf32, #tpu.memory_space<vmem_shared>>
    tpu.wait_indirect_dma semaphore(%arg14 : memref<!tpu.dma_semaphore, #tpu.memory_space<semaphore_mem>>) src(%arg8 : memref<2000x16xf32, #tpu.memory_space<vmem>>) dst(%dma_wait3A_160 : memref<10000x16xf32, #tpu.memory_space<vmem_shared>>)
    %dma_start3A_161 = arith.constant 0 : i32
    %dma_start3A_162 = tpu.memref_slice %arg2[%add3A_153, %dma_start3A_161] : memref<320000x16xf32, #tpu.memory_space<hbm>> -> memref<2000x16xf32, #tpu.memory_space<hbm>>
    %dma_start3A_163 = arith.constant 0 : i32
    %dma_start3A_164 = tpu.memref_slice %arg2[%add3A_153, %dma_start3A_163] : memref<320000x16xf32, #tpu.memory_space<hbm>> -> memref<2000x16xf32, #tpu.memory_space<hbm>>
    tpu.enqueue_dma source(%dma_start3A_164 : memref<2000x16xf32, #tpu.memory_space<hbm>>) target(%arg8 : memref<2000x16xf32, #tpu.memory_space<vmem>>) target_semaphore(%arg12 : memref<!tpu.dma_semaphore, #tpu.memory_space<semaphore_mem>>)
    %dma_wait3A_165 = arith.constant 0 : i32
    %dma_wait3A_166 = tpu.memref_slice %arg2[%add3A_129, %dma_wait3A_165] : memref<320000x16xf32, #tpu.memory_space<hbm>> -> memref<2000x16xf32, #tpu.memory_space<hbm>>
    %dma_wait3A_167 = arith.constant 0 : i32
    %dma_wait3A_168 = tpu.memref_slice %arg2[%add3A_129, %dma_wait3A_167] : memref<320000x16xf32, #tpu.memory_space<hbm>> -> memref<2000x16xf32, #tpu.memory_space<hbm>>
    tpu.wait_dma2 semaphore(%arg11 : memref<!tpu.dma_semaphore, #tpu.memory_space<semaphore_mem>>) src(%dma_wait3A_168 : memref<2000x16xf32, #tpu.memory_space<hbm>>) dst(%arg7 : memref<2000x16xf32, #tpu.memory_space<vmem>>)
    %dma_start3A_169 = arith.constant 2 : i32
    %dma_start3A_170 = arith.constant 0 : i32
    %dma_start3A_171 = tpu.memref_slice %arg6[%dma_start3A_169, %dma_start3A_170] : memref<5x2000xi32, #tpu.memory_space<vmem>> -> memref<1x2000xi32, #tpu.memory_space<vmem>>
    %dma_start3A_172 = tpu.memref_squeeze %dma_start3A_171 : memref<1x2000xi32, #tpu.memory_space<vmem>> -> memref<2000xi32, #tpu.memory_space<vmem>>
    %dma_start3A_173 = arith.constant 0 : i32
    %dma_start3A_174 = arith.constant 0 : i32
    %dma_start3A_175 = tpu.memref_slice %arg9[%dma_start3A_173, %dma_start3A_174] : memref<10000x16xf32, #tpu.memory_space<vmem_shared>> -> memref<10000x16xf32, #tpu.memory_space<vmem_shared>>
    tpu.enqueue_indirect_dma source(%arg7 : memref<2000x16xf32, #tpu.memory_space<vmem>>) target(%dma_start3A_175 : memref<10000x16xf32, #tpu.memory_space<vmem_shared>>) offsets(%dma_start3A_172 : memref<2000xi32, #tpu.memory_space<vmem>>) semaphore(%arg13 : memref<!tpu.dma_semaphore, #tpu.memory_space<semaphore_mem>>) {add = true}
    %add3A_176 = arith.constant 8000 : i32
    %add3A_177 = arith.addi %multiple_of3A, %add3A_176 : i32
    %dma_wait3A_178 = arith.constant 2 : i32
    %dma_wait3A_179 = arith.constant 0 : i32
    %dma_wait3A_180 = tpu.memref_slice %arg6[%dma_wait3A_178, %dma_wait3A_179] : memref<5x2000xi32, #tpu.memory_space<vmem>> -> memref<1x2000xi32, #tpu.memory_space<vmem>>
    %dma_wait3A_181 = tpu.memref_squeeze %dma_wait3A_180 : memref<1x2000xi32, #tpu.memory_space<vmem>> -> memref<2000xi32, #tpu.memory_space<vmem>>
    %dma_wait3A_182 = arith.constant 0 : i32
    %dma_wait3A_183 = arith.constant 0 : i32
    %dma_wait3A_184 = tpu.memref_slice %arg9[%dma_wait3A_182, %dma_wait3A_183] : memref<10000x16xf32, #tpu.memory_space<vmem_shared>> -> memref<10000x16xf32, #tpu.memory_space<vmem_shared>>
    tpu.wait_indirect_dma semaphore(%arg13 : memref<!tpu.dma_semaphore, #tpu.memory_space<semaphore_mem>>) src(%arg7 : memref<2000x16xf32, #tpu.memory_space<vmem>>) dst(%dma_wait3A_184 : memref<10000x16xf32, #tpu.memory_space<vmem_shared>>)
    %dma_start3A_185 = arith.constant 0 : i32
    %dma_start3A_186 = tpu.memref_slice %arg2[%add3A_177, %dma_start3A_185] : memref<320000x16xf32, #tpu.memory_space<hbm>> -> memref<2000x16xf32, #tpu.memory_space<hbm>>
    %dma_start3A_187 = arith.constant 0 : i32
    %dma_start3A_188 = tpu.memref_slice %arg2[%add3A_177, %dma_start3A_187] : memref<320000x16xf32, #tpu.memory_space<hbm>> -> memref<2000x16xf32, #tpu.memory_space<hbm>>
    tpu.enqueue_dma source(%dma_start3A_188 : memref<2000x16xf32, #tpu.memory_space<hbm>>) target(%arg7 : memref<2000x16xf32, #tpu.memory_space<vmem>>) target_semaphore(%arg11 : memref<!tpu.dma_semaphore, #tpu.memory_space<semaphore_mem>>)
    %dma_wait3A_189 = arith.constant 0 : i32
    %dma_wait3A_190 = tpu.memref_slice %arg2[%add3A_153, %dma_wait3A_189] : memref<320000x16xf32, #tpu.memory_space<hbm>> -> memref<2000x16xf32, #tpu.memory_space<hbm>>
    %dma_wait3A_191 = arith.constant 0 : i32
    %dma_wait3A_192 = tpu.memref_slice %arg2[%add3A_153, %dma_wait3A_191] : memref<320000x16xf32, #tpu.memory_space<hbm>> -> memref<2000x16xf32, #tpu.memory_space<hbm>>
    tpu.wait_dma2 semaphore(%arg12 : memref<!tpu.dma_semaphore, #tpu.memory_space<semaphore_mem>>) src(%dma_wait3A_192 : memref<2000x16xf32, #tpu.memory_space<hbm>>) dst(%arg8 : memref<2000x16xf32, #tpu.memory_space<vmem>>)
    %dma_start3A_193 = arith.constant 3 : i32
    %dma_start3A_194 = arith.constant 0 : i32
    %dma_start3A_195 = tpu.memref_slice %arg6[%dma_start3A_193, %dma_start3A_194] : memref<5x2000xi32, #tpu.memory_space<vmem>> -> memref<1x2000xi32, #tpu.memory_space<vmem>>
    %dma_start3A_196 = tpu.memref_squeeze %dma_start3A_195 : memref<1x2000xi32, #tpu.memory_space<vmem>> -> memref<2000xi32, #tpu.memory_space<vmem>>
    %dma_start3A_197 = arith.constant 0 : i32
    %dma_start3A_198 = arith.constant 0 : i32
    %dma_start3A_199 = tpu.memref_slice %arg9[%dma_start3A_197, %dma_start3A_198] : memref<10000x16xf32, #tpu.memory_space<vmem_shared>> -> memref<10000x16xf32, #tpu.memory_space<vmem_shared>>
    tpu.enqueue_indirect_dma source(%arg8 : memref<2000x16xf32, #tpu.memory_space<vmem>>) target(%dma_start3A_199 : memref<10000x16xf32, #tpu.memory_space<vmem_shared>>) offsets(%dma_start3A_196 : memref<2000xi32, #tpu.memory_space<vmem>>) semaphore(%arg14 : memref<!tpu.dma_semaphore, #tpu.memory_space<semaphore_mem>>) {add = true}
    %dma_wait3A_200 = arith.constant 0 : i32
    %dma_wait3A_201 = tpu.memref_slice %arg2[%add3A_177, %dma_wait3A_200] : memref<320000x16xf32, #tpu.memory_space<hbm>> -> memref<2000x16xf32, #tpu.memory_space<hbm>>
    %dma_wait3A_202 = arith.constant 0 : i32
    %dma_wait3A_203 = tpu.memref_slice %arg2[%add3A_177, %dma_wait3A_202] : memref<320000x16xf32, #tpu.memory_space<hbm>> -> memref<2000x16xf32, #tpu.memory_space<hbm>>
    tpu.wait_dma2 semaphore(%arg11 : memref<!tpu.dma_semaphore, #tpu.memory_space<semaphore_mem>>) src(%dma_wait3A_203 : memref<2000x16xf32, #tpu.memory_space<hbm>>) dst(%arg7 : memref<2000x16xf32, #tpu.memory_space<vmem>>)
    %dma_start3A_204 = arith.constant 4 : i32
    %dma_start3A_205 = arith.constant 0 : i32
    %dma_start3A_206 = tpu.memref_slice %arg6[%dma_start3A_204, %dma_start3A_205] : memref<5x2000xi32, #tpu.memory_space<vmem>> -> memref<1x2000xi32, #tpu.memory_space<vmem>>
    %dma_start3A_207 = tpu.memref_squeeze %dma_start3A_206 : memref<1x2000xi32, #tpu.memory_space<vmem>> -> memref<2000xi32, #tpu.memory_space<vmem>>
    %dma_start3A_208 = arith.constant 0 : i32
    %dma_start3A_209 = arith.constant 0 : i32
    %dma_start3A_210 = tpu.memref_slice %arg9[%dma_start3A_208, %dma_start3A_209] : memref<10000x16xf32, #tpu.memory_space<vmem_shared>> -> memref<10000x16xf32, #tpu.memory_space<vmem_shared>>
    tpu.enqueue_indirect_dma source(%arg7 : memref<2000x16xf32, #tpu.memory_space<vmem>>) target(%dma_start3A_210 : memref<10000x16xf32, #tpu.memory_space<vmem_shared>>) offsets(%dma_start3A_207 : memref<2000xi32, #tpu.memory_space<vmem>>) semaphore(%arg13 : memref<!tpu.dma_semaphore, #tpu.memory_space<semaphore_mem>>) {add = true}
    %dma_wait3A_211 = arith.constant 4 : i32
    %dma_wait3A_212 = arith.constant 0 : i32
    %dma_wait3A_213 = tpu.memref_slice %arg6[%dma_wait3A_211, %dma_wait3A_212] : memref<5x2000xi32, #tpu.memory_space<vmem>> -> memref<1x2000xi32, #tpu.memory_space<vmem>>
    %dma_wait3A_214 = tpu.memref_squeeze %dma_wait3A_213 : memref<1x2000xi32, #tpu.memory_space<vmem>> -> memref<2000xi32, #tpu.memory_space<vmem>>
    %dma_wait3A_215 = arith.constant 0 : i32
    %dma_wait3A_216 = arith.constant 0 : i32
    %dma_wait3A_217 = tpu.memref_slice %arg9[%dma_wait3A_215, %dma_wait3A_216] : memref<10000x16xf32, #tpu.memory_space<vmem_shared>> -> memref<10000x16xf32, #tpu.memory_space<vmem_shared>>
    tpu.wait_indirect_dma semaphore(%arg13 : memref<!tpu.dma_semaphore, #tpu.memory_space<semaphore_mem>>) src(%arg7 : memref<2000x16xf32, #tpu.memory_space<vmem>>) dst(%dma_wait3A_217 : memref<10000x16xf32, #tpu.memory_space<vmem_shared>>)
    %dma_wait3A_218 = arith.constant 3 : i32
    %dma_wait3A_219 = arith.constant 0 : i32
    %dma_wait3A_220 = tpu.memref_slice %arg6[%dma_wait3A_218, %dma_wait3A_219] : memref<5x2000xi32, #tpu.memory_space<vmem>> -> memref<1x2000xi32, #tpu.memory_space<vmem>>
    %dma_wait3A_221 = tpu.memref_squeeze %dma_wait3A_220 : memref<1x2000xi32, #tpu.memory_space<vmem>> -> memref<2000xi32, #tpu.memory_space<vmem>>
    %dma_wait3A_222 = arith.constant 0 : i32
    %dma_wait3A_223 = arith.constant 0 : i32
    %dma_wait3A_224 = tpu.memref_slice %arg9[%dma_wait3A_222, %dma_wait3A_223] : memref<10000x16xf32, #tpu.memory_space<vmem_shared>> -> memref<10000x16xf32, #tpu.memory_space<vmem_shared>>
    tpu.wait_indirect_dma semaphore(%arg14 : memref<!tpu.dma_semaphore, #tpu.memory_space<semaphore_mem>>) src(%arg8 : memref<2000x16xf32, #tpu.memory_space<vmem>>) dst(%dma_wait3A_224 : memref<10000x16xf32, #tpu.memory_space<vmem_shared>>)
    %barrier3A_225 = arith.constant 0 : index
    tpu.barrier barrier_id(%barrier3A_225)
    %mul3A_226 = arith.constant 625 : i32
    %mul3A_227 = arith.muli %arg1, %mul3A_226 : i32
    %mul3A_228 = arith.constant 625 : i32
    %mul3A_229 = arith.muli %arg1, %mul3A_228 : i32
    "tpu.region"() ({
      %run_scoped3A = tpu.sem_alloc : memref<!tpu.dma_semaphore, #tpu.memory_space<semaphore_mem>>
      %dma_start3A_230 = arith.constant 0 : i32
      %dma_start3A_231 = tpu.memref_slice %arg5[%arg0, %mul3A_229, %dma_start3A_230] : memref<2x10000x16xf32, #tpu.memory_space<hbm>> -> memref<1x625x16xf32, #tpu.memory_space<hbm>>
      %dma_start3A_232 = tpu.memref_squeeze %dma_start3A_231 : memref<1x625x16xf32, #tpu.memory_space<hbm>> -> memref<625x16xf32, #tpu.memory_space<hbm>>
      %dma_start3A_233 = arith.constant 0 : i32
      %dma_start3A_234 = tpu.memref_slice %arg9[%mul3A_227, %dma_start3A_233] : memref<10000x16xf32, #tpu.memory_space<vmem_shared>> -> memref<625x16xf32, #tpu.memory_space<vmem_shared>>
      tpu.enqueue_dma source(%dma_start3A_234 : memref<625x16xf32, #tpu.memory_space<vmem_shared>>) target(%dma_start3A_232 : memref<625x16xf32, #tpu.memory_space<hbm>>) target_semaphore(%run_scoped3A : memref<!tpu.dma_semaphore, #tpu.memory_space<semaphore_mem>>)
      %dma_wait3A_235 = arith.constant 0 : i32
      %dma_wait3A_236 = tpu.memref_slice %arg5[%arg0, %mul3A_229, %dma_wait3A_235] : memref<2x10000x16xf32, #tpu.memory_space<hbm>> -> memref<1x625x16xf32, #tpu.memory_space<hbm>>
      %dma_wait3A_237 = tpu.memref_squeeze %dma_wait3A_236 : memref<1x625x16xf32, #tpu.memory_space<hbm>> -> memref<625x16xf32, #tpu.memory_space<hbm>>
      %dma_wait3A_238 = arith.constant 0 : i32
      %dma_wait3A_239 = tpu.memref_slice %arg9[%mul3A_227, %dma_wait3A_238] : memref<10000x16xf32, #tpu.memory_space<vmem_shared>> -> memref<625x16xf32, #tpu.memory_space<vmem_shared>>
      tpu.wait_dma2 semaphore(%run_scoped3A : memref<!tpu.dma_semaphore, #tpu.memory_space<semaphore_mem>>) src(%dma_wait3A_239 : memref<625x16xf32, #tpu.memory_space<vmem_shared>>) dst(%dma_wait3A_237 : memref<625x16xf32, #tpu.memory_space<hbm>>)
      tpu.yield
    }) : () -> ()
    return
  }
}

#map = affine_map<(d0, d1) -> (0, 0)>
#map1 = affine_map<(d0, d1) -> (0)>
module attributes {stable_mosaic.version = 14 : i64} {
  func.func @_sc_gather(%arg0: i32, %arg1: i32, %arg2: memref<10000x16xf32, #tpu.memory_space<hbm>>, %arg3: memref<320000xi32, #tpu.memory_space<hbm>>, %arg4: memref<320000xi32, #tpu.memory_space<hbm>>, %arg5: memref<320000x16xf32, #tpu.memory_space<hbm>>, %arg6: memref<320000x16xf32, #tpu.memory_space<hbm>>, %arg7: memref<5x2000xi32, #tpu.memory_space<vmem>>, %arg8: memref<5x2000xi32, #tpu.memory_space<vmem>>, %arg9: memref<2000x16xf32, #tpu.memory_space<vmem>>, %arg10: memref<2000x16xf32, #tpu.memory_space<vmem>>, %arg11: memref<2000x16xf32, #tpu.memory_space<vmem>>, %arg12: memref<!tpu.dma_semaphore, #tpu.memory_space<semaphore_mem>>, %arg13: memref<!tpu.dma_semaphore, #tpu.memory_space<semaphore_mem>>, %arg14: memref<!tpu.dma_semaphore, #tpu.memory_space<semaphore_mem>>, %arg15: memref<!tpu.dma_semaphore, #tpu.memory_space<semaphore_mem>>, %arg16: memref<!tpu.dma_semaphore, #tpu.memory_space<semaphore_mem>>, %arg17: memref<!tpu.dma_semaphore, #tpu.memory_space<semaphore_mem>>, %arg18: memref<!tpu.dma_semaphore, #tpu.memory_space<semaphore_mem>>) attributes {dimension_semantics = [#tpu.dimension_semantics<core_parallel>, #tpu.dimension_semantics<subcore_parallel>], iteration_bounds = array<i64: 2, 16>, scalar_prefetch = 0 : i64, scratch_operands = 12 : i64, tpu.core_type = #tpu.core_type<sc_vector_subcore>, window_params = [{transform_indices = #map}, {transform_indices = #map1}, {transform_indices = #map1}, {transform_indices = #map}, {transform_indices = #map}]} {
    %mul3A = arith.constant 2 : i32
    %mul3A_0 = arith.muli %arg1, %mul3A : i32
    %add3A = arith.addi %mul3A_0, %arg0 : i32
    %mul3A_1 = arith.constant 10000 : i32
    %mul3A_2 = arith.muli %add3A, %mul3A_1 : i32
    %multiple_of3A = tpu.assume_multiple %mul3A_2, 8 : i32
    %add3A_3 = arith.constant 0 : i32
    %add3A_4 = arith.addi %multiple_of3A, %add3A_3 : i32
    %dma_start3A = arith.constant 0 : i32
    %dma_start3A_5 = arith.constant 0 : i32
    %dma_start3A_6 = tpu.memref_slice %arg7[%dma_start3A, %dma_start3A_5] : memref<5x2000xi32, #tpu.memory_space<vmem>> -> memref<1x2000xi32, #tpu.memory_space<vmem>>
    %dma_start3A_7 = tpu.memref_squeeze %dma_start3A_6 : memref<1x2000xi32, #tpu.memory_space<vmem>> -> memref<2000xi32, #tpu.memory_space<vmem>>
    %dma_start3A_8 = tpu.memref_slice %arg3[%add3A_4] : memref<320000xi32, #tpu.memory_space<hbm>> -> memref<2000xi32, #tpu.memory_space<hbm>>
    %dma_start3A_9 = arith.constant 0 : i32
    %dma_start3A_10 = tpu.memref_slice %arg7[%dma_start3A, %dma_start3A_9] : memref<5x2000xi32, #tpu.memory_space<vmem>> -> memref<1x2000xi32, #tpu.memory_space<vmem>>
    %dma_start3A_11 = tpu.memref_squeeze %dma_start3A_10 : memref<1x2000xi32, #tpu.memory_space<vmem>> -> memref<2000xi32, #tpu.memory_space<vmem>>
    %dma_start3A_12 = tpu.memref_slice %arg3[%add3A_4] : memref<320000xi32, #tpu.memory_space<hbm>> -> memref<2000xi32, #tpu.memory_space<hbm>>
    tpu.enqueue_dma source(%dma_start3A_12 : memref<2000xi32, #tpu.memory_space<hbm>>) target(%dma_start3A_11 : memref<2000xi32, #tpu.memory_space<vmem>>) target_semaphore(%arg12 : memref<!tpu.dma_semaphore, #tpu.memory_space<semaphore_mem>>)
    %dma_start3A_13 = arith.constant 0 : i32
    %dma_start3A_14 = arith.constant 0 : i32
    %dma_start3A_15 = tpu.memref_slice %arg8[%dma_start3A_13, %dma_start3A_14] : memref<5x2000xi32, #tpu.memory_space<vmem>> -> memref<1x2000xi32, #tpu.memory_space<vmem>>
    %dma_start3A_16 = tpu.memref_squeeze %dma_start3A_15 : memref<1x2000xi32, #tpu.memory_space<vmem>> -> memref<2000xi32, #tpu.memory_space<vmem>>
    %dma_start3A_17 = tpu.memref_slice %arg4[%add3A_4] : memref<320000xi32, #tpu.memory_space<hbm>> -> memref<2000xi32, #tpu.memory_space<hbm>>
    %dma_start3A_18 = arith.constant 0 : i32
    %dma_start3A_19 = tpu.memref_slice %arg8[%dma_start3A_13, %dma_start3A_18] : memref<5x2000xi32, #tpu.memory_space<vmem>> -> memref<1x2000xi32, #tpu.memory_space<vmem>>
    %dma_start3A_20 = tpu.memref_squeeze %dma_start3A_19 : memref<1x2000xi32, #tpu.memory_space<vmem>> -> memref<2000xi32, #tpu.memory_space<vmem>>
    %dma_start3A_21 = tpu.memref_slice %arg4[%add3A_4] : memref<320000xi32, #tpu.memory_space<hbm>> -> memref<2000xi32, #tpu.memory_space<hbm>>
    tpu.enqueue_dma source(%dma_start3A_21 : memref<2000xi32, #tpu.memory_space<hbm>>) target(%dma_start3A_20 : memref<2000xi32, #tpu.memory_space<vmem>>) target_semaphore(%arg12 : memref<!tpu.dma_semaphore, #tpu.memory_space<semaphore_mem>>)
    %add3A_22 = arith.constant 2000 : i32
    %add3A_23 = arith.addi %multiple_of3A, %add3A_22 : i32
    %dma_start3A_24 = arith.constant 1 : i32
    %dma_start3A_25 = arith.constant 0 : i32
    %dma_start3A_26 = tpu.memref_slice %arg7[%dma_start3A_24, %dma_start3A_25] : memref<5x2000xi32, #tpu.memory_space<vmem>> -> memref<1x2000xi32, #tpu.memory_space<vmem>>
    %dma_start3A_27 = tpu.memref_squeeze %dma_start3A_26 : memref<1x2000xi32, #tpu.memory_space<vmem>> -> memref<2000xi32, #tpu.memory_space<vmem>>
    %dma_start3A_28 = tpu.memref_slice %arg3[%add3A_23] : memref<320000xi32, #tpu.memory_space<hbm>> -> memref<2000xi32, #tpu.memory_space<hbm>>
    %dma_start3A_29 = arith.constant 0 : i32
    %dma_start3A_30 = tpu.memref_slice %arg7[%dma_start3A_24, %dma_start3A_29] : memref<5x2000xi32, #tpu.memory_space<vmem>> -> memref<1x2000xi32, #tpu.memory_space<vmem>>
    %dma_start3A_31 = tpu.memref_squeeze %dma_start3A_30 : memref<1x2000xi32, #tpu.memory_space<vmem>> -> memref<2000xi32, #tpu.memory_space<vmem>>
    %dma_start3A_32 = tpu.memref_slice %arg3[%add3A_23] : memref<320000xi32, #tpu.memory_space<hbm>> -> memref<2000xi32, #tpu.memory_space<hbm>>
    tpu.enqueue_dma source(%dma_start3A_32 : memref<2000xi32, #tpu.memory_space<hbm>>) target(%dma_start3A_31 : memref<2000xi32, #tpu.memory_space<vmem>>) target_semaphore(%arg12 : memref<!tpu.dma_semaphore, #tpu.memory_space<semaphore_mem>>)
    %dma_start3A_33 = arith.constant 1 : i32
    %dma_start3A_34 = arith.constant 0 : i32
    %dma_start3A_35 = tpu.memref_slice %arg8[%dma_start3A_33, %dma_start3A_34] : memref<5x2000xi32, #tpu.memory_space<vmem>> -> memref<1x2000xi32, #tpu.memory_space<vmem>>
    %dma_start3A_36 = tpu.memref_squeeze %dma_start3A_35 : memref<1x2000xi32, #tpu.memory_space<vmem>> -> memref<2000xi32, #tpu.memory_space<vmem>>
    %dma_start3A_37 = tpu.memref_slice %arg4[%add3A_23] : memref<320000xi32, #tpu.memory_space<hbm>> -> memref<2000xi32, #tpu.memory_space<hbm>>
    %dma_start3A_38 = arith.constant 0 : i32
    %dma_start3A_39 = tpu.memref_slice %arg8[%dma_start3A_33, %dma_start3A_38] : memref<5x2000xi32, #tpu.memory_space<vmem>> -> memref<1x2000xi32, #tpu.memory_space<vmem>>
    %dma_start3A_40 = tpu.memref_squeeze %dma_start3A_39 : memref<1x2000xi32, #tpu.memory_space<vmem>> -> memref<2000xi32, #tpu.memory_space<vmem>>
    %dma_start3A_41 = tpu.memref_slice %arg4[%add3A_23] : memref<320000xi32, #tpu.memory_space<hbm>> -> memref<2000xi32, #tpu.memory_space<hbm>>
    tpu.enqueue_dma source(%dma_start3A_41 : memref<2000xi32, #tpu.memory_space<hbm>>) target(%dma_start3A_40 : memref<2000xi32, #tpu.memory_space<vmem>>) target_semaphore(%arg12 : memref<!tpu.dma_semaphore, #tpu.memory_space<semaphore_mem>>)
    %add3A_42 = arith.constant 4000 : i32
    %add3A_43 = arith.addi %multiple_of3A, %add3A_42 : i32
    %dma_start3A_44 = arith.constant 2 : i32
    %dma_start3A_45 = arith.constant 0 : i32
    %dma_start3A_46 = tpu.memref_slice %arg7[%dma_start3A_44, %dma_start3A_45] : memref<5x2000xi32, #tpu.memory_space<vmem>> -> memref<1x2000xi32, #tpu.memory_space<vmem>>
    %dma_start3A_47 = tpu.memref_squeeze %dma_start3A_46 : memref<1x2000xi32, #tpu.memory_space<vmem>> -> memref<2000xi32, #tpu.memory_space<vmem>>
    %dma_start3A_48 = tpu.memref_slice %arg3[%add3A_43] : memref<320000xi32, #tpu.memory_space<hbm>> -> memref<2000xi32, #tpu.memory_space<hbm>>
    %dma_start3A_49 = arith.constant 0 : i32
    %dma_start3A_50 = tpu.memref_slice %arg7[%dma_start3A_44, %dma_start3A_49] : memref<5x2000xi32, #tpu.memory_space<vmem>> -> memref<1x2000xi32, #tpu.memory_space<vmem>>
    %dma_start3A_51 = tpu.memref_squeeze %dma_start3A_50 : memref<1x2000xi32, #tpu.memory_space<vmem>> -> memref<2000xi32, #tpu.memory_space<vmem>>
    %dma_start3A_52 = tpu.memref_slice %arg3[%add3A_43] : memref<320000xi32, #tpu.memory_space<hbm>> -> memref<2000xi32, #tpu.memory_space<hbm>>
    tpu.enqueue_dma source(%dma_start3A_52 : memref<2000xi32, #tpu.memory_space<hbm>>) target(%dma_start3A_51 : memref<2000xi32, #tpu.memory_space<vmem>>) target_semaphore(%arg12 : memref<!tpu.dma_semaphore, #tpu.memory_space<semaphore_mem>>)
    %dma_start3A_53 = arith.constant 2 : i32
    %dma_start3A_54 = arith.constant 0 : i32
    %dma_start3A_55 = tpu.memref_slice %arg8[%dma_start3A_53, %dma_start3A_54] : memref<5x2000xi32, #tpu.memory_space<vmem>> -> memref<1x2000xi32, #tpu.memory_space<vmem>>
    %dma_start3A_56 = tpu.memref_squeeze %dma_start3A_55 : memref<1x2000xi32, #tpu.memory_space<vmem>> -> memref<2000xi32, #tpu.memory_space<vmem>>
    %dma_start3A_57 = tpu.memref_slice %arg4[%add3A_43] : memref<320000xi32, #tpu.memory_space<hbm>> -> memref<2000xi32, #tpu.memory_space<hbm>>
    %dma_start3A_58 = arith.constant 0 : i32
    %dma_start3A_59 = tpu.memref_slice %arg8[%dma_start3A_53, %dma_start3A_58] : memref<5x2000xi32, #tpu.memory_space<vmem>> -> memref<1x2000xi32, #tpu.memory_space<vmem>>
    %dma_start3A_60 = tpu.memref_squeeze %dma_start3A_59 : memref<1x2000xi32, #tpu.memory_space<vmem>> -> memref<2000xi32, #tpu.memory_space<vmem>>
    %dma_start3A_61 = tpu.memref_slice %arg4[%add3A_43] : memref<320000xi32, #tpu.memory_space<hbm>> -> memref<2000xi32, #tpu.memory_space<hbm>>
    tpu.enqueue_dma source(%dma_start3A_61 : memref<2000xi32, #tpu.memory_space<hbm>>) target(%dma_start3A_60 : memref<2000xi32, #tpu.memory_space<vmem>>) target_semaphore(%arg12 : memref<!tpu.dma_semaphore, #tpu.memory_space<semaphore_mem>>)
    %add3A_62 = arith.constant 6000 : i32
    %add3A_63 = arith.addi %multiple_of3A, %add3A_62 : i32
    %dma_start3A_64 = arith.constant 3 : i32
    %dma_start3A_65 = arith.constant 0 : i32
    %dma_start3A_66 = tpu.memref_slice %arg7[%dma_start3A_64, %dma_start3A_65] : memref<5x2000xi32, #tpu.memory_space<vmem>> -> memref<1x2000xi32, #tpu.memory_space<vmem>>
    %dma_start3A_67 = tpu.memref_squeeze %dma_start3A_66 : memref<1x2000xi32, #tpu.memory_space<vmem>> -> memref<2000xi32, #tpu.memory_space<vmem>>
    %dma_start3A_68 = tpu.memref_slice %arg3[%add3A_63] : memref<320000xi32, #tpu.memory_space<hbm>> -> memref<2000xi32, #tpu.memory_space<hbm>>
    %dma_start3A_69 = arith.constant 0 : i32
    %dma_start3A_70 = tpu.memref_slice %arg7[%dma_start3A_64, %dma_start3A_69] : memref<5x2000xi32, #tpu.memory_space<vmem>> -> memref<1x2000xi32, #tpu.memory_space<vmem>>
    %dma_start3A_71 = tpu.memref_squeeze %dma_start3A_70 : memref<1x2000xi32, #tpu.memory_space<vmem>> -> memref<2000xi32, #tpu.memory_space<vmem>>
    %dma_start3A_72 = tpu.memref_slice %arg3[%add3A_63] : memref<320000xi32, #tpu.memory_space<hbm>> -> memref<2000xi32, #tpu.memory_space<hbm>>
    tpu.enqueue_dma source(%dma_start3A_72 : memref<2000xi32, #tpu.memory_space<hbm>>) target(%dma_start3A_71 : memref<2000xi32, #tpu.memory_space<vmem>>) target_semaphore(%arg12 : memref<!tpu.dma_semaphore, #tpu.memory_space<semaphore_mem>>)
    %dma_start3A_73 = arith.constant 3 : i32
    %dma_start3A_74 = arith.constant 0 : i32
    %dma_start3A_75 = tpu.memref_slice %arg8[%dma_start3A_73, %dma_start3A_74] : memref<5x2000xi32, #tpu.memory_space<vmem>> -> memref<1x2000xi32, #tpu.memory_space<vmem>>
    %dma_start3A_76 = tpu.memref_squeeze %dma_start3A_75 : memref<1x2000xi32, #tpu.memory_space<vmem>> -> memref<2000xi32, #tpu.memory_space<vmem>>
    %dma_start3A_77 = tpu.memref_slice %arg4[%add3A_63] : memref<320000xi32, #tpu.memory_space<hbm>> -> memref<2000xi32, #tpu.memory_space<hbm>>
    %dma_start3A_78 = arith.constant 0 : i32
    %dma_start3A_79 = tpu.memref_slice %arg8[%dma_start3A_73, %dma_start3A_78] : memref<5x2000xi32, #tpu.memory_space<vmem>> -> memref<1x2000xi32, #tpu.memory_space<vmem>>
    %dma_start3A_80 = tpu.memref_squeeze %dma_start3A_79 : memref<1x2000xi32, #tpu.memory_space<vmem>> -> memref<2000xi32, #tpu.memory_space<vmem>>
    %dma_start3A_81 = tpu.memref_slice %arg4[%add3A_63] : memref<320000xi32, #tpu.memory_space<hbm>> -> memref<2000xi32, #tpu.memory_space<hbm>>
    tpu.enqueue_dma source(%dma_start3A_81 : memref<2000xi32, #tpu.memory_space<hbm>>) target(%dma_start3A_80 : memref<2000xi32, #tpu.memory_space<vmem>>) target_semaphore(%arg12 : memref<!tpu.dma_semaphore, #tpu.memory_space<semaphore_mem>>)
    %add3A_82 = arith.constant 8000 : i32
    %add3A_83 = arith.addi %multiple_of3A, %add3A_82 : i32
    %dma_start3A_84 = arith.constant 4 : i32
    %dma_start3A_85 = arith.constant 0 : i32
    %dma_start3A_86 = tpu.memref_slice %arg7[%dma_start3A_84, %dma_start3A_85] : memref<5x2000xi32, #tpu.memory_space<vmem>> -> memref<1x2000xi32, #tpu.memory_space<vmem>>
    %dma_start3A_87 = tpu.memref_squeeze %dma_start3A_86 : memref<1x2000xi32, #tpu.memory_space<vmem>> -> memref<2000xi32, #tpu.memory_space<vmem>>
    %dma_start3A_88 = tpu.memref_slice %arg3[%add3A_83] : memref<320000xi32, #tpu.memory_space<hbm>> -> memref<2000xi32, #tpu.memory_space<hbm>>
    %dma_start3A_89 = arith.constant 0 : i32
    %dma_start3A_90 = tpu.memref_slice %arg7[%dma_start3A_84, %dma_start3A_89] : memref<5x2000xi32, #tpu.memory_space<vmem>> -> memref<1x2000xi32, #tpu.memory_space<vmem>>
    %dma_start3A_91 = tpu.memref_squeeze %dma_start3A_90 : memref<1x2000xi32, #tpu.memory_space<vmem>> -> memref<2000xi32, #tpu.memory_space<vmem>>
    %dma_start3A_92 = tpu.memref_slice %arg3[%add3A_83] : memref<320000xi32, #tpu.memory_space<hbm>> -> memref<2000xi32, #tpu.memory_space<hbm>>
    tpu.enqueue_dma source(%dma_start3A_92 : memref<2000xi32, #tpu.memory_space<hbm>>) target(%dma_start3A_91 : memref<2000xi32, #tpu.memory_space<vmem>>) target_semaphore(%arg12 : memref<!tpu.dma_semaphore, #tpu.memory_space<semaphore_mem>>)
    %dma_start3A_93 = arith.constant 4 : i32
    %dma_start3A_94 = arith.constant 0 : i32
    %dma_start3A_95 = tpu.memref_slice %arg8[%dma_start3A_93, %dma_start3A_94] : memref<5x2000xi32, #tpu.memory_space<vmem>> -> memref<1x2000xi32, #tpu.memory_space<vmem>>
    %dma_start3A_96 = tpu.memref_squeeze %dma_start3A_95 : memref<1x2000xi32, #tpu.memory_space<vmem>> -> memref<2000xi32, #tpu.memory_space<vmem>>
    %dma_start3A_97 = tpu.memref_slice %arg4[%add3A_83] : memref<320000xi32, #tpu.memory_space<hbm>> -> memref<2000xi32, #tpu.memory_space<hbm>>
    %dma_start3A_98 = arith.constant 0 : i32
    %dma_start3A_99 = tpu.memref_slice %arg8[%dma_start3A_93, %dma_start3A_98] : memref<5x2000xi32, #tpu.memory_space<vmem>> -> memref<1x2000xi32, #tpu.memory_space<vmem>>
    %dma_start3A_100 = tpu.memref_squeeze %dma_start3A_99 : memref<1x2000xi32, #tpu.memory_space<vmem>> -> memref<2000xi32, #tpu.memory_space<vmem>>
    %dma_start3A_101 = tpu.memref_slice %arg4[%add3A_83] : memref<320000xi32, #tpu.memory_space<hbm>> -> memref<2000xi32, #tpu.memory_space<hbm>>
    tpu.enqueue_dma source(%dma_start3A_101 : memref<2000xi32, #tpu.memory_space<hbm>>) target(%dma_start3A_100 : memref<2000xi32, #tpu.memory_space<vmem>>) target_semaphore(%arg12 : memref<!tpu.dma_semaphore, #tpu.memory_space<semaphore_mem>>)
    %dma_wait3A = arith.constant 0 : i32
    %dma_wait3A_102 = arith.constant 0 : i32
    %dma_wait3A_103 = tpu.memref_slice %arg7[%dma_wait3A, %dma_wait3A_102] : memref<5x2000xi32, #tpu.memory_space<vmem>> -> memref<1x2000xi32, #tpu.memory_space<vmem>>
    %dma_wait3A_104 = tpu.memref_squeeze %dma_wait3A_103 : memref<1x2000xi32, #tpu.memory_space<vmem>> -> memref<2000xi32, #tpu.memory_space<vmem>>
    %dma_wait3A_105 = tpu.memref_slice %arg3[%add3A_4] : memref<320000xi32, #tpu.memory_space<hbm>> -> memref<2000xi32, #tpu.memory_space<hbm>>
    %dma_wait3A_106 = arith.constant 0 : i32
    %dma_wait3A_107 = tpu.memref_slice %arg7[%dma_wait3A, %dma_wait3A_106] : memref<5x2000xi32, #tpu.memory_space<vmem>> -> memref<1x2000xi32, #tpu.memory_space<vmem>>
    %dma_wait3A_108 = tpu.memref_squeeze %dma_wait3A_107 : memref<1x2000xi32, #tpu.memory_space<vmem>> -> memref<2000xi32, #tpu.memory_space<vmem>>
    %dma_wait3A_109 = tpu.memref_slice %arg3[%add3A_4] : memref<320000xi32, #tpu.memory_space<hbm>> -> memref<2000xi32, #tpu.memory_space<hbm>>
    tpu.wait_dma2 semaphore(%arg12 : memref<!tpu.dma_semaphore, #tpu.memory_space<semaphore_mem>>) src(%dma_wait3A_109 : memref<2000xi32, #tpu.memory_space<hbm>>) dst(%dma_wait3A_108 : memref<2000xi32, #tpu.memory_space<vmem>>)
    %dma_start3A_110 = arith.constant 0 : i32
    %dma_start3A_111 = arith.constant 0 : i32
    %dma_start3A_112 = tpu.memref_slice %arg7[%dma_start3A_110, %dma_start3A_111] : memref<5x2000xi32, #tpu.memory_space<vmem>> -> memref<1x2000xi32, #tpu.memory_space<vmem>>
    %dma_start3A_113 = tpu.memref_squeeze %dma_start3A_112 : memref<1x2000xi32, #tpu.memory_space<vmem>> -> memref<2000xi32, #tpu.memory_space<vmem>>
    %dma_start3A_114 = arith.constant 0 : i32
    %dma_start3A_115 = arith.constant 0 : i32
    %dma_start3A_116 = tpu.memref_slice %arg2[%dma_start3A_114, %dma_start3A_115] : memref<10000x16xf32, #tpu.memory_space<hbm>> -> memref<10000x16xf32, #tpu.memory_space<hbm>>
    tpu.enqueue_indirect_dma source(%dma_start3A_116 : memref<10000x16xf32, #tpu.memory_space<hbm>>) target(%arg9 : memref<2000x16xf32, #tpu.memory_space<vmem>>) offsets(%dma_start3A_113 : memref<2000xi32, #tpu.memory_space<vmem>>) semaphore(%arg13 : memref<!tpu.dma_semaphore, #tpu.memory_space<semaphore_mem>>)
    %dma_wait3A_117 = arith.constant 0 : i32
    %dma_wait3A_118 = arith.constant 0 : i32
    %dma_wait3A_119 = tpu.memref_slice %arg8[%dma_wait3A_117, %dma_wait3A_118] : memref<5x2000xi32, #tpu.memory_space<vmem>> -> memref<1x2000xi32, #tpu.memory_space<vmem>>
    %dma_wait3A_120 = tpu.memref_squeeze %dma_wait3A_119 : memref<1x2000xi32, #tpu.memory_space<vmem>> -> memref<2000xi32, #tpu.memory_space<vmem>>
    %dma_wait3A_121 = tpu.memref_slice %arg4[%add3A_4] : memref<320000xi32, #tpu.memory_space<hbm>> -> memref<2000xi32, #tpu.memory_space<hbm>>
    %dma_wait3A_122 = arith.constant 0 : i32
    %dma_wait3A_123 = tpu.memref_slice %arg8[%dma_wait3A_117, %dma_wait3A_122] : memref<5x2000xi32, #tpu.memory_space<vmem>> -> memref<1x2000xi32, #tpu.memory_space<vmem>>
    %dma_wait3A_124 = tpu.memref_squeeze %dma_wait3A_123 : memref<1x2000xi32, #tpu.memory_space<vmem>> -> memref<2000xi32, #tpu.memory_space<vmem>>
    %dma_wait3A_125 = tpu.memref_slice %arg4[%add3A_4] : memref<320000xi32, #tpu.memory_space<hbm>> -> memref<2000xi32, #tpu.memory_space<hbm>>
    tpu.wait_dma2 semaphore(%arg12 : memref<!tpu.dma_semaphore, #tpu.memory_space<semaphore_mem>>) src(%dma_wait3A_125 : memref<2000xi32, #tpu.memory_space<hbm>>) dst(%dma_wait3A_124 : memref<2000xi32, #tpu.memory_space<vmem>>)
    %dma_start3A_126 = arith.constant 0 : i32
    %dma_start3A_127 = arith.constant 0 : i32
    %dma_start3A_128 = tpu.memref_slice %arg8[%dma_start3A_126, %dma_start3A_127] : memref<5x2000xi32, #tpu.memory_space<vmem>> -> memref<1x2000xi32, #tpu.memory_space<vmem>>
    %dma_start3A_129 = tpu.memref_squeeze %dma_start3A_128 : memref<1x2000xi32, #tpu.memory_space<vmem>> -> memref<2000xi32, #tpu.memory_space<vmem>>
    %dma_start3A_130 = arith.constant 0 : i32
    %dma_start3A_131 = arith.constant 0 : i32
    %dma_start3A_132 = tpu.memref_slice %arg2[%dma_start3A_130, %dma_start3A_131] : memref<10000x16xf32, #tpu.memory_space<hbm>> -> memref<10000x16xf32, #tpu.memory_space<hbm>>
    tpu.enqueue_indirect_dma source(%dma_start3A_132 : memref<10000x16xf32, #tpu.memory_space<hbm>>) target(%arg10 : memref<2000x16xf32, #tpu.memory_space<vmem>>) offsets(%dma_start3A_129 : memref<2000xi32, #tpu.memory_space<vmem>>) semaphore(%arg14 : memref<!tpu.dma_semaphore, #tpu.memory_space<semaphore_mem>>)
    %add3A_133 = arith.constant 0 : i32
    %add3A_134 = arith.addi %multiple_of3A, %add3A_133 : i32
    %dma_wait3A_135 = arith.constant 0 : i32
    %dma_wait3A_136 = arith.constant 0 : i32
    %dma_wait3A_137 = tpu.memref_slice %arg7[%dma_wait3A_135, %dma_wait3A_136] : memref<5x2000xi32, #tpu.memory_space<vmem>> -> memref<1x2000xi32, #tpu.memory_space<vmem>>
    %dma_wait3A_138 = tpu.memref_squeeze %dma_wait3A_137 : memref<1x2000xi32, #tpu.memory_space<vmem>> -> memref<2000xi32, #tpu.memory_space<vmem>>
    %dma_wait3A_139 = arith.constant 0 : i32
    %dma_wait3A_140 = arith.constant 0 : i32
    %dma_wait3A_141 = tpu.memref_slice %arg2[%dma_wait3A_139, %dma_wait3A_140] : memref<10000x16xf32, #tpu.memory_space<hbm>> -> memref<10000x16xf32, #tpu.memory_space<hbm>>
    tpu.wait_indirect_dma semaphore(%arg13 : memref<!tpu.dma_semaphore, #tpu.memory_space<semaphore_mem>>) src(%dma_wait3A_141 : memref<10000x16xf32, #tpu.memory_space<hbm>>) dst(%arg9 : memref<2000x16xf32, #tpu.memory_space<vmem>>)
    %dma_start3A_142 = arith.constant 0 : i32
    %dma_start3A_143 = tpu.memref_slice %arg5[%add3A_134, %dma_start3A_142] : memref<320000x16xf32, #tpu.memory_space<hbm>> -> memref<2000x16xf32, #tpu.memory_space<hbm>>
    %dma_start3A_144 = arith.constant 0 : i32
    %dma_start3A_145 = tpu.memref_slice %arg5[%add3A_134, %dma_start3A_144] : memref<320000x16xf32, #tpu.memory_space<hbm>> -> memref<2000x16xf32, #tpu.memory_space<hbm>>
    tpu.enqueue_dma source(%arg9 : memref<2000x16xf32, #tpu.memory_space<vmem>>) target(%dma_start3A_145 : memref<2000x16xf32, #tpu.memory_space<hbm>>) target_semaphore(%arg16 : memref<!tpu.dma_semaphore, #tpu.memory_space<semaphore_mem>>)
    %dma_wait3A_146 = arith.constant 1 : i32
    %dma_wait3A_147 = arith.constant 0 : i32
    %dma_wait3A_148 = tpu.memref_slice %arg7[%dma_wait3A_146, %dma_wait3A_147] : memref<5x2000xi32, #tpu.memory_space<vmem>> -> memref<1x2000xi32, #tpu.memory_space<vmem>>
    %dma_wait3A_149 = tpu.memref_squeeze %dma_wait3A_148 : memref<1x2000xi32, #tpu.memory_space<vmem>> -> memref<2000xi32, #tpu.memory_space<vmem>>
    %dma_wait3A_150 = tpu.memref_slice %arg3[%add3A_23] : memref<320000xi32, #tpu.memory_space<hbm>> -> memref<2000xi32, #tpu.memory_space<hbm>>
    %dma_wait3A_151 = arith.constant 0 : i32
    %dma_wait3A_152 = tpu.memref_slice %arg7[%dma_wait3A_146, %dma_wait3A_151] : memref<5x2000xi32, #tpu.memory_space<vmem>> -> memref<1x2000xi32, #tpu.memory_space<vmem>>
    %dma_wait3A_153 = tpu.memref_squeeze %dma_wait3A_152 : memref<1x2000xi32, #tpu.memory_space<vmem>> -> memref<2000xi32, #tpu.memory_space<vmem>>
    %dma_wait3A_154 = tpu.memref_slice %arg3[%add3A_23] : memref<320000xi32, #tpu.memory_space<hbm>> -> memref<2000xi32, #tpu.memory_space<hbm>>
    tpu.wait_dma2 semaphore(%arg12 : memref<!tpu.dma_semaphore, #tpu.memory_space<semaphore_mem>>) src(%dma_wait3A_154 : memref<2000xi32, #tpu.memory_space<hbm>>) dst(%dma_wait3A_153 : memref<2000xi32, #tpu.memory_space<vmem>>)
    %dma_start3A_155 = arith.constant 1 : i32
    %dma_start3A_156 = arith.constant 0 : i32
    %dma_start3A_157 = tpu.memref_slice %arg7[%dma_start3A_155, %dma_start3A_156] : memref<5x2000xi32, #tpu.memory_space<vmem>> -> memref<1x2000xi32, #tpu.memory_space<vmem>>
    %dma_start3A_158 = tpu.memref_squeeze %dma_start3A_157 : memref<1x2000xi32, #tpu.memory_space<vmem>> -> memref<2000xi32, #tpu.memory_space<vmem>>
    %dma_start3A_159 = arith.constant 0 : i32
    %dma_start3A_160 = arith.constant 0 : i32
    %dma_start3A_161 = tpu.memref_slice %arg2[%dma_start3A_159, %dma_start3A_160] : memref<10000x16xf32, #tpu.memory_space<hbm>> -> memref<10000x16xf32, #tpu.memory_space<hbm>>
    tpu.enqueue_indirect_dma source(%dma_start3A_161 : memref<10000x16xf32, #tpu.memory_space<hbm>>) target(%arg11 : memref<2000x16xf32, #tpu.memory_space<vmem>>) offsets(%dma_start3A_158 : memref<2000xi32, #tpu.memory_space<vmem>>) semaphore(%arg15 : memref<!tpu.dma_semaphore, #tpu.memory_space<semaphore_mem>>)
    %add3A_162 = arith.constant 0 : i32
    %add3A_163 = arith.addi %multiple_of3A, %add3A_162 : i32
    %dma_wait3A_164 = arith.constant 0 : i32
    %dma_wait3A_165 = arith.constant 0 : i32
    %dma_wait3A_166 = tpu.memref_slice %arg8[%dma_wait3A_164, %dma_wait3A_165] : memref<5x2000xi32, #tpu.memory_space<vmem>> -> memref<1x2000xi32, #tpu.memory_space<vmem>>
    %dma_wait3A_167 = tpu.memref_squeeze %dma_wait3A_166 : memref<1x2000xi32, #tpu.memory_space<vmem>> -> memref<2000xi32, #tpu.memory_space<vmem>>
    %dma_wait3A_168 = arith.constant 0 : i32
    %dma_wait3A_169 = arith.constant 0 : i32
    %dma_wait3A_170 = tpu.memref_slice %arg2[%dma_wait3A_168, %dma_wait3A_169] : memref<10000x16xf32, #tpu.memory_space<hbm>> -> memref<10000x16xf32, #tpu.memory_space<hbm>>
    tpu.wait_indirect_dma semaphore(%arg14 : memref<!tpu.dma_semaphore, #tpu.memory_space<semaphore_mem>>) src(%dma_wait3A_170 : memref<10000x16xf32, #tpu.memory_space<hbm>>) dst(%arg10 : memref<2000x16xf32, #tpu.memory_space<vmem>>)
    %dma_start3A_171 = arith.constant 0 : i32
    %dma_start3A_172 = tpu.memref_slice %arg6[%add3A_163, %dma_start3A_171] : memref<320000x16xf32, #tpu.memory_space<hbm>> -> memref<2000x16xf32, #tpu.memory_space<hbm>>
    %dma_start3A_173 = arith.constant 0 : i32
    %dma_start3A_174 = tpu.memref_slice %arg6[%add3A_163, %dma_start3A_173] : memref<320000x16xf32, #tpu.memory_space<hbm>> -> memref<2000x16xf32, #tpu.memory_space<hbm>>
    tpu.enqueue_dma source(%arg10 : memref<2000x16xf32, #tpu.memory_space<vmem>>) target(%dma_start3A_174 : memref<2000x16xf32, #tpu.memory_space<hbm>>) target_semaphore(%arg17 : memref<!tpu.dma_semaphore, #tpu.memory_space<semaphore_mem>>)
    %dma_wait3A_175 = arith.constant 0 : i32
    %dma_wait3A_176 = tpu.memref_slice %arg5[%add3A_134, %dma_wait3A_175] : memref<320000x16xf32, #tpu.memory_space<hbm>> -> memref<2000x16xf32, #tpu.memory_space<hbm>>
    %dma_wait3A_177 = arith.constant 0 : i32
    %dma_wait3A_178 = tpu.memref_slice %arg5[%add3A_134, %dma_wait3A_177] : memref<320000x16xf32, #tpu.memory_space<hbm>> -> memref<2000x16xf32, #tpu.memory_space<hbm>>
    tpu.wait_dma2 semaphore(%arg16 : memref<!tpu.dma_semaphore, #tpu.memory_space<semaphore_mem>>) src(%arg9 : memref<2000x16xf32, #tpu.memory_space<vmem>>) dst(%dma_wait3A_178 : memref<2000x16xf32, #tpu.memory_space<hbm>>)
    %dma_wait3A_179 = arith.constant 1 : i32
    %dma_wait3A_180 = arith.constant 0 : i32
    %dma_wait3A_181 = tpu.memref_slice %arg8[%dma_wait3A_179, %dma_wait3A_180] : memref<5x2000xi32, #tpu.memory_space<vmem>> -> memref<1x2000xi32, #tpu.memory_space<vmem>>
    %dma_wait3A_182 = tpu.memref_squeeze %dma_wait3A_181 : memref<1x2000xi32, #tpu.memory_space<vmem>> -> memref<2000xi32, #tpu.memory_space<vmem>>
    %dma_wait3A_183 = tpu.memref_slice %arg4[%add3A_23] : memref<320000xi32, #tpu.memory_space<hbm>> -> memref<2000xi32, #tpu.memory_space<hbm>>
    %dma_wait3A_184 = arith.constant 0 : i32
    %dma_wait3A_185 = tpu.memref_slice %arg8[%dma_wait3A_179, %dma_wait3A_184] : memref<5x2000xi32, #tpu.memory_space<vmem>> -> memref<1x2000xi32, #tpu.memory_space<vmem>>
    %dma_wait3A_186 = tpu.memref_squeeze %dma_wait3A_185 : memref<1x2000xi32, #tpu.memory_space<vmem>> -> memref<2000xi32, #tpu.memory_space<vmem>>
    %dma_wait3A_187 = tpu.memref_slice %arg4[%add3A_23] : memref<320000xi32, #tpu.memory_space<hbm>> -> memref<2000xi32, #tpu.memory_space<hbm>>
    tpu.wait_dma2 semaphore(%arg12 : memref<!tpu.dma_semaphore, #tpu.memory_space<semaphore_mem>>) src(%dma_wait3A_187 : memref<2000xi32, #tpu.memory_space<hbm>>) dst(%dma_wait3A_186 : memref<2000xi32, #tpu.memory_space<vmem>>)
    %dma_start3A_188 = arith.constant 1 : i32
    %dma_start3A_189 = arith.constant 0 : i32
    %dma_start3A_190 = tpu.memref_slice %arg8[%dma_start3A_188, %dma_start3A_189] : memref<5x2000xi32, #tpu.memory_space<vmem>> -> memref<1x2000xi32, #tpu.memory_space<vmem>>
    %dma_start3A_191 = tpu.memref_squeeze %dma_start3A_190 : memref<1x2000xi32, #tpu.memory_space<vmem>> -> memref<2000xi32, #tpu.memory_space<vmem>>
    %dma_start3A_192 = arith.constant 0 : i32
    %dma_start3A_193 = arith.constant 0 : i32
    %dma_start3A_194 = tpu.memref_slice %arg2[%dma_start3A_192, %dma_start3A_193] : memref<10000x16xf32, #tpu.memory_space<hbm>> -> memref<10000x16xf32, #tpu.memory_space<hbm>>
    tpu.enqueue_indirect_dma source(%dma_start3A_194 : memref<10000x16xf32, #tpu.memory_space<hbm>>) target(%arg9 : memref<2000x16xf32, #tpu.memory_space<vmem>>) offsets(%dma_start3A_191 : memref<2000xi32, #tpu.memory_space<vmem>>) semaphore(%arg13 : memref<!tpu.dma_semaphore, #tpu.memory_space<semaphore_mem>>)
    %add3A_195 = arith.constant 2000 : i32
    %add3A_196 = arith.addi %multiple_of3A, %add3A_195 : i32
    %dma_wait3A_197 = arith.constant 1 : i32
    %dma_wait3A_198 = arith.constant 0 : i32
    %dma_wait3A_199 = tpu.memref_slice %arg7[%dma_wait3A_197, %dma_wait3A_198] : memref<5x2000xi32, #tpu.memory_space<vmem>> -> memref<1x2000xi32, #tpu.memory_space<vmem>>
    %dma_wait3A_200 = tpu.memref_squeeze %dma_wait3A_199 : memref<1x2000xi32, #tpu.memory_space<vmem>> -> memref<2000xi32, #tpu.memory_space<vmem>>
    %dma_wait3A_201 = arith.constant 0 : i32
    %dma_wait3A_202 = arith.constant 0 : i32
    %dma_wait3A_203 = tpu.memref_slice %arg2[%dma_wait3A_201, %dma_wait3A_202] : memref<10000x16xf32, #tpu.memory_space<hbm>> -> memref<10000x16xf32, #tpu.memory_space<hbm>>
    tpu.wait_indirect_dma semaphore(%arg15 : memref<!tpu.dma_semaphore, #tpu.memory_space<semaphore_mem>>) src(%dma_wait3A_203 : memref<10000x16xf32, #tpu.memory_space<hbm>>) dst(%arg11 : memref<2000x16xf32, #tpu.memory_space<vmem>>)
    %dma_start3A_204 = arith.constant 0 : i32
    %dma_start3A_205 = tpu.memref_slice %arg5[%add3A_196, %dma_start3A_204] : memref<320000x16xf32, #tpu.memory_space<hbm>> -> memref<2000x16xf32, #tpu.memory_space<hbm>>
    %dma_start3A_206 = arith.constant 0 : i32
    %dma_start3A_207 = tpu.memref_slice %arg5[%add3A_196, %dma_start3A_206] : memref<320000x16xf32, #tpu.memory_space<hbm>> -> memref<2000x16xf32, #tpu.memory_space<hbm>>
    tpu.enqueue_dma source(%arg11 : memref<2000x16xf32, #tpu.memory_space<vmem>>) target(%dma_start3A_207 : memref<2000x16xf32, #tpu.memory_space<hbm>>) target_semaphore(%arg18 : memref<!tpu.dma_semaphore, #tpu.memory_space<semaphore_mem>>)
    %dma_wait3A_208 = arith.constant 0 : i32
    %dma_wait3A_209 = tpu.memref_slice %arg6[%add3A_163, %dma_wait3A_208] : memref<320000x16xf32, #tpu.memory_space<hbm>> -> memref<2000x16xf32, #tpu.memory_space<hbm>>
    %dma_wait3A_210 = arith.constant 0 : i32
    %dma_wait3A_211 = tpu.memref_slice %arg6[%add3A_163, %dma_wait3A_210] : memref<320000x16xf32, #tpu.memory_space<hbm>> -> memref<2000x16xf32, #tpu.memory_space<hbm>>
    tpu.wait_dma2 semaphore(%arg17 : memref<!tpu.dma_semaphore, #tpu.memory_space<semaphore_mem>>) src(%arg10 : memref<2000x16xf32, #tpu.memory_space<vmem>>) dst(%dma_wait3A_211 : memref<2000x16xf32, #tpu.memory_space<hbm>>)
    %dma_wait3A_212 = arith.constant 2 : i32
    %dma_wait3A_213 = arith.constant 0 : i32
    %dma_wait3A_214 = tpu.memref_slice %arg7[%dma_wait3A_212, %dma_wait3A_213] : memref<5x2000xi32, #tpu.memory_space<vmem>> -> memref<1x2000xi32, #tpu.memory_space<vmem>>
    %dma_wait3A_215 = tpu.memref_squeeze %dma_wait3A_214 : memref<1x2000xi32, #tpu.memory_space<vmem>> -> memref<2000xi32, #tpu.memory_space<vmem>>
    %dma_wait3A_216 = tpu.memref_slice %arg3[%add3A_43] : memref<320000xi32, #tpu.memory_space<hbm>> -> memref<2000xi32, #tpu.memory_space<hbm>>
    %dma_wait3A_217 = arith.constant 0 : i32
    %dma_wait3A_218 = tpu.memref_slice %arg7[%dma_wait3A_212, %dma_wait3A_217] : memref<5x2000xi32, #tpu.memory_space<vmem>> -> memref<1x2000xi32, #tpu.memory_space<vmem>>
    %dma_wait3A_219 = tpu.memref_squeeze %dma_wait3A_218 : memref<1x2000xi32, #tpu.memory_space<vmem>> -> memref<2000xi32, #tpu.memory_space<vmem>>
    %dma_wait3A_220 = tpu.memref_slice %arg3[%add3A_43] : memref<320000xi32, #tpu.memory_space<hbm>> -> memref<2000xi32, #tpu.memory_space<hbm>>
    tpu.wait_dma2 semaphore(%arg12 : memref<!tpu.dma_semaphore, #tpu.memory_space<semaphore_mem>>) src(%dma_wait3A_220 : memref<2000xi32, #tpu.memory_space<hbm>>) dst(%dma_wait3A_219 : memref<2000xi32, #tpu.memory_space<vmem>>)
    %dma_start3A_221 = arith.constant 2 : i32
    %dma_start3A_222 = arith.constant 0 : i32
    %dma_start3A_223 = tpu.memref_slice %arg7[%dma_start3A_221, %dma_start3A_222] : memref<5x2000xi32, #tpu.memory_space<vmem>> -> memref<1x2000xi32, #tpu.memory_space<vmem>>
    %dma_start3A_224 = tpu.memref_squeeze %dma_start3A_223 : memref<1x2000xi32, #tpu.memory_space<vmem>> -> memref<2000xi32, #tpu.memory_space<vmem>>
    %dma_start3A_225 = arith.constant 0 : i32
    %dma_start3A_226 = arith.constant 0 : i32
    %dma_start3A_227 = tpu.memref_slice %arg2[%dma_start3A_225, %dma_start3A_226] : memref<10000x16xf32, #tpu.memory_space<hbm>> -> memref<10000x16xf32, #tpu.memory_space<hbm>>
    tpu.enqueue_indirect_dma source(%dma_start3A_227 : memref<10000x16xf32, #tpu.memory_space<hbm>>) target(%arg10 : memref<2000x16xf32, #tpu.memory_space<vmem>>) offsets(%dma_start3A_224 : memref<2000xi32, #tpu.memory_space<vmem>>) semaphore(%arg14 : memref<!tpu.dma_semaphore, #tpu.memory_space<semaphore_mem>>)
    %add3A_228 = arith.constant 2000 : i32
    %add3A_229 = arith.addi %multiple_of3A, %add3A_228 : i32
    %dma_wait3A_230 = arith.constant 1 : i32
    %dma_wait3A_231 = arith.constant 0 : i32
    %dma_wait3A_232 = tpu.memref_slice %arg8[%dma_wait3A_230, %dma_wait3A_231] : memref<5x2000xi32, #tpu.memory_space<vmem>> -> memref<1x2000xi32, #tpu.memory_space<vmem>>
    %dma_wait3A_233 = tpu.memref_squeeze %dma_wait3A_232 : memref<1x2000xi32, #tpu.memory_space<vmem>> -> memref<2000xi32, #tpu.memory_space<vmem>>
    %dma_wait3A_234 = arith.constant 0 : i32
    %dma_wait3A_235 = arith.constant 0 : i32
    %dma_wait3A_236 = tpu.memref_slice %arg2[%dma_wait3A_234, %dma_wait3A_235] : memref<10000x16xf32, #tpu.memory_space<hbm>> -> memref<10000x16xf32, #tpu.memory_space<hbm>>
    tpu.wait_indirect_dma semaphore(%arg13 : memref<!tpu.dma_semaphore, #tpu.memory_space<semaphore_mem>>) src(%dma_wait3A_236 : memref<10000x16xf32, #tpu.memory_space<hbm>>) dst(%arg9 : memref<2000x16xf32, #tpu.memory_space<vmem>>)
    %dma_start3A_237 = arith.constant 0 : i32
    %dma_start3A_238 = tpu.memref_slice %arg6[%add3A_229, %dma_start3A_237] : memref<320000x16xf32, #tpu.memory_space<hbm>> -> memref<2000x16xf32, #tpu.memory_space<hbm>>
    %dma_start3A_239 = arith.constant 0 : i32
    %dma_start3A_240 = tpu.memref_slice %arg6[%add3A_229, %dma_start3A_239] : memref<320000x16xf32, #tpu.memory_space<hbm>> -> memref<2000x16xf32, #tpu.memory_space<hbm>>
    tpu.enqueue_dma source(%arg9 : memref<2000x16xf32, #tpu.memory_space<vmem>>) target(%dma_start3A_240 : memref<2000x16xf32, #tpu.memory_space<hbm>>) target_semaphore(%arg16 : memref<!tpu.dma_semaphore, #tpu.memory_space<semaphore_mem>>)
    %dma_wait3A_241 = arith.constant 0 : i32
    %dma_wait3A_242 = tpu.memref_slice %arg5[%add3A_196, %dma_wait3A_241] : memref<320000x16xf32, #tpu.memory_space<hbm>> -> memref<2000x16xf32, #tpu.memory_space<hbm>>
    %dma_wait3A_243 = arith.constant 0 : i32
    %dma_wait3A_244 = tpu.memref_slice %arg5[%add3A_196, %dma_wait3A_243] : memref<320000x16xf32, #tpu.memory_space<hbm>> -> memref<2000x16xf32, #tpu.memory_space<hbm>>
    tpu.wait_dma2 semaphore(%arg18 : memref<!tpu.dma_semaphore, #tpu.memory_space<semaphore_mem>>) src(%arg11 : memref<2000x16xf32, #tpu.memory_space<vmem>>) dst(%dma_wait3A_244 : memref<2000x16xf32, #tpu.memory_space<hbm>>)
    %dma_wait3A_245 = arith.constant 2 : i32
    %dma_wait3A_246 = arith.constant 0 : i32
    %dma_wait3A_247 = tpu.memref_slice %arg8[%dma_wait3A_245, %dma_wait3A_246] : memref<5x2000xi32, #tpu.memory_space<vmem>> -> memref<1x2000xi32, #tpu.memory_space<vmem>>
    %dma_wait3A_248 = tpu.memref_squeeze %dma_wait3A_247 : memref<1x2000xi32, #tpu.memory_space<vmem>> -> memref<2000xi32, #tpu.memory_space<vmem>>
    %dma_wait3A_249 = tpu.memref_slice %arg4[%add3A_43] : memref<320000xi32, #tpu.memory_space<hbm>> -> memref<2000xi32, #tpu.memory_space<hbm>>
    %dma_wait3A_250 = arith.constant 0 : i32
    %dma_wait3A_251 = tpu.memref_slice %arg8[%dma_wait3A_245, %dma_wait3A_250] : memref<5x2000xi32, #tpu.memory_space<vmem>> -> memref<1x2000xi32, #tpu.memory_space<vmem>>
    %dma_wait3A_252 = tpu.memref_squeeze %dma_wait3A_251 : memref<1x2000xi32, #tpu.memory_space<vmem>> -> memref<2000xi32, #tpu.memory_space<vmem>>
    %dma_wait3A_253 = tpu.memref_slice %arg4[%add3A_43] : memref<320000xi32, #tpu.memory_space<hbm>> -> memref<2000xi32, #tpu.memory_space<hbm>>
    tpu.wait_dma2 semaphore(%arg12 : memref<!tpu.dma_semaphore, #tpu.memory_space<semaphore_mem>>) src(%dma_wait3A_253 : memref<2000xi32, #tpu.memory_space<hbm>>) dst(%dma_wait3A_252 : memref<2000xi32, #tpu.memory_space<vmem>>)
    %dma_start3A_254 = arith.constant 2 : i32
    %dma_start3A_255 = arith.constant 0 : i32
    %dma_start3A_256 = tpu.memref_slice %arg8[%dma_start3A_254, %dma_start3A_255] : memref<5x2000xi32, #tpu.memory_space<vmem>> -> memref<1x2000xi32, #tpu.memory_space<vmem>>
    %dma_start3A_257 = tpu.memref_squeeze %dma_start3A_256 : memref<1x2000xi32, #tpu.memory_space<vmem>> -> memref<2000xi32, #tpu.memory_space<vmem>>
    %dma_start3A_258 = arith.constant 0 : i32
    %dma_start3A_259 = arith.constant 0 : i32
    %dma_start3A_260 = tpu.memref_slice %arg2[%dma_start3A_258, %dma_start3A_259] : memref<10000x16xf32, #tpu.memory_space<hbm>> -> memref<10000x16xf32, #tpu.memory_space<hbm>>
    tpu.enqueue_indirect_dma source(%dma_start3A_260 : memref<10000x16xf32, #tpu.memory_space<hbm>>) target(%arg11 : memref<2000x16xf32, #tpu.memory_space<vmem>>) offsets(%dma_start3A_257 : memref<2000xi32, #tpu.memory_space<vmem>>) semaphore(%arg15 : memref<!tpu.dma_semaphore, #tpu.memory_space<semaphore_mem>>)
    %add3A_261 = arith.constant 4000 : i32
    %add3A_262 = arith.addi %multiple_of3A, %add3A_261 : i32
    %dma_wait3A_263 = arith.constant 2 : i32
    %dma_wait3A_264 = arith.constant 0 : i32
    %dma_wait3A_265 = tpu.memref_slice %arg7[%dma_wait3A_263, %dma_wait3A_264] : memref<5x2000xi32, #tpu.memory_space<vmem>> -> memref<1x2000xi32, #tpu.memory_space<vmem>>
    %dma_wait3A_266 = tpu.memref_squeeze %dma_wait3A_265 : memref<1x2000xi32, #tpu.memory_space<vmem>> -> memref<2000xi32, #tpu.memory_space<vmem>>
    %dma_wait3A_267 = arith.constant 0 : i32
    %dma_wait3A_268 = arith.constant 0 : i32
    %dma_wait3A_269 = tpu.memref_slice %arg2[%dma_wait3A_267, %dma_wait3A_268] : memref<10000x16xf32, #tpu.memory_space<hbm>> -> memref<10000x16xf32, #tpu.memory_space<hbm>>
    tpu.wait_indirect_dma semaphore(%arg14 : memref<!tpu.dma_semaphore, #tpu.memory_space<semaphore_mem>>) src(%dma_wait3A_269 : memref<10000x16xf32, #tpu.memory_space<hbm>>) dst(%arg10 : memref<2000x16xf32, #tpu.memory_space<vmem>>)
    %dma_start3A_270 = arith.constant 0 : i32
    %dma_start3A_271 = tpu.memref_slice %arg5[%add3A_262, %dma_start3A_270] : memref<320000x16xf32, #tpu.memory_space<hbm>> -> memref<2000x16xf32, #tpu.memory_space<hbm>>
    %dma_start3A_272 = arith.constant 0 : i32
    %dma_start3A_273 = tpu.memref_slice %arg5[%add3A_262, %dma_start3A_272] : memref<320000x16xf32, #tpu.memory_space<hbm>> -> memref<2000x16xf32, #tpu.memory_space<hbm>>
    tpu.enqueue_dma source(%arg10 : memref<2000x16xf32, #tpu.memory_space<vmem>>) target(%dma_start3A_273 : memref<2000x16xf32, #tpu.memory_space<hbm>>) target_semaphore(%arg17 : memref<!tpu.dma_semaphore, #tpu.memory_space<semaphore_mem>>)
    %dma_wait3A_274 = arith.constant 0 : i32
    %dma_wait3A_275 = tpu.memref_slice %arg6[%add3A_229, %dma_wait3A_274] : memref<320000x16xf32, #tpu.memory_space<hbm>> -> memref<2000x16xf32, #tpu.memory_space<hbm>>
    %dma_wait3A_276 = arith.constant 0 : i32
    %dma_wait3A_277 = tpu.memref_slice %arg6[%add3A_229, %dma_wait3A_276] : memref<320000x16xf32, #tpu.memory_space<hbm>> -> memref<2000x16xf32, #tpu.memory_space<hbm>>
    tpu.wait_dma2 semaphore(%arg16 : memref<!tpu.dma_semaphore, #tpu.memory_space<semaphore_mem>>) src(%arg9 : memref<2000x16xf32, #tpu.memory_space<vmem>>) dst(%dma_wait3A_277 : memref<2000x16xf32, #tpu.memory_space<hbm>>)
    %dma_wait3A_278 = arith.constant 3 : i32
    %dma_wait3A_279 = arith.constant 0 : i32
    %dma_wait3A_280 = tpu.memref_slice %arg7[%dma_wait3A_278, %dma_wait3A_279] : memref<5x2000xi32, #tpu.memory_space<vmem>> -> memref<1x2000xi32, #tpu.memory_space<vmem>>
    %dma_wait3A_281 = tpu.memref_squeeze %dma_wait3A_280 : memref<1x2000xi32, #tpu.memory_space<vmem>> -> memref<2000xi32, #tpu.memory_space<vmem>>
    %dma_wait3A_282 = tpu.memref_slice %arg3[%add3A_63] : memref<320000xi32, #tpu.memory_space<hbm>> -> memref<2000xi32, #tpu.memory_space<hbm>>
    %dma_wait3A_283 = arith.constant 0 : i32
    %dma_wait3A_284 = tpu.memref_slice %arg7[%dma_wait3A_278, %dma_wait3A_283] : memref<5x2000xi32, #tpu.memory_space<vmem>> -> memref<1x2000xi32, #tpu.memory_space<vmem>>
    %dma_wait3A_285 = tpu.memref_squeeze %dma_wait3A_284 : memref<1x2000xi32, #tpu.memory_space<vmem>> -> memref<2000xi32, #tpu.memory_space<vmem>>
    %dma_wait3A_286 = tpu.memref_slice %arg3[%add3A_63] : memref<320000xi32, #tpu.memory_space<hbm>> -> memref<2000xi32, #tpu.memory_space<hbm>>
    tpu.wait_dma2 semaphore(%arg12 : memref<!tpu.dma_semaphore, #tpu.memory_space<semaphore_mem>>) src(%dma_wait3A_286 : memref<2000xi32, #tpu.memory_space<hbm>>) dst(%dma_wait3A_285 : memref<2000xi32, #tpu.memory_space<vmem>>)
    %dma_start3A_287 = arith.constant 3 : i32
    %dma_start3A_288 = arith.constant 0 : i32
    %dma_start3A_289 = tpu.memref_slice %arg7[%dma_start3A_287, %dma_start3A_288] : memref<5x2000xi32, #tpu.memory_space<vmem>> -> memref<1x2000xi32, #tpu.memory_space<vmem>>
    %dma_start3A_290 = tpu.memref_squeeze %dma_start3A_289 : memref<1x2000xi32, #tpu.memory_space<vmem>> -> memref<2000xi32, #tpu.memory_space<vmem>>
    %dma_start3A_291 = arith.constant 0 : i32
    %dma_start3A_292 = arith.constant 0 : i32
    %dma_start3A_293 = tpu.memref_slice %arg2[%dma_start3A_291, %dma_start3A_292] : memref<10000x16xf32, #tpu.memory_space<hbm>> -> memref<10000x16xf32, #tpu.memory_space<hbm>>
    tpu.enqueue_indirect_dma source(%dma_start3A_293 : memref<10000x16xf32, #tpu.memory_space<hbm>>) target(%arg9 : memref<2000x16xf32, #tpu.memory_space<vmem>>) offsets(%dma_start3A_290 : memref<2000xi32, #tpu.memory_space<vmem>>) semaphore(%arg13 : memref<!tpu.dma_semaphore, #tpu.memory_space<semaphore_mem>>)
    %add3A_294 = arith.constant 4000 : i32
    %add3A_295 = arith.addi %multiple_of3A, %add3A_294 : i32
    %dma_wait3A_296 = arith.constant 2 : i32
    %dma_wait3A_297 = arith.constant 0 : i32
    %dma_wait3A_298 = tpu.memref_slice %arg8[%dma_wait3A_296, %dma_wait3A_297] : memref<5x2000xi32, #tpu.memory_space<vmem>> -> memref<1x2000xi32, #tpu.memory_space<vmem>>
    %dma_wait3A_299 = tpu.memref_squeeze %dma_wait3A_298 : memref<1x2000xi32, #tpu.memory_space<vmem>> -> memref<2000xi32, #tpu.memory_space<vmem>>
    %dma_wait3A_300 = arith.constant 0 : i32
    %dma_wait3A_301 = arith.constant 0 : i32
    %dma_wait3A_302 = tpu.memref_slice %arg2[%dma_wait3A_300, %dma_wait3A_301] : memref<10000x16xf32, #tpu.memory_space<hbm>> -> memref<10000x16xf32, #tpu.memory_space<hbm>>
    tpu.wait_indirect_dma semaphore(%arg15 : memref<!tpu.dma_semaphore, #tpu.memory_space<semaphore_mem>>) src(%dma_wait3A_302 : memref<10000x16xf32, #tpu.memory_space<hbm>>) dst(%arg11 : memref<2000x16xf32, #tpu.memory_space<vmem>>)
    %dma_start3A_303 = arith.constant 0 : i32
    %dma_start3A_304 = tpu.memref_slice %arg6[%add3A_295, %dma_start3A_303] : memref<320000x16xf32, #tpu.memory_space<hbm>> -> memref<2000x16xf32, #tpu.memory_space<hbm>>
    %dma_start3A_305 = arith.constant 0 : i32
    %dma_start3A_306 = tpu.memref_slice %arg6[%add3A_295, %dma_start3A_305] : memref<320000x16xf32, #tpu.memory_space<hbm>> -> memref<2000x16xf32, #tpu.memory_space<hbm>>
    tpu.enqueue_dma source(%arg11 : memref<2000x16xf32, #tpu.memory_space<vmem>>) target(%dma_start3A_306 : memref<2000x16xf32, #tpu.memory_space<hbm>>) target_semaphore(%arg18 : memref<!tpu.dma_semaphore, #tpu.memory_space<semaphore_mem>>)
    %dma_wait3A_307 = arith.constant 0 : i32
    %dma_wait3A_308 = tpu.memref_slice %arg5[%add3A_262, %dma_wait3A_307] : memref<320000x16xf32, #tpu.memory_space<hbm>> -> memref<2000x16xf32, #tpu.memory_space<hbm>>
    %dma_wait3A_309 = arith.constant 0 : i32
    %dma_wait3A_310 = tpu.memref_slice %arg5[%add3A_262, %dma_wait3A_309] : memref<320000x16xf32, #tpu.memory_space<hbm>> -> memref<2000x16xf32, #tpu.memory_space<hbm>>
    tpu.wait_dma2 semaphore(%arg17 : memref<!tpu.dma_semaphore, #tpu.memory_space<semaphore_mem>>) src(%arg10 : memref<2000x16xf32, #tpu.memory_space<vmem>>) dst(%dma_wait3A_310 : memref<2000x16xf32, #tpu.memory_space<hbm>>)
    %dma_wait3A_311 = arith.constant 3 : i32
    %dma_wait3A_312 = arith.constant 0 : i32
    %dma_wait3A_313 = tpu.memref_slice %arg8[%dma_wait3A_311, %dma_wait3A_312] : memref<5x2000xi32, #tpu.memory_space<vmem>> -> memref<1x2000xi32, #tpu.memory_space<vmem>>
    %dma_wait3A_314 = tpu.memref_squeeze %dma_wait3A_313 : memref<1x2000xi32, #tpu.memory_space<vmem>> -> memref<2000xi32, #tpu.memory_space<vmem>>
    %dma_wait3A_315 = tpu.memref_slice %arg4[%add3A_63] : memref<320000xi32, #tpu.memory_space<hbm>> -> memref<2000xi32, #tpu.memory_space<hbm>>
    %dma_wait3A_316 = arith.constant 0 : i32
    %dma_wait3A_317 = tpu.memref_slice %arg8[%dma_wait3A_311, %dma_wait3A_316] : memref<5x2000xi32, #tpu.memory_space<vmem>> -> memref<1x2000xi32, #tpu.memory_space<vmem>>
    %dma_wait3A_318 = tpu.memref_squeeze %dma_wait3A_317 : memref<1x2000xi32, #tpu.memory_space<vmem>> -> memref<2000xi32, #tpu.memory_space<vmem>>
    %dma_wait3A_319 = tpu.memref_slice %arg4[%add3A_63] : memref<320000xi32, #tpu.memory_space<hbm>> -> memref<2000xi32, #tpu.memory_space<hbm>>
    tpu.wait_dma2 semaphore(%arg12 : memref<!tpu.dma_semaphore, #tpu.memory_space<semaphore_mem>>) src(%dma_wait3A_319 : memref<2000xi32, #tpu.memory_space<hbm>>) dst(%dma_wait3A_318 : memref<2000xi32, #tpu.memory_space<vmem>>)
    %dma_start3A_320 = arith.constant 3 : i32
    %dma_start3A_321 = arith.constant 0 : i32
    %dma_start3A_322 = tpu.memref_slice %arg8[%dma_start3A_320, %dma_start3A_321] : memref<5x2000xi32, #tpu.memory_space<vmem>> -> memref<1x2000xi32, #tpu.memory_space<vmem>>
    %dma_start3A_323 = tpu.memref_squeeze %dma_start3A_322 : memref<1x2000xi32, #tpu.memory_space<vmem>> -> memref<2000xi32, #tpu.memory_space<vmem>>
    %dma_start3A_324 = arith.constant 0 : i32
    %dma_start3A_325 = arith.constant 0 : i32
    %dma_start3A_326 = tpu.memref_slice %arg2[%dma_start3A_324, %dma_start3A_325] : memref<10000x16xf32, #tpu.memory_space<hbm>> -> memref<10000x16xf32, #tpu.memory_space<hbm>>
    tpu.enqueue_indirect_dma source(%dma_start3A_326 : memref<10000x16xf32, #tpu.memory_space<hbm>>) target(%arg10 : memref<2000x16xf32, #tpu.memory_space<vmem>>) offsets(%dma_start3A_323 : memref<2000xi32, #tpu.memory_space<vmem>>) semaphore(%arg14 : memref<!tpu.dma_semaphore, #tpu.memory_space<semaphore_mem>>)
    %add3A_327 = arith.constant 6000 : i32
    %add3A_328 = arith.addi %multiple_of3A, %add3A_327 : i32
    %dma_wait3A_329 = arith.constant 3 : i32
    %dma_wait3A_330 = arith.constant 0 : i32
    %dma_wait3A_331 = tpu.memref_slice %arg7[%dma_wait3A_329, %dma_wait3A_330] : memref<5x2000xi32, #tpu.memory_space<vmem>> -> memref<1x2000xi32, #tpu.memory_space<vmem>>
    %dma_wait3A_332 = tpu.memref_squeeze %dma_wait3A_331 : memref<1x2000xi32, #tpu.memory_space<vmem>> -> memref<2000xi32, #tpu.memory_space<vmem>>
    %dma_wait3A_333 = arith.constant 0 : i32
    %dma_wait3A_334 = arith.constant 0 : i32
    %dma_wait3A_335 = tpu.memref_slice %arg2[%dma_wait3A_333, %dma_wait3A_334] : memref<10000x16xf32, #tpu.memory_space<hbm>> -> memref<10000x16xf32, #tpu.memory_space<hbm>>
    tpu.wait_indirect_dma semaphore(%arg13 : memref<!tpu.dma_semaphore, #tpu.memory_space<semaphore_mem>>) src(%dma_wait3A_335 : memref<10000x16xf32, #tpu.memory_space<hbm>>) dst(%arg9 : memref<2000x16xf32, #tpu.memory_space<vmem>>)
    %dma_start3A_336 = arith.constant 0 : i32
    %dma_start3A_337 = tpu.memref_slice %arg5[%add3A_328, %dma_start3A_336] : memref<320000x16xf32, #tpu.memory_space<hbm>> -> memref<2000x16xf32, #tpu.memory_space<hbm>>
    %dma_start3A_338 = arith.constant 0 : i32
    %dma_start3A_339 = tpu.memref_slice %arg5[%add3A_328, %dma_start3A_338] : memref<320000x16xf32, #tpu.memory_space<hbm>> -> memref<2000x16xf32, #tpu.memory_space<hbm>>
    tpu.enqueue_dma source(%arg9 : memref<2000x16xf32, #tpu.memory_space<vmem>>) target(%dma_start3A_339 : memref<2000x16xf32, #tpu.memory_space<hbm>>) target_semaphore(%arg16 : memref<!tpu.dma_semaphore, #tpu.memory_space<semaphore_mem>>)
    %dma_wait3A_340 = arith.constant 0 : i32
    %dma_wait3A_341 = tpu.memref_slice %arg6[%add3A_295, %dma_wait3A_340] : memref<320000x16xf32, #tpu.memory_space<hbm>> -> memref<2000x16xf32, #tpu.memory_space<hbm>>
    %dma_wait3A_342 = arith.constant 0 : i32
    %dma_wait3A_343 = tpu.memref_slice %arg6[%add3A_295, %dma_wait3A_342] : memref<320000x16xf32, #tpu.memory_space<hbm>> -> memref<2000x16xf32, #tpu.memory_space<hbm>>
    tpu.wait_dma2 semaphore(%arg18 : memref<!tpu.dma_semaphore, #tpu.memory_space<semaphore_mem>>) src(%arg11 : memref<2000x16xf32, #tpu.memory_space<vmem>>) dst(%dma_wait3A_343 : memref<2000x16xf32, #tpu.memory_space<hbm>>)
    %dma_wait3A_344 = arith.constant 4 : i32
    %dma_wait3A_345 = arith.constant 0 : i32
    %dma_wait3A_346 = tpu.memref_slice %arg7[%dma_wait3A_344, %dma_wait3A_345] : memref<5x2000xi32, #tpu.memory_space<vmem>> -> memref<1x2000xi32, #tpu.memory_space<vmem>>
    %dma_wait3A_347 = tpu.memref_squeeze %dma_wait3A_346 : memref<1x2000xi32, #tpu.memory_space<vmem>> -> memref<2000xi32, #tpu.memory_space<vmem>>
    %dma_wait3A_348 = tpu.memref_slice %arg3[%add3A_83] : memref<320000xi32, #tpu.memory_space<hbm>> -> memref<2000xi32, #tpu.memory_space<hbm>>
    %dma_wait3A_349 = arith.constant 0 : i32
    %dma_wait3A_350 = tpu.memref_slice %arg7[%dma_wait3A_344, %dma_wait3A_349] : memref<5x2000xi32, #tpu.memory_space<vmem>> -> memref<1x2000xi32, #tpu.memory_space<vmem>>
    %dma_wait3A_351 = tpu.memref_squeeze %dma_wait3A_350 : memref<1x2000xi32, #tpu.memory_space<vmem>> -> memref<2000xi32, #tpu.memory_space<vmem>>
    %dma_wait3A_352 = tpu.memref_slice %arg3[%add3A_83] : memref<320000xi32, #tpu.memory_space<hbm>> -> memref<2000xi32, #tpu.memory_space<hbm>>
    tpu.wait_dma2 semaphore(%arg12 : memref<!tpu.dma_semaphore, #tpu.memory_space<semaphore_mem>>) src(%dma_wait3A_352 : memref<2000xi32, #tpu.memory_space<hbm>>) dst(%dma_wait3A_351 : memref<2000xi32, #tpu.memory_space<vmem>>)
    %dma_start3A_353 = arith.constant 4 : i32
    %dma_start3A_354 = arith.constant 0 : i32
    %dma_start3A_355 = tpu.memref_slice %arg7[%dma_start3A_353, %dma_start3A_354] : memref<5x2000xi32, #tpu.memory_space<vmem>> -> memref<1x2000xi32, #tpu.memory_space<vmem>>
    %dma_start3A_356 = tpu.memref_squeeze %dma_start3A_355 : memref<1x2000xi32, #tpu.memory_space<vmem>> -> memref<2000xi32, #tpu.memory_space<vmem>>
    %dma_start3A_357 = arith.constant 0 : i32
    %dma_start3A_358 = arith.constant 0 : i32
    %dma_start3A_359 = tpu.memref_slice %arg2[%dma_start3A_357, %dma_start3A_358] : memref<10000x16xf32, #tpu.memory_space<hbm>> -> memref<10000x16xf32, #tpu.memory_space<hbm>>
    tpu.enqueue_indirect_dma source(%dma_start3A_359 : memref<10000x16xf32, #tpu.memory_space<hbm>>) target(%arg11 : memref<2000x16xf32, #tpu.memory_space<vmem>>) offsets(%dma_start3A_356 : memref<2000xi32, #tpu.memory_space<vmem>>) semaphore(%arg15 : memref<!tpu.dma_semaphore, #tpu.memory_space<semaphore_mem>>)
    %add3A_360 = arith.constant 6000 : i32
    %add3A_361 = arith.addi %multiple_of3A, %add3A_360 : i32
    %dma_wait3A_362 = arith.constant 3 : i32
    %dma_wait3A_363 = arith.constant 0 : i32
    %dma_wait3A_364 = tpu.memref_slice %arg8[%dma_wait3A_362, %dma_wait3A_363] : memref<5x2000xi32, #tpu.memory_space<vmem>> -> memref<1x2000xi32, #tpu.memory_space<vmem>>
    %dma_wait3A_365 = tpu.memref_squeeze %dma_wait3A_364 : memref<1x2000xi32, #tpu.memory_space<vmem>> -> memref<2000xi32, #tpu.memory_space<vmem>>
    %dma_wait3A_366 = arith.constant 0 : i32
    %dma_wait3A_367 = arith.constant 0 : i32
    %dma_wait3A_368 = tpu.memref_slice %arg2[%dma_wait3A_366, %dma_wait3A_367] : memref<10000x16xf32, #tpu.memory_space<hbm>> -> memref<10000x16xf32, #tpu.memory_space<hbm>>
    tpu.wait_indirect_dma semaphore(%arg14 : memref<!tpu.dma_semaphore, #tpu.memory_space<semaphore_mem>>) src(%dma_wait3A_368 : memref<10000x16xf32, #tpu.memory_space<hbm>>) dst(%arg10 : memref<2000x16xf32, #tpu.memory_space<vmem>>)
    %dma_start3A_369 = arith.constant 0 : i32
    %dma_start3A_370 = tpu.memref_slice %arg6[%add3A_361, %dma_start3A_369] : memref<320000x16xf32, #tpu.memory_space<hbm>> -> memref<2000x16xf32, #tpu.memory_space<hbm>>
    %dma_start3A_371 = arith.constant 0 : i32
    %dma_start3A_372 = tpu.memref_slice %arg6[%add3A_361, %dma_start3A_371] : memref<320000x16xf32, #tpu.memory_space<hbm>> -> memref<2000x16xf32, #tpu.memory_space<hbm>>
    tpu.enqueue_dma source(%arg10 : memref<2000x16xf32, #tpu.memory_space<vmem>>) target(%dma_start3A_372 : memref<2000x16xf32, #tpu.memory_space<hbm>>) target_semaphore(%arg17 : memref<!tpu.dma_semaphore, #tpu.memory_space<semaphore_mem>>)
    %dma_wait3A_373 = arith.constant 0 : i32
    %dma_wait3A_374 = tpu.memref_slice %arg5[%add3A_328, %dma_wait3A_373] : memref<320000x16xf32, #tpu.memory_space<hbm>> -> memref<2000x16xf32, #tpu.memory_space<hbm>>
    %dma_wait3A_375 = arith.constant 0 : i32
    %dma_wait3A_376 = tpu.memref_slice %arg5[%add3A_328, %dma_wait3A_375] : memref<320000x16xf32, #tpu.memory_space<hbm>> -> memref<2000x16xf32, #tpu.memory_space<hbm>>
    tpu.wait_dma2 semaphore(%arg16 : memref<!tpu.dma_semaphore, #tpu.memory_space<semaphore_mem>>) src(%arg9 : memref<2000x16xf32, #tpu.memory_space<vmem>>) dst(%dma_wait3A_376 : memref<2000x16xf32, #tpu.memory_space<hbm>>)
    %dma_wait3A_377 = arith.constant 4 : i32
    %dma_wait3A_378 = arith.constant 0 : i32
    %dma_wait3A_379 = tpu.memref_slice %arg8[%dma_wait3A_377, %dma_wait3A_378] : memref<5x2000xi32, #tpu.memory_space<vmem>> -> memref<1x2000xi32, #tpu.memory_space<vmem>>
    %dma_wait3A_380 = tpu.memref_squeeze %dma_wait3A_379 : memref<1x2000xi32, #tpu.memory_space<vmem>> -> memref<2000xi32, #tpu.memory_space<vmem>>
    %dma_wait3A_381 = tpu.memref_slice %arg4[%add3A_83] : memref<320000xi32, #tpu.memory_space<hbm>> -> memref<2000xi32, #tpu.memory_space<hbm>>
    %dma_wait3A_382 = arith.constant 0 : i32
    %dma_wait3A_383 = tpu.memref_slice %arg8[%dma_wait3A_377, %dma_wait3A_382] : memref<5x2000xi32, #tpu.memory_space<vmem>> -> memref<1x2000xi32, #tpu.memory_space<vmem>>
    %dma_wait3A_384 = tpu.memref_squeeze %dma_wait3A_383 : memref<1x2000xi32, #tpu.memory_space<vmem>> -> memref<2000xi32, #tpu.memory_space<vmem>>
    %dma_wait3A_385 = tpu.memref_slice %arg4[%add3A_83] : memref<320000xi32, #tpu.memory_space<hbm>> -> memref<2000xi32, #tpu.memory_space<hbm>>
    tpu.wait_dma2 semaphore(%arg12 : memref<!tpu.dma_semaphore, #tpu.memory_space<semaphore_mem>>) src(%dma_wait3A_385 : memref<2000xi32, #tpu.memory_space<hbm>>) dst(%dma_wait3A_384 : memref<2000xi32, #tpu.memory_space<vmem>>)
    %dma_start3A_386 = arith.constant 4 : i32
    %dma_start3A_387 = arith.constant 0 : i32
    %dma_start3A_388 = tpu.memref_slice %arg8[%dma_start3A_386, %dma_start3A_387] : memref<5x2000xi32, #tpu.memory_space<vmem>> -> memref<1x2000xi32, #tpu.memory_space<vmem>>
    %dma_start3A_389 = tpu.memref_squeeze %dma_start3A_388 : memref<1x2000xi32, #tpu.memory_space<vmem>> -> memref<2000xi32, #tpu.memory_space<vmem>>
    %dma_start3A_390 = arith.constant 0 : i32
    %dma_start3A_391 = arith.constant 0 : i32
    %dma_start3A_392 = tpu.memref_slice %arg2[%dma_start3A_390, %dma_start3A_391] : memref<10000x16xf32, #tpu.memory_space<hbm>> -> memref<10000x16xf32, #tpu.memory_space<hbm>>
    tpu.enqueue_indirect_dma source(%dma_start3A_392 : memref<10000x16xf32, #tpu.memory_space<hbm>>) target(%arg9 : memref<2000x16xf32, #tpu.memory_space<vmem>>) offsets(%dma_start3A_389 : memref<2000xi32, #tpu.memory_space<vmem>>) semaphore(%arg13 : memref<!tpu.dma_semaphore, #tpu.memory_space<semaphore_mem>>)
    %add3A_393 = arith.constant 8000 : i32
    %add3A_394 = arith.addi %multiple_of3A, %add3A_393 : i32
    %dma_wait3A_395 = arith.constant 4 : i32
    %dma_wait3A_396 = arith.constant 0 : i32
    %dma_wait3A_397 = tpu.memref_slice %arg7[%dma_wait3A_395, %dma_wait3A_396] : memref<5x2000xi32, #tpu.memory_space<vmem>> -> memref<1x2000xi32, #tpu.memory_space<vmem>>
    %dma_wait3A_398 = tpu.memref_squeeze %dma_wait3A_397 : memref<1x2000xi32, #tpu.memory_space<vmem>> -> memref<2000xi32, #tpu.memory_space<vmem>>
    %dma_wait3A_399 = arith.constant 0 : i32
    %dma_wait3A_400 = arith.constant 0 : i32
    %dma_wait3A_401 = tpu.memref_slice %arg2[%dma_wait3A_399, %dma_wait3A_400] : memref<10000x16xf32, #tpu.memory_space<hbm>> -> memref<10000x16xf32, #tpu.memory_space<hbm>>
    tpu.wait_indirect_dma semaphore(%arg15 : memref<!tpu.dma_semaphore, #tpu.memory_space<semaphore_mem>>) src(%dma_wait3A_401 : memref<10000x16xf32, #tpu.memory_space<hbm>>) dst(%arg11 : memref<2000x16xf32, #tpu.memory_space<vmem>>)
    %dma_start3A_402 = arith.constant 0 : i32
    %dma_start3A_403 = tpu.memref_slice %arg5[%add3A_394, %dma_start3A_402] : memref<320000x16xf32, #tpu.memory_space<hbm>> -> memref<2000x16xf32, #tpu.memory_space<hbm>>
    %dma_start3A_404 = arith.constant 0 : i32
    %dma_start3A_405 = tpu.memref_slice %arg5[%add3A_394, %dma_start3A_404] : memref<320000x16xf32, #tpu.memory_space<hbm>> -> memref<2000x16xf32, #tpu.memory_space<hbm>>
    tpu.enqueue_dma source(%arg11 : memref<2000x16xf32, #tpu.memory_space<vmem>>) target(%dma_start3A_405 : memref<2000x16xf32, #tpu.memory_space<hbm>>) target_semaphore(%arg18 : memref<!tpu.dma_semaphore, #tpu.memory_space<semaphore_mem>>)
    %add3A_406 = arith.constant 8000 : i32
    %add3A_407 = arith.addi %multiple_of3A, %add3A_406 : i32
    %dma_wait3A_408 = arith.constant 4 : i32
    %dma_wait3A_409 = arith.constant 0 : i32
    %dma_wait3A_410 = tpu.memref_slice %arg8[%dma_wait3A_408, %dma_wait3A_409] : memref<5x2000xi32, #tpu.memory_space<vmem>> -> memref<1x2000xi32, #tpu.memory_space<vmem>>
    %dma_wait3A_411 = tpu.memref_squeeze %dma_wait3A_410 : memref<1x2000xi32, #tpu.memory_space<vmem>> -> memref<2000xi32, #tpu.memory_space<vmem>>
    %dma_wait3A_412 = arith.constant 0 : i32
    %dma_wait3A_413 = arith.constant 0 : i32
    %dma_wait3A_414 = tpu.memref_slice %arg2[%dma_wait3A_412, %dma_wait3A_413] : memref<10000x16xf32, #tpu.memory_space<hbm>> -> memref<10000x16xf32, #tpu.memory_space<hbm>>
    tpu.wait_indirect_dma semaphore(%arg13 : memref<!tpu.dma_semaphore, #tpu.memory_space<semaphore_mem>>) src(%dma_wait3A_414 : memref<10000x16xf32, #tpu.memory_space<hbm>>) dst(%arg9 : memref<2000x16xf32, #tpu.memory_space<vmem>>)
    %dma_start3A_415 = arith.constant 0 : i32
    %dma_start3A_416 = tpu.memref_slice %arg6[%add3A_407, %dma_start3A_415] : memref<320000x16xf32, #tpu.memory_space<hbm>> -> memref<2000x16xf32, #tpu.memory_space<hbm>>
    %dma_start3A_417 = arith.constant 0 : i32
    %dma_start3A_418 = tpu.memref_slice %arg6[%add3A_407, %dma_start3A_417] : memref<320000x16xf32, #tpu.memory_space<hbm>> -> memref<2000x16xf32, #tpu.memory_space<hbm>>
    tpu.enqueue_dma source(%arg9 : memref<2000x16xf32, #tpu.memory_space<vmem>>) target(%dma_start3A_418 : memref<2000x16xf32, #tpu.memory_space<hbm>>) target_semaphore(%arg16 : memref<!tpu.dma_semaphore, #tpu.memory_space<semaphore_mem>>)
    %dma_wait3A_419 = arith.constant 0 : i32
    %dma_wait3A_420 = tpu.memref_slice %arg6[%add3A_407, %dma_wait3A_419] : memref<320000x16xf32, #tpu.memory_space<hbm>> -> memref<2000x16xf32, #tpu.memory_space<hbm>>
    %dma_wait3A_421 = arith.constant 0 : i32
    %dma_wait3A_422 = tpu.memref_slice %arg6[%add3A_407, %dma_wait3A_421] : memref<320000x16xf32, #tpu.memory_space<hbm>> -> memref<2000x16xf32, #tpu.memory_space<hbm>>
    tpu.wait_dma2 semaphore(%arg16 : memref<!tpu.dma_semaphore, #tpu.memory_space<semaphore_mem>>) src(%arg9 : memref<2000x16xf32, #tpu.memory_space<vmem>>) dst(%dma_wait3A_422 : memref<2000x16xf32, #tpu.memory_space<hbm>>)
    %dma_wait3A_423 = arith.constant 0 : i32
    %dma_wait3A_424 = tpu.memref_slice %arg6[%add3A_361, %dma_wait3A_423] : memref<320000x16xf32, #tpu.memory_space<hbm>> -> memref<2000x16xf32, #tpu.memory_space<hbm>>
    %dma_wait3A_425 = arith.constant 0 : i32
    %dma_wait3A_426 = tpu.memref_slice %arg6[%add3A_361, %dma_wait3A_425] : memref<320000x16xf32, #tpu.memory_space<hbm>> -> memref<2000x16xf32, #tpu.memory_space<hbm>>
    tpu.wait_dma2 semaphore(%arg17 : memref<!tpu.dma_semaphore, #tpu.memory_space<semaphore_mem>>) src(%arg10 : memref<2000x16xf32, #tpu.memory_space<vmem>>) dst(%dma_wait3A_426 : memref<2000x16xf32, #tpu.memory_space<hbm>>)
    %dma_wait3A_427 = arith.constant 0 : i32
    %dma_wait3A_428 = tpu.memref_slice %arg5[%add3A_394, %dma_wait3A_427] : memref<320000x16xf32, #tpu.memory_space<hbm>> -> memref<2000x16xf32, #tpu.memory_space<hbm>>
    %dma_wait3A_429 = arith.constant 0 : i32
    %dma_wait3A_430 = tpu.memref_slice %arg5[%add3A_394, %dma_wait3A_429] : memref<320000x16xf32, #tpu.memory_space<hbm>> -> memref<2000x16xf32, #tpu.memory_space<hbm>>
    tpu.wait_dma2 semaphore(%arg18 : memref<!tpu.dma_semaphore, #tpu.memory_space<semaphore_mem>>) src(%arg11 : memref<2000x16xf32, #tpu.memory_space<vmem>>) dst(%dma_wait3A_430 : memref<2000x16xf32, #tpu.memory_space<hbm>>)
    return
  }
}

#map = affine_map<(d0, d1) -> (0, 0)>
#map1 = affine_map<(d0, d1) -> (0)>
module attributes {stable_mosaic.version = 14 : i64} {
  func.func @_sc_gather(%arg0: i32, %arg1: i32, %arg2: memref<10000x16xf32, #tpu.memory_space<hbm>>, %arg3: memref<320000xi32, #tpu.memory_space<hbm>>, %arg4: memref<320000xi32, #tpu.memory_space<hbm>>, %arg5: memref<320000x16xf32, #tpu.memory_space<hbm>>, %arg6: memref<320000x16xf32, #tpu.memory_space<hbm>>, %arg7: memref<5x2000xi32, #tpu.memory_space<vmem>>, %arg8: memref<5x2000xi32, #tpu.memory_space<vmem>>, %arg9: memref<2000x16xf32, #tpu.memory_space<vmem>>, %arg10: memref<2000x16xf32, #tpu.memory_space<vmem>>, %arg11: memref<2000x16xf32, #tpu.memory_space<vmem>>, %arg12: memref<!tpu.dma_semaphore, #tpu.memory_space<semaphore_mem>>, %arg13: memref<!tpu.dma_semaphore, #tpu.memory_space<semaphore_mem>>, %arg14: memref<!tpu.dma_semaphore, #tpu.memory_space<semaphore_mem>>, %arg15: memref<!tpu.dma_semaphore, #tpu.memory_space<semaphore_mem>>, %arg16: memref<!tpu.dma_semaphore, #tpu.memory_space<semaphore_mem>>, %arg17: memref<!tpu.dma_semaphore, #tpu.memory_space<semaphore_mem>>, %arg18: memref<!tpu.dma_semaphore, #tpu.memory_space<semaphore_mem>>) attributes {dimension_semantics = [#tpu.dimension_semantics<core_parallel>, #tpu.dimension_semantics<subcore_parallel>], iteration_bounds = array<i64: 2, 16>, scalar_prefetch = 0 : i64, scratch_operands = 12 : i64, tpu.core_type = #tpu.core_type<sc_vector_subcore>, window_params = [{transform_indices = #map}, {transform_indices = #map1}, {transform_indices = #map1}, {transform_indices = #map}, {transform_indices = #map}]} {
    %mul3A = arith.constant 2 : i32
    %mul3A_0 = arith.muli %arg1, %mul3A : i32
    %add3A = arith.addi %mul3A_0, %arg0 : i32
    %mul3A_1 = arith.constant 10000 : i32
    %mul3A_2 = arith.muli %add3A, %mul3A_1 : i32
    %multiple_of3A = tpu.assume_multiple %mul3A_2, 8 : i32
    %add3A_3 = arith.constant 0 : i32
    %add3A_4 = arith.addi %multiple_of3A, %add3A_3 : i32
    %dma_start3A = arith.constant 0 : i32
    %dma_start3A_5 = arith.constant 0 : i32
    %dma_start3A_6 = tpu.memref_slice %arg7[%dma_start3A, %dma_start3A_5] : memref<5x2000xi32, #tpu.memory_space<vmem>> -> memref<1x2000xi32, #tpu.memory_space<vmem>>
    %dma_start3A_7 = tpu.memref_squeeze %dma_start3A_6 : memref<1x2000xi32, #tpu.memory_space<vmem>> -> memref<2000xi32, #tpu.memory_space<vmem>>
    %dma_start3A_8 = tpu.memref_slice %arg3[%add3A_4] : memref<320000xi32, #tpu.memory_space<hbm>> -> memref<2000xi32, #tpu.memory_space<hbm>>
    %dma_start3A_9 = arith.constant 0 : i32
    %dma_start3A_10 = tpu.memref_slice %arg7[%dma_start3A, %dma_start3A_9] : memref<5x2000xi32, #tpu.memory_space<vmem>> -> memref<1x2000xi32, #tpu.memory_space<vmem>>
    %dma_start3A_11 = tpu.memref_squeeze %dma_start3A_10 : memref<1x2000xi32, #tpu.memory_space<vmem>> -> memref<2000xi32, #tpu.memory_space<vmem>>
    %dma_start3A_12 = tpu.memref_slice %arg3[%add3A_4] : memref<320000xi32, #tpu.memory_space<hbm>> -> memref<2000xi32, #tpu.memory_space<hbm>>
    tpu.enqueue_dma source(%dma_start3A_12 : memref<2000xi32, #tpu.memory_space<hbm>>) target(%dma_start3A_11 : memref<2000xi32, #tpu.memory_space<vmem>>) target_semaphore(%arg12 : memref<!tpu.dma_semaphore, #tpu.memory_space<semaphore_mem>>)
    %dma_start3A_13 = arith.constant 0 : i32
    %dma_start3A_14 = arith.constant 0 : i32
    %dma_start3A_15 = tpu.memref_slice %arg8[%dma_start3A_13, %dma_start3A_14] : memref<5x2000xi32, #tpu.memory_space<vmem>> -> memref<1x2000xi32, #tpu.memory_space<vmem>>
    %dma_start3A_16 = tpu.memref_squeeze %dma_start3A_15 : memref<1x2000xi32, #tpu.memory_space<vmem>> -> memref<2000xi32, #tpu.memory_space<vmem>>
    %dma_start3A_17 = tpu.memref_slice %arg4[%add3A_4] : memref<320000xi32, #tpu.memory_space<hbm>> -> memref<2000xi32, #tpu.memory_space<hbm>>
    %dma_start3A_18 = arith.constant 0 : i32
    %dma_start3A_19 = tpu.memref_slice %arg8[%dma_start3A_13, %dma_start3A_18] : memref<5x2000xi32, #tpu.memory_space<vmem>> -> memref<1x2000xi32, #tpu.memory_space<vmem>>
    %dma_start3A_20 = tpu.memref_squeeze %dma_start3A_19 : memref<1x2000xi32, #tpu.memory_space<vmem>> -> memref<2000xi32, #tpu.memory_space<vmem>>
    %dma_start3A_21 = tpu.memref_slice %arg4[%add3A_4] : memref<320000xi32, #tpu.memory_space<hbm>> -> memref<2000xi32, #tpu.memory_space<hbm>>
    tpu.enqueue_dma source(%dma_start3A_21 : memref<2000xi32, #tpu.memory_space<hbm>>) target(%dma_start3A_20 : memref<2000xi32, #tpu.memory_space<vmem>>) target_semaphore(%arg12 : memref<!tpu.dma_semaphore, #tpu.memory_space<semaphore_mem>>)
    %add3A_22 = arith.constant 2000 : i32
    %add3A_23 = arith.addi %multiple_of3A, %add3A_22 : i32
    %dma_start3A_24 = arith.constant 1 : i32
    %dma_start3A_25 = arith.constant 0 : i32
    %dma_start3A_26 = tpu.memref_slice %arg7[%dma_start3A_24, %dma_start3A_25] : memref<5x2000xi32, #tpu.memory_space<vmem>> -> memref<1x2000xi32, #tpu.memory_space<vmem>>
    %dma_start3A_27 = tpu.memref_squeeze %dma_start3A_26 : memref<1x2000xi32, #tpu.memory_space<vmem>> -> memref<2000xi32, #tpu.memory_space<vmem>>
    %dma_start3A_28 = tpu.memref_slice %arg3[%add3A_23] : memref<320000xi32, #tpu.memory_space<hbm>> -> memref<2000xi32, #tpu.memory_space<hbm>>
    %dma_start3A_29 = arith.constant 0 : i32
    %dma_start3A_30 = tpu.memref_slice %arg7[%dma_start3A_24, %dma_start3A_29] : memref<5x2000xi32, #tpu.memory_space<vmem>> -> memref<1x2000xi32, #tpu.memory_space<vmem>>
    %dma_start3A_31 = tpu.memref_squeeze %dma_start3A_30 : memref<1x2000xi32, #tpu.memory_space<vmem>> -> memref<2000xi32, #tpu.memory_space<vmem>>
    %dma_start3A_32 = tpu.memref_slice %arg3[%add3A_23] : memref<320000xi32, #tpu.memory_space<hbm>> -> memref<2000xi32, #tpu.memory_space<hbm>>
    tpu.enqueue_dma source(%dma_start3A_32 : memref<2000xi32, #tpu.memory_space<hbm>>) target(%dma_start3A_31 : memref<2000xi32, #tpu.memory_space<vmem>>) target_semaphore(%arg12 : memref<!tpu.dma_semaphore, #tpu.memory_space<semaphore_mem>>)
    %dma_start3A_33 = arith.constant 1 : i32
    %dma_start3A_34 = arith.constant 0 : i32
    %dma_start3A_35 = tpu.memref_slice %arg8[%dma_start3A_33, %dma_start3A_34] : memref<5x2000xi32, #tpu.memory_space<vmem>> -> memref<1x2000xi32, #tpu.memory_space<vmem>>
    %dma_start3A_36 = tpu.memref_squeeze %dma_start3A_35 : memref<1x2000xi32, #tpu.memory_space<vmem>> -> memref<2000xi32, #tpu.memory_space<vmem>>
    %dma_start3A_37 = tpu.memref_slice %arg4[%add3A_23] : memref<320000xi32, #tpu.memory_space<hbm>> -> memref<2000xi32, #tpu.memory_space<hbm>>
    %dma_start3A_38 = arith.constant 0 : i32
    %dma_start3A_39 = tpu.memref_slice %arg8[%dma_start3A_33, %dma_start3A_38] : memref<5x2000xi32, #tpu.memory_space<vmem>> -> memref<1x2000xi32, #tpu.memory_space<vmem>>
    %dma_start3A_40 = tpu.memref_squeeze %dma_start3A_39 : memref<1x2000xi32, #tpu.memory_space<vmem>> -> memref<2000xi32, #tpu.memory_space<vmem>>
    %dma_start3A_41 = tpu.memref_slice %arg4[%add3A_23] : memref<320000xi32, #tpu.memory_space<hbm>> -> memref<2000xi32, #tpu.memory_space<hbm>>
    tpu.enqueue_dma source(%dma_start3A_41 : memref<2000xi32, #tpu.memory_space<hbm>>) target(%dma_start3A_40 : memref<2000xi32, #tpu.memory_space<vmem>>) target_semaphore(%arg12 : memref<!tpu.dma_semaphore, #tpu.memory_space<semaphore_mem>>)
    %add3A_42 = arith.constant 4000 : i32
    %add3A_43 = arith.addi %multiple_of3A, %add3A_42 : i32
    %dma_start3A_44 = arith.constant 2 : i32
    %dma_start3A_45 = arith.constant 0 : i32
    %dma_start3A_46 = tpu.memref_slice %arg7[%dma_start3A_44, %dma_start3A_45] : memref<5x2000xi32, #tpu.memory_space<vmem>> -> memref<1x2000xi32, #tpu.memory_space<vmem>>
    %dma_start3A_47 = tpu.memref_squeeze %dma_start3A_46 : memref<1x2000xi32, #tpu.memory_space<vmem>> -> memref<2000xi32, #tpu.memory_space<vmem>>
    %dma_start3A_48 = tpu.memref_slice %arg3[%add3A_43] : memref<320000xi32, #tpu.memory_space<hbm>> -> memref<2000xi32, #tpu.memory_space<hbm>>
    %dma_start3A_49 = arith.constant 0 : i32
    %dma_start3A_50 = tpu.memref_slice %arg7[%dma_start3A_44, %dma_start3A_49] : memref<5x2000xi32, #tpu.memory_space<vmem>> -> memref<1x2000xi32, #tpu.memory_space<vmem>>
    %dma_start3A_51 = tpu.memref_squeeze %dma_start3A_50 : memref<1x2000xi32, #tpu.memory_space<vmem>> -> memref<2000xi32, #tpu.memory_space<vmem>>
    %dma_start3A_52 = tpu.memref_slice %arg3[%add3A_43] : memref<320000xi32, #tpu.memory_space<hbm>> -> memref<2000xi32, #tpu.memory_space<hbm>>
    tpu.enqueue_dma source(%dma_start3A_52 : memref<2000xi32, #tpu.memory_space<hbm>>) target(%dma_start3A_51 : memref<2000xi32, #tpu.memory_space<vmem>>) target_semaphore(%arg12 : memref<!tpu.dma_semaphore, #tpu.memory_space<semaphore_mem>>)
    %dma_start3A_53 = arith.constant 2 : i32
    %dma_start3A_54 = arith.constant 0 : i32
    %dma_start3A_55 = tpu.memref_slice %arg8[%dma_start3A_53, %dma_start3A_54] : memref<5x2000xi32, #tpu.memory_space<vmem>> -> memref<1x2000xi32, #tpu.memory_space<vmem>>
    %dma_start3A_56 = tpu.memref_squeeze %dma_start3A_55 : memref<1x2000xi32, #tpu.memory_space<vmem>> -> memref<2000xi32, #tpu.memory_space<vmem>>
    %dma_start3A_57 = tpu.memref_slice %arg4[%add3A_43] : memref<320000xi32, #tpu.memory_space<hbm>> -> memref<2000xi32, #tpu.memory_space<hbm>>
    %dma_start3A_58 = arith.constant 0 : i32
    %dma_start3A_59 = tpu.memref_slice %arg8[%dma_start3A_53, %dma_start3A_58] : memref<5x2000xi32, #tpu.memory_space<vmem>> -> memref<1x2000xi32, #tpu.memory_space<vmem>>
    %dma_start3A_60 = tpu.memref_squeeze %dma_start3A_59 : memref<1x2000xi32, #tpu.memory_space<vmem>> -> memref<2000xi32, #tpu.memory_space<vmem>>
    %dma_start3A_61 = tpu.memref_slice %arg4[%add3A_43] : memref<320000xi32, #tpu.memory_space<hbm>> -> memref<2000xi32, #tpu.memory_space<hbm>>
    tpu.enqueue_dma source(%dma_start3A_61 : memref<2000xi32, #tpu.memory_space<hbm>>) target(%dma_start3A_60 : memref<2000xi32, #tpu.memory_space<vmem>>) target_semaphore(%arg12 : memref<!tpu.dma_semaphore, #tpu.memory_space<semaphore_mem>>)
    %add3A_62 = arith.constant 6000 : i32
    %add3A_63 = arith.addi %multiple_of3A, %add3A_62 : i32
    %dma_start3A_64 = arith.constant 3 : i32
    %dma_start3A_65 = arith.constant 0 : i32
    %dma_start3A_66 = tpu.memref_slice %arg7[%dma_start3A_64, %dma_start3A_65] : memref<5x2000xi32, #tpu.memory_space<vmem>> -> memref<1x2000xi32, #tpu.memory_space<vmem>>
    %dma_start3A_67 = tpu.memref_squeeze %dma_start3A_66 : memref<1x2000xi32, #tpu.memory_space<vmem>> -> memref<2000xi32, #tpu.memory_space<vmem>>
    %dma_start3A_68 = tpu.memref_slice %arg3[%add3A_63] : memref<320000xi32, #tpu.memory_space<hbm>> -> memref<2000xi32, #tpu.memory_space<hbm>>
    %dma_start3A_69 = arith.constant 0 : i32
    %dma_start3A_70 = tpu.memref_slice %arg7[%dma_start3A_64, %dma_start3A_69] : memref<5x2000xi32, #tpu.memory_space<vmem>> -> memref<1x2000xi32, #tpu.memory_space<vmem>>
    %dma_start3A_71 = tpu.memref_squeeze %dma_start3A_70 : memref<1x2000xi32, #tpu.memory_space<vmem>> -> memref<2000xi32, #tpu.memory_space<vmem>>
    %dma_start3A_72 = tpu.memref_slice %arg3[%add3A_63] : memref<320000xi32, #tpu.memory_space<hbm>> -> memref<2000xi32, #tpu.memory_space<hbm>>
    tpu.enqueue_dma source(%dma_start3A_72 : memref<2000xi32, #tpu.memory_space<hbm>>) target(%dma_start3A_71 : memref<2000xi32, #tpu.memory_space<vmem>>) target_semaphore(%arg12 : memref<!tpu.dma_semaphore, #tpu.memory_space<semaphore_mem>>)
    %dma_start3A_73 = arith.constant 3 : i32
    %dma_start3A_74 = arith.constant 0 : i32
    %dma_start3A_75 = tpu.memref_slice %arg8[%dma_start3A_73, %dma_start3A_74] : memref<5x2000xi32, #tpu.memory_space<vmem>> -> memref<1x2000xi32, #tpu.memory_space<vmem>>
    %dma_start3A_76 = tpu.memref_squeeze %dma_start3A_75 : memref<1x2000xi32, #tpu.memory_space<vmem>> -> memref<2000xi32, #tpu.memory_space<vmem>>
    %dma_start3A_77 = tpu.memref_slice %arg4[%add3A_63] : memref<320000xi32, #tpu.memory_space<hbm>> -> memref<2000xi32, #tpu.memory_space<hbm>>
    %dma_start3A_78 = arith.constant 0 : i32
    %dma_start3A_79 = tpu.memref_slice %arg8[%dma_start3A_73, %dma_start3A_78] : memref<5x2000xi32, #tpu.memory_space<vmem>> -> memref<1x2000xi32, #tpu.memory_space<vmem>>
    %dma_start3A_80 = tpu.memref_squeeze %dma_start3A_79 : memref<1x2000xi32, #tpu.memory_space<vmem>> -> memref<2000xi32, #tpu.memory_space<vmem>>
    %dma_start3A_81 = tpu.memref_slice %arg4[%add3A_63] : memref<320000xi32, #tpu.memory_space<hbm>> -> memref<2000xi32, #tpu.memory_space<hbm>>
    tpu.enqueue_dma source(%dma_start3A_81 : memref<2000xi32, #tpu.memory_space<hbm>>) target(%dma_start3A_80 : memref<2000xi32, #tpu.memory_space<vmem>>) target_semaphore(%arg12 : memref<!tpu.dma_semaphore, #tpu.memory_space<semaphore_mem>>)
    %add3A_82 = arith.constant 8000 : i32
    %add3A_83 = arith.addi %multiple_of3A, %add3A_82 : i32
    %dma_start3A_84 = arith.constant 4 : i32
    %dma_start3A_85 = arith.constant 0 : i32
    %dma_start3A_86 = tpu.memref_slice %arg7[%dma_start3A_84, %dma_start3A_85] : memref<5x2000xi32, #tpu.memory_space<vmem>> -> memref<1x2000xi32, #tpu.memory_space<vmem>>
    %dma_start3A_87 = tpu.memref_squeeze %dma_start3A_86 : memref<1x2000xi32, #tpu.memory_space<vmem>> -> memref<2000xi32, #tpu.memory_space<vmem>>
    %dma_start3A_88 = tpu.memref_slice %arg3[%add3A_83] : memref<320000xi32, #tpu.memory_space<hbm>> -> memref<2000xi32, #tpu.memory_space<hbm>>
    %dma_start3A_89 = arith.constant 0 : i32
    %dma_start3A_90 = tpu.memref_slice %arg7[%dma_start3A_84, %dma_start3A_89] : memref<5x2000xi32, #tpu.memory_space<vmem>> -> memref<1x2000xi32, #tpu.memory_space<vmem>>
    %dma_start3A_91 = tpu.memref_squeeze %dma_start3A_90 : memref<1x2000xi32, #tpu.memory_space<vmem>> -> memref<2000xi32, #tpu.memory_space<vmem>>
    %dma_start3A_92 = tpu.memref_slice %arg3[%add3A_83] : memref<320000xi32, #tpu.memory_space<hbm>> -> memref<2000xi32, #tpu.memory_space<hbm>>
    tpu.enqueue_dma source(%dma_start3A_92 : memref<2000xi32, #tpu.memory_space<hbm>>) target(%dma_start3A_91 : memref<2000xi32, #tpu.memory_space<vmem>>) target_semaphore(%arg12 : memref<!tpu.dma_semaphore, #tpu.memory_space<semaphore_mem>>)
    %dma_start3A_93 = arith.constant 4 : i32
    %dma_start3A_94 = arith.constant 0 : i32
    %dma_start3A_95 = tpu.memref_slice %arg8[%dma_start3A_93, %dma_start3A_94] : memref<5x2000xi32, #tpu.memory_space<vmem>> -> memref<1x2000xi32, #tpu.memory_space<vmem>>
    %dma_start3A_96 = tpu.memref_squeeze %dma_start3A_95 : memref<1x2000xi32, #tpu.memory_space<vmem>> -> memref<2000xi32, #tpu.memory_space<vmem>>
    %dma_start3A_97 = tpu.memref_slice %arg4[%add3A_83] : memref<320000xi32, #tpu.memory_space<hbm>> -> memref<2000xi32, #tpu.memory_space<hbm>>
    %dma_start3A_98 = arith.constant 0 : i32
    %dma_start3A_99 = tpu.memref_slice %arg8[%dma_start3A_93, %dma_start3A_98] : memref<5x2000xi32, #tpu.memory_space<vmem>> -> memref<1x2000xi32, #tpu.memory_space<vmem>>
    %dma_start3A_100 = tpu.memref_squeeze %dma_start3A_99 : memref<1x2000xi32, #tpu.memory_space<vmem>> -> memref<2000xi32, #tpu.memory_space<vmem>>
    %dma_start3A_101 = tpu.memref_slice %arg4[%add3A_83] : memref<320000xi32, #tpu.memory_space<hbm>> -> memref<2000xi32, #tpu.memory_space<hbm>>
    tpu.enqueue_dma source(%dma_start3A_101 : memref<2000xi32, #tpu.memory_space<hbm>>) target(%dma_start3A_100 : memref<2000xi32, #tpu.memory_space<vmem>>) target_semaphore(%arg12 : memref<!tpu.dma_semaphore, #tpu.memory_space<semaphore_mem>>)
    %dma_wait3A = arith.constant 0 : i32
    %dma_wait3A_102 = arith.constant 0 : i32
    %dma_wait3A_103 = tpu.memref_slice %arg7[%dma_wait3A, %dma_wait3A_102] : memref<5x2000xi32, #tpu.memory_space<vmem>> -> memref<1x2000xi32, #tpu.memory_space<vmem>>
    %dma_wait3A_104 = tpu.memref_squeeze %dma_wait3A_103 : memref<1x2000xi32, #tpu.memory_space<vmem>> -> memref<2000xi32, #tpu.memory_space<vmem>>
    %dma_wait3A_105 = tpu.memref_slice %arg3[%add3A_4] : memref<320000xi32, #tpu.memory_space<hbm>> -> memref<2000xi32, #tpu.memory_space<hbm>>
    %dma_wait3A_106 = arith.constant 0 : i32
    %dma_wait3A_107 = tpu.memref_slice %arg7[%dma_wait3A, %dma_wait3A_106] : memref<5x2000xi32, #tpu.memory_space<vmem>> -> memref<1x2000xi32, #tpu.memory_space<vmem>>
    %dma_wait3A_108 = tpu.memref_squeeze %dma_wait3A_107 : memref<1x2000xi32, #tpu.memory_space<vmem>> -> memref<2000xi32, #tpu.memory_space<vmem>>
    %dma_wait3A_109 = tpu.memref_slice %arg3[%add3A_4] : memref<320000xi32, #tpu.memory_space<hbm>> -> memref<2000xi32, #tpu.memory_space<hbm>>
    tpu.wait_dma2 semaphore(%arg12 : memref<!tpu.dma_semaphore, #tpu.memory_space<semaphore_mem>>) src(%dma_wait3A_109 : memref<2000xi32, #tpu.memory_space<hbm>>) dst(%dma_wait3A_108 : memref<2000xi32, #tpu.memory_space<vmem>>)
    %dma_start3A_110 = arith.constant 0 : i32
    %dma_start3A_111 = arith.constant 0 : i32
    %dma_start3A_112 = tpu.memref_slice %arg7[%dma_start3A_110, %dma_start3A_111] : memref<5x2000xi32, #tpu.memory_space<vmem>> -> memref<1x2000xi32, #tpu.memory_space<vmem>>
    %dma_start3A_113 = tpu.memref_squeeze %dma_start3A_112 : memref<1x2000xi32, #tpu.memory_space<vmem>> -> memref<2000xi32, #tpu.memory_space<vmem>>
    %dma_start3A_114 = arith.constant 0 : i32
    %dma_start3A_115 = arith.constant 0 : i32
    %dma_start3A_116 = tpu.memref_slice %arg2[%dma_start3A_114, %dma_start3A_115] : memref<10000x16xf32, #tpu.memory_space<hbm>> -> memref<10000x16xf32, #tpu.memory_space<hbm>>
    tpu.enqueue_indirect_dma source(%dma_start3A_116 : memref<10000x16xf32, #tpu.memory_space<hbm>>) target(%arg9 : memref<2000x16xf32, #tpu.memory_space<vmem>>) offsets(%dma_start3A_113 : memref<2000xi32, #tpu.memory_space<vmem>>) semaphore(%arg13 : memref<!tpu.dma_semaphore, #tpu.memory_space<semaphore_mem>>)
    %dma_wait3A_117 = arith.constant 0 : i32
    %dma_wait3A_118 = arith.constant 0 : i32
    %dma_wait3A_119 = tpu.memref_slice %arg8[%dma_wait3A_117, %dma_wait3A_118] : memref<5x2000xi32, #tpu.memory_space<vmem>> -> memref<1x2000xi32, #tpu.memory_space<vmem>>
    %dma_wait3A_120 = tpu.memref_squeeze %dma_wait3A_119 : memref<1x2000xi32, #tpu.memory_space<vmem>> -> memref<2000xi32, #tpu.memory_space<vmem>>
    %dma_wait3A_121 = tpu.memref_slice %arg4[%add3A_4] : memref<320000xi32, #tpu.memory_space<hbm>> -> memref<2000xi32, #tpu.memory_space<hbm>>
    %dma_wait3A_122 = arith.constant 0 : i32
    %dma_wait3A_123 = tpu.memref_slice %arg8[%dma_wait3A_117, %dma_wait3A_122] : memref<5x2000xi32, #tpu.memory_space<vmem>> -> memref<1x2000xi32, #tpu.memory_space<vmem>>
    %dma_wait3A_124 = tpu.memref_squeeze %dma_wait3A_123 : memref<1x2000xi32, #tpu.memory_space<vmem>> -> memref<2000xi32, #tpu.memory_space<vmem>>
    %dma_wait3A_125 = tpu.memref_slice %arg4[%add3A_4] : memref<320000xi32, #tpu.memory_space<hbm>> -> memref<2000xi32, #tpu.memory_space<hbm>>
    tpu.wait_dma2 semaphore(%arg12 : memref<!tpu.dma_semaphore, #tpu.memory_space<semaphore_mem>>) src(%dma_wait3A_125 : memref<2000xi32, #tpu.memory_space<hbm>>) dst(%dma_wait3A_124 : memref<2000xi32, #tpu.memory_space<vmem>>)
    %dma_start3A_126 = arith.constant 0 : i32
    %dma_start3A_127 = arith.constant 0 : i32
    %dma_start3A_128 = tpu.memref_slice %arg8[%dma_start3A_126, %dma_start3A_127] : memref<5x2000xi32, #tpu.memory_space<vmem>> -> memref<1x2000xi32, #tpu.memory_space<vmem>>
    %dma_start3A_129 = tpu.memref_squeeze %dma_start3A_128 : memref<1x2000xi32, #tpu.memory_space<vmem>> -> memref<2000xi32, #tpu.memory_space<vmem>>
    %dma_start3A_130 = arith.constant 0 : i32
    %dma_start3A_131 = arith.constant 0 : i32
    %dma_start3A_132 = tpu.memref_slice %arg2[%dma_start3A_130, %dma_start3A_131] : memref<10000x16xf32, #tpu.memory_space<hbm>> -> memref<10000x16xf32, #tpu.memory_space<hbm>>
    tpu.enqueue_indirect_dma source(%dma_start3A_132 : memref<10000x16xf32, #tpu.memory_space<hbm>>) target(%arg10 : memref<2000x16xf32, #tpu.memory_space<vmem>>) offsets(%dma_start3A_129 : memref<2000xi32, #tpu.memory_space<vmem>>) semaphore(%arg14 : memref<!tpu.dma_semaphore, #tpu.memory_space<semaphore_mem>>)
    %add3A_133 = arith.constant 0 : i32
    %add3A_134 = arith.addi %multiple_of3A, %add3A_133 : i32
    %dma_wait3A_135 = arith.constant 0 : i32
    %dma_wait3A_136 = arith.constant 0 : i32
    %dma_wait3A_137 = tpu.memref_slice %arg7[%dma_wait3A_135, %dma_wait3A_136] : memref<5x2000xi32, #tpu.memory_space<vmem>> -> memref<1x2000xi32, #tpu.memory_space<vmem>>
    %dma_wait3A_138 = tpu.memref_squeeze %dma_wait3A_137 : memref<1x2000xi32, #tpu.memory_space<vmem>> -> memref<2000xi32, #tpu.memory_space<vmem>>
    %dma_wait3A_139 = arith.constant 0 : i32
    %dma_wait3A_140 = arith.constant 0 : i32
    %dma_wait3A_141 = tpu.memref_slice %arg2[%dma_wait3A_139, %dma_wait3A_140] : memref<10000x16xf32, #tpu.memory_space<hbm>> -> memref<10000x16xf32, #tpu.memory_space<hbm>>
    tpu.wait_indirect_dma semaphore(%arg13 : memref<!tpu.dma_semaphore, #tpu.memory_space<semaphore_mem>>) src(%dma_wait3A_141 : memref<10000x16xf32, #tpu.memory_space<hbm>>) dst(%arg9 : memref<2000x16xf32, #tpu.memory_space<vmem>>)
    %dma_start3A_142 = arith.constant 0 : i32
    %dma_start3A_143 = tpu.memref_slice %arg5[%add3A_134, %dma_start3A_142] : memref<320000x16xf32, #tpu.memory_space<hbm>> -> memref<2000x16xf32, #tpu.memory_space<hbm>>
    %dma_start3A_144 = arith.constant 0 : i32
    %dma_start3A_145 = tpu.memref_slice %arg5[%add3A_134, %dma_start3A_144] : memref<320000x16xf32, #tpu.memory_space<hbm>> -> memref<2000x16xf32, #tpu.memory_space<hbm>>
    tpu.enqueue_dma source(%arg9 : memref<2000x16xf32, #tpu.memory_space<vmem>>) target(%dma_start3A_145 : memref<2000x16xf32, #tpu.memory_space<hbm>>) target_semaphore(%arg16 : memref<!tpu.dma_semaphore, #tpu.memory_space<semaphore_mem>>)
    %dma_wait3A_146 = arith.constant 1 : i32
    %dma_wait3A_147 = arith.constant 0 : i32
    %dma_wait3A_148 = tpu.memref_slice %arg7[%dma_wait3A_146, %dma_wait3A_147] : memref<5x2000xi32, #tpu.memory_space<vmem>> -> memref<1x2000xi32, #tpu.memory_space<vmem>>
    %dma_wait3A_149 = tpu.memref_squeeze %dma_wait3A_148 : memref<1x2000xi32, #tpu.memory_space<vmem>> -> memref<2000xi32, #tpu.memory_space<vmem>>
    %dma_wait3A_150 = tpu.memref_slice %arg3[%add3A_23] : memref<320000xi32, #tpu.memory_space<hbm>> -> memref<2000xi32, #tpu.memory_space<hbm>>
    %dma_wait3A_151 = arith.constant 0 : i32
    %dma_wait3A_152 = tpu.memref_slice %arg7[%dma_wait3A_146, %dma_wait3A_151] : memref<5x2000xi32, #tpu.memory_space<vmem>> -> memref<1x2000xi32, #tpu.memory_space<vmem>>
    %dma_wait3A_153 = tpu.memref_squeeze %dma_wait3A_152 : memref<1x2000xi32, #tpu.memory_space<vmem>> -> memref<2000xi32, #tpu.memory_space<vmem>>
    %dma_wait3A_154 = tpu.memref_slice %arg3[%add3A_23] : memref<320000xi32, #tpu.memory_space<hbm>> -> memref<2000xi32, #tpu.memory_space<hbm>>
    tpu.wait_dma2 semaphore(%arg12 : memref<!tpu.dma_semaphore, #tpu.memory_space<semaphore_mem>>) src(%dma_wait3A_154 : memref<2000xi32, #tpu.memory_space<hbm>>) dst(%dma_wait3A_153 : memref<2000xi32, #tpu.memory_space<vmem>>)
    %dma_start3A_155 = arith.constant 1 : i32
    %dma_start3A_156 = arith.constant 0 : i32
    %dma_start3A_157 = tpu.memref_slice %arg7[%dma_start3A_155, %dma_start3A_156] : memref<5x2000xi32, #tpu.memory_space<vmem>> -> memref<1x2000xi32, #tpu.memory_space<vmem>>
    %dma_start3A_158 = tpu.memref_squeeze %dma_start3A_157 : memref<1x2000xi32, #tpu.memory_space<vmem>> -> memref<2000xi32, #tpu.memory_space<vmem>>
    %dma_start3A_159 = arith.constant 0 : i32
    %dma_start3A_160 = arith.constant 0 : i32
    %dma_start3A_161 = tpu.memref_slice %arg2[%dma_start3A_159, %dma_start3A_160] : memref<10000x16xf32, #tpu.memory_space<hbm>> -> memref<10000x16xf32, #tpu.memory_space<hbm>>
    tpu.enqueue_indirect_dma source(%dma_start3A_161 : memref<10000x16xf32, #tpu.memory_space<hbm>>) target(%arg11 : memref<2000x16xf32, #tpu.memory_space<vmem>>) offsets(%dma_start3A_158 : memref<2000xi32, #tpu.memory_space<vmem>>) semaphore(%arg15 : memref<!tpu.dma_semaphore, #tpu.memory_space<semaphore_mem>>)
    %add3A_162 = arith.constant 0 : i32
    %add3A_163 = arith.addi %multiple_of3A, %add3A_162 : i32
    %dma_wait3A_164 = arith.constant 0 : i32
    %dma_wait3A_165 = arith.constant 0 : i32
    %dma_wait3A_166 = tpu.memref_slice %arg8[%dma_wait3A_164, %dma_wait3A_165] : memref<5x2000xi32, #tpu.memory_space<vmem>> -> memref<1x2000xi32, #tpu.memory_space<vmem>>
    %dma_wait3A_167 = tpu.memref_squeeze %dma_wait3A_166 : memref<1x2000xi32, #tpu.memory_space<vmem>> -> memref<2000xi32, #tpu.memory_space<vmem>>
    %dma_wait3A_168 = arith.constant 0 : i32
    %dma_wait3A_169 = arith.constant 0 : i32
    %dma_wait3A_170 = tpu.memref_slice %arg2[%dma_wait3A_168, %dma_wait3A_169] : memref<10000x16xf32, #tpu.memory_space<hbm>> -> memref<10000x16xf32, #tpu.memory_space<hbm>>
    tpu.wait_indirect_dma semaphore(%arg14 : memref<!tpu.dma_semaphore, #tpu.memory_space<semaphore_mem>>) src(%dma_wait3A_170 : memref<10000x16xf32, #tpu.memory_space<hbm>>) dst(%arg10 : memref<2000x16xf32, #tpu.memory_space<vmem>>)
    %dma_start3A_171 = arith.constant 0 : i32
    %dma_start3A_172 = tpu.memref_slice %arg6[%add3A_163, %dma_start3A_171] : memref<320000x16xf32, #tpu.memory_space<hbm>> -> memref<2000x16xf32, #tpu.memory_space<hbm>>
    %dma_start3A_173 = arith.constant 0 : i32
    %dma_start3A_174 = tpu.memref_slice %arg6[%add3A_163, %dma_start3A_173] : memref<320000x16xf32, #tpu.memory_space<hbm>> -> memref<2000x16xf32, #tpu.memory_space<hbm>>
    tpu.enqueue_dma source(%arg10 : memref<2000x16xf32, #tpu.memory_space<vmem>>) target(%dma_start3A_174 : memref<2000x16xf32, #tpu.memory_space<hbm>>) target_semaphore(%arg17 : memref<!tpu.dma_semaphore, #tpu.memory_space<semaphore_mem>>)
    %dma_wait3A_175 = arith.constant 0 : i32
    %dma_wait3A_176 = tpu.memref_slice %arg5[%add3A_134, %dma_wait3A_175] : memref<320000x16xf32, #tpu.memory_space<hbm>> -> memref<2000x16xf32, #tpu.memory_space<hbm>>
    %dma_wait3A_177 = arith.constant 0 : i32
    %dma_wait3A_178 = tpu.memref_slice %arg5[%add3A_134, %dma_wait3A_177] : memref<320000x16xf32, #tpu.memory_space<hbm>> -> memref<2000x16xf32, #tpu.memory_space<hbm>>
    tpu.wait_dma2 semaphore(%arg16 : memref<!tpu.dma_semaphore, #tpu.memory_space<semaphore_mem>>) src(%arg9 : memref<2000x16xf32, #tpu.memory_space<vmem>>) dst(%dma_wait3A_178 : memref<2000x16xf32, #tpu.memory_space<hbm>>)
    %dma_wait3A_179 = arith.constant 1 : i32
    %dma_wait3A_180 = arith.constant 0 : i32
    %dma_wait3A_181 = tpu.memref_slice %arg8[%dma_wait3A_179, %dma_wait3A_180] : memref<5x2000xi32, #tpu.memory_space<vmem>> -> memref<1x2000xi32, #tpu.memory_space<vmem>>
    %dma_wait3A_182 = tpu.memref_squeeze %dma_wait3A_181 : memref<1x2000xi32, #tpu.memory_space<vmem>> -> memref<2000xi32, #tpu.memory_space<vmem>>
    %dma_wait3A_183 = tpu.memref_slice %arg4[%add3A_23] : memref<320000xi32, #tpu.memory_space<hbm>> -> memref<2000xi32, #tpu.memory_space<hbm>>
    %dma_wait3A_184 = arith.constant 0 : i32
    %dma_wait3A_185 = tpu.memref_slice %arg8[%dma_wait3A_179, %dma_wait3A_184] : memref<5x2000xi32, #tpu.memory_space<vmem>> -> memref<1x2000xi32, #tpu.memory_space<vmem>>
    %dma_wait3A_186 = tpu.memref_squeeze %dma_wait3A_185 : memref<1x2000xi32, #tpu.memory_space<vmem>> -> memref<2000xi32, #tpu.memory_space<vmem>>
    %dma_wait3A_187 = tpu.memref_slice %arg4[%add3A_23] : memref<320000xi32, #tpu.memory_space<hbm>> -> memref<2000xi32, #tpu.memory_space<hbm>>
    tpu.wait_dma2 semaphore(%arg12 : memref<!tpu.dma_semaphore, #tpu.memory_space<semaphore_mem>>) src(%dma_wait3A_187 : memref<2000xi32, #tpu.memory_space<hbm>>) dst(%dma_wait3A_186 : memref<2000xi32, #tpu.memory_space<vmem>>)
    %dma_start3A_188 = arith.constant 1 : i32
    %dma_start3A_189 = arith.constant 0 : i32
    %dma_start3A_190 = tpu.memref_slice %arg8[%dma_start3A_188, %dma_start3A_189] : memref<5x2000xi32, #tpu.memory_space<vmem>> -> memref<1x2000xi32, #tpu.memory_space<vmem>>
    %dma_start3A_191 = tpu.memref_squeeze %dma_start3A_190 : memref<1x2000xi32, #tpu.memory_space<vmem>> -> memref<2000xi32, #tpu.memory_space<vmem>>
    %dma_start3A_192 = arith.constant 0 : i32
    %dma_start3A_193 = arith.constant 0 : i32
    %dma_start3A_194 = tpu.memref_slice %arg2[%dma_start3A_192, %dma_start3A_193] : memref<10000x16xf32, #tpu.memory_space<hbm>> -> memref<10000x16xf32, #tpu.memory_space<hbm>>
    tpu.enqueue_indirect_dma source(%dma_start3A_194 : memref<10000x16xf32, #tpu.memory_space<hbm>>) target(%arg9 : memref<2000x16xf32, #tpu.memory_space<vmem>>) offsets(%dma_start3A_191 : memref<2000xi32, #tpu.memory_space<vmem>>) semaphore(%arg13 : memref<!tpu.dma_semaphore, #tpu.memory_space<semaphore_mem>>)
    %add3A_195 = arith.constant 2000 : i32
    %add3A_196 = arith.addi %multiple_of3A, %add3A_195 : i32
    %dma_wait3A_197 = arith.constant 1 : i32
    %dma_wait3A_198 = arith.constant 0 : i32
    %dma_wait3A_199 = tpu.memref_slice %arg7[%dma_wait3A_197, %dma_wait3A_198] : memref<5x2000xi32, #tpu.memory_space<vmem>> -> memref<1x2000xi32, #tpu.memory_space<vmem>>
    %dma_wait3A_200 = tpu.memref_squeeze %dma_wait3A_199 : memref<1x2000xi32, #tpu.memory_space<vmem>> -> memref<2000xi32, #tpu.memory_space<vmem>>
    %dma_wait3A_201 = arith.constant 0 : i32
    %dma_wait3A_202 = arith.constant 0 : i32
    %dma_wait3A_203 = tpu.memref_slice %arg2[%dma_wait3A_201, %dma_wait3A_202] : memref<10000x16xf32, #tpu.memory_space<hbm>> -> memref<10000x16xf32, #tpu.memory_space<hbm>>
    tpu.wait_indirect_dma semaphore(%arg15 : memref<!tpu.dma_semaphore, #tpu.memory_space<semaphore_mem>>) src(%dma_wait3A_203 : memref<10000x16xf32, #tpu.memory_space<hbm>>) dst(%arg11 : memref<2000x16xf32, #tpu.memory_space<vmem>>)
    %dma_start3A_204 = arith.constant 0 : i32
    %dma_start3A_205 = tpu.memref_slice %arg5[%add3A_196, %dma_start3A_204] : memref<320000x16xf32, #tpu.memory_space<hbm>> -> memref<2000x16xf32, #tpu.memory_space<hbm>>
    %dma_start3A_206 = arith.constant 0 : i32
    %dma_start3A_207 = tpu.memref_slice %arg5[%add3A_196, %dma_start3A_206] : memref<320000x16xf32, #tpu.memory_space<hbm>> -> memref<2000x16xf32, #tpu.memory_space<hbm>>
    tpu.enqueue_dma source(%arg11 : memref<2000x16xf32, #tpu.memory_space<vmem>>) target(%dma_start3A_207 : memref<2000x16xf32, #tpu.memory_space<hbm>>) target_semaphore(%arg18 : memref<!tpu.dma_semaphore, #tpu.memory_space<semaphore_mem>>)
    %dma_wait3A_208 = arith.constant 0 : i32
    %dma_wait3A_209 = tpu.memref_slice %arg6[%add3A_163, %dma_wait3A_208] : memref<320000x16xf32, #tpu.memory_space<hbm>> -> memref<2000x16xf32, #tpu.memory_space<hbm>>
    %dma_wait3A_210 = arith.constant 0 : i32
    %dma_wait3A_211 = tpu.memref_slice %arg6[%add3A_163, %dma_wait3A_210] : memref<320000x16xf32, #tpu.memory_space<hbm>> -> memref<2000x16xf32, #tpu.memory_space<hbm>>
    tpu.wait_dma2 semaphore(%arg17 : memref<!tpu.dma_semaphore, #tpu.memory_space<semaphore_mem>>) src(%arg10 : memref<2000x16xf32, #tpu.memory_space<vmem>>) dst(%dma_wait3A_211 : memref<2000x16xf32, #tpu.memory_space<hbm>>)
    %dma_wait3A_212 = arith.constant 2 : i32
    %dma_wait3A_213 = arith.constant 0 : i32
    %dma_wait3A_214 = tpu.memref_slice %arg7[%dma_wait3A_212, %dma_wait3A_213] : memref<5x2000xi32, #tpu.memory_space<vmem>> -> memref<1x2000xi32, #tpu.memory_space<vmem>>
    %dma_wait3A_215 = tpu.memref_squeeze %dma_wait3A_214 : memref<1x2000xi32, #tpu.memory_space<vmem>> -> memref<2000xi32, #tpu.memory_space<vmem>>
    %dma_wait3A_216 = tpu.memref_slice %arg3[%add3A_43] : memref<320000xi32, #tpu.memory_space<hbm>> -> memref<2000xi32, #tpu.memory_space<hbm>>
    %dma_wait3A_217 = arith.constant 0 : i32
    %dma_wait3A_218 = tpu.memref_slice %arg7[%dma_wait3A_212, %dma_wait3A_217] : memref<5x2000xi32, #tpu.memory_space<vmem>> -> memref<1x2000xi32, #tpu.memory_space<vmem>>
    %dma_wait3A_219 = tpu.memref_squeeze %dma_wait3A_218 : memref<1x2000xi32, #tpu.memory_space<vmem>> -> memref<2000xi32, #tpu.memory_space<vmem>>
    %dma_wait3A_220 = tpu.memref_slice %arg3[%add3A_43] : memref<320000xi32, #tpu.memory_space<hbm>> -> memref<2000xi32, #tpu.memory_space<hbm>>
    tpu.wait_dma2 semaphore(%arg12 : memref<!tpu.dma_semaphore, #tpu.memory_space<semaphore_mem>>) src(%dma_wait3A_220 : memref<2000xi32, #tpu.memory_space<hbm>>) dst(%dma_wait3A_219 : memref<2000xi32, #tpu.memory_space<vmem>>)
    %dma_start3A_221 = arith.constant 2 : i32
    %dma_start3A_222 = arith.constant 0 : i32
    %dma_start3A_223 = tpu.memref_slice %arg7[%dma_start3A_221, %dma_start3A_222] : memref<5x2000xi32, #tpu.memory_space<vmem>> -> memref<1x2000xi32, #tpu.memory_space<vmem>>
    %dma_start3A_224 = tpu.memref_squeeze %dma_start3A_223 : memref<1x2000xi32, #tpu.memory_space<vmem>> -> memref<2000xi32, #tpu.memory_space<vmem>>
    %dma_start3A_225 = arith.constant 0 : i32
    %dma_start3A_226 = arith.constant 0 : i32
    %dma_start3A_227 = tpu.memref_slice %arg2[%dma_start3A_225, %dma_start3A_226] : memref<10000x16xf32, #tpu.memory_space<hbm>> -> memref<10000x16xf32, #tpu.memory_space<hbm>>
    tpu.enqueue_indirect_dma source(%dma_start3A_227 : memref<10000x16xf32, #tpu.memory_space<hbm>>) target(%arg10 : memref<2000x16xf32, #tpu.memory_space<vmem>>) offsets(%dma_start3A_224 : memref<2000xi32, #tpu.memory_space<vmem>>) semaphore(%arg14 : memref<!tpu.dma_semaphore, #tpu.memory_space<semaphore_mem>>)
    %add3A_228 = arith.constant 2000 : i32
    %add3A_229 = arith.addi %multiple_of3A, %add3A_228 : i32
    %dma_wait3A_230 = arith.constant 1 : i32
    %dma_wait3A_231 = arith.constant 0 : i32
    %dma_wait3A_232 = tpu.memref_slice %arg8[%dma_wait3A_230, %dma_wait3A_231] : memref<5x2000xi32, #tpu.memory_space<vmem>> -> memref<1x2000xi32, #tpu.memory_space<vmem>>
    %dma_wait3A_233 = tpu.memref_squeeze %dma_wait3A_232 : memref<1x2000xi32, #tpu.memory_space<vmem>> -> memref<2000xi32, #tpu.memory_space<vmem>>
    %dma_wait3A_234 = arith.constant 0 : i32
    %dma_wait3A_235 = arith.constant 0 : i32
    %dma_wait3A_236 = tpu.memref_slice %arg2[%dma_wait3A_234, %dma_wait3A_235] : memref<10000x16xf32, #tpu.memory_space<hbm>> -> memref<10000x16xf32, #tpu.memory_space<hbm>>
    tpu.wait_indirect_dma semaphore(%arg13 : memref<!tpu.dma_semaphore, #tpu.memory_space<semaphore_mem>>) src(%dma_wait3A_236 : memref<10000x16xf32, #tpu.memory_space<hbm>>) dst(%arg9 : memref<2000x16xf32, #tpu.memory_space<vmem>>)
    %dma_start3A_237 = arith.constant 0 : i32
    %dma_start3A_238 = tpu.memref_slice %arg6[%add3A_229, %dma_start3A_237] : memref<320000x16xf32, #tpu.memory_space<hbm>> -> memref<2000x16xf32, #tpu.memory_space<hbm>>
    %dma_start3A_239 = arith.constant 0 : i32
    %dma_start3A_240 = tpu.memref_slice %arg6[%add3A_229, %dma_start3A_239] : memref<320000x16xf32, #tpu.memory_space<hbm>> -> memref<2000x16xf32, #tpu.memory_space<hbm>>
    tpu.enqueue_dma source(%arg9 : memref<2000x16xf32, #tpu.memory_space<vmem>>) target(%dma_start3A_240 : memref<2000x16xf32, #tpu.memory_space<hbm>>) target_semaphore(%arg16 : memref<!tpu.dma_semaphore, #tpu.memory_space<semaphore_mem>>)
    %dma_wait3A_241 = arith.constant 0 : i32
    %dma_wait3A_242 = tpu.memref_slice %arg5[%add3A_196, %dma_wait3A_241] : memref<320000x16xf32, #tpu.memory_space<hbm>> -> memref<2000x16xf32, #tpu.memory_space<hbm>>
    %dma_wait3A_243 = arith.constant 0 : i32
    %dma_wait3A_244 = tpu.memref_slice %arg5[%add3A_196, %dma_wait3A_243] : memref<320000x16xf32, #tpu.memory_space<hbm>> -> memref<2000x16xf32, #tpu.memory_space<hbm>>
    tpu.wait_dma2 semaphore(%arg18 : memref<!tpu.dma_semaphore, #tpu.memory_space<semaphore_mem>>) src(%arg11 : memref<2000x16xf32, #tpu.memory_space<vmem>>) dst(%dma_wait3A_244 : memref<2000x16xf32, #tpu.memory_space<hbm>>)
    %dma_wait3A_245 = arith.constant 2 : i32
    %dma_wait3A_246 = arith.constant 0 : i32
    %dma_wait3A_247 = tpu.memref_slice %arg8[%dma_wait3A_245, %dma_wait3A_246] : memref<5x2000xi32, #tpu.memory_space<vmem>> -> memref<1x2000xi32, #tpu.memory_space<vmem>>
    %dma_wait3A_248 = tpu.memref_squeeze %dma_wait3A_247 : memref<1x2000xi32, #tpu.memory_space<vmem>> -> memref<2000xi32, #tpu.memory_space<vmem>>
    %dma_wait3A_249 = tpu.memref_slice %arg4[%add3A_43] : memref<320000xi32, #tpu.memory_space<hbm>> -> memref<2000xi32, #tpu.memory_space<hbm>>
    %dma_wait3A_250 = arith.constant 0 : i32
    %dma_wait3A_251 = tpu.memref_slice %arg8[%dma_wait3A_245, %dma_wait3A_250] : memref<5x2000xi32, #tpu.memory_space<vmem>> -> memref<1x2000xi32, #tpu.memory_space<vmem>>
    %dma_wait3A_252 = tpu.memref_squeeze %dma_wait3A_251 : memref<1x2000xi32, #tpu.memory_space<vmem>> -> memref<2000xi32, #tpu.memory_space<vmem>>
    %dma_wait3A_253 = tpu.memref_slice %arg4[%add3A_43] : memref<320000xi32, #tpu.memory_space<hbm>> -> memref<2000xi32, #tpu.memory_space<hbm>>
    tpu.wait_dma2 semaphore(%arg12 : memref<!tpu.dma_semaphore, #tpu.memory_space<semaphore_mem>>) src(%dma_wait3A_253 : memref<2000xi32, #tpu.memory_space<hbm>>) dst(%dma_wait3A_252 : memref<2000xi32, #tpu.memory_space<vmem>>)
    %dma_start3A_254 = arith.constant 2 : i32
    %dma_start3A_255 = arith.constant 0 : i32
    %dma_start3A_256 = tpu.memref_slice %arg8[%dma_start3A_254, %dma_start3A_255] : memref<5x2000xi32, #tpu.memory_space<vmem>> -> memref<1x2000xi32, #tpu.memory_space<vmem>>
    %dma_start3A_257 = tpu.memref_squeeze %dma_start3A_256 : memref<1x2000xi32, #tpu.memory_space<vmem>> -> memref<2000xi32, #tpu.memory_space<vmem>>
    %dma_start3A_258 = arith.constant 0 : i32
    %dma_start3A_259 = arith.constant 0 : i32
    %dma_start3A_260 = tpu.memref_slice %arg2[%dma_start3A_258, %dma_start3A_259] : memref<10000x16xf32, #tpu.memory_space<hbm>> -> memref<10000x16xf32, #tpu.memory_space<hbm>>
    tpu.enqueue_indirect_dma source(%dma_start3A_260 : memref<10000x16xf32, #tpu.memory_space<hbm>>) target(%arg11 : memref<2000x16xf32, #tpu.memory_space<vmem>>) offsets(%dma_start3A_257 : memref<2000xi32, #tpu.memory_space<vmem>>) semaphore(%arg15 : memref<!tpu.dma_semaphore, #tpu.memory_space<semaphore_mem>>)
    %add3A_261 = arith.constant 4000 : i32
    %add3A_262 = arith.addi %multiple_of3A, %add3A_261 : i32
    %dma_wait3A_263 = arith.constant 2 : i32
    %dma_wait3A_264 = arith.constant 0 : i32
    %dma_wait3A_265 = tpu.memref_slice %arg7[%dma_wait3A_263, %dma_wait3A_264] : memref<5x2000xi32, #tpu.memory_space<vmem>> -> memref<1x2000xi32, #tpu.memory_space<vmem>>
    %dma_wait3A_266 = tpu.memref_squeeze %dma_wait3A_265 : memref<1x2000xi32, #tpu.memory_space<vmem>> -> memref<2000xi32, #tpu.memory_space<vmem>>
    %dma_wait3A_267 = arith.constant 0 : i32
    %dma_wait3A_268 = arith.constant 0 : i32
    %dma_wait3A_269 = tpu.memref_slice %arg2[%dma_wait3A_267, %dma_wait3A_268] : memref<10000x16xf32, #tpu.memory_space<hbm>> -> memref<10000x16xf32, #tpu.memory_space<hbm>>
    tpu.wait_indirect_dma semaphore(%arg14 : memref<!tpu.dma_semaphore, #tpu.memory_space<semaphore_mem>>) src(%dma_wait3A_269 : memref<10000x16xf32, #tpu.memory_space<hbm>>) dst(%arg10 : memref<2000x16xf32, #tpu.memory_space<vmem>>)
    %dma_start3A_270 = arith.constant 0 : i32
    %dma_start3A_271 = tpu.memref_slice %arg5[%add3A_262, %dma_start3A_270] : memref<320000x16xf32, #tpu.memory_space<hbm>> -> memref<2000x16xf32, #tpu.memory_space<hbm>>
    %dma_start3A_272 = arith.constant 0 : i32
    %dma_start3A_273 = tpu.memref_slice %arg5[%add3A_262, %dma_start3A_272] : memref<320000x16xf32, #tpu.memory_space<hbm>> -> memref<2000x16xf32, #tpu.memory_space<hbm>>
    tpu.enqueue_dma source(%arg10 : memref<2000x16xf32, #tpu.memory_space<vmem>>) target(%dma_start3A_273 : memref<2000x16xf32, #tpu.memory_space<hbm>>) target_semaphore(%arg17 : memref<!tpu.dma_semaphore, #tpu.memory_space<semaphore_mem>>)
    %dma_wait3A_274 = arith.constant 0 : i32
    %dma_wait3A_275 = tpu.memref_slice %arg6[%add3A_229, %dma_wait3A_274] : memref<320000x16xf32, #tpu.memory_space<hbm>> -> memref<2000x16xf32, #tpu.memory_space<hbm>>
    %dma_wait3A_276 = arith.constant 0 : i32
    %dma_wait3A_277 = tpu.memref_slice %arg6[%add3A_229, %dma_wait3A_276] : memref<320000x16xf32, #tpu.memory_space<hbm>> -> memref<2000x16xf32, #tpu.memory_space<hbm>>
    tpu.wait_dma2 semaphore(%arg16 : memref<!tpu.dma_semaphore, #tpu.memory_space<semaphore_mem>>) src(%arg9 : memref<2000x16xf32, #tpu.memory_space<vmem>>) dst(%dma_wait3A_277 : memref<2000x16xf32, #tpu.memory_space<hbm>>)
    %dma_wait3A_278 = arith.constant 3 : i32
    %dma_wait3A_279 = arith.constant 0 : i32
    %dma_wait3A_280 = tpu.memref_slice %arg7[%dma_wait3A_278, %dma_wait3A_279] : memref<5x2000xi32, #tpu.memory_space<vmem>> -> memref<1x2000xi32, #tpu.memory_space<vmem>>
    %dma_wait3A_281 = tpu.memref_squeeze %dma_wait3A_280 : memref<1x2000xi32, #tpu.memory_space<vmem>> -> memref<2000xi32, #tpu.memory_space<vmem>>
    %dma_wait3A_282 = tpu.memref_slice %arg3[%add3A_63] : memref<320000xi32, #tpu.memory_space<hbm>> -> memref<2000xi32, #tpu.memory_space<hbm>>
    %dma_wait3A_283 = arith.constant 0 : i32
    %dma_wait3A_284 = tpu.memref_slice %arg7[%dma_wait3A_278, %dma_wait3A_283] : memref<5x2000xi32, #tpu.memory_space<vmem>> -> memref<1x2000xi32, #tpu.memory_space<vmem>>
    %dma_wait3A_285 = tpu.memref_squeeze %dma_wait3A_284 : memref<1x2000xi32, #tpu.memory_space<vmem>> -> memref<2000xi32, #tpu.memory_space<vmem>>
    %dma_wait3A_286 = tpu.memref_slice %arg3[%add3A_63] : memref<320000xi32, #tpu.memory_space<hbm>> -> memref<2000xi32, #tpu.memory_space<hbm>>
    tpu.wait_dma2 semaphore(%arg12 : memref<!tpu.dma_semaphore, #tpu.memory_space<semaphore_mem>>) src(%dma_wait3A_286 : memref<2000xi32, #tpu.memory_space<hbm>>) dst(%dma_wait3A_285 : memref<2000xi32, #tpu.memory_space<vmem>>)
    %dma_start3A_287 = arith.constant 3 : i32
    %dma_start3A_288 = arith.constant 0 : i32
    %dma_start3A_289 = tpu.memref_slice %arg7[%dma_start3A_287, %dma_start3A_288] : memref<5x2000xi32, #tpu.memory_space<vmem>> -> memref<1x2000xi32, #tpu.memory_space<vmem>>
    %dma_start3A_290 = tpu.memref_squeeze %dma_start3A_289 : memref<1x2000xi32, #tpu.memory_space<vmem>> -> memref<2000xi32, #tpu.memory_space<vmem>>
    %dma_start3A_291 = arith.constant 0 : i32
    %dma_start3A_292 = arith.constant 0 : i32
    %dma_start3A_293 = tpu.memref_slice %arg2[%dma_start3A_291, %dma_start3A_292] : memref<10000x16xf32, #tpu.memory_space<hbm>> -> memref<10000x16xf32, #tpu.memory_space<hbm>>
    tpu.enqueue_indirect_dma source(%dma_start3A_293 : memref<10000x16xf32, #tpu.memory_space<hbm>>) target(%arg9 : memref<2000x16xf32, #tpu.memory_space<vmem>>) offsets(%dma_start3A_290 : memref<2000xi32, #tpu.memory_space<vmem>>) semaphore(%arg13 : memref<!tpu.dma_semaphore, #tpu.memory_space<semaphore_mem>>)
    %add3A_294 = arith.constant 4000 : i32
    %add3A_295 = arith.addi %multiple_of3A, %add3A_294 : i32
    %dma_wait3A_296 = arith.constant 2 : i32
    %dma_wait3A_297 = arith.constant 0 : i32
    %dma_wait3A_298 = tpu.memref_slice %arg8[%dma_wait3A_296, %dma_wait3A_297] : memref<5x2000xi32, #tpu.memory_space<vmem>> -> memref<1x2000xi32, #tpu.memory_space<vmem>>
    %dma_wait3A_299 = tpu.memref_squeeze %dma_wait3A_298 : memref<1x2000xi32, #tpu.memory_space<vmem>> -> memref<2000xi32, #tpu.memory_space<vmem>>
    %dma_wait3A_300 = arith.constant 0 : i32
    %dma_wait3A_301 = arith.constant 0 : i32
    %dma_wait3A_302 = tpu.memref_slice %arg2[%dma_wait3A_300, %dma_wait3A_301] : memref<10000x16xf32, #tpu.memory_space<hbm>> -> memref<10000x16xf32, #tpu.memory_space<hbm>>
    tpu.wait_indirect_dma semaphore(%arg15 : memref<!tpu.dma_semaphore, #tpu.memory_space<semaphore_mem>>) src(%dma_wait3A_302 : memref<10000x16xf32, #tpu.memory_space<hbm>>) dst(%arg11 : memref<2000x16xf32, #tpu.memory_space<vmem>>)
    %dma_start3A_303 = arith.constant 0 : i32
    %dma_start3A_304 = tpu.memref_slice %arg6[%add3A_295, %dma_start3A_303] : memref<320000x16xf32, #tpu.memory_space<hbm>> -> memref<2000x16xf32, #tpu.memory_space<hbm>>
    %dma_start3A_305 = arith.constant 0 : i32
    %dma_start3A_306 = tpu.memref_slice %arg6[%add3A_295, %dma_start3A_305] : memref<320000x16xf32, #tpu.memory_space<hbm>> -> memref<2000x16xf32, #tpu.memory_space<hbm>>
    tpu.enqueue_dma source(%arg11 : memref<2000x16xf32, #tpu.memory_space<vmem>>) target(%dma_start3A_306 : memref<2000x16xf32, #tpu.memory_space<hbm>>) target_semaphore(%arg18 : memref<!tpu.dma_semaphore, #tpu.memory_space<semaphore_mem>>)
    %dma_wait3A_307 = arith.constant 0 : i32
    %dma_wait3A_308 = tpu.memref_slice %arg5[%add3A_262, %dma_wait3A_307] : memref<320000x16xf32, #tpu.memory_space<hbm>> -> memref<2000x16xf32, #tpu.memory_space<hbm>>
    %dma_wait3A_309 = arith.constant 0 : i32
    %dma_wait3A_310 = tpu.memref_slice %arg5[%add3A_262, %dma_wait3A_309] : memref<320000x16xf32, #tpu.memory_space<hbm>> -> memref<2000x16xf32, #tpu.memory_space<hbm>>
    tpu.wait_dma2 semaphore(%arg17 : memref<!tpu.dma_semaphore, #tpu.memory_space<semaphore_mem>>) src(%arg10 : memref<2000x16xf32, #tpu.memory_space<vmem>>) dst(%dma_wait3A_310 : memref<2000x16xf32, #tpu.memory_space<hbm>>)
    %dma_wait3A_311 = arith.constant 3 : i32
    %dma_wait3A_312 = arith.constant 0 : i32
    %dma_wait3A_313 = tpu.memref_slice %arg8[%dma_wait3A_311, %dma_wait3A_312] : memref<5x2000xi32, #tpu.memory_space<vmem>> -> memref<1x2000xi32, #tpu.memory_space<vmem>>
    %dma_wait3A_314 = tpu.memref_squeeze %dma_wait3A_313 : memref<1x2000xi32, #tpu.memory_space<vmem>> -> memref<2000xi32, #tpu.memory_space<vmem>>
    %dma_wait3A_315 = tpu.memref_slice %arg4[%add3A_63] : memref<320000xi32, #tpu.memory_space<hbm>> -> memref<2000xi32, #tpu.memory_space<hbm>>
    %dma_wait3A_316 = arith.constant 0 : i32
    %dma_wait3A_317 = tpu.memref_slice %arg8[%dma_wait3A_311, %dma_wait3A_316] : memref<5x2000xi32, #tpu.memory_space<vmem>> -> memref<1x2000xi32, #tpu.memory_space<vmem>>
    %dma_wait3A_318 = tpu.memref_squeeze %dma_wait3A_317 : memref<1x2000xi32, #tpu.memory_space<vmem>> -> memref<2000xi32, #tpu.memory_space<vmem>>
    %dma_wait3A_319 = tpu.memref_slice %arg4[%add3A_63] : memref<320000xi32, #tpu.memory_space<hbm>> -> memref<2000xi32, #tpu.memory_space<hbm>>
    tpu.wait_dma2 semaphore(%arg12 : memref<!tpu.dma_semaphore, #tpu.memory_space<semaphore_mem>>) src(%dma_wait3A_319 : memref<2000xi32, #tpu.memory_space<hbm>>) dst(%dma_wait3A_318 : memref<2000xi32, #tpu.memory_space<vmem>>)
    %dma_start3A_320 = arith.constant 3 : i32
    %dma_start3A_321 = arith.constant 0 : i32
    %dma_start3A_322 = tpu.memref_slice %arg8[%dma_start3A_320, %dma_start3A_321] : memref<5x2000xi32, #tpu.memory_space<vmem>> -> memref<1x2000xi32, #tpu.memory_space<vmem>>
    %dma_start3A_323 = tpu.memref_squeeze %dma_start3A_322 : memref<1x2000xi32, #tpu.memory_space<vmem>> -> memref<2000xi32, #tpu.memory_space<vmem>>
    %dma_start3A_324 = arith.constant 0 : i32
    %dma_start3A_325 = arith.constant 0 : i32
    %dma_start3A_326 = tpu.memref_slice %arg2[%dma_start3A_324, %dma_start3A_325] : memref<10000x16xf32, #tpu.memory_space<hbm>> -> memref<10000x16xf32, #tpu.memory_space<hbm>>
    tpu.enqueue_indirect_dma source(%dma_start3A_326 : memref<10000x16xf32, #tpu.memory_space<hbm>>) target(%arg10 : memref<2000x16xf32, #tpu.memory_space<vmem>>) offsets(%dma_start3A_323 : memref<2000xi32, #tpu.memory_space<vmem>>) semaphore(%arg14 : memref<!tpu.dma_semaphore, #tpu.memory_space<semaphore_mem>>)
    %add3A_327 = arith.constant 6000 : i32
    %add3A_328 = arith.addi %multiple_of3A, %add3A_327 : i32
    %dma_wait3A_329 = arith.constant 3 : i32
    %dma_wait3A_330 = arith.constant 0 : i32
    %dma_wait3A_331 = tpu.memref_slice %arg7[%dma_wait3A_329, %dma_wait3A_330] : memref<5x2000xi32, #tpu.memory_space<vmem>> -> memref<1x2000xi32, #tpu.memory_space<vmem>>
    %dma_wait3A_332 = tpu.memref_squeeze %dma_wait3A_331 : memref<1x2000xi32, #tpu.memory_space<vmem>> -> memref<2000xi32, #tpu.memory_space<vmem>>
    %dma_wait3A_333 = arith.constant 0 : i32
    %dma_wait3A_334 = arith.constant 0 : i32
    %dma_wait3A_335 = tpu.memref_slice %arg2[%dma_wait3A_333, %dma_wait3A_334] : memref<10000x16xf32, #tpu.memory_space<hbm>> -> memref<10000x16xf32, #tpu.memory_space<hbm>>
    tpu.wait_indirect_dma semaphore(%arg13 : memref<!tpu.dma_semaphore, #tpu.memory_space<semaphore_mem>>) src(%dma_wait3A_335 : memref<10000x16xf32, #tpu.memory_space<hbm>>) dst(%arg9 : memref<2000x16xf32, #tpu.memory_space<vmem>>)
    %dma_start3A_336 = arith.constant 0 : i32
    %dma_start3A_337 = tpu.memref_slice %arg5[%add3A_328, %dma_start3A_336] : memref<320000x16xf32, #tpu.memory_space<hbm>> -> memref<2000x16xf32, #tpu.memory_space<hbm>>
    %dma_start3A_338 = arith.constant 0 : i32
    %dma_start3A_339 = tpu.memref_slice %arg5[%add3A_328, %dma_start3A_338] : memref<320000x16xf32, #tpu.memory_space<hbm>> -> memref<2000x16xf32, #tpu.memory_space<hbm>>
    tpu.enqueue_dma source(%arg9 : memref<2000x16xf32, #tpu.memory_space<vmem>>) target(%dma_start3A_339 : memref<2000x16xf32, #tpu.memory_space<hbm>>) target_semaphore(%arg16 : memref<!tpu.dma_semaphore, #tpu.memory_space<semaphore_mem>>)
    %dma_wait3A_340 = arith.constant 0 : i32
    %dma_wait3A_341 = tpu.memref_slice %arg6[%add3A_295, %dma_wait3A_340] : memref<320000x16xf32, #tpu.memory_space<hbm>> -> memref<2000x16xf32, #tpu.memory_space<hbm>>
    %dma_wait3A_342 = arith.constant 0 : i32
    %dma_wait3A_343 = tpu.memref_slice %arg6[%add3A_295, %dma_wait3A_342] : memref<320000x16xf32, #tpu.memory_space<hbm>> -> memref<2000x16xf32, #tpu.memory_space<hbm>>
    tpu.wait_dma2 semaphore(%arg18 : memref<!tpu.dma_semaphore, #tpu.memory_space<semaphore_mem>>) src(%arg11 : memref<2000x16xf32, #tpu.memory_space<vmem>>) dst(%dma_wait3A_343 : memref<2000x16xf32, #tpu.memory_space<hbm>>)
    %dma_wait3A_344 = arith.constant 4 : i32
    %dma_wait3A_345 = arith.constant 0 : i32
    %dma_wait3A_346 = tpu.memref_slice %arg7[%dma_wait3A_344, %dma_wait3A_345] : memref<5x2000xi32, #tpu.memory_space<vmem>> -> memref<1x2000xi32, #tpu.memory_space<vmem>>
    %dma_wait3A_347 = tpu.memref_squeeze %dma_wait3A_346 : memref<1x2000xi32, #tpu.memory_space<vmem>> -> memref<2000xi32, #tpu.memory_space<vmem>>
    %dma_wait3A_348 = tpu.memref_slice %arg3[%add3A_83] : memref<320000xi32, #tpu.memory_space<hbm>> -> memref<2000xi32, #tpu.memory_space<hbm>>
    %dma_wait3A_349 = arith.constant 0 : i32
    %dma_wait3A_350 = tpu.memref_slice %arg7[%dma_wait3A_344, %dma_wait3A_349] : memref<5x2000xi32, #tpu.memory_space<vmem>> -> memref<1x2000xi32, #tpu.memory_space<vmem>>
    %dma_wait3A_351 = tpu.memref_squeeze %dma_wait3A_350 : memref<1x2000xi32, #tpu.memory_space<vmem>> -> memref<2000xi32, #tpu.memory_space<vmem>>
    %dma_wait3A_352 = tpu.memref_slice %arg3[%add3A_83] : memref<320000xi32, #tpu.memory_space<hbm>> -> memref<2000xi32, #tpu.memory_space<hbm>>
    tpu.wait_dma2 semaphore(%arg12 : memref<!tpu.dma_semaphore, #tpu.memory_space<semaphore_mem>>) src(%dma_wait3A_352 : memref<2000xi32, #tpu.memory_space<hbm>>) dst(%dma_wait3A_351 : memref<2000xi32, #tpu.memory_space<vmem>>)
    %dma_start3A_353 = arith.constant 4 : i32
    %dma_start3A_354 = arith.constant 0 : i32
    %dma_start3A_355 = tpu.memref_slice %arg7[%dma_start3A_353, %dma_start3A_354] : memref<5x2000xi32, #tpu.memory_space<vmem>> -> memref<1x2000xi32, #tpu.memory_space<vmem>>
    %dma_start3A_356 = tpu.memref_squeeze %dma_start3A_355 : memref<1x2000xi32, #tpu.memory_space<vmem>> -> memref<2000xi32, #tpu.memory_space<vmem>>
    %dma_start3A_357 = arith.constant 0 : i32
    %dma_start3A_358 = arith.constant 0 : i32
    %dma_start3A_359 = tpu.memref_slice %arg2[%dma_start3A_357, %dma_start3A_358] : memref<10000x16xf32, #tpu.memory_space<hbm>> -> memref<10000x16xf32, #tpu.memory_space<hbm>>
    tpu.enqueue_indirect_dma source(%dma_start3A_359 : memref<10000x16xf32, #tpu.memory_space<hbm>>) target(%arg11 : memref<2000x16xf32, #tpu.memory_space<vmem>>) offsets(%dma_start3A_356 : memref<2000xi32, #tpu.memory_space<vmem>>) semaphore(%arg15 : memref<!tpu.dma_semaphore, #tpu.memory_space<semaphore_mem>>)
    %add3A_360 = arith.constant 6000 : i32
    %add3A_361 = arith.addi %multiple_of3A, %add3A_360 : i32
    %dma_wait3A_362 = arith.constant 3 : i32
    %dma_wait3A_363 = arith.constant 0 : i32
    %dma_wait3A_364 = tpu.memref_slice %arg8[%dma_wait3A_362, %dma_wait3A_363] : memref<5x2000xi32, #tpu.memory_space<vmem>> -> memref<1x2000xi32, #tpu.memory_space<vmem>>
    %dma_wait3A_365 = tpu.memref_squeeze %dma_wait3A_364 : memref<1x2000xi32, #tpu.memory_space<vmem>> -> memref<2000xi32, #tpu.memory_space<vmem>>
    %dma_wait3A_366 = arith.constant 0 : i32
    %dma_wait3A_367 = arith.constant 0 : i32
    %dma_wait3A_368 = tpu.memref_slice %arg2[%dma_wait3A_366, %dma_wait3A_367] : memref<10000x16xf32, #tpu.memory_space<hbm>> -> memref<10000x16xf32, #tpu.memory_space<hbm>>
    tpu.wait_indirect_dma semaphore(%arg14 : memref<!tpu.dma_semaphore, #tpu.memory_space<semaphore_mem>>) src(%dma_wait3A_368 : memref<10000x16xf32, #tpu.memory_space<hbm>>) dst(%arg10 : memref<2000x16xf32, #tpu.memory_space<vmem>>)
    %dma_start3A_369 = arith.constant 0 : i32
    %dma_start3A_370 = tpu.memref_slice %arg6[%add3A_361, %dma_start3A_369] : memref<320000x16xf32, #tpu.memory_space<hbm>> -> memref<2000x16xf32, #tpu.memory_space<hbm>>
    %dma_start3A_371 = arith.constant 0 : i32
    %dma_start3A_372 = tpu.memref_slice %arg6[%add3A_361, %dma_start3A_371] : memref<320000x16xf32, #tpu.memory_space<hbm>> -> memref<2000x16xf32, #tpu.memory_space<hbm>>
    tpu.enqueue_dma source(%arg10 : memref<2000x16xf32, #tpu.memory_space<vmem>>) target(%dma_start3A_372 : memref<2000x16xf32, #tpu.memory_space<hbm>>) target_semaphore(%arg17 : memref<!tpu.dma_semaphore, #tpu.memory_space<semaphore_mem>>)
    %dma_wait3A_373 = arith.constant 0 : i32
    %dma_wait3A_374 = tpu.memref_slice %arg5[%add3A_328, %dma_wait3A_373] : memref<320000x16xf32, #tpu.memory_space<hbm>> -> memref<2000x16xf32, #tpu.memory_space<hbm>>
    %dma_wait3A_375 = arith.constant 0 : i32
    %dma_wait3A_376 = tpu.memref_slice %arg5[%add3A_328, %dma_wait3A_375] : memref<320000x16xf32, #tpu.memory_space<hbm>> -> memref<2000x16xf32, #tpu.memory_space<hbm>>
    tpu.wait_dma2 semaphore(%arg16 : memref<!tpu.dma_semaphore, #tpu.memory_space<semaphore_mem>>) src(%arg9 : memref<2000x16xf32, #tpu.memory_space<vmem>>) dst(%dma_wait3A_376 : memref<2000x16xf32, #tpu.memory_space<hbm>>)
    %dma_wait3A_377 = arith.constant 4 : i32
    %dma_wait3A_378 = arith.constant 0 : i32
    %dma_wait3A_379 = tpu.memref_slice %arg8[%dma_wait3A_377, %dma_wait3A_378] : memref<5x2000xi32, #tpu.memory_space<vmem>> -> memref<1x2000xi32, #tpu.memory_space<vmem>>
    %dma_wait3A_380 = tpu.memref_squeeze %dma_wait3A_379 : memref<1x2000xi32, #tpu.memory_space<vmem>> -> memref<2000xi32, #tpu.memory_space<vmem>>
    %dma_wait3A_381 = tpu.memref_slice %arg4[%add3A_83] : memref<320000xi32, #tpu.memory_space<hbm>> -> memref<2000xi32, #tpu.memory_space<hbm>>
    %dma_wait3A_382 = arith.constant 0 : i32
    %dma_wait3A_383 = tpu.memref_slice %arg8[%dma_wait3A_377, %dma_wait3A_382] : memref<5x2000xi32, #tpu.memory_space<vmem>> -> memref<1x2000xi32, #tpu.memory_space<vmem>>
    %dma_wait3A_384 = tpu.memref_squeeze %dma_wait3A_383 : memref<1x2000xi32, #tpu.memory_space<vmem>> -> memref<2000xi32, #tpu.memory_space<vmem>>
    %dma_wait3A_385 = tpu.memref_slice %arg4[%add3A_83] : memref<320000xi32, #tpu.memory_space<hbm>> -> memref<2000xi32, #tpu.memory_space<hbm>>
    tpu.wait_dma2 semaphore(%arg12 : memref<!tpu.dma_semaphore, #tpu.memory_space<semaphore_mem>>) src(%dma_wait3A_385 : memref<2000xi32, #tpu.memory_space<hbm>>) dst(%dma_wait3A_384 : memref<2000xi32, #tpu.memory_space<vmem>>)
    %dma_start3A_386 = arith.constant 4 : i32
    %dma_start3A_387 = arith.constant 0 : i32
    %dma_start3A_388 = tpu.memref_slice %arg8[%dma_start3A_386, %dma_start3A_387] : memref<5x2000xi32, #tpu.memory_space<vmem>> -> memref<1x2000xi32, #tpu.memory_space<vmem>>
    %dma_start3A_389 = tpu.memref_squeeze %dma_start3A_388 : memref<1x2000xi32, #tpu.memory_space<vmem>> -> memref<2000xi32, #tpu.memory_space<vmem>>
    %dma_start3A_390 = arith.constant 0 : i32
    %dma_start3A_391 = arith.constant 0 : i32
    %dma_start3A_392 = tpu.memref_slice %arg2[%dma_start3A_390, %dma_start3A_391] : memref<10000x16xf32, #tpu.memory_space<hbm>> -> memref<10000x16xf32, #tpu.memory_space<hbm>>
    tpu.enqueue_indirect_dma source(%dma_start3A_392 : memref<10000x16xf32, #tpu.memory_space<hbm>>) target(%arg9 : memref<2000x16xf32, #tpu.memory_space<vmem>>) offsets(%dma_start3A_389 : memref<2000xi32, #tpu.memory_space<vmem>>) semaphore(%arg13 : memref<!tpu.dma_semaphore, #tpu.memory_space<semaphore_mem>>)
    %add3A_393 = arith.constant 8000 : i32
    %add3A_394 = arith.addi %multiple_of3A, %add3A_393 : i32
    %dma_wait3A_395 = arith.constant 4 : i32
    %dma_wait3A_396 = arith.constant 0 : i32
    %dma_wait3A_397 = tpu.memref_slice %arg7[%dma_wait3A_395, %dma_wait3A_396] : memref<5x2000xi32, #tpu.memory_space<vmem>> -> memref<1x2000xi32, #tpu.memory_space<vmem>>
    %dma_wait3A_398 = tpu.memref_squeeze %dma_wait3A_397 : memref<1x2000xi32, #tpu.memory_space<vmem>> -> memref<2000xi32, #tpu.memory_space<vmem>>
    %dma_wait3A_399 = arith.constant 0 : i32
    %dma_wait3A_400 = arith.constant 0 : i32
    %dma_wait3A_401 = tpu.memref_slice %arg2[%dma_wait3A_399, %dma_wait3A_400] : memref<10000x16xf32, #tpu.memory_space<hbm>> -> memref<10000x16xf32, #tpu.memory_space<hbm>>
    tpu.wait_indirect_dma semaphore(%arg15 : memref<!tpu.dma_semaphore, #tpu.memory_space<semaphore_mem>>) src(%dma_wait3A_401 : memref<10000x16xf32, #tpu.memory_space<hbm>>) dst(%arg11 : memref<2000x16xf32, #tpu.memory_space<vmem>>)
    %dma_start3A_402 = arith.constant 0 : i32
    %dma_start3A_403 = tpu.memref_slice %arg5[%add3A_394, %dma_start3A_402] : memref<320000x16xf32, #tpu.memory_space<hbm>> -> memref<2000x16xf32, #tpu.memory_space<hbm>>
    %dma_start3A_404 = arith.constant 0 : i32
    %dma_start3A_405 = tpu.memref_slice %arg5[%add3A_394, %dma_start3A_404] : memref<320000x16xf32, #tpu.memory_space<hbm>> -> memref<2000x16xf32, #tpu.memory_space<hbm>>
    tpu.enqueue_dma source(%arg11 : memref<2000x16xf32, #tpu.memory_space<vmem>>) target(%dma_start3A_405 : memref<2000x16xf32, #tpu.memory_space<hbm>>) target_semaphore(%arg18 : memref<!tpu.dma_semaphore, #tpu.memory_space<semaphore_mem>>)
    %add3A_406 = arith.constant 8000 : i32
    %add3A_407 = arith.addi %multiple_of3A, %add3A_406 : i32
    %dma_wait3A_408 = arith.constant 4 : i32
    %dma_wait3A_409 = arith.constant 0 : i32
    %dma_wait3A_410 = tpu.memref_slice %arg8[%dma_wait3A_408, %dma_wait3A_409] : memref<5x2000xi32, #tpu.memory_space<vmem>> -> memref<1x2000xi32, #tpu.memory_space<vmem>>
    %dma_wait3A_411 = tpu.memref_squeeze %dma_wait3A_410 : memref<1x2000xi32, #tpu.memory_space<vmem>> -> memref<2000xi32, #tpu.memory_space<vmem>>
    %dma_wait3A_412 = arith.constant 0 : i32
    %dma_wait3A_413 = arith.constant 0 : i32
    %dma_wait3A_414 = tpu.memref_slice %arg2[%dma_wait3A_412, %dma_wait3A_413] : memref<10000x16xf32, #tpu.memory_space<hbm>> -> memref<10000x16xf32, #tpu.memory_space<hbm>>
    tpu.wait_indirect_dma semaphore(%arg13 : memref<!tpu.dma_semaphore, #tpu.memory_space<semaphore_mem>>) src(%dma_wait3A_414 : memref<10000x16xf32, #tpu.memory_space<hbm>>) dst(%arg9 : memref<2000x16xf32, #tpu.memory_space<vmem>>)
    %dma_start3A_415 = arith.constant 0 : i32
    %dma_start3A_416 = tpu.memref_slice %arg6[%add3A_407, %dma_start3A_415] : memref<320000x16xf32, #tpu.memory_space<hbm>> -> memref<2000x16xf32, #tpu.memory_space<hbm>>
    %dma_start3A_417 = arith.constant 0 : i32
    %dma_start3A_418 = tpu.memref_slice %arg6[%add3A_407, %dma_start3A_417] : memref<320000x16xf32, #tpu.memory_space<hbm>> -> memref<2000x16xf32, #tpu.memory_space<hbm>>
    tpu.enqueue_dma source(%arg9 : memref<2000x16xf32, #tpu.memory_space<vmem>>) target(%dma_start3A_418 : memref<2000x16xf32, #tpu.memory_space<hbm>>) target_semaphore(%arg16 : memref<!tpu.dma_semaphore, #tpu.memory_space<semaphore_mem>>)
    %dma_wait3A_419 = arith.constant 0 : i32
    %dma_wait3A_420 = tpu.memref_slice %arg6[%add3A_407, %dma_wait3A_419] : memref<320000x16xf32, #tpu.memory_space<hbm>> -> memref<2000x16xf32, #tpu.memory_space<hbm>>
    %dma_wait3A_421 = arith.constant 0 : i32
    %dma_wait3A_422 = tpu.memref_slice %arg6[%add3A_407, %dma_wait3A_421] : memref<320000x16xf32, #tpu.memory_space<hbm>> -> memref<2000x16xf32, #tpu.memory_space<hbm>>
    tpu.wait_dma2 semaphore(%arg16 : memref<!tpu.dma_semaphore, #tpu.memory_space<semaphore_mem>>) src(%arg9 : memref<2000x16xf32, #tpu.memory_space<vmem>>) dst(%dma_wait3A_422 : memref<2000x16xf32, #tpu.memory_space<hbm>>)
    %dma_wait3A_423 = arith.constant 0 : i32
    %dma_wait3A_424 = tpu.memref_slice %arg6[%add3A_361, %dma_wait3A_423] : memref<320000x16xf32, #tpu.memory_space<hbm>> -> memref<2000x16xf32, #tpu.memory_space<hbm>>
    %dma_wait3A_425 = arith.constant 0 : i32
    %dma_wait3A_426 = tpu.memref_slice %arg6[%add3A_361, %dma_wait3A_425] : memref<320000x16xf32, #tpu.memory_space<hbm>> -> memref<2000x16xf32, #tpu.memory_space<hbm>>
    tpu.wait_dma2 semaphore(%arg17 : memref<!tpu.dma_semaphore, #tpu.memory_space<semaphore_mem>>) src(%arg10 : memref<2000x16xf32, #tpu.memory_space<vmem>>) dst(%dma_wait3A_426 : memref<2000x16xf32, #tpu.memory_space<hbm>>)
    %dma_wait3A_427 = arith.constant 0 : i32
    %dma_wait3A_428 = tpu.memref_slice %arg5[%add3A_394, %dma_wait3A_427] : memref<320000x16xf32, #tpu.memory_space<hbm>> -> memref<2000x16xf32, #tpu.memory_space<hbm>>
    %dma_wait3A_429 = arith.constant 0 : i32
    %dma_wait3A_430 = tpu.memref_slice %arg5[%add3A_394, %dma_wait3A_429] : memref<320000x16xf32, #tpu.memory_space<hbm>> -> memref<2000x16xf32, #tpu.memory_space<hbm>>
    tpu.wait_dma2 semaphore(%arg18 : memref<!tpu.dma_semaphore, #tpu.memory_space<semaphore_mem>>) src(%arg11 : memref<2000x16xf32, #tpu.memory_space<vmem>>) dst(%dma_wait3A_430 : memref<2000x16xf32, #tpu.memory_space<hbm>>)
    return
  }
}

module attributes {stable_mosaic.version = 14 : i64} {
  func.func @_embed_body(%arg0: i32, %arg1: memref<10000x128xf32, #tpu.memory_space<vmem>>, %arg2: memref<128x16xf32, #tpu.memory_space<vmem>>, %arg3: memref<1x16xf32, #tpu.memory_space<vmem>>, %arg4: memref<10000x16xf32, #tpu.memory_space<vmem>>) attributes {dimension_semantics = [#tpu.dimension_semantics<arbitrary>], iteration_bounds = array<i64: 1>, scalar_prefetch = 0 : i64, scratch_operands = 0 : i64, tpu.core_type = #tpu.core_type<tc>, window_params = [{pipeline_mode = #tpu.pipeline_mode<synchronous>, transform_indices = @transform_0, window_bounds = array<i64: 10000, 128>}, {pipeline_mode = #tpu.pipeline_mode<synchronous>, transform_indices = @transform_1, window_bounds = array<i64: 128, 16>}, {pipeline_mode = #tpu.pipeline_mode<synchronous>, transform_indices = @transform_2, window_bounds = array<i64: 1, 16>}, {pipeline_mode = #tpu.pipeline_mode<synchronous>, transform_indices = @transform_3, window_bounds = array<i64: 10000, 16>}]} {
    %get3A = arith.constant 0 : index
    %get3A_0 = arith.constant 0 : index
    %get3A_1 = vector.load %arg1[%get3A, %get3A_0] : memref<10000x128xf32, #tpu.memory_space<vmem>>, vector<10000x128xf32>
    %get3A_2 = arith.constant 0 : index
    %get3A_3 = arith.constant 0 : index
    %get3A_4 = vector.load %arg2[%get3A_2, %get3A_3] : memref<128x16xf32, #tpu.memory_space<vmem>>, vector<128x16xf32>
    %dot_general3A = arith.constant dense<0.000000e+00> : vector<10000x16xf32>
    %dot_general3A_5 = tpu.matmul %get3A_1, %get3A_4, %dot_general3A {dimension_numbers = #tpu.dot_dimension_numbers<[1], [0], [0], [1], [0, 0, 1, 1], [], []>, transpose_lhs_hint = false} : vector<10000x128xf32>, vector<128x16xf32>, vector<10000x16xf32> -> vector<10000x16xf32>
    %get3A_6 = arith.constant 0 : index
    %get3A_7 = arith.constant 0 : index
    %get3A_8 = vector.load %arg3[%get3A_6, %get3A_7] : memref<1x16xf32, #tpu.memory_space<vmem>>, vector<1x16xf32>
    %add3A = vector.broadcast %get3A_8 : vector<1x16xf32> to vector<10000x16xf32>
    %add3A_9 = arith.addf %dot_general3A_5, %add3A : vector<10000x16xf32>
    %swap3A = arith.constant 0 : index
    %swap3A_10 = arith.constant 0 : index
    %swap3A_11 = vector.load %arg4[%swap3A, %swap3A_10] : memref<10000x16xf32, #tpu.memory_space<vmem>>, vector<10000x16xf32>
    tpu.vector_store %arg4[%swap3A, %swap3A_10], %add3A_9 {strides = array<i32>} : memref<10000x16xf32, #tpu.memory_space<vmem>>, vector<10000x16xf32>,
    return
  }
  func.func @transform_0(%arg0: i32) -> (i32, i32) {
    %c0_i32 = arith.constant 0 : i32
    %c0_i32_0 = arith.constant 0 : i32
    %c0_i32_1 = arith.constant 0 : i32
    return %c0_i32, %c0_i32_0 : i32, i32
  }
  func.func @transform_1(%arg0: i32) -> (i32, i32) {
    %c0_i32 = arith.constant 0 : i32
    %c0_i32_0 = arith.constant 0 : i32
    %c0_i32_1 = arith.constant 0 : i32
    return %c0_i32, %c0_i32_0 : i32, i32
  }
  func.func @transform_2(%arg0: i32) -> (i32, i32) {
    %c0_i32 = arith.constant 0 : i32
    %c0_i32_0 = arith.constant 0 : i32
    %c0_i32_1 = arith.constant 0 : i32
    return %c0_i32, %c0_i32_0 : i32, i32
  }
  func.func @transform_3(%arg0: i32) -> (i32, i32) {
    %c0_i32 = arith.constant 0 : i32
    %c0_i32_0 = arith.constant 0 : i32
    %c0_i32_1 = arith.constant 0 : i32
    return %c0_i32, %c0_i32_0 : i32, i32
  }
}

module attributes {stable_mosaic.version = 14 : i64} {
  func.func @_edge1_body(%arg0: i32, %arg1: memref<1000x128xf32, #tpu.memory_space<vmem>>, %arg2: memref<1000x128xf32, #tpu.memory_space<vmem>>, %arg3: memref<1000x128xf32, #tpu.memory_space<vmem>>, %arg4: memref<3x128x256xf32, #tpu.memory_space<vmem>>, %arg5: memref<1x256xf32, #tpu.memory_space<vmem>>, %arg6: memref<256x128xf32, #tpu.memory_space<vmem>>, %arg7: memref<1x128xf32, #tpu.memory_space<vmem>>, %arg8: memref<1000x128xf32, #tpu.memory_space<vmem>>) attributes {dimension_semantics = [#tpu.dimension_semantics<arbitrary>], iteration_bounds = array<i64: 40>, scalar_prefetch = 0 : i64, scratch_operands = 0 : i64, tpu.core_type = #tpu.core_type<tc>, window_params = [{transform_indices = @transform_0, window_bounds = array<i64: 1000, 128>}, {transform_indices = @transform_1, window_bounds = array<i64: 1000, 128>}, {transform_indices = @transform_2, window_bounds = array<i64: 1000, 128>}, {pipeline_mode = #tpu.pipeline_mode<synchronous>, transform_indices = @transform_3, window_bounds = array<i64: 3, 128, 256>}, {pipeline_mode = #tpu.pipeline_mode<synchronous>, transform_indices = @transform_4, window_bounds = array<i64: 1, 256>}, {pipeline_mode = #tpu.pipeline_mode<synchronous>, transform_indices = @transform_5, window_bounds = array<i64: 256, 128>}, {pipeline_mode = #tpu.pipeline_mode<synchronous>, transform_indices = @transform_6, window_bounds = array<i64: 1, 128>}, {transform_indices = @transform_7, window_bounds = array<i64: 1000, 128>}]} {
    %get3A = arith.constant 0 : index
    %get3A_0 = arith.constant 0 : index
    %get3A_1 = vector.load %arg1[%get3A, %get3A_0] : memref<1000x128xf32, #tpu.memory_space<vmem>>, vector<1000x128xf32>
    %get3A_2 = arith.constant 0 : index
    %get3A_3 = arith.constant 0 : index
    %get3A_4 = arith.constant 0 : index
    %get3A_5 = vector.load %arg4[%get3A_2, %get3A_3, %get3A_4] : memref<3x128x256xf32, #tpu.memory_space<vmem>>, vector<1x128x256xf32>
    %get3A_6 = vector.shape_cast %get3A_5 : vector<1x128x256xf32> to vector<128x256xf32>
    %dot_general3A = arith.constant dense<0.000000e+00> : vector<1000x256xf32>
    %dot_general3A_7 = tpu.matmul %get3A_1, %get3A_6, %dot_general3A {dimension_numbers = #tpu.dot_dimension_numbers<[1], [0], [0], [1], [0, 0, 1, 1], [], []>, transpose_lhs_hint = false} : vector<1000x128xf32>, vector<128x256xf32>, vector<1000x256xf32> -> vector<1000x256xf32>
    %get3A_8 = arith.constant 0 : index
    %get3A_9 = arith.constant 0 : index
    %get3A_10 = vector.load %arg2[%get3A_8, %get3A_9] : memref<1000x128xf32, #tpu.memory_space<vmem>>, vector<1000x128xf32>
    %get3A_11 = arith.constant 1 : index
    %get3A_12 = arith.constant 0 : index
    %get3A_13 = arith.constant 0 : index
    %get3A_14 = vector.load %arg4[%get3A_11, %get3A_12, %get3A_13] : memref<3x128x256xf32, #tpu.memory_space<vmem>>, vector<1x128x256xf32>
    %get3A_15 = vector.shape_cast %get3A_14 : vector<1x128x256xf32> to vector<128x256xf32>
    %dot_general3A_16 = arith.constant dense<0.000000e+00> : vector<1000x256xf32>
    %dot_general3A_17 = tpu.matmul %get3A_10, %get3A_15, %dot_general3A_16 {dimension_numbers = #tpu.dot_dimension_numbers<[1], [0], [0], [1], [0, 0, 1, 1], [], []>, transpose_lhs_hint = false} : vector<1000x128xf32>, vector<128x256xf32>, vector<1000x256xf32> -> vector<1000x256xf32>
    %add3A = arith.addf %dot_general3A_7, %dot_general3A_17 : vector<1000x256xf32>
    %get3A_18 = arith.constant 0 : index
    %get3A_19 = arith.constant 0 : index
    %get3A_20 = vector.load %arg3[%get3A_18, %get3A_19] : memref<1000x128xf32, #tpu.memory_space<vmem>>, vector<1000x128xf32>
    %get3A_21 = arith.constant 2 : index
    %get3A_22 = arith.constant 0 : index
    %get3A_23 = arith.constant 0 : index
    %get3A_24 = vector.load %arg4[%get3A_21, %get3A_22, %get3A_23] : memref<3x128x256xf32, #tpu.memory_space<vmem>>, vector<1x128x256xf32>
    %get3A_25 = vector.shape_cast %get3A_24 : vector<1x128x256xf32> to vector<128x256xf32>
    %dot_general3A_26 = arith.constant dense<0.000000e+00> : vector<1000x256xf32>
    %dot_general3A_27 = tpu.matmul %get3A_20, %get3A_25, %dot_general3A_26 {dimension_numbers = #tpu.dot_dimension_numbers<[1], [0], [0], [1], [0, 0, 1, 1], [], []>, transpose_lhs_hint = false} : vector<1000x128xf32>, vector<128x256xf32>, vector<1000x256xf32> -> vector<1000x256xf32>
    %add3A_28 = arith.addf %add3A, %dot_general3A_27 : vector<1000x256xf32>
    %get3A_29 = arith.constant 0 : index
    %get3A_30 = arith.constant 0 : index
    %get3A_31 = vector.load %arg5[%get3A_29, %get3A_30] : memref<1x256xf32, #tpu.memory_space<vmem>>, vector<1x256xf32>
    %add3A_32 = vector.broadcast %get3A_31 : vector<1x256xf32> to vector<1000x256xf32>
    %add3A_33 = arith.addf %add3A_28, %add3A_32 : vector<1000x256xf32>
    %max3A = arith.constant 0.000000e+00 : f32
    %max3A_34 = vector.broadcast %max3A : f32 to vector<1000x256xf32>
    %max3A_35 = arith.maximumf %add3A_33, %max3A_34 : vector<1000x256xf32>
    %get3A_36 = arith.constant 0 : index
    %get3A_37 = arith.constant 0 : index
    %get3A_38 = vector.load %arg6[%get3A_36, %get3A_37] : memref<256x128xf32, #tpu.memory_space<vmem>>, vector<256x128xf32>
    %dot_general3A_39 = arith.constant dense<0.000000e+00> : vector<1000x128xf32>
    %dot_general3A_40 = tpu.matmul %max3A_35, %get3A_38, %dot_general3A_39 {dimension_numbers = #tpu.dot_dimension_numbers<[1], [0], [0], [1], [0, 0, 1, 1], [], []>, transpose_lhs_hint = false} : vector<1000x256xf32>, vector<256x128xf32>, vector<1000x128xf32> -> vector<1000x128xf32>
    %get3A_41 = arith.constant 0 : index
    %get3A_42 = arith.constant 0 : index
    %get3A_43 = vector.load %arg7[%get3A_41, %get3A_42] : memref<1x128xf32, #tpu.memory_space<vmem>>, vector<1x128xf32>
    %add3A_44 = vector.broadcast %get3A_43 : vector<1x128xf32> to vector<1000x128xf32>
    %add3A_45 = arith.addf %dot_general3A_40, %add3A_44 : vector<1000x128xf32>
    %swap3A = arith.constant 0 : index
    %swap3A_46 = arith.constant 0 : index
    %swap3A_47 = vector.load %arg8[%swap3A, %swap3A_46] : memref<1000x128xf32, #tpu.memory_space<vmem>>, vector<1000x128xf32>
    tpu.vector_store %arg8[%swap3A, %swap3A_46], %add3A_45 {strides = array<i32>} : memref<1000x128xf32, #tpu.memory_space<vmem>>, vector<1000x128xf32>,
    return
  }
  func.func @transform_0(%arg0: i32) -> (i32, i32) {
    %c0_i32 = arith.constant 0 : i32
    %c0_i32_0 = arith.constant 0 : i32
    return %arg0, %c0_i32 : i32, i32
  }
  func.func @transform_1(%arg0: i32) -> (i32, i32) {
    %c0_i32 = arith.constant 0 : i32
    %c0_i32_0 = arith.constant 0 : i32
    return %arg0, %c0_i32 : i32, i32
  }
  func.func @transform_2(%arg0: i32) -> (i32, i32) {
    %c0_i32 = arith.constant 0 : i32
    %c0_i32_0 = arith.constant 0 : i32
    return %arg0, %c0_i32 : i32, i32
  }
  func.func @transform_3(%arg0: i32) -> (i32, i32, i32) {
    %c0_i32 = arith.constant 0 : i32
    %c0_i32_0 = arith.constant 0 : i32
    %c0_i32_1 = arith.constant 0 : i32
    %c0_i32_2 = arith.constant 0 : i32
    return %c0_i32, %c0_i32_0, %c0_i32_1 : i32, i32, i32
  }
  func.func @transform_4(%arg0: i32) -> (i32, i32) {
    %c0_i32 = arith.constant 0 : i32
    %c0_i32_0 = arith.constant 0 : i32
    %c0_i32_1 = arith.constant 0 : i32
    return %c0_i32, %c0_i32_0 : i32, i32
  }
  func.func @transform_5(%arg0: i32) -> (i32, i32) {
    %c0_i32 = arith.constant 0 : i32
    %c0_i32_0 = arith.constant 0 : i32
    %c0_i32_1 = arith.constant 0 : i32
    return %c0_i32, %c0_i32_0 : i32, i32
  }
  func.func @transform_6(%arg0: i32) -> (i32, i32) {
    %c0_i32 = arith.constant 0 : i32
    %c0_i32_0 = arith.constant 0 : i32
    %c0_i32_1 = arith.constant 0 : i32
    return %c0_i32, %c0_i32_0 : i32, i32
  }
  func.func @transform_7(%arg0: i32) -> (i32, i32) {
    %c0_i32 = arith.constant 0 : i32
    %c0_i32_0 = arith.constant 0 : i32
    return %arg0, %c0_i32 : i32, i32
  }
}

module attributes {stable_mosaic.version = 14 : i64} {
  func.func @_node1_body(%arg0: i32, %arg1: memref<10000x16xf32, #tpu.memory_space<vmem>>, %arg2: memref<2x10000x16xf32, #tpu.memory_space<vmem>>, %arg3: memref<16x32xf32, #tpu.memory_space<vmem>>, %arg4: memref<16x32xf32, #tpu.memory_space<vmem>>, %arg5: memref<1x32xf32, #tpu.memory_space<vmem>>, %arg6: memref<32x16xf32, #tpu.memory_space<vmem>>, %arg7: memref<1x16xf32, #tpu.memory_space<vmem>>, %arg8: memref<1x16xf32, #tpu.memory_space<vmem>>, %arg9: memref<1x16xf32, #tpu.memory_space<vmem>>, %arg10: memref<10000x16xf32, #tpu.memory_space<vmem>>) attributes {dimension_semantics = [#tpu.dimension_semantics<arbitrary>], iteration_bounds = array<i64: 1>, scalar_prefetch = 0 : i64, scratch_operands = 0 : i64, tpu.core_type = #tpu.core_type<tc>, window_params = [{pipeline_mode = #tpu.pipeline_mode<synchronous>, transform_indices = @transform_0, window_bounds = array<i64: 10000, 16>}, {pipeline_mode = #tpu.pipeline_mode<synchronous>, transform_indices = @transform_1, window_bounds = array<i64: 2, 10000, 16>}, {pipeline_mode = #tpu.pipeline_mode<synchronous>, transform_indices = @transform_2, window_bounds = array<i64: 16, 32>}, {pipeline_mode = #tpu.pipeline_mode<synchronous>, transform_indices = @transform_3, window_bounds = array<i64: 16, 32>}, {pipeline_mode = #tpu.pipeline_mode<synchronous>, transform_indices = @transform_4, window_bounds = array<i64: 1, 32>}, {pipeline_mode = #tpu.pipeline_mode<synchronous>, transform_indices = @transform_5, window_bounds = array<i64: 32, 16>}, {pipeline_mode = #tpu.pipeline_mode<synchronous>, transform_indices = @transform_6, window_bounds = array<i64: 1, 16>}, {pipeline_mode = #tpu.pipeline_mode<synchronous>, transform_indices = @transform_7, window_bounds = array<i64: 1, 16>}, {pipeline_mode = #tpu.pipeline_mode<synchronous>, transform_indices = @transform_8, window_bounds = array<i64: 1, 16>}, {pipeline_mode = #tpu.pipeline_mode<synchronous>, transform_indices = @transform_9, window_bounds = array<i64: 10000, 16>}]} {
    %get3A = arith.constant 0 : index
    %get3A_0 = arith.constant 0 : index
    %get3A_1 = vector.load %arg1[%get3A, %get3A_0] : memref<10000x16xf32, #tpu.memory_space<vmem>>, vector<10000x16xf32>
    %get3A_2 = arith.constant 0 : index
    %get3A_3 = arith.constant 0 : index
    %get3A_4 = arith.constant 0 : index
    %get3A_5 = vector.load %arg2[%get3A_2, %get3A_3, %get3A_4] : memref<2x10000x16xf32, #tpu.memory_space<vmem>>, vector<1x10000x16xf32>
    %get3A_6 = vector.shape_cast %get3A_5 : vector<1x10000x16xf32> to vector<10000x16xf32>
    %get3A_7 = arith.constant 1 : index
    %get3A_8 = arith.constant 0 : index
    %get3A_9 = arith.constant 0 : index
    %get3A_10 = vector.load %arg2[%get3A_7, %get3A_8, %get3A_9] : memref<2x10000x16xf32, #tpu.memory_space<vmem>>, vector<1x10000x16xf32>
    %get3A_11 = vector.shape_cast %get3A_10 : vector<1x10000x16xf32> to vector<10000x16xf32>
    %add3A = arith.addf %get3A_6, %get3A_11 : vector<10000x16xf32>
    %get3A_12 = arith.constant 0 : index
    %get3A_13 = arith.constant 0 : index
    %get3A_14 = vector.load %arg3[%get3A_12, %get3A_13] : memref<16x32xf32, #tpu.memory_space<vmem>>, vector<16x32xf32>
    %dot_general3A = arith.constant dense<0.000000e+00> : vector<10000x32xf32>
    %dot_general3A_15 = tpu.matmul %get3A_1, %get3A_14, %dot_general3A {dimension_numbers = #tpu.dot_dimension_numbers<[1], [0], [0], [1], [0, 0, 1, 1], [], []>, transpose_lhs_hint = false} : vector<10000x16xf32>, vector<16x32xf32>, vector<10000x32xf32> -> vector<10000x32xf32>
    %get3A_16 = arith.constant 0 : index
    %get3A_17 = arith.constant 0 : index
    %get3A_18 = vector.load %arg4[%get3A_16, %get3A_17] : memref<16x32xf32, #tpu.memory_space<vmem>>, vector<16x32xf32>
    %dot_general3A_19 = arith.constant dense<0.000000e+00> : vector<10000x32xf32>
    %dot_general3A_20 = tpu.matmul %add3A, %get3A_18, %dot_general3A_19 {dimension_numbers = #tpu.dot_dimension_numbers<[1], [0], [0], [1], [0, 0, 1, 1], [], []>, transpose_lhs_hint = false} : vector<10000x16xf32>, vector<16x32xf32>, vector<10000x32xf32> -> vector<10000x32xf32>
    %add3A_21 = arith.addf %dot_general3A_15, %dot_general3A_20 : vector<10000x32xf32>
    %get3A_22 = arith.constant 0 : index
    %get3A_23 = arith.constant 0 : index
    %get3A_24 = vector.load %arg5[%get3A_22, %get3A_23] : memref<1x32xf32, #tpu.memory_space<vmem>>, vector<1x32xf32>
    %add3A_25 = vector.broadcast %get3A_24 : vector<1x32xf32> to vector<10000x32xf32>
    %add3A_26 = arith.addf %add3A_21, %add3A_25 : vector<10000x32xf32>
    %max3A = arith.constant 0.000000e+00 : f32
    %max3A_27 = vector.broadcast %max3A : f32 to vector<10000x32xf32>
    %max3A_28 = arith.maximumf %add3A_26, %max3A_27 : vector<10000x32xf32>
    %get3A_29 = arith.constant 0 : index
    %get3A_30 = arith.constant 0 : index
    %get3A_31 = vector.load %arg6[%get3A_29, %get3A_30] : memref<32x16xf32, #tpu.memory_space<vmem>>, vector<32x16xf32>
    %dot_general3A_32 = arith.constant dense<0.000000e+00> : vector<10000x16xf32>
    %dot_general3A_33 = tpu.matmul %max3A_28, %get3A_31, %dot_general3A_32 {dimension_numbers = #tpu.dot_dimension_numbers<[1], [0], [0], [1], [0, 0, 1, 1], [], []>, transpose_lhs_hint = false} : vector<10000x32xf32>, vector<32x16xf32>, vector<10000x16xf32> -> vector<10000x16xf32>
    %add3A_34 = arith.addf %get3A_1, %dot_general3A_33 : vector<10000x16xf32>
    %get3A_35 = arith.constant 0 : index
    %get3A_36 = arith.constant 0 : index
    %get3A_37 = vector.load %arg7[%get3A_35, %get3A_36] : memref<1x16xf32, #tpu.memory_space<vmem>>, vector<1x16xf32>
    %add3A_38 = vector.broadcast %get3A_37 : vector<1x16xf32> to vector<10000x16xf32>
    %add3A_39 = arith.addf %add3A_34, %add3A_38 : vector<10000x16xf32>
    %get3A_40 = arith.constant 0 : index
    %get3A_41 = arith.constant 0 : index
    %get3A_42 = vector.load %arg8[%get3A_40, %get3A_41] : memref<1x16xf32, #tpu.memory_space<vmem>>, vector<1x16xf32>
    %get3A_43 = arith.constant 0 : index
    %get3A_44 = arith.constant 0 : index
    %get3A_45 = vector.load %arg9[%get3A_43, %get3A_44] : memref<1x16xf32, #tpu.memory_space<vmem>>, vector<1x16xf32>
    %reduce_sum3A = arith.constant dense<0.000000e+00> : vector<10000xf32>
    %reduce_sum3A_46 = vector.multi_reduction <add>, %add3A_39, %reduce_sum3A [1] : vector<10000x16xf32> to vector<10000xf32>
    %broadcast_in_dim3A = vector.shape_cast %reduce_sum3A_46 : vector<10000xf32> to vector<10000x1xf32>
    %div3A = arith.constant 1.600000e+01 : f32
    %div3A_47 = vector.broadcast %div3A : f32 to vector<10000x1xf32>
    %div3A_48 = arith.divf %broadcast_in_dim3A, %div3A_47 : vector<10000x1xf32>
    %sub3A = vector.broadcast %div3A_48 : vector<10000x1xf32> to vector<10000x16xf32>
    %sub3A_49 = arith.subf %add3A_39, %sub3A : vector<10000x16xf32>
    %sub3A_50 = vector.broadcast %div3A_48 : vector<10000x1xf32> to vector<10000x16xf32>
    %sub3A_51 = arith.subf %add3A_39, %sub3A_50 : vector<10000x16xf32>
    %mul3A = arith.mulf %sub3A_49, %sub3A_51 : vector<10000x16xf32>
    %reduce_sum3A_52 = arith.constant dense<0.000000e+00> : vector<10000xf32>
    %reduce_sum3A_53 = vector.multi_reduction <add>, %mul3A, %reduce_sum3A_52 [1] : vector<10000x16xf32> to vector<10000xf32>
    %broadcast_in_dim3A_54 = vector.shape_cast %reduce_sum3A_53 : vector<10000xf32> to vector<10000x1xf32>
    %div3A_55 = arith.constant 1.600000e+01 : f32
    %div3A_56 = vector.broadcast %div3A_55 : f32 to vector<10000x1xf32>
    %div3A_57 = arith.divf %broadcast_in_dim3A_54, %div3A_56 : vector<10000x1xf32>
    %sub3A_58 = vector.broadcast %div3A_48 : vector<10000x1xf32> to vector<10000x16xf32>
    %sub3A_59 = arith.subf %add3A_39, %sub3A_58 : vector<10000x16xf32>
    %add3A_60 = arith.constant 9.99999997E-7 : f32
    %add3A_61 = vector.broadcast %add3A_60 : f32 to vector<10000x1xf32>
    %add3A_62 = arith.addf %div3A_57, %add3A_61 : vector<10000x1xf32>
    %sqrt3A = math.sqrt %add3A_62 : vector<10000x1xf32>
    %div3A_63 = vector.broadcast %sqrt3A : vector<10000x1xf32> to vector<10000x16xf32>
    %div3A_64 = arith.divf %sub3A_59, %div3A_63 : vector<10000x16xf32>
    %mul3A_65 = vector.broadcast %get3A_42 : vector<1x16xf32> to vector<10000x16xf32>
    %mul3A_66 = arith.mulf %div3A_64, %mul3A_65 : vector<10000x16xf32>
    %add3A_67 = vector.broadcast %get3A_45 : vector<1x16xf32> to vector<10000x16xf32>
    %add3A_68 = arith.addf %mul3A_66, %add3A_67 : vector<10000x16xf32>
    %swap3A = arith.constant 0 : index
    %swap3A_69 = arith.constant 0 : index
    %swap3A_70 = vector.load %arg10[%swap3A, %swap3A_69] : memref<10000x16xf32, #tpu.memory_space<vmem>>, vector<10000x16xf32>
    tpu.vector_store %arg10[%swap3A, %swap3A_69], %add3A_68 {strides = array<i32>} : memref<10000x16xf32, #tpu.memory_space<vmem>>, vector<10000x16xf32>,
    return
  }
  func.func @transform_0(%arg0: i32) -> (i32, i32) {
    %c0_i32 = arith.constant 0 : i32
    %c0_i32_0 = arith.constant 0 : i32
    %c0_i32_1 = arith.constant 0 : i32
    return %c0_i32, %c0_i32_0 : i32, i32
  }
  func.func @transform_1(%arg0: i32) -> (i32, i32, i32) {
    %c0_i32 = arith.constant 0 : i32
    %c0_i32_0 = arith.constant 0 : i32
    %c0_i32_1 = arith.constant 0 : i32
    %c0_i32_2 = arith.constant 0 : i32
    return %c0_i32, %c0_i32_0, %c0_i32_1 : i32, i32, i32
  }
  func.func @transform_2(%arg0: i32) -> (i32, i32) {
    %c0_i32 = arith.constant 0 : i32
    %c0_i32_0 = arith.constant 0 : i32
    %c0_i32_1 = arith.constant 0 : i32
    return %c0_i32, %c0_i32_0 : i32, i32
  }
  func.func @transform_3(%arg0: i32) -> (i32, i32) {
    %c0_i32 = arith.constant 0 : i32
    %c0_i32_0 = arith.constant 0 : i32
    %c0_i32_1 = arith.constant 0 : i32
    return %c0_i32, %c0_i32_0 : i32, i32
  }
  func.func @transform_4(%arg0: i32) -> (i32, i32) {
    %c0_i32 = arith.constant 0 : i32
    %c0_i32_0 = arith.constant 0 : i32
    %c0_i32_1 = arith.constant 0 : i32
    return %c0_i32, %c0_i32_0 : i32, i32
  }
  func.func @transform_5(%arg0: i32) -> (i32, i32) {
    %c0_i32 = arith.constant 0 : i32
    %c0_i32_0 = arith.constant 0 : i32
    %c0_i32_1 = arith.constant 0 : i32
    return %c0_i32, %c0_i32_0 : i32, i32
  }
  func.func @transform_6(%arg0: i32) -> (i32, i32) {
    %c0_i32 = arith.constant 0 : i32
    %c0_i32_0 = arith.constant 0 : i32
    %c0_i32_1 = arith.constant 0 : i32
    return %c0_i32, %c0_i32_0 : i32, i32
  }
  func.func @transform_7(%arg0: i32) -> (i32, i32) {
    %c0_i32 = arith.constant 0 : i32
    %c0_i32_0 = arith.constant 0 : i32
    %c0_i32_1 = arith.constant 0 : i32
    return %c0_i32, %c0_i32_0 : i32, i32
  }
  func.func @transform_8(%arg0: i32) -> (i32, i32) {
    %c0_i32 = arith.constant 0 : i32
    %c0_i32_0 = arith.constant 0 : i32
    %c0_i32_1 = arith.constant 0 : i32
    return %c0_i32, %c0_i32_0 : i32, i32
  }
  func.func @transform_9(%arg0: i32) -> (i32, i32) {
    %c0_i32 = arith.constant 0 : i32
    %c0_i32_0 = arith.constant 0 : i32
    %c0_i32_1 = arith.constant 0 : i32
    return %c0_i32, %c0_i32_0 : i32, i32
  }
}

module attributes {stable_mosaic.version = 14 : i64} {
  func.func @_edge2_body(%arg0: i32, %arg1: memref<1000x128xf32, #tpu.memory_space<vmem>>, %arg2: memref<1000x128xf32, #tpu.memory_space<vmem>>, %arg3: memref<1000x128xf32, #tpu.memory_space<vmem>>, %arg4: memref<1000x128xf32, #tpu.memory_space<vmem>>, %arg5: memref<3x128x256xf32, #tpu.memory_space<vmem>>, %arg6: memref<1x256xf32, #tpu.memory_space<vmem>>, %arg7: memref<256x128xf32, #tpu.memory_space<vmem>>, %arg8: memref<1x128xf32, #tpu.memory_space<vmem>>, %arg9: memref<1000x128xf32, #tpu.memory_space<vmem>>) attributes {dimension_semantics = [#tpu.dimension_semantics<arbitrary>], iteration_bounds = array<i64: 40>, scalar_prefetch = 0 : i64, scratch_operands = 0 : i64, tpu.core_type = #tpu.core_type<tc>, window_params = [{transform_indices = @transform_0, window_bounds = array<i64: 1000, 128>}, {transform_indices = @transform_1, window_bounds = array<i64: 1000, 128>}, {transform_indices = @transform_2, window_bounds = array<i64: 1000, 128>}, {transform_indices = @transform_3, window_bounds = array<i64: 1000, 128>}, {pipeline_mode = #tpu.pipeline_mode<synchronous>, transform_indices = @transform_4, window_bounds = array<i64: 3, 128, 256>}, {pipeline_mode = #tpu.pipeline_mode<synchronous>, transform_indices = @transform_5, window_bounds = array<i64: 1, 256>}, {pipeline_mode = #tpu.pipeline_mode<synchronous>, transform_indices = @transform_6, window_bounds = array<i64: 256, 128>}, {pipeline_mode = #tpu.pipeline_mode<synchronous>, transform_indices = @transform_7, window_bounds = array<i64: 1, 128>}, {transform_indices = @transform_8, window_bounds = array<i64: 1000, 128>}]} {
    %get3A = arith.constant 0 : index
    %get3A_0 = arith.constant 0 : index
    %get3A_1 = vector.load %arg1[%get3A, %get3A_0] : memref<1000x128xf32, #tpu.memory_space<vmem>>, vector<1000x128xf32>
    %get3A_2 = arith.constant 0 : index
    %get3A_3 = arith.constant 0 : index
    %get3A_4 = vector.load %arg2[%get3A_2, %get3A_3] : memref<1000x128xf32, #tpu.memory_space<vmem>>, vector<1000x128xf32>
    %add3A = arith.addf %get3A_1, %get3A_4 : vector<1000x128xf32>
    %get3A_5 = arith.constant 0 : index
    %get3A_6 = arith.constant 0 : index
    %get3A_7 = arith.constant 0 : index
    %get3A_8 = vector.load %arg5[%get3A_5, %get3A_6, %get3A_7] : memref<3x128x256xf32, #tpu.memory_space<vmem>>, vector<1x128x256xf32>
    %get3A_9 = vector.shape_cast %get3A_8 : vector<1x128x256xf32> to vector<128x256xf32>
    %dot_general3A = arith.constant dense<0.000000e+00> : vector<1000x256xf32>
    %dot_general3A_10 = tpu.matmul %add3A, %get3A_9, %dot_general3A {dimension_numbers = #tpu.dot_dimension_numbers<[1], [0], [0], [1], [0, 0, 1, 1], [], []>, transpose_lhs_hint = false} : vector<1000x128xf32>, vector<128x256xf32>, vector<1000x256xf32> -> vector<1000x256xf32>
    %get3A_11 = arith.constant 0 : index
    %get3A_12 = arith.constant 0 : index
    %get3A_13 = vector.load %arg3[%get3A_11, %get3A_12] : memref<1000x128xf32, #tpu.memory_space<vmem>>, vector<1000x128xf32>
    %get3A_14 = arith.constant 1 : index
    %get3A_15 = arith.constant 0 : index
    %get3A_16 = arith.constant 0 : index
    %get3A_17 = vector.load %arg5[%get3A_14, %get3A_15, %get3A_16] : memref<3x128x256xf32, #tpu.memory_space<vmem>>, vector<1x128x256xf32>
    %get3A_18 = vector.shape_cast %get3A_17 : vector<1x128x256xf32> to vector<128x256xf32>
    %dot_general3A_19 = arith.constant dense<0.000000e+00> : vector<1000x256xf32>
    %dot_general3A_20 = tpu.matmul %get3A_13, %get3A_18, %dot_general3A_19 {dimension_numbers = #tpu.dot_dimension_numbers<[1], [0], [0], [1], [0, 0, 1, 1], [], []>, transpose_lhs_hint = false} : vector<1000x128xf32>, vector<128x256xf32>, vector<1000x256xf32> -> vector<1000x256xf32>
    %add3A_21 = arith.addf %dot_general3A_10, %dot_general3A_20 : vector<1000x256xf32>
    %get3A_22 = arith.constant 0 : index
    %get3A_23 = arith.constant 0 : index
    %get3A_24 = vector.load %arg4[%get3A_22, %get3A_23] : memref<1000x128xf32, #tpu.memory_space<vmem>>, vector<1000x128xf32>
    %get3A_25 = arith.constant 2 : index
    %get3A_26 = arith.constant 0 : index
    %get3A_27 = arith.constant 0 : index
    %get3A_28 = vector.load %arg5[%get3A_25, %get3A_26, %get3A_27] : memref<3x128x256xf32, #tpu.memory_space<vmem>>, vector<1x128x256xf32>
    %get3A_29 = vector.shape_cast %get3A_28 : vector<1x128x256xf32> to vector<128x256xf32>
    %dot_general3A_30 = arith.constant dense<0.000000e+00> : vector<1000x256xf32>
    %dot_general3A_31 = tpu.matmul %get3A_24, %get3A_29, %dot_general3A_30 {dimension_numbers = #tpu.dot_dimension_numbers<[1], [0], [0], [1], [0, 0, 1, 1], [], []>, transpose_lhs_hint = false} : vector<1000x128xf32>, vector<128x256xf32>, vector<1000x256xf32> -> vector<1000x256xf32>
    %add3A_32 = arith.addf %add3A_21, %dot_general3A_31 : vector<1000x256xf32>
    %get3A_33 = arith.constant 0 : index
    %get3A_34 = arith.constant 0 : index
    %get3A_35 = vector.load %arg6[%get3A_33, %get3A_34] : memref<1x256xf32, #tpu.memory_space<vmem>>, vector<1x256xf32>
    %add3A_36 = vector.broadcast %get3A_35 : vector<1x256xf32> to vector<1000x256xf32>
    %add3A_37 = arith.addf %add3A_32, %add3A_36 : vector<1000x256xf32>
    %max3A = arith.constant 0.000000e+00 : f32
    %max3A_38 = vector.broadcast %max3A : f32 to vector<1000x256xf32>
    %max3A_39 = arith.maximumf %add3A_37, %max3A_38 : vector<1000x256xf32>
    %get3A_40 = arith.constant 0 : index
    %get3A_41 = arith.constant 0 : index
    %get3A_42 = vector.load %arg7[%get3A_40, %get3A_41] : memref<256x128xf32, #tpu.memory_space<vmem>>, vector<256x128xf32>
    %dot_general3A_43 = arith.constant dense<0.000000e+00> : vector<1000x128xf32>
    %dot_general3A_44 = tpu.matmul %max3A_39, %get3A_42, %dot_general3A_43 {dimension_numbers = #tpu.dot_dimension_numbers<[1], [0], [0], [1], [0, 0, 1, 1], [], []>, transpose_lhs_hint = false} : vector<1000x256xf32>, vector<256x128xf32>, vector<1000x128xf32> -> vector<1000x128xf32>
    %get3A_45 = arith.constant 0 : index
    %get3A_46 = arith.constant 0 : index
    %get3A_47 = vector.load %arg8[%get3A_45, %get3A_46] : memref<1x128xf32, #tpu.memory_space<vmem>>, vector<1x128xf32>
    %add3A_48 = vector.broadcast %get3A_47 : vector<1x128xf32> to vector<1000x128xf32>
    %add3A_49 = arith.addf %dot_general3A_44, %add3A_48 : vector<1000x128xf32>
    %swap3A = arith.constant 0 : index
    %swap3A_50 = arith.constant 0 : index
    %swap3A_51 = vector.load %arg9[%swap3A, %swap3A_50] : memref<1000x128xf32, #tpu.memory_space<vmem>>, vector<1000x128xf32>
    tpu.vector_store %arg9[%swap3A, %swap3A_50], %add3A_49 {strides = array<i32>} : memref<1000x128xf32, #tpu.memory_space<vmem>>, vector<1000x128xf32>,
    return
  }
  func.func @transform_0(%arg0: i32) -> (i32, i32) {
    %c0_i32 = arith.constant 0 : i32
    %c0_i32_0 = arith.constant 0 : i32
    return %arg0, %c0_i32 : i32, i32
  }
  func.func @transform_1(%arg0: i32) -> (i32, i32) {
    %c0_i32 = arith.constant 0 : i32
    %c0_i32_0 = arith.constant 0 : i32
    return %arg0, %c0_i32 : i32, i32
  }
  func.func @transform_2(%arg0: i32) -> (i32, i32) {
    %c0_i32 = arith.constant 0 : i32
    %c0_i32_0 = arith.constant 0 : i32
    return %arg0, %c0_i32 : i32, i32
  }
  func.func @transform_3(%arg0: i32) -> (i32, i32) {
    %c0_i32 = arith.constant 0 : i32
    %c0_i32_0 = arith.constant 0 : i32
    return %arg0, %c0_i32 : i32, i32
  }
  func.func @transform_4(%arg0: i32) -> (i32, i32, i32) {
    %c0_i32 = arith.constant 0 : i32
    %c0_i32_0 = arith.constant 0 : i32
    %c0_i32_1 = arith.constant 0 : i32
    %c0_i32_2 = arith.constant 0 : i32
    return %c0_i32, %c0_i32_0, %c0_i32_1 : i32, i32, i32
  }
  func.func @transform_5(%arg0: i32) -> (i32, i32) {
    %c0_i32 = arith.constant 0 : i32
    %c0_i32_0 = arith.constant 0 : i32
    %c0_i32_1 = arith.constant 0 : i32
    return %c0_i32, %c0_i32_0 : i32, i32
  }
  func.func @transform_6(%arg0: i32) -> (i32, i32) {
    %c0_i32 = arith.constant 0 : i32
    %c0_i32_0 = arith.constant 0 : i32
    %c0_i32_1 = arith.constant 0 : i32
    return %c0_i32, %c0_i32_0 : i32, i32
  }
  func.func @transform_7(%arg0: i32) -> (i32, i32) {
    %c0_i32 = arith.constant 0 : i32
    %c0_i32_0 = arith.constant 0 : i32
    %c0_i32_1 = arith.constant 0 : i32
    return %c0_i32, %c0_i32_0 : i32, i32
  }
  func.func @transform_8(%arg0: i32) -> (i32, i32) {
    %c0_i32 = arith.constant 0 : i32
    %c0_i32_0 = arith.constant 0 : i32
    return %arg0, %c0_i32 : i32, i32
  }
}

module attributes {stable_mosaic.version = 14 : i64} {
  func.func @_node2_body(%arg0: i32, %arg1: memref<10000x16xf32, #tpu.memory_space<vmem>>, %arg2: memref<2x10000x16xf32, #tpu.memory_space<vmem>>, %arg3: memref<16x32xf32, #tpu.memory_space<vmem>>, %arg4: memref<16x32xf32, #tpu.memory_space<vmem>>, %arg5: memref<1x32xf32, #tpu.memory_space<vmem>>, %arg6: memref<32x16xf32, #tpu.memory_space<vmem>>, %arg7: memref<1x16xf32, #tpu.memory_space<vmem>>, %arg8: memref<1x16xf32, #tpu.memory_space<vmem>>, %arg9: memref<1x16xf32, #tpu.memory_space<vmem>>, %arg10: memref<16x128xf32, #tpu.memory_space<vmem>>, %arg11: memref<1x128xf32, #tpu.memory_space<vmem>>, %arg12: memref<10000x128xf32, #tpu.memory_space<vmem>>) attributes {dimension_semantics = [#tpu.dimension_semantics<arbitrary>], iteration_bounds = array<i64: 1>, scalar_prefetch = 0 : i64, scratch_operands = 0 : i64, tpu.core_type = #tpu.core_type<tc>, window_params = [{pipeline_mode = #tpu.pipeline_mode<synchronous>, transform_indices = @transform_0, window_bounds = array<i64: 10000, 16>}, {pipeline_mode = #tpu.pipeline_mode<synchronous>, transform_indices = @transform_1, window_bounds = array<i64: 2, 10000, 16>}, {pipeline_mode = #tpu.pipeline_mode<synchronous>, transform_indices = @transform_2, window_bounds = array<i64: 16, 32>}, {pipeline_mode = #tpu.pipeline_mode<synchronous>, transform_indices = @transform_3, window_bounds = array<i64: 16, 32>}, {pipeline_mode = #tpu.pipeline_mode<synchronous>, transform_indices = @transform_4, window_bounds = array<i64: 1, 32>}, {pipeline_mode = #tpu.pipeline_mode<synchronous>, transform_indices = @transform_5, window_bounds = array<i64: 32, 16>}, {pipeline_mode = #tpu.pipeline_mode<synchronous>, transform_indices = @transform_6, window_bounds = array<i64: 1, 16>}, {pipeline_mode = #tpu.pipeline_mode<synchronous>, transform_indices = @transform_7, window_bounds = array<i64: 1, 16>}, {pipeline_mode = #tpu.pipeline_mode<synchronous>, transform_indices = @transform_8, window_bounds = array<i64: 1, 16>}, {pipeline_mode = #tpu.pipeline_mode<synchronous>, transform_indices = @transform_9, window_bounds = array<i64: 16, 128>}, {pipeline_mode = #tpu.pipeline_mode<synchronous>, transform_indices = @transform_10, window_bounds = array<i64: 1, 128>}, {pipeline_mode = #tpu.pipeline_mode<synchronous>, transform_indices = @transform_11, window_bounds = array<i64: 10000, 128>}]} {
    %get3A = arith.constant 0 : index
    %get3A_0 = arith.constant 0 : index
    %get3A_1 = vector.load %arg1[%get3A, %get3A_0] : memref<10000x16xf32, #tpu.memory_space<vmem>>, vector<10000x16xf32>
    %get3A_2 = arith.constant 0 : index
    %get3A_3 = arith.constant 0 : index
    %get3A_4 = arith.constant 0 : index
    %get3A_5 = vector.load %arg2[%get3A_2, %get3A_3, %get3A_4] : memref<2x10000x16xf32, #tpu.memory_space<vmem>>, vector<1x10000x16xf32>
    %get3A_6 = vector.shape_cast %get3A_5 : vector<1x10000x16xf32> to vector<10000x16xf32>
    %get3A_7 = arith.constant 1 : index
    %get3A_8 = arith.constant 0 : index
    %get3A_9 = arith.constant 0 : index
    %get3A_10 = vector.load %arg2[%get3A_7, %get3A_8, %get3A_9] : memref<2x10000x16xf32, #tpu.memory_space<vmem>>, vector<1x10000x16xf32>
    %get3A_11 = vector.shape_cast %get3A_10 : vector<1x10000x16xf32> to vector<10000x16xf32>
    %add3A = arith.addf %get3A_6, %get3A_11 : vector<10000x16xf32>
    %get3A_12 = arith.constant 0 : index
    %get3A_13 = arith.constant 0 : index
    %get3A_14 = vector.load %arg3[%get3A_12, %get3A_13] : memref<16x32xf32, #tpu.memory_space<vmem>>, vector<16x32xf32>
    %dot_general3A = arith.constant dense<0.000000e+00> : vector<10000x32xf32>
    %dot_general3A_15 = tpu.matmul %get3A_1, %get3A_14, %dot_general3A {dimension_numbers = #tpu.dot_dimension_numbers<[1], [0], [0], [1], [0, 0, 1, 1], [], []>, transpose_lhs_hint = false} : vector<10000x16xf32>, vector<16x32xf32>, vector<10000x32xf32> -> vector<10000x32xf32>
    %get3A_16 = arith.constant 0 : index
    %get3A_17 = arith.constant 0 : index
    %get3A_18 = vector.load %arg4[%get3A_16, %get3A_17] : memref<16x32xf32, #tpu.memory_space<vmem>>, vector<16x32xf32>
    %dot_general3A_19 = arith.constant dense<0.000000e+00> : vector<10000x32xf32>
    %dot_general3A_20 = tpu.matmul %add3A, %get3A_18, %dot_general3A_19 {dimension_numbers = #tpu.dot_dimension_numbers<[1], [0], [0], [1], [0, 0, 1, 1], [], []>, transpose_lhs_hint = false} : vector<10000x16xf32>, vector<16x32xf32>, vector<10000x32xf32> -> vector<10000x32xf32>
    %add3A_21 = arith.addf %dot_general3A_15, %dot_general3A_20 : vector<10000x32xf32>
    %get3A_22 = arith.constant 0 : index
    %get3A_23 = arith.constant 0 : index
    %get3A_24 = vector.load %arg5[%get3A_22, %get3A_23] : memref<1x32xf32, #tpu.memory_space<vmem>>, vector<1x32xf32>
    %add3A_25 = vector.broadcast %get3A_24 : vector<1x32xf32> to vector<10000x32xf32>
    %add3A_26 = arith.addf %add3A_21, %add3A_25 : vector<10000x32xf32>
    %max3A = arith.constant 0.000000e+00 : f32
    %max3A_27 = vector.broadcast %max3A : f32 to vector<10000x32xf32>
    %max3A_28 = arith.maximumf %add3A_26, %max3A_27 : vector<10000x32xf32>
    %get3A_29 = arith.constant 0 : index
    %get3A_30 = arith.constant 0 : index
    %get3A_31 = vector.load %arg6[%get3A_29, %get3A_30] : memref<32x16xf32, #tpu.memory_space<vmem>>, vector<32x16xf32>
    %dot_general3A_32 = arith.constant dense<0.000000e+00> : vector<10000x16xf32>
    %dot_general3A_33 = tpu.matmul %max3A_28, %get3A_31, %dot_general3A_32 {dimension_numbers = #tpu.dot_dimension_numbers<[1], [0], [0], [1], [0, 0, 1, 1], [], []>, transpose_lhs_hint = false} : vector<10000x32xf32>, vector<32x16xf32>, vector<10000x16xf32> -> vector<10000x16xf32>
    %add3A_34 = arith.addf %get3A_1, %dot_general3A_33 : vector<10000x16xf32>
    %get3A_35 = arith.constant 0 : index
    %get3A_36 = arith.constant 0 : index
    %get3A_37 = vector.load %arg7[%get3A_35, %get3A_36] : memref<1x16xf32, #tpu.memory_space<vmem>>, vector<1x16xf32>
    %add3A_38 = vector.broadcast %get3A_37 : vector<1x16xf32> to vector<10000x16xf32>
    %add3A_39 = arith.addf %add3A_34, %add3A_38 : vector<10000x16xf32>
    %get3A_40 = arith.constant 0 : index
    %get3A_41 = arith.constant 0 : index
    %get3A_42 = vector.load %arg8[%get3A_40, %get3A_41] : memref<1x16xf32, #tpu.memory_space<vmem>>, vector<1x16xf32>
    %get3A_43 = arith.constant 0 : index
    %get3A_44 = arith.constant 0 : index
    %get3A_45 = vector.load %arg9[%get3A_43, %get3A_44] : memref<1x16xf32, #tpu.memory_space<vmem>>, vector<1x16xf32>
    %reduce_sum3A = arith.constant dense<0.000000e+00> : vector<10000xf32>
    %reduce_sum3A_46 = vector.multi_reduction <add>, %add3A_39, %reduce_sum3A [1] : vector<10000x16xf32> to vector<10000xf32>
    %broadcast_in_dim3A = vector.shape_cast %reduce_sum3A_46 : vector<10000xf32> to vector<10000x1xf32>
    %div3A = arith.constant 1.600000e+01 : f32
    %div3A_47 = vector.broadcast %div3A : f32 to vector<10000x1xf32>
    %div3A_48 = arith.divf %broadcast_in_dim3A, %div3A_47 : vector<10000x1xf32>
    %sub3A = vector.broadcast %div3A_48 : vector<10000x1xf32> to vector<10000x16xf32>
    %sub3A_49 = arith.subf %add3A_39, %sub3A : vector<10000x16xf32>
    %sub3A_50 = vector.broadcast %div3A_48 : vector<10000x1xf32> to vector<10000x16xf32>
    %sub3A_51 = arith.subf %add3A_39, %sub3A_50 : vector<10000x16xf32>
    %mul3A = arith.mulf %sub3A_49, %sub3A_51 : vector<10000x16xf32>
    %reduce_sum3A_52 = arith.constant dense<0.000000e+00> : vector<10000xf32>
    %reduce_sum3A_53 = vector.multi_reduction <add>, %mul3A, %reduce_sum3A_52 [1] : vector<10000x16xf32> to vector<10000xf32>
    %broadcast_in_dim3A_54 = vector.shape_cast %reduce_sum3A_53 : vector<10000xf32> to vector<10000x1xf32>
    %div3A_55 = arith.constant 1.600000e+01 : f32
    %div3A_56 = vector.broadcast %div3A_55 : f32 to vector<10000x1xf32>
    %div3A_57 = arith.divf %broadcast_in_dim3A_54, %div3A_56 : vector<10000x1xf32>
    %sub3A_58 = vector.broadcast %div3A_48 : vector<10000x1xf32> to vector<10000x16xf32>
    %sub3A_59 = arith.subf %add3A_39, %sub3A_58 : vector<10000x16xf32>
    %add3A_60 = arith.constant 9.99999997E-7 : f32
    %add3A_61 = vector.broadcast %add3A_60 : f32 to vector<10000x1xf32>
    %add3A_62 = arith.addf %div3A_57, %add3A_61 : vector<10000x1xf32>
    %sqrt3A = math.sqrt %add3A_62 : vector<10000x1xf32>
    %div3A_63 = vector.broadcast %sqrt3A : vector<10000x1xf32> to vector<10000x16xf32>
    %div3A_64 = arith.divf %sub3A_59, %div3A_63 : vector<10000x16xf32>
    %mul3A_65 = vector.broadcast %get3A_42 : vector<1x16xf32> to vector<10000x16xf32>
    %mul3A_66 = arith.mulf %div3A_64, %mul3A_65 : vector<10000x16xf32>
    %add3A_67 = vector.broadcast %get3A_45 : vector<1x16xf32> to vector<10000x16xf32>
    %add3A_68 = arith.addf %mul3A_66, %add3A_67 : vector<10000x16xf32>
    %get3A_69 = arith.constant 0 : index
    %get3A_70 = arith.constant 0 : index
    %get3A_71 = vector.load %arg10[%get3A_69, %get3A_70] : memref<16x128xf32, #tpu.memory_space<vmem>>, vector<16x128xf32>
    %dot_general3A_72 = arith.constant dense<0.000000e+00> : vector<10000x128xf32>
    %dot_general3A_73 = tpu.matmul %add3A_68, %get3A_71, %dot_general3A_72 {dimension_numbers = #tpu.dot_dimension_numbers<[1], [0], [0], [1], [0, 0, 1, 1], [], []>, transpose_lhs_hint = false} : vector<10000x16xf32>, vector<16x128xf32>, vector<10000x128xf32> -> vector<10000x128xf32>
    %get3A_74 = arith.constant 0 : index
    %get3A_75 = arith.constant 0 : index
    %get3A_76 = vector.load %arg11[%get3A_74, %get3A_75] : memref<1x128xf32, #tpu.memory_space<vmem>>, vector<1x128xf32>
    %add3A_77 = vector.broadcast %get3A_76 : vector<1x128xf32> to vector<10000x128xf32>
    %add3A_78 = arith.addf %dot_general3A_73, %add3A_77 : vector<10000x128xf32>
    %swap3A = arith.constant 0 : index
    %swap3A_79 = arith.constant 0 : index
    %swap3A_80 = vector.load %arg12[%swap3A, %swap3A_79] : memref<10000x128xf32, #tpu.memory_space<vmem>>, vector<10000x128xf32>
    tpu.vector_store %arg12[%swap3A, %swap3A_79], %add3A_78 {strides = array<i32>} : memref<10000x128xf32, #tpu.memory_space<vmem>>, vector<10000x128xf32>,
    return
  }
  func.func @transform_0(%arg0: i32) -> (i32, i32) {
    %c0_i32 = arith.constant 0 : i32
    %c0_i32_0 = arith.constant 0 : i32
    %c0_i32_1 = arith.constant 0 : i32
    return %c0_i32, %c0_i32_0 : i32, i32
  }
  func.func @transform_1(%arg0: i32) -> (i32, i32, i32) {
    %c0_i32 = arith.constant 0 : i32
    %c0_i32_0 = arith.constant 0 : i32
    %c0_i32_1 = arith.constant 0 : i32
    %c0_i32_2 = arith.constant 0 : i32
    return %c0_i32, %c0_i32_0, %c0_i32_1 : i32, i32, i32
  }
  func.func @transform_2(%arg0: i32) -> (i32, i32) {
    %c0_i32 = arith.constant 0 : i32
    %c0_i32_0 = arith.constant 0 : i32
    %c0_i32_1 = arith.constant 0 : i32
    return %c0_i32, %c0_i32_0 : i32, i32
  }
  func.func @transform_3(%arg0: i32) -> (i32, i32) {
    %c0_i32 = arith.constant 0 : i32
    %c0_i32_0 = arith.constant 0 : i32
    %c0_i32_1 = arith.constant 0 : i32
    return %c0_i32, %c0_i32_0 : i32, i32
  }
  func.func @transform_4(%arg0: i32) -> (i32, i32) {
    %c0_i32 = arith.constant 0 : i32
    %c0_i32_0 = arith.constant 0 : i32
    %c0_i32_1 = arith.constant 0 : i32
    return %c0_i32, %c0_i32_0 : i32, i32
  }
  func.func @transform_5(%arg0: i32) -> (i32, i32) {
    %c0_i32 = arith.constant 0 : i32
    %c0_i32_0 = arith.constant 0 : i32
    %c0_i32_1 = arith.constant 0 : i32
    return %c0_i32, %c0_i32_0 : i32, i32
  }
  func.func @transform_6(%arg0: i32) -> (i32, i32) {
    %c0_i32 = arith.constant 0 : i32
    %c0_i32_0 = arith.constant 0 : i32
    %c0_i32_1 = arith.constant 0 : i32
    return %c0_i32, %c0_i32_0 : i32, i32
  }
  func.func @transform_7(%arg0: i32) -> (i32, i32) {
    %c0_i32 = arith.constant 0 : i32
    %c0_i32_0 = arith.constant 0 : i32
    %c0_i32_1 = arith.constant 0 : i32
    return %c0_i32, %c0_i32_0 : i32, i32
  }
  func.func @transform_8(%arg0: i32) -> (i32, i32) {
    %c0_i32 = arith.constant 0 : i32
    %c0_i32_0 = arith.constant 0 : i32
    %c0_i32_1 = arith.constant 0 : i32
    return %c0_i32, %c0_i32_0 : i32, i32
  }
  func.func @transform_9(%arg0: i32) -> (i32, i32) {
    %c0_i32 = arith.constant 0 : i32
    %c0_i32_0 = arith.constant 0 : i32
    %c0_i32_1 = arith.constant 0 : i32
    return %c0_i32, %c0_i32_0 : i32, i32
  }
  func.func @transform_10(%arg0: i32) -> (i32, i32) {
    %c0_i32 = arith.constant 0 : i32
    %c0_i32_0 = arith.constant 0 : i32
    %c0_i32_1 = arith.constant 0 : i32
    return %c0_i32, %c0_i32_0 : i32, i32
  }
  func.func @transform_11(%arg0: i32) -> (i32, i32) {
    %c0_i32 = arith.constant 0 : i32
    %c0_i32_0 = arith.constant 0 : i32
    %c0_i32_1 = arith.constant 0 : i32
    return %c0_i32, %c0_i32_0 : i32, i32
  }
}

</mosaic_0001>

<sc_bundles>
// kernel: kernel.11.cloned.1.call-start
scs
__scs_entry_jumppad:
0x0: {  	(pc) =	sbr.rel $0x88, $3  }
0x1: {  	(tag) =	ssettag $0x0;
	lr =	simm.s32 $0x1  }
0x2: {  	[smem:$0x3F85] =	sst lr;
	_ =	strace $0xD0000000  }
0x3: {  	_ = 	snop  }
0x4: {  	_ = 	snop  }
0x5: {  	_ = 	snop  }
0x6: {  	_ = 	snop  }
0x7: {  	_ = 	snop  }
__scs_overlays_trampoline_lowered:
0x8: {  	[smem:$0x3F94] =	sst s0  }
0x9: {  	[smem:$0x3F95] =	sst s1  }
0xa: {  	[smem:$0x3F96] =	sst s2  }
0xb: {  	[smem:$0x3F97] =	sst s3  }
0xc: {  	[smem:$0x3F98] =	sst s4  }
0xd: {  	[smem:$0x3F99] =	sst s5  }
0xe: {  	[smem:$0x3F9A] =	sst s6  }
0xf: {  	[smem:$0x3F9B] =	sst s7  }
0x10: {  	[smem:$0x3F9C] =	sst s8  }
0x11: {  	[smem:$0x3F9D] =	sst s9;
	s0 =	simm.s32 @!p0 $0x0  }
0x12: {  	s1 =	sld [smem:$0x3F83];
	s0 =	simm.s32 @p0 $0x1  }
0x13: {  	[smem:$0x3F9E] =	sst s0;
	s0 =	simm.s32 @!p1 $0x0  }
0x14: {  	s2 =	sld [smem:$0x3F82];
	s0 =	simm.s32 @p1 $0x1  }
0x15: {  	[smem:$0x3F9F] =	sst s0;
	s0 =	simm.s32 @!p2 $0x0  }
0x16: {  	s3 =	sld [smem:$0x3FDB];
	s0 =	simm.s32 @p2 $0x1  }
0x17: {  	s4 =	simm.s32 $0x1BF5;
	[smem:$0x3FA1] =	sst s0  }
0x18: {  	s0 =	sld [smem:$0x3F84];
	_ =	swait.ge [sflag:s4], $0x0  }
0x19: {  	s7 =	sld [smem:$0x3F85]  }
0x1a: {  	s8 =	sadd.s32 $0xFFFFE003, lr  }
0x1b: {  	s9 =	sadd.s32 $0xFFFFFEF7, lr;
	s5 =	simm.s32 $0xFFFFFFFF;
	p2 =	slt.u32 s8, $0xFFFFF086  }
0x1c: {  	p1 =	slt.u32 s9, $0xF7A;
	s5 =	simm.s32 @!p2 $0x0  }
0x1d: {  	s5 =	simm.s32 @p1 $0x1;
	p0 =	seq.s32 s7, s2  }
0x1e: {  	s7 =	smul.u32 @!p0 $0xF7A, s2;
	p2 =	seq.s32 @!p0 s5, $0x0  }
0x1f: {  	s9 =	smul.u32 $0xF7A, s1;
	s8 =	simm.s32 @!p0 $0x1BF5;
	p2 =	por !p2, p0  }
0x20: {  	[sflag:s8] =	ssyncset.s32 @!p0 $0xFFFFF086;
	s6 =	sadd.s32 @!p0 s3, s7;
	s7 =	simm.s32 @!p0 $0x108  }
0x21: {  	s3 =	sadd.s32 s3, s9;
	s6 =	sadd.s32 @!p0 $0x88, s6;
	s7 =	simm.s32 @p2 $0x1082  }
0x22: {  	[simem:s7], [sflag:s8] =	dma.local @!p0 [hbm:s6], $0xF7A  }
0x23: {  	s9 =	sor.u32 $0xD0000000, s2;
	s6 =	simm.s32 $0x108;
	_ =	swait.ge @!p0 [sflag:s8], $0x0  }
0x24: {  	s3 =	sadd.s32 $0x88, s3;
	s6 =	simm.s32 @!p1 $0x1082;
	[sflag:s4] =	ssyncset.s32 $0xFFFFF086  }
0x25: {  	[simem:s6], [sflag:s4] =	dma.local [hbm:s3], $0xF7A  }
0x26: {  	[smem:$0x3F85] =	sst s1;
	(tag) =	ssettag s2;
	_ =	strace s9  }
0x27: {  	s1 =	sld [smem:$0x3F95]  }
0x28: {  	s2 =	sld [smem:$0x3F96]  }
0x29: {  	s4 =	sld [smem:$0x3F98]  }
0x2a: {  	p0 =	seq.s32 s5, $0x0;
	s5 =	sld [smem:$0x3F99]  }
0x2b: {  	s6 =	sld [smem:$0x3F9A]  }
0x2c: {  	s7 =	sld [smem:$0x3F9B]  }
0x2d: {  	s3 =	simm.s32 $0x108;
	s8 =	sld [smem:$0x3F9C]  }
0x2e: {  	s3 =	simm.s32 @!p0 $0x1082;
	s9 =	sld [smem:$0x3F9D]  }
0x2f: {  	lr =	sadd.s32 s0, s3;
	s0 =	sld [smem:$0x3F94]  }
0x30: {  	s3 =	sld [smem:$0x3F97]  }
0x31: {  	[smem:$0x3FA0] =	sst s10  }
0x32: {  	s10 =	sld [smem:$0x3F9E];
	_ =	sdelay $0x3  }
0x33: {  	p0 =	seq.s32 s10, $0x1;
	s10 =	sld [smem:$0x3FA0];
	_ =	sdelay $0x3  }
0x34: {  	[smem:$0x3FA0] =	sst s10  }
0x35: {  	s10 =	sld [smem:$0x3F9F];
	_ =	sdelay $0x3  }
0x36: {  	p1 =	seq.s32 s10, $0x1;
	s10 =	sld [smem:$0x3FA0];
	_ =	sdelay $0x3  }
0x37: {  	[smem:$0x3FA0] =	sst s10  }
0x38: {  	s10 =	sld [smem:$0x3FA1]  }
0x39: {  	_ = 	snop;
	(pc) =	sbr.ind lr, $3  }
0x3a: {  	_ = 	snop  }
0x3b: {  	_ = 	snop  }
0x3c: {  	p2 =	seq.s32 s10, $0x1;
	s10 =	sld [smem:$0x3FA0]  }
0x3d: {  	_ =	shalt  }
0x3e: {  	_ =	shalt  }
0x3f: {  	_ =	shalt  }
0x40: {  	_ =	shalt  }
0x41: {  	_ =	shalt  }
0x42: {  	_ =	shalt  }
0x43: {  	_ =	shalt  }
0x44: {  	_ =	shalt  }
0x45: {  	_ =	shalt  }
0x46: {  	_ =	shalt  }
0x47: {  	_ =	shalt  }
0x48: {  	_ =	shalt  }
0x49: {  	_ =	shalt  }
0x4a: {  	_ =	shalt  }
0x4b: {  	_ =	shalt  }
0x4c: {  	_ =	shalt  }
0x4d: {  	_ =	shalt  }
0x4e: {  	_ =	shalt  }
0x4f: {  	_ =	shalt  }
0x50: {  	_ =	shalt  }
0x51: {  	_ =	shalt  }
0x52: {  	_ =	shalt  }
0x53: {  	_ =	shalt  }
0x54: {  	_ =	shalt  }
0x55: {  	_ =	shalt  }
0x56: {  	_ =	shalt  }
0x57: {  	_ =	shalt  }
0x58: {  	_ =	shalt  }
0x59: {  	_ =	shalt  }
0x5a: {  	_ =	shalt  }
0x5b: {  	_ =	shalt  }
0x5c: {  	_ =	shalt  }
0x5d: {  	_ =	shalt  }
0x5e: {  	_ =	shalt  }
0x5f: {  	_ =	shalt  }
0x60: {  	_ =	shalt  }
0x61: {  	_ =	shalt  }
0x62: {  	_ =	shalt  }
0x63: {  	_ =	shalt  }
0x64: {  	_ =	shalt  }
0x65: {  	_ =	shalt  }
0x66: {  	_ =	shalt  }
0x67: {  	_ =	shalt  }
0x68: {  	_ =	shalt  }
0x69: {  	_ =	shalt  }
0x6a: {  	_ =	shalt  }
0x6b: {  	_ =	shalt  }
0x6c: {  	_ =	shalt  }
0x6d: {  	_ =	shalt  }
0x6e: {  	_ =	shalt  }
0x6f: {  	_ =	shalt  }
0x70: {  	_ =	shalt  }
0x71: {  	_ =	shalt  }
0x72: {  	_ =	shalt  }
0x73: {  	_ =	shalt  }
0x74: {  	_ =	shalt  }
0x75: {  	_ =	shalt  }
0x76: {  	_ =	shalt  }
0x77: {  	_ =	shalt  }
0x78: {  	_ =	shalt  }
0x79: {  	_ =	shalt  }
0x7a: {  	_ =	shalt  }
0x7b: {  	_ =	shalt  }
0x7c: {  	_ =	shalt  }
0x7d: {  	_ =	shalt  }
0x7e: {  	_ =	shalt  }
0x7f: {  	_ =	shalt  }
0x80: {  	_ =	shalt  }
0x81: {  	_ =	shalt  }
0x82: {  	_ =	shalt  }
0x83: {  	_ =	shalt  }
0x84: {  	_ =	shalt  }
0x85: {  	_ =	shalt  }
0x86: {  	_ =	shalt  }
0x87: {  	_ =	shalt  }
.Lfunc_end0:
.L_simem_size_0:
called_computation_lowered:
.L_overlay_start_0:
0x88: {  	s2 =	sld [smem:$0x3FD9]  }
0x89: {  	s3 =	sld [smem:$0x3FFE];
	_ =	sdelay $0x1  }
0x8a: {  	s1 =	srdreg.scid  }
0x8b: {  	s0 =	sand.u32 $0x1, s1  }
0x8c: {  	s16 =	sshll.u32 s0, $0xA;
	s2 =	sadd.s32 s3, s2  }
0x8d: {  	s2 =	sadd.s32 s2, s16  }
0x8e: {  	[smem:$0x3FAC] =	sst s2  }
0x8f: {  	_ = 	snop  }
0x90: {  	(tm) =	ssettm $0x1  }
0x91: {  	s17 =	sld [smem:$0x3FFB];
	_ =	sdelay $0x3  }
0x92: {  	_ =	strace s17  }
0x93: {  	s2 =	sld [smem:$0x3FFC];
	_ =	sdelay $0x3  }
0x94: {  	_ =	strace s2  }
0x95: {  	s2 =	sld [smem:$0x3FFD];
	_ =	sdelay $0x3  }
0x96: {  	_ =	strace s2  }
0x97: {  	_ =	strace $0x8FFFFFFF  }
0x98: {  	s18 =	sld [smem:$0x3FDB];
	_ =	sdelay $0x1  }
0x99: {  	s19 =	simm.s32 $_scs_section_size  }
0x9a: {  	s4 =	simm.s32 $_size__tile_overlayer_lowered;
	s5 =	simm.s32 $_tile_overlayer_lowered  }
0x9b: {  	s22 =	simm.s32 $0x1BFF;
	s21 =	sshll.u32 s5, $0x1;
	s2 =	sadd.s32 s19, s18  }
0x9c: {  	s6 =	simm.s32 $0x0;
	s20 =	sshll.u32 s4, $0x1;
	s4 =	sadd.s32 s21, s2  }
0x9d: {  	[timem:s6], [sflag:s22] =	dma.local [hbm:s4], s20  }
0x9e: {  	_ =	swait.ge [sflag:s22], s20  }
0x9f: {  	s3 =	ssub.s32 $0x0, s20;
	[sflag:s22] =	ssyncset.done $0x0  }
0xa0: {  	[sflag:s22] =	ssyncadd.s32 s3;
	_ =	sdelay $0x1  }
0xa1: {  	s23 =	simm.s32 $0x1B8B  }
0xa2: {  	_ =	swait.ge [sflag:s23], $0x1  }
0xa3: {  	[sflag:s23] =	ssyncset.done $0x0  }
0xa4: {  	s25 =	simm.s32 $0x1B8E;
	s24 =	sld [smem:$0x3FFE];
	[sflag:s23] =	ssyncadd.s32 $0xFFFFFFFF  }
0xa5: {  	s26 =	simm.s32 $execute0_lowered;
	[smem:$0x3FD2] =	sst s25  }
0xa6: {  	s4 =	sshll.u32 s26, $0x1;
	_ =	strace $0x80000046;
	[dreg:$0x1] =	wrdreg $0xFFFFFFFF  }
0xa7: {  	s28 =	simm.s32 $_size_execute0_lowered;
	s2 =	sadd.s32 s2, s4;
	[dreg:$0x0] =	wrdreg $0x0  }
0xa8: {  	s4 =	sshll.u32 s28, $0x1;
	[dreg:$0x2] =	wrdreg s2  }
0xa9: {  	[dreg:$0x3] =	wrdreg s4  }
0xaa: {  	[dreg:$0x4] =	wrdreg $0xC0  }
0xab: {  	_ =	task [dreg:s6], $0x5FFFF  }
0xac: {  	[dreg:$0x1] =	wrdreg $0xFFFFFFFF  }
0xad: {  	[dreg:$0x0] =	wrdreg $0x60  }
0xae: {  	[dreg:$0x2] =	wrdreg s24  }
0xaf: {  	[dreg:$0x3] =	wrdreg $0x9  }
0xb0: {  	_ =	task.clear_ibuf [dreg:s6], $0x4FFFF;
	_ =	strace $0x90000046  }
0xb1: {  	s29 =	simm.s32 $0x9;
	_ =	strace $0x80000048  }
0xb2: {  	_ =	swait.ge [sflag:s29], $0x1  }
0xb3: {  	[sflag:s29] =	ssyncadd.s32 $0xFFFFFFFF  }
0xb4: {  	_ =	strace $0x90000048  }
0xb5: {  	_ =	sfence  }
0xb6: {  	s30 =	sld [smem:$0x0];
	_ =	sdelay $0x2  }
0xb7: {  	s31 =	sshll.u32 s1, $0xD;
	s1 =	sshrl.u32 s1, $0x2  }
0xb8: {  	s3 =	sand.u32 $0x4000, s31;
	s1 =	sadd.s32 s1, s30  }
0xb9: {  	s0 =	sor.u32 s3, s0;
	s1 =	sshll.u32 s1, $0x11  }
0xba: {  	s0 =	sor.u32 s1, s0  }
0xbb: {  	s0 =	sadd.s32 $0x8F2B, s0  }
0xbc: {  	[sflag:s0] =	ssyncadd.remote.s32 $0x1  }
0xbd: {  	_ =	sfence.sel $0xFFFF  }
0xbe: {  	[dreg:$0x0] =	wrdreg $0xFFFFFFFF;
	(pc) =	sbr.abs _section_cstart, $3  }
0xbf: {  	[dreg:$0x1] =	wrdreg $0xFFFFFFFF  }
0xc0: {  	_ =	task.clear_ibuf [dreg:s6], $0x2FFFF;
	_ =	strace $0x9FFFFFFF  }
0xc1: {  	(tm) =	ssettm $0x7FFFFFFF  }
tec
execute0_lowered:
.L_overlay_start_1:
0x0: {  	(tag) =	ssettag $0x1  }
0x1: {  	s0 =	srdreg.scid;
	s1 =	stileid.u32  }
0x2: {  	s2 =	sand.u32 $0x1, s0;
	s21 =	sshll.u32 s1, $0x1  }
0x3: {  	s0 =	sor.u32 s2, s21  }
0x4: {  	s13 =	rddreg [dreg:$0x0];
	s3 =	smul.u32 $0x2710, s0  }
0x5: {  	s4 =	sadd.s32 $0xB000, s13;
	[dreg:$0xf] =	wrdreg s2;
	s2 =	simm.s32 $0x0  }
0x6: {  	s6 =	sadd.s32 $0x14E00, s13;
	[smem:$0x7FF] =	sst s2;
	s5 =	sshrl.u32 s3, $0x3  }
0x7: {  	_ =	strace $0x80000047;
	s21 =	sadd.s32 $0x7D0, s3;
	s7 =	sadd.s32 s4, s5  }
0x8: {  	s5 =	sadd.s32 s6, s5;
	s22 =	sshrl.u32 s21, $0x3;
	[dreg:$0x2] =	wrdreg s7  }
0x9: {  	s25 =	sadd.s32 $0xFA0, s3;
	[dreg:$0x3] =	wrdreg s5;
	s23 =	sadd.s32 s4, s22  }
0xa: {  	s26 =	sshrl.u32 s25, $0x3;
	s24 =	sadd.s32 s6, s22;
	[dreg:$0x4] =	wrdreg s23  }
0xb: {  	s28 =	sadd.s32 $0x1770, s3;
	s1 =	sadd.s32 s4, s26;
	[dreg:$0x5] =	wrdreg s24  }
0xc: {  	s9 =	sshrl.u32 s28, $0x3;
	s8 =	sadd.s32 s6, s26;
	[dreg:$0x6] =	wrdreg s1  }
0xd: {  	s30 =	sadd.s32 $0x1F40, s3;
	s10 =	sadd.s32 s4, s9;
	[dreg:$0x7] =	wrdreg s8  }
0xe: {  	s12 =	sshrl.u32 s30, $0x3;
	s11 =	sadd.s32 s6, s9;
	[dreg:$0x8] =	wrdreg s10  }
0xf: {  	s14 =	sadd.s32 s4, s12;
	[dreg:$0x9] =	wrdreg s11  }
0x10: {  	s15 =	sadd.s32 s6, s12;
	[dreg:$0xa] =	wrdreg s14  }
0x11: {  	[dreg:$0xb] =	wrdreg s15  }
0x12: {  	s16 =	rddreg [dreg:$0x2]  }
0x13: {  	s17 =	rddreg [dreg:$0x3]  }
0x14: {  	[tilespmem:s2], [sflag:$0x1] =	stream.linear.gather [hbm4b:s16+s2], $0x7D0, $0x38;
	[tilespmem:$0x1C520] =	vst v63  }
0x15: {  	s19 =	rddreg [dreg:$0x4]  }
0x16: {  	s18 =	simm.s32 $0x2710;
	s20 =	rddreg [dreg:$0x5]  }
0x17: {  	[tilespmem:s18], [sflag:$0x1] =	stream.linear.gather [hbm4b:s17+s2], $0x7D0, $0x38;
	[tilespmem:$0x1C520] =	vst v63  }
0x18: {  	s4 =	simm.s32 $0x7D0;
	s23 =	rddreg [dreg:$0x6]  }
0x19: {  	[tilespmem:s4], [sflag:$0x1] =	stream.linear.gather [hbm4b:s19+s2], $0x7D0, $0x38;
	[tilespmem:$0x1C520] =	vst v63  }
0x1a: {  	s31 =	sadd.s32 $0x1EC00, s13;
	s22 =	simm.s32 $0x2EE0;
	s24 =	rddreg [dreg:$0x7]  }
0x1b: {  	[tilespmem:s22], [sflag:$0x1] =	stream.linear.gather [hbm4b:s20+s2], $0x7D0, $0x38;
	[tilespmem:$0x1C520] =	vst v63  }
0x1c: {  	s6 =	simm.s32 $0xFA0;
	s10 =	smul.u32 $0x4E20, s0;
	s9 =	rddreg [dreg:$0x8]  }
0x1d: {  	[tilespmem:s6], [sflag:$0x1] =	stream.linear.gather [hbm4b:s23+s2], $0x7D0, $0x38;
	[tilespmem:$0x1C520] =	vst v63  }
0x1e: {  	s26 =	simm.s32 $0x36B0;
	s11 =	rddreg [dreg:$0x9];
	s0 =	sadd.s32 s31, s10  }
0x1f: {  	[tilespmem:s26], [sflag:$0x1] =	stream.linear.gather [hbm4b:s24+s2], $0x7D0, $0x38;
	[tilespmem:$0x1C520] =	vst v63  }
0x20: {  	[dreg:$0xc] =	wrdreg s0;
	s0 =	simm.s32 $0x1770  }
0x21: {  	[tilespmem:s0], [sflag:$0x1] =	stream.linear.gather [hbm4b:s9+s2], $0x7D0, $0x38;
	[tilespmem:$0x1C520] =	vst v63  }
0x22: {  	s1 =	sadd.s32 $0xBB000, s13;
	s8 =	simm.s32 $0x3E80;
	s12 =	rddreg [dreg:$0xa]  }
0x23: {  	[tilespmem:s8], [sflag:$0x1] =	stream.linear.gather [hbm4b:s11+s2], $0x7D0, $0x38;
	[tilespmem:$0x1C520] =	vst v63  }
0x24: {  	s14 =	rddreg [dreg:$0xb];
	s9 =	sadd.s32 s1, s10;
	s10 =	simm.s32 $0x1F40  }
0x25: {  	[tilespmem:s10], [sflag:$0x1] =	stream.linear.gather [hbm4b:s12+s2], $0x7D0, $0x38;
	[tilespmem:$0x1C520] =	vst v63  }
0x26: {  	[dreg:$0xd] =	wrdreg s9;
	s11 =	simm.s32 $0x4650;
	s12 =	simm.s32 $0x1  }
0x27: {  	[tilespmem:s11], [sflag:$0x1] =	stream.linear.gather [hbm4b:s14+s2], $0x7D0, $0x38;
	[tilespmem:$0x1C520] =	vst v63  }
0x28: {  	_ =	swait.ge [sflag:s12], $0x7D0  }
0x29: {  	[sflag:s12] =	ssyncset.done $0x0  }
0x2a: {  	s13 =	sadd.s32 $0x6000, s13;
	s14 =	simm.s32 $0x4E20;
	[sflag:s12] =	ssyncadd.s32 $0xFFFFF830  }
0x2b: {  	[tilespmem:s14], [sflag:$0x2] =	stream.indirect.gather [hbm4b:s13+s4], $0x10, s2, s4, $0xb8;
	[tilespmem:$0x1C520] =	vst v63  }
0x2c: {  	_ =	swait.ge [sflag:s12], $0x7D0  }
0x2d: {  	[sflag:s12] =	ssyncset.done $0x0  }
0x2e: {  	s15 =	simm.s32 $0xCB20;
	s16 =	simm.s32 $0x2;
	[sflag:s12] =	ssyncadd.s32 $0xFFFFF830  }
0x2f: {  	[tilespmem:s15], [sflag:$0x3] =	stream.indirect.gather [hbm4b:s13+s4], $0x10, s18, s4, $0xb8;
	[tilespmem:$0x1C520] =	vst v63  }
0x30: {  	_ =	swait.ge [sflag:s16], $0x7D00  }
0x31: {  	[sflag:s16] =	ssyncset.done $0x0  }
0x32: {  	s17 =	rddreg [dreg:$0xc];
	[sflag:s16] =	ssyncadd.s32 $0xFFFF8300  }
0x33: {  	[hbm4b:s17+s2] =	stream.linear.scatter [tilespmem:s14], [sflag:$0x5], $0x7D00, $0x38;
	[tilespmem:$0x1C520] =	vst v63  }
0x34: {  	_ =	swait.ge [sflag:s12], $0x7D0  }
0x35: {  	[sflag:s12] =	ssyncset.done $0x0  }
0x36: {  	s18 =	simm.s32 $0x3;
	s17 =	simm.s32 $0x14820;
	[sflag:s12] =	ssyncadd.s32 $0xFFFFF830  }
0x37: {  	[tilespmem:s17], [sflag:$0x4] =	stream.indirect.gather [hbm4b:s13+s4], $0x10, s4, s4, $0xb8;
	[tilespmem:$0x1C520] =	vst v63  }
0x38: {  	_ =	swait.ge [sflag:s18], $0x7D00  }
0x39: {  	[sflag:s18] =	ssyncset.done $0x0  }
0x3a: {  	s19 =	rddreg [dreg:$0xd];
	[sflag:s18] =	ssyncadd.s32 $0xFFFF8300  }
0x3b: {  	[hbm4b:s19+s2] =	stream.linear.scatter [tilespmem:s15], [sflag:$0x6], $0x7D00, $0x38;
	[tilespmem:$0x1C520] =	vst v63  }
0x3c: {  	s19 =	simm.s32 $0x5  }
0x3d: {  	_ =	swait.ge [sflag:s19], $0x7D00  }
0x3e: {  	[sflag:s19] =	ssyncset.done $0x0  }
0x3f: {  	[sflag:s19] =	ssyncadd.s32 $0xFFFF8300  }
0x40: {  	_ =	swait.ge [sflag:s12], $0x7D0  }
0x41: {  	[sflag:s12] =	ssyncset.done $0x0  }
0x42: {  	s20 =	simm.s32 $0x4;
	[sflag:s12] =	ssyncadd.s32 $0xFFFFF830  }
0x43: {  	[tilespmem:s14], [sflag:$0x2] =	stream.indirect.gather [hbm4b:s13+s4], $0x10, s22, s4, $0xb8;
	[tilespmem:$0x1C520] =	vst v63  }
0x44: {  	s23 =	sshll.u32 s21, $0x1;
	_ =	swait.ge [sflag:s20], $0x7D00  }
0x45: {  	s5 =	sadd.s32 s31, s23;
	[sflag:s20] =	ssyncset.done $0x0  }
0x46: {  	s22 =	simm.s32 $0x6;
	[dreg:$0xe] =	wrdreg s5;
	[sflag:s20] =	ssyncadd.s32 $0xFFFF8300  }
0x47: {  	[hbm4b:s5+s2] =	stream.linear.scatter [tilespmem:s17], [sflag:$0x7], $0x7D00, $0x38;
	[tilespmem:$0x1C520] =	vst v63  }
0x48: {  	_ =	swait.ge [sflag:s22], $0x7D00  }
0x49: {  	[sflag:s22] =	ssyncset.done $0x0  }
0x4a: {  	[sflag:s22] =	ssyncadd.s32 $0xFFFF8300  }
0x4b: {  	_ =	swait.ge [sflag:s12], $0x7D0  }
0x4c: {  	[sflag:s12] =	ssyncset.done $0x0  }
0x4d: {  	[sflag:s12] =	ssyncadd.s32 $0xFFFFF830  }
0x4e: {  	[tilespmem:s15], [sflag:$0x3] =	stream.indirect.gather [hbm4b:s13+s4], $0x10, s6, s4, $0xb8;
	[tilespmem:$0x1C520] =	vst v63  }
0x4f: {  	_ =	swait.ge [sflag:s16], $0x7D00  }
0x50: {  	[sflag:s16] =	ssyncset.done $0x0  }
0x51: {  	s23 =	sadd.s32 s1, s23;
	s24 =	simm.s32 $0x7;
	[sflag:s16] =	ssyncadd.s32 $0xFFFF8300  }
0x52: {  	[hbm4b:s23+s2] =	stream.linear.scatter [tilespmem:s14], [sflag:$0x5], $0x7D00, $0x38;
	[tilespmem:$0x1C520] =	vst v63  }
0x53: {  	_ =	swait.ge [sflag:s24], $0x7D00  }
0x54: {  	[sflag:s24] =	ssyncset.done $0x0  }
0x55: {  	[sflag:s24] =	ssyncadd.s32 $0xFFFF8300  }
0x56: {  	_ =	swait.ge [sflag:s12], $0x7D0  }
0x57: {  	[sflag:s12] =	ssyncset.done $0x0  }
0x58: {  	[sflag:s12] =	ssyncadd.s32 $0xFFFFF830  }
0x59: {  	[tilespmem:s17], [sflag:$0x4] =	stream.indirect.gather [hbm4b:s13+s4], $0x10, s26, s4, $0xb8;
	[tilespmem:$0x1C520] =	vst v63  }
0x5a: {  	_ =	swait.ge [sflag:s18], $0x7D00  }
0x5b: {  	s26 =	sshll.u32 s25, $0x1;
	[sflag:s18] =	ssyncset.done $0x0  }
0x5c: {  	s25 =	sadd.s32 s31, s26;
	[sflag:s18] =	ssyncadd.s32 $0xFFFF8300  }
0x5d: {  	[hbm4b:s25+s2] =	stream.linear.scatter [tilespmem:s15], [sflag:$0x6], $0x7D00, $0x38;
	[tilespmem:$0x1C520] =	vst v63  }
0x5e: {  	_ =	swait.ge [sflag:s19], $0x7D00  }
0x5f: {  	[sflag:s19] =	ssyncset.done $0x0  }
0x60: {  	[sflag:s19] =	ssyncadd.s32 $0xFFFF8300  }
0x61: {  	_ =	swait.ge [sflag:s12], $0x7D0  }
0x62: {  	[sflag:s12] =	ssyncset.done $0x0  }
0x63: {  	[sflag:s12] =	ssyncadd.s32 $0xFFFFF830  }
0x64: {  	[tilespmem:s14], [sflag:$0x2] =	stream.indirect.gather [hbm4b:s13+s4], $0x10, s0, s4, $0xb8;
	[tilespmem:$0x1C520] =	vst v63  }
0x65: {  	_ =	swait.ge [sflag:s20], $0x7D00  }
0x66: {  	[sflag:s20] =	ssyncset.done $0x0  }
0x67: {  	s26 =	sadd.s32 s1, s26;
	[sflag:s20] =	ssyncadd.s32 $0xFFFF8300  }
0x68: {  	[hbm4b:s26+s2] =	stream.linear.scatter [tilespmem:s17], [sflag:$0x7], $0x7D00, $0x38;
	[tilespmem:$0x1C520] =	vst v63  }
0x69: {  	_ =	swait.ge [sflag:s22], $0x7D00  }
0x6a: {  	[sflag:s22] =	ssyncset.done $0x0  }
0x6b: {  	[sflag:s22] =	ssyncadd.s32 $0xFFFF8300  }
0x6c: {  	_ =	swait.ge [sflag:s12], $0x7D0  }
0x6d: {  	[sflag:s12] =	ssyncset.done $0x0  }
0x6e: {  	[sflag:s12] =	ssyncadd.s32 $0xFFFFF830  }
0x6f: {  	[tilespmem:s15], [sflag:$0x3] =	stream.indirect.gather [hbm4b:s13+s4], $0x10, s8, s4, $0xb8;
	[tilespmem:$0x1C520] =	vst v63  }
0x70: {  	_ =	swait.ge [sflag:s16], $0x7D00  }
0x71: {  	s29 =	sshll.u32 s28, $0x1;
	[sflag:s16] =	ssyncset.done $0x0  }
0x72: {  	s28 =	sadd.s32 s31, s29;
	[sflag:s16] =	ssyncadd.s32 $0xFFFF8300  }
0x73: {  	[hbm4b:s28+s2] =	stream.linear.scatter [tilespmem:s14], [sflag:$0x5], $0x7D00, $0x38;
	[tilespmem:$0x1C520] =	vst v63  }
0x74: {  	_ =	swait.ge [sflag:s24], $0x7D00  }
0x75: {  	[sflag:s24] =	ssyncset.done $0x0  }
0x76: {  	[sflag:s24] =	ssyncadd.s32 $0xFFFF8300  }
0x77: {  	_ =	swait.ge [sflag:s12], $0x7D0  }
0x78: {  	[sflag:s12] =	ssyncset.done $0x0  }
0x79: {  	[sflag:s12] =	ssyncadd.s32 $0xFFFFF830  }
0x7a: {  	[tilespmem:s17], [sflag:$0x4] =	stream.indirect.gather [hbm4b:s13+s4], $0x10, s10, s4, $0xb8;
	[tilespmem:$0x1C520] =	vst v63  }
0x7b: {  	_ =	swait.ge [sflag:s18], $0x7D00  }
0x7c: {  	[sflag:s18] =	ssyncset.done $0x0  }
0x7d: {  	s29 =	sadd.s32 s1, s29;
	[sflag:s18] =	ssyncadd.s32 $0xFFFF8300  }
0x7e: {  	[hbm4b:s29+s2] =	stream.linear.scatter [tilespmem:s15], [sflag:$0x6], $0x7D00, $0x38;
	[tilespmem:$0x1C520] =	vst v63  }
0x7f: {  	_ =	swait.ge [sflag:s19], $0x7D00  }
0x80: {  	[sflag:s19] =	ssyncset.done $0x0  }
0x81: {  	[sflag:s19] =	ssyncadd.s32 $0xFFFF8300  }
0x82: {  	_ =	swait.ge [sflag:s12], $0x7D0  }
0x83: {  	[sflag:s12] =	ssyncset.done $0x0  }
0x84: {  	[sflag:s12] =	ssyncadd.s32 $0xFFFFF830  }
0x85: {  	[tilespmem:s14], [sflag:$0x2] =	stream.indirect.gather [hbm4b:s13+s4], $0x10, s11, s4, $0xb8;
	[tilespmem:$0x1C520] =	vst v63  }
0x86: {  	_ =	swait.ge [sflag:s20], $0x7D00  }
0x87: {  	s10 =	sshll.u32 s30, $0x1;
	[sflag:s20] =	ssyncset.done $0x0  }
0x88: {  	s30 =	sadd.s32 s31, s10;
	[sflag:s20] =	ssyncadd.s32 $0xFFFF8300  }
0x89: {  	[hbm4b:s30+s2] =	stream.linear.scatter [tilespmem:s17], [sflag:$0x7], $0x7D00, $0x38;
	[tilespmem:$0x1C520] =	vst v63  }
0x8a: {  	_ =	swait.ge [sflag:s16], $0x7D00  }
0x8b: {  	[sflag:s16] =	ssyncset.done $0x0  }
0x8c: {  	s31 =	sadd.s32 s1, s10;
	[sflag:s16] =	ssyncadd.s32 $0xFFFF8300  }
0x8d: {  	[hbm4b:s31+s2] =	stream.linear.scatter [tilespmem:s14], [sflag:$0x5], $0x7D00, $0x38;
	[tilespmem:$0x1C520] =	vst v63  }
0x8e: {  	_ =	swait.ge [sflag:s19], $0x7D00  }
0x8f: {  	s11 =	rddreg [dreg:$0xf]  }
0x90: {  	s0 =	ssub.s32 $0x2, s11  }
0x91: {  	s21 =	sshrl.u32 s0, $0x1  }
0x92: {  	s0 =	ssub.s32 s0, s21  }
0x93: {  	s0 =	smax.u32 s0, $0x1  }
0x94: {  	[sflag:s19] =	ssyncset.done $0x0;
	p0 =	sne.s32 s0, $0x1  }
.Ltmp0:
0x95: {  	[sflag:s19] =	ssyncadd.s32 $0xFFFF8300;
	(pc) =	sbr.rel @!p0 .LBB2_3-.Ltmp0, $4  }
0x96: {  	_ =	swait.ge [sflag:s22], $0x7D00  }
0x97: {  	[sflag:s22] =	ssyncset.done $0x0  }
0x98: {  	[sflag:s22] =	ssyncadd.s32 $0xFFFF8300  }
0x99: {  	s1 =	sadd.s32 $0xFFFFFFFF, s0;
	_ =	swait.ge [sflag:s24], $0x7D00  }
0x9a: {  	s5 =	simm.s32 $0x2710;
	s6 =	simm.s32 $0x2EE0  }
0x9b: {  	s7 =	simm.s32 $0xFA0;
	s8 =	simm.s32 $0x36B0;
	s9 =	simm.s32 $0x1770  }
0x9c: {  	s10 =	simm.s32 $0x3E80;
	s11 =	simm.s32 $0x1F40;
	s21 =	simm.s32 $0x4650  }
.LBB2_2:
0x9d: {  	[sflag:s24] =	ssyncset.done $0x0  }
0x9e: {  	s0 =	rddreg [dreg:$0x2];
	[sflag:s24] =	ssyncadd.s32 $0xFFFF8300  }
0x9f: {  	[tilespmem:s2], [sflag:$0x1] =	stream.linear.gather [hbm4b:s0+s2], $0x7D0, $0x38;
	[tilespmem:$0x1C520] =	vst v63  }
0xa0: {  	s3 =	rddreg [dreg:$0x3]  }
0xa1: {  	[tilespmem:s5], [sflag:$0x1] =	stream.linear.gather [hbm4b:s3+s2], $0x7D0, $0x38;
	[tilespmem:$0x1C520] =	vst v63  }
0xa2: {  	s0 =	rddreg [dreg:$0x4]  }
0xa3: {  	[tilespmem:s4], [sflag:$0x1] =	stream.linear.gather [hbm4b:s0+s2], $0x7D0, $0x38;
	[tilespmem:$0x1C520] =	vst v63  }
0xa4: {  	s3 =	rddreg [dreg:$0x5]  }
0xa5: {  	[tilespmem:s6], [sflag:$0x1] =	stream.linear.gather [hbm4b:s3+s2], $0x7D0, $0x38;
	[tilespmem:$0x1C520] =	vst v63  }
0xa6: {  	s0 =	rddreg [dreg:$0x6]  }
0xa7: {  	[tilespmem:s7], [sflag:$0x1] =	stream.linear.gather [hbm4b:s0+s2], $0x7D0, $0x38;
	[tilespmem:$0x1C520] =	vst v63  }
0xa8: {  	s3 =	rddreg [dreg:$0x7]  }
0xa9: {  	[tilespmem:s8], [sflag:$0x1] =	stream.linear.gather [hbm4b:s3+s2], $0x7D0, $0x38;
	[tilespmem:$0x1C520] =	vst v63  }
0xaa: {  	s0 =	rddreg [dreg:$0x8]  }
0xab: {  	[tilespmem:s9], [sflag:$0x1] =	stream.linear.gather [hbm4b:s0+s2], $0x7D0, $0x38;
	[tilespmem:$0x1C520] =	vst v63  }
0xac: {  	s3 =	rddreg [dreg:$0x9]  }
0xad: {  	[tilespmem:s10], [sflag:$0x1] =	stream.linear.gather [hbm4b:s3+s2], $0x7D0, $0x38;
	[tilespmem:$0x1C520] =	vst v63  }
0xae: {  	s0 =	rddreg [dreg:$0xa]  }
0xaf: {  	[tilespmem:s11], [sflag:$0x1] =	stream.linear.gather [hbm4b:s0+s2], $0x7D0, $0x38;
	[tilespmem:$0x1C520] =	vst v63  }
0xb0: {  	s3 =	rddreg [dreg:$0xb]  }
0xb1: {  	[tilespmem:s21], [sflag:$0x1] =	stream.linear.gather [hbm4b:s3+s2], $0x7D0, $0x38;
	[tilespmem:$0x1C520] =	vst v63  }
0xb2: {  	_ =	swait.ge [sflag:s12], $0x7D0  }
0xb3: {  	[sflag:s12] =	ssyncset.done $0x0  }
0xb4: {  	[sflag:s12] =	ssyncadd.s32 $0xFFFFF830  }
0xb5: {  	[tilespmem:s14], [sflag:$0x2] =	stream.indirect.gather [hbm4b:s13+s4], $0x10, s2, s4, $0xb8;
	[tilespmem:$0x1C520] =	vst v63  }
0xb6: {  	_ =	swait.ge [sflag:s12], $0x7D0  }
0xb7: {  	[sflag:s12] =	ssyncset.done $0x0  }
0xb8: {  	[sflag:s12] =	ssyncadd.s32 $0xFFFFF830  }
0xb9: {  	[tilespmem:s15], [sflag:$0x3] =	stream.indirect.gather [hbm4b:s13+s4], $0x10, s5, s4, $0xb8;
	[tilespmem:$0x1C520] =	vst v63  }
0xba: {  	_ =	swait.ge [sflag:s16], $0x7D00  }
0xbb: {  	[sflag:s16] =	ssyncset.done $0x0  }
0xbc: {  	s3 =	rddreg [dreg:$0xc];
	[sflag:s16] =	ssyncadd.s32 $0xFFFF8300  }
0xbd: {  	[hbm4b:s3+s2] =	stream.linear.scatter [tilespmem:s14], [sflag:$0x5], $0x7D00, $0x38;
	[tilespmem:$0x1C520] =	vst v63  }
0xbe: {  	_ =	swait.ge [sflag:s12], $0x7D0  }
0xbf: {  	[sflag:s12] =	ssyncset.done $0x0  }
0xc0: {  	[sflag:s12] =	ssyncadd.s32 $0xFFFFF830  }
0xc1: {  	[tilespmem:s17], [sflag:$0x4] =	stream.indirect.gather [hbm4b:s13+s4], $0x10, s4, s4, $0xb8;
	[tilespmem:$0x1C520] =	vst v63  }
0xc2: {  	_ =	swait.ge [sflag:s18], $0x7D00  }
0xc3: {  	[sflag:s18] =	ssyncset.done $0x0  }
0xc4: {  	s3 =	rddreg [dreg:$0xd];
	[sflag:s18] =	ssyncadd.s32 $0xFFFF8300  }
0xc5: {  	[hbm4b:s3+s2] =	stream.linear.scatter [tilespmem:s15], [sflag:$0x6], $0x7D00, $0x38;
	[tilespmem:$0x1C520] =	vst v63  }
0xc6: {  	_ =	swait.ge [sflag:s19], $0x7D00  }
0xc7: {  	[sflag:s19] =	ssyncset.done $0x0  }
0xc8: {  	[sflag:s19] =	ssyncadd.s32 $0xFFFF8300  }
0xc9: {  	_ =	swait.ge [sflag:s12], $0x7D0  }
0xca: {  	[sflag:s12] =	ssyncset.done $0x0  }
0xcb: {  	[sflag:s12] =	ssyncadd.s32 $0xFFFFF830  }
0xcc: {  	[tilespmem:s14], [sflag:$0x2] =	stream.indirect.gather [hbm4b:s13+s4], $0x10, s6, s4, $0xb8;
	[tilespmem:$0x1C520] =	vst v63  }
0xcd: {  	_ =	swait.ge [sflag:s20], $0x7D00  }
0xce: {  	[sflag:s20] =	ssyncset.done $0x0  }
0xcf: {  	s3 =	rddreg [dreg:$0xe];
	[sflag:s20] =	ssyncadd.s32 $0xFFFF8300  }
0xd0: {  	[hbm4b:s3+s2] =	stream.linear.scatter [tilespmem:s17], [sflag:$0x7], $0x7D00, $0x38;
	[tilespmem:$0x1C520] =	vst v63  }
0xd1: {  	_ =	swait.ge [sflag:s22], $0x7D00  }
0xd2: {  	[sflag:s22] =	ssyncset.done $0x0  }
0xd3: {  	[sflag:s22] =	ssyncadd.s32 $0xFFFF8300  }
0xd4: {  	_ =	swait.ge [sflag:s12], $0x7D0  }
0xd5: {  	[sflag:s12] =	ssyncset.done $0x0  }
0xd6: {  	[sflag:s12] =	ssyncadd.s32 $0xFFFFF830  }
0xd7: {  	[tilespmem:s15], [sflag:$0x3] =	stream.indirect.gather [hbm4b:s13+s4], $0x10, s7, s4, $0xb8;
	[tilespmem:$0x1C520] =	vst v63  }
0xd8: {  	_ =	swait.ge [sflag:s16], $0x7D00  }
0xd9: {  	[sflag:s16] =	ssyncset.done $0x0  }
0xda: {  	[sflag:s16] =	ssyncadd.s32 $0xFFFF8300  }
0xdb: {  	[hbm4b:s23+s2] =	stream.linear.scatter [tilespmem:s14], [sflag:$0x5], $0x7D00, $0x38;
	[tilespmem:$0x1C520] =	vst v63  }
0xdc: {  	_ =	swait.ge [sflag:s24], $0x7D00  }
0xdd: {  	[sflag:s24] =	ssyncset.done $0x0  }
0xde: {  	[sflag:s24] =	ssyncadd.s32 $0xFFFF8300  }
0xdf: {  	_ =	swait.ge [sflag:s12], $0x7D0  }
0xe0: {  	[sflag:s12] =	ssyncset.done $0x0  }
0xe1: {  	[sflag:s12] =	ssyncadd.s32 $0xFFFFF830  }
0xe2: {  	[tilespmem:s17], [sflag:$0x4] =	stream.indirect.gather [hbm4b:s13+s4], $0x10, s8, s4, $0xb8;
	[tilespmem:$0x1C520] =	vst v63  }
0xe3: {  	_ =	swait.ge [sflag:s18], $0x7D00  }
0xe4: {  	[sflag:s18] =	ssyncset.done $0x0  }
0xe5: {  	[sflag:s18] =	ssyncadd.s32 $0xFFFF8300  }
0xe6: {  	[hbm4b:s25+s2] =	stream.linear.scatter [tilespmem:s15], [sflag:$0x6], $0x7D00, $0x38;
	[tilespmem:$0x1C520] =	vst v63  }
0xe7: {  	_ =	swait.ge [sflag:s19], $0x7D00  }
0xe8: {  	[sflag:s19] =	ssyncset.done $0x0  }
0xe9: {  	[sflag:s19] =	ssyncadd.s32 $0xFFFF8300  }
0xea: {  	_ =	swait.ge [sflag:s12], $0x7D0  }
0xeb: {  	[sflag:s12] =	ssyncset.done $0x0  }
0xec: {  	[sflag:s12] =	ssyncadd.s32 $0xFFFFF830  }
0xed: {  	[tilespmem:s14], [sflag:$0x2] =	stream.indirect.gather [hbm4b:s13+s4], $0x10, s9, s4, $0xb8;
	[tilespmem:$0x1C520] =	vst v63  }
0xee: {  	_ =	swait.ge [sflag:s20], $0x7D00  }
0xef: {  	[sflag:s20] =	ssyncset.done $0x0  }
0xf0: {  	[sflag:s20] =	ssyncadd.s32 $0xFFFF8300  }
0xf1: {  	[hbm4b:s26+s2] =	stream.linear.scatter [tilespmem:s17], [sflag:$0x7], $0x7D00, $0x38;
	[tilespmem:$0x1C520] =	vst v63  }
0xf2: {  	_ =	swait.ge [sflag:s22], $0x7D00  }
0xf3: {  	[sflag:s22] =	ssyncset.done $0x0  }
0xf4: {  	[sflag:s22] =	ssyncadd.s32 $0xFFFF8300  }
0xf5: {  	_ =	swait.ge [sflag:s12], $0x7D0  }
0xf6: {  	[sflag:s12] =	ssyncset.done $0x0  }
0xf7: {  	[sflag:s12] =	ssyncadd.s32 $0xFFFFF830  }
0xf8: {  	[tilespmem:s15], [sflag:$0x3] =	stream.indirect.gather [hbm4b:s13+s4], $0x10, s10, s4, $0xb8;
	[tilespmem:$0x1C520] =	vst v63  }
0xf9: {  	_ =	swait.ge [sflag:s16], $0x7D00  }
0xfa: {  	[sflag:s16] =	ssyncset.done $0x0  }
0xfb: {  	[sflag:s16] =	ssyncadd.s32 $0xFFFF8300  }
0xfc: {  	[hbm4b:s28+s2] =	stream.linear.scatter [tilespmem:s14], [sflag:$0x5], $0x7D00, $0x38;
	[tilespmem:$0x1C520] =	vst v63  }
0xfd: {  	_ =	swait.ge [sflag:s24], $0x7D00  }
0xfe: {  	[sflag:s24] =	ssyncset.done $0x0  }
0xff: {  	[sflag:s24] =	ssyncadd.s32 $0xFFFF8300  }
0x100: {  	_ =	swait.ge [sflag:s12], $0x7D0  }
0x101: {  	[sflag:s12] =	ssyncset.done $0x0  }
0x102: {  	[sflag:s12] =	ssyncadd.s32 $0xFFFFF830  }
0x103: {  	[tilespmem:s17], [sflag:$0x4] =	stream.indirect.gather [hbm4b:s13+s4], $0x10, s11, s4, $0xb8;
	[tilespmem:$0x1C520] =	vst v63  }
0x104: {  	_ =	swait.ge [sflag:s18], $0x7D00  }
0x105: {  	[sflag:s18] =	ssyncset.done $0x0  }
0x106: {  	[sflag:s18] =	ssyncadd.s32 $0xFFFF8300  }
0x107: {  	[hbm4b:s29+s2] =	stream.linear.scatter [tilespmem:s15], [sflag:$0x6], $0x7D00, $0x38;
	[tilespmem:$0x1C520] =	vst v63  }
0x108: {  	_ =	swait.ge [sflag:s19], $0x7D00  }
0x109: {  	[sflag:s19] =	ssyncset.done $0x0  }
0x10a: {  	[sflag:s19] =	ssyncadd.s32 $0xFFFF8300  }
0x10b: {  	_ =	swait.ge [sflag:s12], $0x7D0  }
0x10c: {  	[sflag:s12] =	ssyncset.done $0x0  }
0x10d: {  	[sflag:s12] =	ssyncadd.s32 $0xFFFFF830  }
0x10e: {  	[tilespmem:s14], [sflag:$0x2] =	stream.indirect.gather [hbm4b:s13+s4], $0x10, s21, s4, $0xb8;
	[tilespmem:$0x1C520] =	vst v63  }
0x10f: {  	_ =	swait.ge [sflag:s20], $0x7D00  }
0x110: {  	[sflag:s20] =	ssyncset.done $0x0  }
0x111: {  	[sflag:s20] =	ssyncadd.s32 $0xFFFF8300  }
0x112: {  	[hbm4b:s30+s2] =	stream.linear.scatter [tilespmem:s17], [sflag:$0x7], $0x7D00, $0x38;
	[tilespmem:$0x1C520] =	vst v63  }
0x113: {  	_ =	swait.ge [sflag:s16], $0x7D00  }
0x114: {  	[sflag:s16] =	ssyncset.done $0x0  }
0x115: {  	[sflag:s16] =	ssyncadd.s32 $0xFFFF8300  }
0x116: {  	[hbm4b:s31+s2] =	stream.linear.scatter [tilespmem:s14], [sflag:$0x5], $0x7D00, $0x38;
	[tilespmem:$0x1C520] =	vst v63  }
0x117: {  	_ =	swait.ge [sflag:s19], $0x7D00  }
0x118: {  	p0 =	sne.s32 s1, $0x1;
	[sflag:s19] =	ssyncset.done $0x0  }
.Ltmp1:
0x119: {  	[sflag:s19] =	ssyncadd.s32 $0xFFFF8300;
	(pc) =	sbr.rel @p0 .LBB2_2-.Ltmp1, $4  }
0x11a: {  	_ =	swait.ge [sflag:s22], $0x7D00  }
0x11b: {  	[sflag:s22] =	ssyncset.done $0x0  }
0x11c: {  	[sflag:s22] =	ssyncadd.s32 $0xFFFF8300  }
0x11d: {  	s1 =	sadd.s32 $0xFFFFFFFF, s1;
	_ =	swait.ge [sflag:s24], $0x7D00  }
.LBB2_3:
0x11e: {  	[sflag:s24] =	ssyncset.done $0x0  }
0x11f: {  	[sflag:s24] =	ssyncadd.s32 $0xFFFF8300  }
0x120: {  	_ =	sfence.sel $0x180000  }
0x121: {  	[bflag:$0x0] =	sbarrier.arrive $0xFFFF  }
0x122: {  	_ =	strace $0x90000047  }
0x123: {  	s0 =	stileid.u32;
	[bflag:$0x2] =	sbarrier.arrive $0xFFFF  }
0x124: {  	p0 =	sne.s32 s0, $0x0;
	s0 =	rddreg [dreg:$0x1]  }
0x125: {  	s0 =	sadd.s32 @!p0 $0x100000, s0  }
0x126: {  	[sflag:s0] =	ssyncadd.tile.s32 @!p0 $0x1;
	_ =	shalt  }
.Lfunc_end2:
_tile_overlayer_lowered:
.L_overlay_start_2:
0x127: {  	(tag) =	ssettag $0x2  }
0x128: {  	s0 =	rddreg [dreg:$0x0];
	s2 =	stileid.u32  }
0x129: {  	s1 =	rddreg [dreg:$0x1];
	p0 =	sne.s32 s2, $0x0  }
0x12a: {  	s3 =	rddreg [dreg:$0x2];
	[bflag:$0x3] =	sbarrier.arrive $0xFFFF;
	s2 =	simm.s32 @!p0 $0x1C08  }
0x12b: {  	[timem:s3], [sflag:s2] =	dma.local @!p0 [hbm:s0], s1  }
0x12c: {  	s0 =	simm.s32 @!p0 $0x8  }
0x12d: {  	_ =	swait.ge @!p0 [sflag:s0], s1  }
0x12e: {  	s1 =	ssub.s32 @!p0 $0x0, s1;
	[sflag:s0] =	ssyncset.done @!p0 $0x0  }
0x12f: {  	[sflag:s0] =	ssyncadd.s32 @!p0 s1  }
0x130: {  	[bflag:$0x3] =	sbarrier.arrive $0xFFFF  }
0x131: {  	_ =	shalt  }

// kernel: kernel.14.cloned.1.call-start
scs
__scs_entry_jumppad:
0x0: {  	(pc) =	sbr.rel $0x88, $3  }
0x1: {  	(tag) =	ssettag $0x0;
	lr =	simm.s32 $0x1  }
0x2: {  	[smem:$0x3F85] =	sst lr;
	_ =	strace $0xD0000000  }
0x3: {  	_ = 	snop  }
0x4: {  	_ = 	snop  }
0x5: {  	_ = 	snop  }
0x6: {  	_ = 	snop  }
0x7: {  	_ = 	snop  }
__scs_overlays_trampoline_lowered:
0x8: {  	[smem:$0x3F94] =	sst s0  }
0x9: {  	[smem:$0x3F95] =	sst s1  }
0xa: {  	[smem:$0x3F96] =	sst s2  }
0xb: {  	[smem:$0x3F97] =	sst s3  }
0xc: {  	[smem:$0x3F98] =	sst s4  }
0xd: {  	[smem:$0x3F99] =	sst s5  }
0xe: {  	[smem:$0x3F9A] =	sst s6  }
0xf: {  	[smem:$0x3F9B] =	sst s7  }
0x10: {  	[smem:$0x3F9C] =	sst s8  }
0x11: {  	[smem:$0x3F9D] =	sst s9;
	s0 =	simm.s32 @!p0 $0x0  }
0x12: {  	s1 =	sld [smem:$0x3F83];
	s0 =	simm.s32 @p0 $0x1  }
0x13: {  	[smem:$0x3F9E] =	sst s0;
	s0 =	simm.s32 @!p1 $0x0  }
0x14: {  	s2 =	sld [smem:$0x3F82];
	s0 =	simm.s32 @p1 $0x1  }
0x15: {  	[smem:$0x3F9F] =	sst s0;
	s0 =	simm.s32 @!p2 $0x0  }
0x16: {  	s3 =	sld [smem:$0x3FDB];
	s0 =	simm.s32 @p2 $0x1  }
0x17: {  	s4 =	simm.s32 $0x1BF5;
	[smem:$0x3FA1] =	sst s0  }
0x18: {  	s0 =	sld [smem:$0x3F84];
	_ =	swait.ge [sflag:s4], $0x0  }
0x19: {  	s7 =	sld [smem:$0x3F85]  }
0x1a: {  	s8 =	sadd.s32 $0xFFFFE003, lr  }
0x1b: {  	s9 =	sadd.s32 $0xFFFFFEF7, lr;
	s5 =	simm.s32 $0xFFFFFFFF;
	p2 =	slt.u32 s8, $0xFFFFF086  }
0x1c: {  	p1 =	slt.u32 s9, $0xF7A;
	s5 =	simm.s32 @!p2 $0x0  }
0x1d: {  	s5 =	simm.s32 @p1 $0x1;
	p0 =	seq.s32 s7, s2  }
0x1e: {  	s7 =	smul.u32 @!p0 $0xF7A, s2;
	p2 =	seq.s32 @!p0 s5, $0x0  }
0x1f: {  	s9 =	smul.u32 $0xF7A, s1;
	s8 =	simm.s32 @!p0 $0x1BF5;
	p2 =	por !p2, p0  }
0x20: {  	[sflag:s8] =	ssyncset.s32 @!p0 $0xFFFFF086;
	s6 =	sadd.s32 @!p0 s3, s7;
	s7 =	simm.s32 @!p0 $0x108  }
0x21: {  	s3 =	sadd.s32 s3, s9;
	s6 =	sadd.s32 @!p0 $0x88, s6;
	s7 =	simm.s32 @p2 $0x1082  }
0x22: {  	[simem:s7], [sflag:s8] =	dma.local @!p0 [hbm:s6], $0xF7A  }
0x23: {  	s9 =	sor.u32 $0xD0000000, s2;
	s6 =	simm.s32 $0x108;
	_ =	swait.ge @!p0 [sflag:s8], $0x0  }
0x24: {  	s3 =	sadd.s32 $0x88, s3;
	s6 =	simm.s32 @!p1 $0x1082;
	[sflag:s4] =	ssyncset.s32 $0xFFFFF086  }
0x25: {  	[simem:s6], [sflag:s4] =	dma.local [hbm:s3], $0xF7A  }
0x26: {  	[smem:$0x3F85] =	sst s1;
	(tag) =	ssettag s2;
	_ =	strace s9  }
0x27: {  	s1 =	sld [smem:$0x3F95]  }
0x28: {  	s2 =	sld [smem:$0x3F96]  }
0x29: {  	s4 =	sld [smem:$0x3F98]  }
0x2a: {  	p0 =	seq.s32 s5, $0x0;
	s5 =	sld [smem:$0x3F99]  }
0x2b: {  	s6 =	sld [smem:$0x3F9A]  }
0x2c: {  	s7 =	sld [smem:$0x3F9B]  }
0x2d: {  	s3 =	simm.s32 $0x108;
	s8 =	sld [smem:$0x3F9C]  }
0x2e: {  	s3 =	simm.s32 @!p0 $0x1082;
	s9 =	sld [smem:$0x3F9D]  }
0x2f: {  	lr =	sadd.s32 s0, s3;
	s0 =	sld [smem:$0x3F94]  }
0x30: {  	s3 =	sld [smem:$0x3F97]  }
0x31: {  	[smem:$0x3FA0] =	sst s10  }
0x32: {  	s10 =	sld [smem:$0x3F9E];
	_ =	sdelay $0x3  }
0x33: {  	p0 =	seq.s32 s10, $0x1;
	s10 =	sld [smem:$0x3FA0];
	_ =	sdelay $0x3  }
0x34: {  	[smem:$0x3FA0] =	sst s10  }
0x35: {  	s10 =	sld [smem:$0x3F9F];
	_ =	sdelay $0x3  }
0x36: {  	p1 =	seq.s32 s10, $0x1;
	s10 =	sld [smem:$0x3FA0];
	_ =	sdelay $0x3  }
0x37: {  	[smem:$0x3FA0] =	sst s10  }
0x38: {  	s10 =	sld [smem:$0x3FA1]  }
0x39: {  	_ = 	snop;
	(pc) =	sbr.ind lr, $3  }
0x3a: {  	_ = 	snop  }
0x3b: {  	_ = 	snop  }
0x3c: {  	p2 =	seq.s32 s10, $0x1;
	s10 =	sld [smem:$0x3FA0]  }
0x3d: {  	_ =	shalt  }
0x3e: {  	_ =	shalt  }
0x3f: {  	_ =	shalt  }
0x40: {  	_ =	shalt  }
0x41: {  	_ =	shalt  }
0x42: {  	_ =	shalt  }
0x43: {  	_ =	shalt  }
0x44: {  	_ =	shalt  }
0x45: {  	_ =	shalt  }
0x46: {  	_ =	shalt  }
0x47: {  	_ =	shalt  }
0x48: {  	_ =	shalt  }
0x49: {  	_ =	shalt  }
0x4a: {  	_ =	shalt  }
0x4b: {  	_ =	shalt  }
0x4c: {  	_ =	shalt  }
0x4d: {  	_ =	shalt  }
0x4e: {  	_ =	shalt  }
0x4f: {  	_ =	shalt  }
0x50: {  	_ =	shalt  }
0x51: {  	_ =	shalt  }
0x52: {  	_ =	shalt  }
0x53: {  	_ =	shalt  }
0x54: {  	_ =	shalt  }
0x55: {  	_ =	shalt  }
0x56: {  	_ =	shalt  }
0x57: {  	_ =	shalt  }
0x58: {  	_ =	shalt  }
0x59: {  	_ =	shalt  }
0x5a: {  	_ =	shalt  }
0x5b: {  	_ =	shalt  }
0x5c: {  	_ =	shalt  }
0x5d: {  	_ =	shalt  }
0x5e: {  	_ =	shalt  }
0x5f: {  	_ =	shalt  }
0x60: {  	_ =	shalt  }
0x61: {  	_ =	shalt  }
0x62: {  	_ =	shalt  }
0x63: {  	_ =	shalt  }
0x64: {  	_ =	shalt  }
0x65: {  	_ =	shalt  }
0x66: {  	_ =	shalt  }
0x67: {  	_ =	shalt  }
0x68: {  	_ =	shalt  }
0x69: {  	_ =	shalt  }
0x6a: {  	_ =	shalt  }
0x6b: {  	_ =	shalt  }
0x6c: {  	_ =	shalt  }
0x6d: {  	_ =	shalt  }
0x6e: {  	_ =	shalt  }
0x6f: {  	_ =	shalt  }
0x70: {  	_ =	shalt  }
0x71: {  	_ =	shalt  }
0x72: {  	_ =	shalt  }
0x73: {  	_ =	shalt  }
0x74: {  	_ =	shalt  }
0x75: {  	_ =	shalt  }
0x76: {  	_ =	shalt  }
0x77: {  	_ =	shalt  }
0x78: {  	_ =	shalt  }
0x79: {  	_ =	shalt  }
0x7a: {  	_ =	shalt  }
0x7b: {  	_ =	shalt  }
0x7c: {  	_ =	shalt  }
0x7d: {  	_ =	shalt  }
0x7e: {  	_ =	shalt  }
0x7f: {  	_ =	shalt  }
0x80: {  	_ =	shalt  }
0x81: {  	_ =	shalt  }
0x82: {  	_ =	shalt  }
0x83: {  	_ =	shalt  }
0x84: {  	_ =	shalt  }
0x85: {  	_ =	shalt  }
0x86: {  	_ =	shalt  }
0x87: {  	_ =	shalt  }
.Lfunc_end0:
.L_simem_size_0:
called_computation.1_lowered:
.L_overlay_start_0:
0x88: {  	s2 =	sld [smem:$0x3FD9]  }
0x89: {  	s3 =	sld [smem:$0x3FFE];
	_ =	sdelay $0x1  }
0x8a: {  	s1 =	srdreg.scid  }
0x8b: {  	s0 =	sand.u32 $0x1, s1  }
0x8c: {  	s16 =	sshll.u32 s0, $0xA;
	s2 =	sadd.s32 s3, s2  }
0x8d: {  	s2 =	sadd.s32 s2, s16  }
0x8e: {  	[smem:$0x3FAC] =	sst s2  }
0x8f: {  	_ = 	snop  }
0x90: {  	(tm) =	ssettm $0x1  }
0x91: {  	s17 =	sld [smem:$0x3FFB];
	_ =	sdelay $0x3  }
0x92: {  	_ =	strace s17  }
0x93: {  	s2 =	sld [smem:$0x3FFC];
	_ =	sdelay $0x3  }
0x94: {  	_ =	strace s2  }
0x95: {  	s2 =	sld [smem:$0x3FFD];
	_ =	sdelay $0x3  }
0x96: {  	_ =	strace s2  }
0x97: {  	_ =	strace $0x8FFFFFFF  }
0x98: {  	s18 =	sld [smem:$0x3FDB];
	_ =	sdelay $0x1  }
0x99: {  	s19 =	simm.s32 $_scs_section_size  }
0x9a: {  	s4 =	simm.s32 $_size__tile_overlayer_lowered;
	s5 =	simm.s32 $_tile_overlayer_lowered  }
0x9b: {  	s22 =	simm.s32 $0x1BFF;
	s21 =	sshll.u32 s5, $0x1;
	s2 =	sadd.s32 s19, s18  }
0x9c: {  	s6 =	simm.s32 $0x0;
	s20 =	sshll.u32 s4, $0x1;
	s4 =	sadd.s32 s21, s2  }
0x9d: {  	[timem:s6], [sflag:s22] =	dma.local [hbm:s4], s20  }
0x9e: {  	_ =	swait.ge [sflag:s22], s20  }
0x9f: {  	s3 =	ssub.s32 $0x0, s20;
	[sflag:s22] =	ssyncset.done $0x0  }
0xa0: {  	[sflag:s22] =	ssyncadd.s32 s3;
	_ =	sdelay $0x1  }
0xa1: {  	s23 =	simm.s32 $0x1B8B  }
0xa2: {  	_ =	swait.ge [sflag:s23], $0x1  }
0xa3: {  	[sflag:s23] =	ssyncset.done $0x0  }
0xa4: {  	s25 =	simm.s32 $0x1B8E;
	s24 =	sld [smem:$0x3FFE];
	[sflag:s23] =	ssyncadd.s32 $0xFFFFFFFF  }
0xa5: {  	s26 =	simm.s32 $execute0_lowered;
	[smem:$0x3FD2] =	sst s25  }
0xa6: {  	s4 =	sshll.u32 s26, $0x1;
	_ =	strace $0x80000049;
	[dreg:$0x1] =	wrdreg $0xFFFFFFFF  }
0xa7: {  	s28 =	simm.s32 $_size_execute0_lowered;
	s2 =	sadd.s32 s2, s4;
	[dreg:$0x0] =	wrdreg $0x0  }
0xa8: {  	s4 =	sshll.u32 s28, $0x1;
	[dreg:$0x2] =	wrdreg s2  }
0xa9: {  	[dreg:$0x3] =	wrdreg s4  }
0xaa: {  	[dreg:$0x4] =	wrdreg $0xC0  }
0xab: {  	_ =	task [dreg:s6], $0x5FFFF  }
0xac: {  	[dreg:$0x1] =	wrdreg $0xFFFFFFFF  }
0xad: {  	[dreg:$0x0] =	wrdreg $0x60  }
0xae: {  	[dreg:$0x2] =	wrdreg s24  }
0xaf: {  	[dreg:$0x3] =	wrdreg $0x121100  }
0xb0: {  	[dreg:$0x4] =	wrdreg $0x9  }
0xb1: {  	_ =	task.clear_ibuf [dreg:s6], $0x5FFFF;
	_ =	strace $0x90000049  }
0xb2: {  	s29 =	simm.s32 $0x9;
	_ =	strace $0x8000004B  }
0xb3: {  	_ =	swait.ge [sflag:s29], $0x1  }
0xb4: {  	[sflag:s29] =	ssyncadd.s32 $0xFFFFFFFF  }
0xb5: {  	_ =	strace $0x9000004B  }
0xb6: {  	_ =	sfence  }
0xb7: {  	s30 =	sld [smem:$0x0];
	_ =	sdelay $0x2  }
0xb8: {  	s31 =	sshll.u32 s1, $0xD;
	s1 =	sshrl.u32 s1, $0x2  }
0xb9: {  	s3 =	sand.u32 $0x4000, s31;
	s1 =	sadd.s32 s1, s30  }
0xba: {  	s0 =	sor.u32 s3, s0;
	s1 =	sshll.u32 s1, $0x11  }
0xbb: {  	s0 =	sor.u32 s1, s0  }
0xbc: {  	s0 =	sadd.s32 $0x8F2B, s0  }
0xbd: {  	[sflag:s0] =	ssyncadd.remote.s32 $0x1  }
0xbe: {  	_ =	sfence.sel $0xFFFF  }
0xbf: {  	[dreg:$0x0] =	wrdreg $0xFFFFFFFF;
	(pc) =	sbr.abs _section_cstart, $3  }
0xc0: {  	[dreg:$0x1] =	wrdreg $0xFFFFFFFF  }
0xc1: {  	_ =	task.clear_ibuf [dreg:s6], $0x2FFFF;
	_ =	strace $0x9FFFFFFF  }
0xc2: {  	(tm) =	ssettm $0x7FFFFFFF  }
0xc3: {  	_ =	shalt  }
tec
execute0_lowered:
.L_overlay_start_1:
0x0: {  	(tag) =	ssettag $0x1  }
0x1: {  	s30 =	rddreg [dreg:$0x0]  }
0x2: {  	s1 =	stileid.u32;
	s0 =	srdreg.scid  }
0x3: {  	s31 =	sand.u32 $0x1, s0;
	s4 =	sshll.u32 s1, $0x1;
	s0 =	smul.u32 $0x2710, s1  }
0x4: {  	s2 =	rddreg [dreg:$0x1];
	s3 =	simm.s32 $0x0;
	s18 =	sor.u32 s31, s4  }
0x5: {  	[smem:$0x7FF] =	sst s3;
	s6 =	smul.u32 $0x2710, s18;
	s24 =	sshrl.u32 s0, $0x3  }
0x6: {  	s8 =	sadd.s32 $0x14E00, s30;
	_ =	strace $0x8000004A;
	s11 =	sadd.s32 s24, s30  }
0x7: {  	s19 =	sadd.s32 $0x7D0, s6;
	s25 =	sshrl.u32 s6, $0x3;
	s24 =	sadd.s32 $0xFA0, s6  }
0x8: {  	s28 =	sadd.s32 $0x1770, s6;
	s29 =	sadd.s32 $0x1F40, s6;
	s5 =	sshrl.u32 s19, $0x3  }
0x9: {  	s4 =	sadd.s32 s8, s25;
	s7 =	sshrl.u32 s24, $0x3;
	s26 =	sshrl.u32 s28, $0x3  }
0xa: {  	s9 =	sshrl.u32 s29, $0x3;
	s5 =	sadd.s32 s8, s5;
	s6 =	sadd.s32 s8, s7  }
0xb: {  	[tilespmem:s3], [sflag:$0x1] =	stream.linear.gather [hbm4b:s4+s3], $0x7D0, $0x38;
	[tilespmem:$0x14820] =	vst v63  }
0xc: {  	s7 =	sadd.s32 s8, s26;
	s8 =	sadd.s32 s8, s9;
	s9 =	simm.s32 $0x7D0  }
0xd: {  	[tilespmem:s9], [sflag:$0x1] =	stream.linear.gather [hbm4b:s5+s3], $0x7D0, $0x38;
	[tilespmem:$0x14820] =	vst v63  }
0xe: {  	s10 =	simm.s32 $0xFA0;
	s13 =	simm.s32 $0x1770;
	s12 =	sshll.u32 s1, $0x6  }
0xf: {  	[tilespmem:s10], [sflag:$0x1] =	stream.linear.gather [hbm4b:s6+s3], $0x7D0, $0x38;
	[tilespmem:$0x14820] =	vst v63  }
0x10: {  	s14 =	simm.s32 $0x1F40;
	s12 =	sor.u32 $0x1C06, s12;
	s15 =	sadd.s32 s0, s2  }
0x11: {  	[tilespmem:s13], [sflag:$0x1] =	stream.linear.gather [hbm4b:s7+s3], $0x7D0, $0x38;
	[tilespmem:$0x14820] =	vst v63  }
0x12: {  	s16 =	sshrl.u32 s15, $0x3;
	s15 =	simm.s32 $0x6;
	s11 =	sadd.s32 $0x6000, s11  }
0x13: {  	[tilespmem:s14], [sflag:$0x1] =	stream.linear.gather [hbm4b:s8+s3], $0x7D0, $0x38;
	[tilespmem:$0x14820] =	vst v63  }
0x14: {  	[spmem:s16], [sflag:s12] =	dma.local [hbm:s11], $0x4E2  }
0x15: {  	_ =	swait.ge [sflag:s15], $0x4E2  }
0x16: {  	[sflag:s15] =	ssyncset.done $0x0  }
0x17: {  	s17 =	simm.s32 $0x1;
	[sflag:s15] =	ssyncadd.s32 $0xFFFFFB1E  }
0x18: {  	_ =	swait.ge [sflag:s17], $0x7D0  }
0x19: {  	[sflag:s17] =	ssyncset.done $0x0  }
0x1a: {  	[sflag:s17] =	ssyncadd.s32 $0xFFFFF830  }
0x1b: {  	_ =	swait.ge [sflag:s17], $0x7D0  }
0x1c: {  	[sflag:s17] =	ssyncset.done $0x0  }
0x1d: {  	[sflag:s17] =	ssyncadd.s32 $0xFFFFF830  }
0x1e: {  	_ =	swait.ge [sflag:s17], $0x7D0  }
0x1f: {  	[sflag:s17] =	ssyncset.done $0x0  }
0x20: {  	[sflag:s17] =	ssyncadd.s32 $0xFFFFF830  }
0x21: {  	_ =	swait.ge [sflag:s17], $0x7D0  }
0x22: {  	[sflag:s17] =	ssyncset.done $0x0  }
0x23: {  	[sflag:s17] =	ssyncadd.s32 $0xFFFFF830  }
0x24: {  	s18 =	smul.u32 $0x4E20, s18;
	_ =	swait.ge [sflag:s17], $0x7D0  }
0x25: {  	s1 =	sadd.s32 $0x1EC00, s30;
	[sflag:s17] =	ssyncset.done $0x0  }
0x26: {  	s18 =	sadd.s32 s1, s18;
	[sflag:s17] =	ssyncadd.s32 $0xFFFFF830  }
0x27: {  	s20 =	sshll.u32 s19, $0x1;
	s19 =	simm.s32 $0x2710;
	[bflag:$0x0] =	sbarrier.arrive $0xFFFF  }
0x28: {  	[tilespmem:s19], [sflag:$0x2] =	stream.linear.gather [hbm4b:s18+s3], $0x7D00, $0x38;
	[tilespmem:$0x14820] =	vst v63  }
0x29: {  	s21 =	simm.s32 $0xA410;
	s22 =	simm.s32 $0x2;
	s20 =	sadd.s32 s1, s20  }
0x2a: {  	[tilespmem:s21], [sflag:$0x3] =	stream.linear.gather [hbm4b:s20+s3], $0x7D00, $0x38;
	[tilespmem:$0x14820] =	vst v63  }
0x2b: {  	_ =	swait.ge [sflag:s22], $0x7D00  }
0x2c: {  	[sflag:s22] =	ssyncset.done $0x0  }
0x2d: {  	s23 =	simm.s32 $0x4;
	[sflag:s22] =	ssyncadd.s32 $0xFFFF8300  }
0x2e: {  	[spmem:s2] =	stream.indirect.scatter.add.f32 [tilespmem:s19], [sflag:$0x4], $0x10, s3, s9, $0xb8;
	[tilespmem:$0x14820] =	vst v63  }
0x2f: {  	_ =	swait.ge [sflag:s23], $0x7D00  }
0x30: {  	s24 =	sshll.u32 s24, $0x1;
	[sflag:s23] =	ssyncset.done $0x0  }
0x31: {  	s25 =	simm.s32 $0x3;
	s24 =	sadd.s32 s1, s24;
	[sflag:s23] =	ssyncadd.s32 $0xFFFF8300  }
0x32: {  	[tilespmem:s19], [sflag:$0x2] =	stream.linear.gather [hbm4b:s24+s3], $0x7D00, $0x38;
	[tilespmem:$0x14820] =	vst v63  }
0x33: {  	_ =	swait.ge [sflag:s25], $0x7D00  }
0x34: {  	[sflag:s25] =	ssyncset.done $0x0  }
0x35: {  	s26 =	simm.s32 $0x5;
	[sflag:s25] =	ssyncadd.s32 $0xFFFF8300  }
0x36: {  	[spmem:s2] =	stream.indirect.scatter.add.f32 [tilespmem:s21], [sflag:$0x5], $0x10, s9, s9, $0xb8;
	[tilespmem:$0x14820] =	vst v63  }
0x37: {  	_ =	swait.ge [sflag:s26], $0x7D00  }
0x38: {  	s28 =	sshll.u32 s28, $0x1;
	[sflag:s26] =	ssyncset.done $0x0  }
0x39: {  	s28 =	sadd.s32 s1, s28;
	[sflag:s26] =	ssyncadd.s32 $0xFFFF8300  }
0x3a: {  	[tilespmem:s21], [sflag:$0x3] =	stream.linear.gather [hbm4b:s28+s3], $0x7D00, $0x38;
	[tilespmem:$0x14820] =	vst v63  }
0x3b: {  	_ =	swait.ge [sflag:s22], $0x7D00  }
0x3c: {  	[sflag:s22] =	ssyncset.done $0x0  }
0x3d: {  	[sflag:s22] =	ssyncadd.s32 $0xFFFF8300  }
0x3e: {  	[spmem:s2] =	stream.indirect.scatter.add.f32 [tilespmem:s19], [sflag:$0x4], $0x10, s10, s9, $0xb8;
	[tilespmem:$0x14820] =	vst v63  }
0x3f: {  	_ =	swait.ge [sflag:s23], $0x7D00  }
0x40: {  	s29 =	sshll.u32 s29, $0x1;
	[sflag:s23] =	ssyncset.done $0x0  }
0x41: {  	s29 =	sadd.s32 s1, s29;
	[sflag:s23] =	ssyncadd.s32 $0xFFFF8300  }
0x42: {  	[tilespmem:s19], [sflag:$0x2] =	stream.linear.gather [hbm4b:s29+s3], $0x7D00, $0x38;
	[tilespmem:$0x14820] =	vst v63  }
0x43: {  	_ =	swait.ge [sflag:s25], $0x7D00  }
0x44: {  	[sflag:s25] =	ssyncset.done $0x0  }
0x45: {  	[sflag:s25] =	ssyncadd.s32 $0xFFFF8300  }
0x46: {  	[spmem:s2] =	stream.indirect.scatter.add.f32 [tilespmem:s21], [sflag:$0x5], $0x10, s13, s9, $0xb8;
	[tilespmem:$0x14820] =	vst v63  }
0x47: {  	_ =	swait.ge [sflag:s22], $0x7D00  }
0x48: {  	[sflag:s22] =	ssyncset.done $0x0  }
0x49: {  	s1 =	smul.u32 $0x27100, s31;
	[sflag:s22] =	ssyncadd.s32 $0xFFFF8300  }
0x4a: {  	[spmem:s2] =	stream.indirect.scatter.add.f32 [tilespmem:s19], [sflag:$0x4], $0x10, s14, s9, $0xb8;
	[tilespmem:$0x14820] =	vst v63  }
0x4b: {  	s0 =	sadd.s32 s0, s1;
	s1 =	ssub.s32 $0x2, s31;
	_ =	swait.ge [sflag:s23], $0x7D00  }
0x4c: {  	s31 =	sshrl.u32 s1, $0x1;
	[sflag:s23] =	ssyncset.done $0x0  }
0x4d: {  	s1 =	ssub.s32 s1, s31;
	[sflag:s23] =	ssyncadd.s32 $0xFFFF8300  }
0x4e: {  	s1 =	smax.u32 s1, $0x1;
	_ =	swait.ge [sflag:s26], $0x7D00  }
0x4f: {  	s0 =	sshrl.u32 s0, $0x3;
	p0 =	sne.s32 s1, $0x1;
	[sflag:s26] =	ssyncset.done $0x0  }
.Ltmp0:
0x50: {  	s0 =	sadd.s32 s0, s30;
	[sflag:s26] =	ssyncadd.s32 $0xFFFF8300;
	(pc) =	sbr.rel @!p0 .LBB2_2-.Ltmp0, $4  }
0x51: {  	s30 =	sadd.s32 $0xBB000, s0;
	[bflag:$0x0] =	sbarrier.arrive $0xFFFF  }
0x52: {  	[hbm:s30], [sflag:s12] =	dma.local [spmem:s16], $0x4E2  }
0x53: {  	_ =	swait.ge [sflag:s15], $0x4E2  }
0x54: {  	s31 =	sadd.s32 $0xFFFFFFFF, s1;
	[sflag:s15] =	ssyncset.done $0x0  }
.LBB2_1:
0x55: {  	p0 =	sne.s32 s31, $0x1;
	s31 =	sadd.s32 $0xFFFFFFFF, s31;
	[sflag:s15] =	ssyncadd.s32 $0xFFFFFB1E  }
0x56: {  	[tilespmem:s3], [sflag:$0x1] =	stream.linear.gather [hbm4b:s4+s3], $0x7D0, $0x38;
	[tilespmem:$0x14820] =	vst v63  }
0x57: {  	_ = 	snop  }
0x58: {  	[tilespmem:s9], [sflag:$0x1] =	stream.linear.gather [hbm4b:s5+s3], $0x7D0, $0x38;
	[tilespmem:$0x14820] =	vst v63  }
0x59: {  	_ = 	snop  }
0x5a: {  	[tilespmem:s10], [sflag:$0x1] =	stream.linear.gather [hbm4b:s6+s3], $0x7D0, $0x38;
	[tilespmem:$0x14820] =	vst v63  }
0x5b: {  	_ = 	snop  }
0x5c: {  	[tilespmem:s13], [sflag:$0x1] =	stream.linear.gather [hbm4b:s7+s3], $0x7D0, $0x38;
	[tilespmem:$0x14820] =	vst v63  }
0x5d: {  	_ = 	snop  }
0x5e: {  	[tilespmem:s14], [sflag:$0x1] =	stream.linear.gather [hbm4b:s8+s3], $0x7D0, $0x38;
	[tilespmem:$0x14820] =	vst v63  }
0x5f: {  	[spmem:s16], [sflag:s12] =	dma.local [hbm:s11], $0x4E2  }
0x60: {  	_ =	swait.ge [sflag:s15], $0x4E2  }
0x61: {  	[sflag:s15] =	ssyncset.done $0x0  }
0x62: {  	[sflag:s15] =	ssyncadd.s32 $0xFFFFFB1E  }
0x63: {  	_ =	swait.ge [sflag:s17], $0x7D0  }
0x64: {  	[sflag:s17] =	ssyncset.done $0x0  }
0x65: {  	[sflag:s17] =	ssyncadd.s32 $0xFFFFF830  }
0x66: {  	_ =	swait.ge [sflag:s17], $0x7D0  }
0x67: {  	[sflag:s17] =	ssyncset.done $0x0  }
0x68: {  	[sflag:s17] =	ssyncadd.s32 $0xFFFFF830  }
0x69: {  	_ =	swait.ge [sflag:s17], $0x7D0  }
0x6a: {  	[sflag:s17] =	ssyncset.done $0x0  }
0x6b: {  	[sflag:s17] =	ssyncadd.s32 $0xFFFFF830  }
0x6c: {  	_ =	swait.ge [sflag:s17], $0x7D0  }
0x6d: {  	[sflag:s17] =	ssyncset.done $0x0  }
0x6e: {  	[sflag:s17] =	ssyncadd.s32 $0xFFFFF830  }
0x6f: {  	_ =	swait.ge [sflag:s17], $0x7D0  }
0x70: {  	[sflag:s17] =	ssyncset.done $0x0  }
0x71: {  	[sflag:s17] =	ssyncadd.s32 $0xFFFFF830  }
0x72: {  	[bflag:$0x0] =	sbarrier.arrive $0xFFFF  }
0x73: {  	[tilespmem:s19], [sflag:$0x2] =	stream.linear.gather [hbm4b:s18+s3], $0x7D00, $0x38;
	[tilespmem:$0x14820] =	vst v63  }
0x74: {  	_ = 	snop  }
0x75: {  	[tilespmem:s21], [sflag:$0x3] =	stream.linear.gather [hbm4b:s20+s3], $0x7D00, $0x38;
	[tilespmem:$0x14820] =	vst v63  }
0x76: {  	_ =	swait.ge [sflag:s22], $0x7D00  }
0x77: {  	[sflag:s22] =	ssyncset.done $0x0  }
0x78: {  	[sflag:s22] =	ssyncadd.s32 $0xFFFF8300  }
0x79: {  	[spmem:s2] =	stream.indirect.scatter.add.f32 [tilespmem:s19], [sflag:$0x4], $0x10, s3, s9, $0xb8;
	[tilespmem:$0x14820] =	vst v63  }
0x7a: {  	_ =	swait.ge [sflag:s23], $0x7D00  }
0x7b: {  	[sflag:s23] =	ssyncset.done $0x0  }
0x7c: {  	[sflag:s23] =	ssyncadd.s32 $0xFFFF8300  }
0x7d: {  	[tilespmem:s19], [sflag:$0x2] =	stream.linear.gather [hbm4b:s24+s3], $0x7D00, $0x38;
	[tilespmem:$0x14820] =	vst v63  }
0x7e: {  	_ =	swait.ge [sflag:s25], $0x7D00  }
0x7f: {  	[sflag:s25] =	ssyncset.done $0x0  }
0x80: {  	[sflag:s25] =	ssyncadd.s32 $0xFFFF8300  }
0x81: {  	[spmem:s2] =	stream.indirect.scatter.add.f32 [tilespmem:s21], [sflag:$0x5], $0x10, s9, s9, $0xb8;
	[tilespmem:$0x14820] =	vst v63  }
0x82: {  	_ =	swait.ge [sflag:s26], $0x7D00  }
0x83: {  	[sflag:s26] =	ssyncset.done $0x0  }
0x84: {  	[sflag:s26] =	ssyncadd.s32 $0xFFFF8300  }
0x85: {  	[tilespmem:s21], [sflag:$0x3] =	stream.linear.gather [hbm4b:s28+s3], $0x7D00, $0x38;
	[tilespmem:$0x14820] =	vst v63  }
0x86: {  	_ =	swait.ge [sflag:s22], $0x7D00  }
0x87: {  	[sflag:s22] =	ssyncset.done $0x0  }
0x88: {  	[sflag:s22] =	ssyncadd.s32 $0xFFFF8300  }
0x89: {  	[spmem:s2] =	stream.indirect.scatter.add.f32 [tilespmem:s19], [sflag:$0x4], $0x10, s10, s9, $0xb8;
	[tilespmem:$0x14820] =	vst v63  }
0x8a: {  	_ =	swait.ge [sflag:s23], $0x7D00  }
0x8b: {  	[sflag:s23] =	ssyncset.done $0x0  }
0x8c: {  	[sflag:s23] =	ssyncadd.s32 $0xFFFF8300  }
0x8d: {  	[tilespmem:s19], [sflag:$0x2] =	stream.linear.gather [hbm4b:s29+s3], $0x7D00, $0x38;
	[tilespmem:$0x14820] =	vst v63  }
0x8e: {  	_ =	swait.ge [sflag:s25], $0x7D00  }
0x8f: {  	[sflag:s25] =	ssyncset.done $0x0  }
0x90: {  	[sflag:s25] =	ssyncadd.s32 $0xFFFF8300  }
0x91: {  	[spmem:s2] =	stream.indirect.scatter.add.f32 [tilespmem:s21], [sflag:$0x5], $0x10, s13, s9, $0xb8;
	[tilespmem:$0x14820] =	vst v63  }
0x92: {  	_ =	swait.ge [sflag:s22], $0x7D00  }
0x93: {  	[sflag:s22] =	ssyncset.done $0x0  }
0x94: {  	[sflag:s22] =	ssyncadd.s32 $0xFFFF8300  }
0x95: {  	[spmem:s2] =	stream.indirect.scatter.add.f32 [tilespmem:s19], [sflag:$0x4], $0x10, s14, s9, $0xb8;
	[tilespmem:$0x14820] =	vst v63  }
0x96: {  	_ =	swait.ge [sflag:s23], $0x7D00  }
0x97: {  	[sflag:s23] =	ssyncset.done $0x0  }
0x98: {  	[sflag:s23] =	ssyncadd.s32 $0xFFFF8300  }
0x99: {  	_ =	swait.ge [sflag:s26], $0x7D00  }
0x9a: {  	[sflag:s26] =	ssyncset.done $0x0  }
.Ltmp1:
0x9b: {  	[sflag:s26] =	ssyncadd.s32 $0xFFFF8300;
	(pc) =	sbr.rel @p0 .LBB2_1-.Ltmp1, $4  }
0x9c: {  	[bflag:$0x0] =	sbarrier.arrive $0xFFFF  }
0x9d: {  	[hbm:s30], [sflag:s12] =	dma.local [spmem:s16], $0x4E2  }
0x9e: {  	_ =	swait.ge [sflag:s15], $0x4E2  }
0x9f: {  	[sflag:s15] =	ssyncset.done $0x0  }
.LBB2_2:
0xa0: {  	[sflag:s15] =	ssyncadd.s32 $0xFFFFFB1E  }
0xa1: {  	_ =	sfence.sel $0x180000  }
0xa2: {  	[bflag:$0x0] =	sbarrier.arrive $0xFFFF  }
0xa3: {  	_ =	strace $0x9000004A  }
0xa4: {  	s0 =	stileid.u32;
	[bflag:$0x2] =	sbarrier.arrive $0xFFFF  }
0xa5: {  	p0 =	sne.s32 s0, $0x0;
	s0 =	rddreg [dreg:$0x2]  }
0xa6: {  	s0 =	sadd.s32 @!p0 $0x100000, s0  }
0xa7: {  	[sflag:s0] =	ssyncadd.tile.s32 @!p0 $0x1;
	_ =	shalt  }
.Lfunc_end2:
_tile_overlayer_lowered:
.L_overlay_start_2:
0xa8: {  	(tag) =	ssettag $0x2  }
0xa9: {  	s0 =	rddreg [dreg:$0x0];
	s2 =	stileid.u32  }
0xaa: {  	s1 =	rddreg [dreg:$0x1];
	p0 =	sne.s32 s2, $0x0  }
0xab: {  	s3 =	rddreg [dreg:$0x2];
	[bflag:$0x3] =	sbarrier.arrive $0xFFFF;
	s2 =	simm.s32 @!p0 $0x1C06  }
0xac: {  	[timem:s3], [sflag:s2] =	dma.local @!p0 [hbm:s0], s1  }
0xad: {  	s0 =	simm.s32 @!p0 $0x6  }
0xae: {  	_ =	swait.ge @!p0 [sflag:s0], s1  }
0xaf: {  	s1 =	ssub.s32 @!p0 $0x0, s1;
	[sflag:s0] =	ssyncset.done @!p0 $0x0  }
0xb0: {  	[sflag:s0] =	ssyncadd.s32 @!p0 s1  }
0xb1: {  	[bflag:$0x3] =	sbarrier.arrive $0xFFFF  }
0xb2: {  	_ =	shalt  }

// kernel: kernel.17.cloned.1.call-start
scs
__scs_entry_jumppad:
0x0: {  	(pc) =	sbr.rel $0x88, $3  }
0x1: {  	(tag) =	ssettag $0x0;
	lr =	simm.s32 $0x1  }
0x2: {  	[smem:$0x3F85] =	sst lr;
	_ =	strace $0xD0000000  }
0x3: {  	_ = 	snop  }
0x4: {  	_ = 	snop  }
0x5: {  	_ = 	snop  }
0x6: {  	_ = 	snop  }
0x7: {  	_ = 	snop  }
__scs_overlays_trampoline_lowered:
0x8: {  	[smem:$0x3F94] =	sst s0  }
0x9: {  	[smem:$0x3F95] =	sst s1  }
0xa: {  	[smem:$0x3F96] =	sst s2  }
0xb: {  	[smem:$0x3F97] =	sst s3  }
0xc: {  	[smem:$0x3F98] =	sst s4  }
0xd: {  	[smem:$0x3F99] =	sst s5  }
0xe: {  	[smem:$0x3F9A] =	sst s6  }
0xf: {  	[smem:$0x3F9B] =	sst s7  }
0x10: {  	[smem:$0x3F9C] =	sst s8  }
0x11: {  	[smem:$0x3F9D] =	sst s9;
	s0 =	simm.s32 @!p0 $0x0  }
0x12: {  	s1 =	sld [smem:$0x3F83];
	s0 =	simm.s32 @p0 $0x1  }
0x13: {  	[smem:$0x3F9E] =	sst s0;
	s0 =	simm.s32 @!p1 $0x0  }
0x14: {  	s2 =	sld [smem:$0x3F82];
	s0 =	simm.s32 @p1 $0x1  }
0x15: {  	[smem:$0x3F9F] =	sst s0;
	s0 =	simm.s32 @!p2 $0x0  }
0x16: {  	s3 =	sld [smem:$0x3FDB];
	s0 =	simm.s32 @p2 $0x1  }
0x17: {  	s4 =	simm.s32 $0x1BF5;
	[smem:$0x3FA1] =	sst s0  }
0x18: {  	s0 =	sld [smem:$0x3F84];
	_ =	swait.ge [sflag:s4], $0x0  }
0x19: {  	s7 =	sld [smem:$0x3F85]  }
0x1a: {  	s8 =	sadd.s32 $0xFFFFE003, lr  }
0x1b: {  	s9 =	sadd.s32 $0xFFFFFEF7, lr;
	s5 =	simm.s32 $0xFFFFFFFF;
	p2 =	slt.u32 s8, $0xFFFFF086  }
0x1c: {  	p1 =	slt.u32 s9, $0xF7A;
	s5 =	simm.s32 @!p2 $0x0  }
0x1d: {  	s5 =	simm.s32 @p1 $0x1;
	p0 =	seq.s32 s7, s2  }
0x1e: {  	s7 =	smul.u32 @!p0 $0xF7A, s2;
	p2 =	seq.s32 @!p0 s5, $0x0  }
0x1f: {  	s9 =	smul.u32 $0xF7A, s1;
	s8 =	simm.s32 @!p0 $0x1BF5;
	p2 =	por !p2, p0  }
0x20: {  	[sflag:s8] =	ssyncset.s32 @!p0 $0xFFFFF086;
	s6 =	sadd.s32 @!p0 s3, s7;
	s7 =	simm.s32 @!p0 $0x108  }
0x21: {  	s3 =	sadd.s32 s3, s9;
	s6 =	sadd.s32 @!p0 $0x88, s6;
	s7 =	simm.s32 @p2 $0x1082  }
0x22: {  	[simem:s7], [sflag:s8] =	dma.local @!p0 [hbm:s6], $0xF7A  }
0x23: {  	s9 =	sor.u32 $0xD0000000, s2;
	s6 =	simm.s32 $0x108;
	_ =	swait.ge @!p0 [sflag:s8], $0x0  }
0x24: {  	s3 =	sadd.s32 $0x88, s3;
	s6 =	simm.s32 @!p1 $0x1082;
	[sflag:s4] =	ssyncset.s32 $0xFFFFF086  }
0x25: {  	[simem:s6], [sflag:s4] =	dma.local [hbm:s3], $0xF7A  }
0x26: {  	[smem:$0x3F85] =	sst s1;
	(tag) =	ssettag s2;
	_ =	strace s9  }
0x27: {  	s1 =	sld [smem:$0x3F95]  }
0x28: {  	s2 =	sld [smem:$0x3F96]  }
0x29: {  	s4 =	sld [smem:$0x3F98]  }
0x2a: {  	p0 =	seq.s32 s5, $0x0;
	s5 =	sld [smem:$0x3F99]  }
0x2b: {  	s6 =	sld [smem:$0x3F9A]  }
0x2c: {  	s7 =	sld [smem:$0x3F9B]  }
0x2d: {  	s3 =	simm.s32 $0x108;
	s8 =	sld [smem:$0x3F9C]  }
0x2e: {  	s3 =	simm.s32 @!p0 $0x1082;
	s9 =	sld [smem:$0x3F9D]  }
0x2f: {  	lr =	sadd.s32 s0, s3;
	s0 =	sld [smem:$0x3F94]  }
0x30: {  	s3 =	sld [smem:$0x3F97]  }
0x31: {  	[smem:$0x3FA0] =	sst s10  }
0x32: {  	s10 =	sld [smem:$0x3F9E];
	_ =	sdelay $0x3  }
0x33: {  	p0 =	seq.s32 s10, $0x1;
	s10 =	sld [smem:$0x3FA0];
	_ =	sdelay $0x3  }
0x34: {  	[smem:$0x3FA0] =	sst s10  }
0x35: {  	s10 =	sld [smem:$0x3F9F];
	_ =	sdelay $0x3  }
0x36: {  	p1 =	seq.s32 s10, $0x1;
	s10 =	sld [smem:$0x3FA0];
	_ =	sdelay $0x3  }
0x37: {  	[smem:$0x3FA0] =	sst s10  }
0x38: {  	s10 =	sld [smem:$0x3FA1]  }
0x39: {  	_ = 	snop;
	(pc) =	sbr.ind lr, $3  }
0x3a: {  	_ = 	snop  }
0x3b: {  	_ = 	snop  }
0x3c: {  	p2 =	seq.s32 s10, $0x1;
	s10 =	sld [smem:$0x3FA0]  }
0x3d: {  	_ =	shalt  }
0x3e: {  	_ =	shalt  }
0x3f: {  	_ =	shalt  }
0x40: {  	_ =	shalt  }
0x41: {  	_ =	shalt  }
0x42: {  	_ =	shalt  }
0x43: {  	_ =	shalt  }
0x44: {  	_ =	shalt  }
0x45: {  	_ =	shalt  }
0x46: {  	_ =	shalt  }
0x47: {  	_ =	shalt  }
0x48: {  	_ =	shalt  }
0x49: {  	_ =	shalt  }
0x4a: {  	_ =	shalt  }
0x4b: {  	_ =	shalt  }
0x4c: {  	_ =	shalt  }
0x4d: {  	_ =	shalt  }
0x4e: {  	_ =	shalt  }
0x4f: {  	_ =	shalt  }
0x50: {  	_ =	shalt  }
0x51: {  	_ =	shalt  }
0x52: {  	_ =	shalt  }
0x53: {  	_ =	shalt  }
0x54: {  	_ =	shalt  }
0x55: {  	_ =	shalt  }
0x56: {  	_ =	shalt  }
0x57: {  	_ =	shalt  }
0x58: {  	_ =	shalt  }
0x59: {  	_ =	shalt  }
0x5a: {  	_ =	shalt  }
0x5b: {  	_ =	shalt  }
0x5c: {  	_ =	shalt  }
0x5d: {  	_ =	shalt  }
0x5e: {  	_ =	shalt  }
0x5f: {  	_ =	shalt  }
0x60: {  	_ =	shalt  }
0x61: {  	_ =	shalt  }
0x62: {  	_ =	shalt  }
0x63: {  	_ =	shalt  }
0x64: {  	_ =	shalt  }
0x65: {  	_ =	shalt  }
0x66: {  	_ =	shalt  }
0x67: {  	_ =	shalt  }
0x68: {  	_ =	shalt  }
0x69: {  	_ =	shalt  }
0x6a: {  	_ =	shalt  }
0x6b: {  	_ =	shalt  }
0x6c: {  	_ =	shalt  }
0x6d: {  	_ =	shalt  }
0x6e: {  	_ =	shalt  }
0x6f: {  	_ =	shalt  }
0x70: {  	_ =	shalt  }
0x71: {  	_ =	shalt  }
0x72: {  	_ =	shalt  }
0x73: {  	_ =	shalt  }
0x74: {  	_ =	shalt  }
0x75: {  	_ =	shalt  }
0x76: {  	_ =	shalt  }
0x77: {  	_ =	shalt  }
0x78: {  	_ =	shalt  }
0x79: {  	_ =	shalt  }
0x7a: {  	_ =	shalt  }
0x7b: {  	_ =	shalt  }
0x7c: {  	_ =	shalt  }
0x7d: {  	_ =	shalt  }
0x7e: {  	_ =	shalt  }
0x7f: {  	_ =	shalt  }
0x80: {  	_ =	shalt  }
0x81: {  	_ =	shalt  }
0x82: {  	_ =	shalt  }
0x83: {  	_ =	shalt  }
0x84: {  	_ =	shalt  }
0x85: {  	_ =	shalt  }
0x86: {  	_ =	shalt  }
0x87: {  	_ =	shalt  }
.Lfunc_end0:
.L_simem_size_0:
called_computation.2_lowered:
.L_overlay_start_0:
0x88: {  	s2 =	sld [smem:$0x3FD9]  }
0x89: {  	s3 =	sld [smem:$0x3FFE];
	_ =	sdelay $0x1  }
0x8a: {  	s1 =	srdreg.scid  }
0x8b: {  	s0 =	sand.u32 $0x1, s1  }
0x8c: {  	s17 =	sshll.u32 s0, $0xA;
	s2 =	sadd.s32 s3, s2  }
0x8d: {  	s2 =	sadd.s32 s2, s17  }
0x8e: {  	[smem:$0x3FAC] =	sst s2  }
0x8f: {  	_ = 	snop  }
0x90: {  	s2 =	sld [smem:$0x3FD0];
	(tm) =	ssettm $0x1  }
0x91: {  	s18 =	sld [smem:$0x3FFB];
	_ =	sdelay $0x3  }
0x92: {  	_ =	strace s18  }
0x93: {  	s3 =	sld [smem:$0x3FFC];
	_ =	sdelay $0x3  }
0x94: {  	_ =	strace s3  }
0x95: {  	s3 =	sld [smem:$0x3FFD];
	_ =	sdelay $0x3  }
0x96: {  	_ =	strace s3  }
0x97: {  	_ =	strace $0x8FFFFFFF  }
0x98: {  	s19 =	sld [smem:$0x3FDB];
	_ =	sdelay $0x1  }
0x99: {  	s4 =	simm.s32 $_scs_section_size  }
0x9a: {  	s5 =	simm.s32 $_size__tile_overlayer_lowered;
	s6 =	simm.s32 $_tile_overlayer_lowered  }
0x9b: {  	s22 =	simm.s32 $0x1BFF;
	s21 =	sshll.u32 s6, $0x1;
	s3 =	sadd.s32 s4, s19  }
0x9c: {  	s7 =	simm.s32 $0x0;
	s20 =	sshll.u32 s5, $0x1;
	s5 =	sadd.s32 s21, s3  }
0x9d: {  	[timem:s7], [sflag:s22] =	dma.local [hbm:s5], s20  }
0x9e: {  	_ =	swait.ge [sflag:s22], s20  }
0x9f: {  	s4 =	ssub.s32 $0x0, s20;
	[sflag:s22] =	ssyncset.done $0x0  }
0xa0: {  	[sflag:s22] =	ssyncadd.s32 s4;
	_ =	sdelay $0x1  }
0xa1: {  	s23 =	simm.s32 $0x1B8B  }
0xa2: {  	_ =	swait.ge [sflag:s23], $0x1  }
0xa3: {  	[sflag:s23] =	ssyncset.done $0x0  }
0xa4: {  	s25 =	simm.s32 $0x1B8E;
	s24 =	sld [smem:$0x3FFE];
	[sflag:s23] =	ssyncadd.s32 $0xFFFFFFFF  }
0xa5: {  	s26 =	simm.s32 $execute0_lowered;
	[smem:$0x3FD2] =	sst s25  }
0xa6: {  	s5 =	sshll.u32 s26, $0x1;
	_ =	strace $0x8000004C;
	[dreg:$0x1] =	wrdreg $0xFFFFFFFF  }
0xa7: {  	s28 =	simm.s32 $_size_execute0_lowered;
	s3 =	sadd.s32 s3, s5;
	[dreg:$0x0] =	wrdreg $0x0  }
0xa8: {  	s5 =	sshll.u32 s28, $0x1;
	[dreg:$0x2] =	wrdreg s3  }
0xa9: {  	[dreg:$0x3] =	wrdreg s5  }
0xaa: {  	[dreg:$0x4] =	wrdreg $0xC0  }
0xab: {  	_ =	task [dreg:s7], $0x5FFFF  }
0xac: {  	[dreg:$0x1] =	wrdreg $0xFFFFFFFF  }
0xad: {  	[dreg:$0x0] =	wrdreg $0x60  }
0xae: {  	[dreg:$0x2] =	wrdreg s2  }
0xaf: {  	[dreg:$0x3] =	wrdreg s24  }
0xb0: {  	[dreg:$0x4] =	wrdreg $0x9  }
0xb1: {  	_ =	task.clear_ibuf [dreg:s7], $0x5FFFF;
	_ =	strace $0x9000004C  }
0xb2: {  	s29 =	simm.s32 $0x9;
	_ =	strace $0x8000004E  }
0xb3: {  	_ =	swait.ge [sflag:s29], $0x1  }
0xb4: {  	[sflag:s29] =	ssyncadd.s32 $0xFFFFFFFF  }
0xb5: {  	_ =	strace $0x9000004E  }
0xb6: {  	_ =	sfence  }
0xb7: {  	s30 =	sld [smem:$0x0];
	_ =	sdelay $0x2  }
0xb8: {  	s31 =	sshll.u32 s1, $0xD;
	s1 =	sshrl.u32 s1, $0x2  }
0xb9: {  	s3 =	sand.u32 $0x4000, s31;
	s1 =	sadd.s32 s1, s30  }
0xba: {  	s0 =	sor.u32 s3, s0;
	s1 =	sshll.u32 s1, $0x11  }
0xbb: {  	s0 =	sor.u32 s1, s0  }
0xbc: {  	s0 =	sadd.s32 $0x8F2B, s0  }
0xbd: {  	[sflag:s0] =	ssyncadd.remote.s32 $0x1  }
0xbe: {  	_ =	sfence.sel $0xFFFF  }
0xbf: {  	[dreg:$0x0] =	wrdreg $0xFFFFFFFF;
	(pc) =	sbr.abs _section_cstart, $3  }
0xc0: {  	[dreg:$0x1] =	wrdreg $0xFFFFFFFF  }
0xc1: {  	_ =	task.clear_ibuf [dreg:s7], $0x2FFFF;
	_ =	strace $0x9FFFFFFF  }
0xc2: {  	(tm) =	ssettm $0x7FFFFFFF  }
0xc3: {  	_ =	shalt  }
tec
execute0_lowered:
.L_overlay_start_1:
0x0: {  	(tag) =	ssettag $0x1  }
0x1: {  	s0 =	srdreg.scid;
	s1 =	stileid.u32  }
0x2: {  	s4 =	sand.u32 $0x1, s0;
	s3 =	sshll.u32 s1, $0x1  }
0x3: {  	[dreg:$0x10] =	wrdreg s4;
	s4 =	sor.u32 s4, s3  }
0x4: {  	s0 =	rddreg [dreg:$0x1];
	s5 =	smul.u32 $0x2710, s4  }
0x5: {  	s2 =	rddreg [dreg:$0x0];
	s3 =	simm.s32 $0x0;
	s6 =	sadd.s32 $0xB000, s0  }
0x6: {  	s8 =	sadd.s32 $0x14E00, s0;
	[smem:$0x7FF] =	sst s3;
	s7 =	sshrl.u32 s5, $0x3  }
0x7: {  	_ =	strace $0x8000004D;
	s21 =	sadd.s32 $0x7D0, s5;
	s9 =	sadd.s32 s6, s7  }
0x8: {  	s7 =	sadd.s32 s8, s7;
	s22 =	sshrl.u32 s21, $0x3;
	[dreg:$0x3] =	wrdreg s9  }
0x9: {  	s25 =	sadd.s32 $0xFA0, s5;
	[dreg:$0x4] =	wrdreg s7;
	s23 =	sadd.s32 s6, s22  }
0xa: {  	s26 =	sshrl.u32 s25, $0x3;
	s24 =	sadd.s32 s8, s22;
	[dreg:$0x5] =	wrdreg s23  }
0xb: {  	s28 =	sadd.s32 $0x1770, s5;
	s1 =	sadd.s32 s6, s26;
	[dreg:$0x6] =	wrdreg s24  }
0xc: {  	s10 =	sshrl.u32 s28, $0x3;
	s9 =	sadd.s32 s8, s26;
	[dreg:$0x7] =	wrdreg s1  }
0xd: {  	s30 =	sadd.s32 $0x1F40, s5;
	s11 =	sadd.s32 s6, s10;
	[dreg:$0x8] =	wrdreg s9  }
0xe: {  	s13 =	sshrl.u32 s30, $0x3;
	s12 =	sadd.s32 s8, s10;
	[dreg:$0x9] =	wrdreg s11  }
0xf: {  	s14 =	sadd.s32 s6, s13;
	[dreg:$0xa] =	wrdreg s12  }
0x10: {  	s15 =	sadd.s32 s8, s13;
	[dreg:$0xb] =	wrdreg s14  }
0x11: {  	[dreg:$0xc] =	wrdreg s15  }
0x12: {  	s16 =	rddreg [dreg:$0x3]  }
0x13: {  	s17 =	rddreg [dreg:$0x4]  }
0x14: {  	[tilespmem:s3], [sflag:$0x1] =	stream.linear.gather [hbm4b:s16+s3], $0x7D0, $0x38;
	[tilespmem:$0x1C520] =	vst v63  }
0x15: {  	s19 =	rddreg [dreg:$0x5]  }
0x16: {  	s18 =	simm.s32 $0x2710;
	s20 =	rddreg [dreg:$0x6]  }
0x17: {  	[tilespmem:s18], [sflag:$0x1] =	stream.linear.gather [hbm4b:s17+s3], $0x7D0, $0x38;
	[tilespmem:$0x1C520] =	vst v63  }
0x18: {  	s5 =	simm.s32 $0x7D0;
	s23 =	rddreg [dreg:$0x7]  }
0x19: {  	[tilespmem:s5], [sflag:$0x1] =	stream.linear.gather [hbm4b:s19+s3], $0x7D0, $0x38;
	[tilespmem:$0x1C520] =	vst v63  }
0x1a: {  	s22 =	simm.s32 $0x2EE0;
	s10 =	rddreg [dreg:$0x8]  }
0x1b: {  	[tilespmem:s22], [sflag:$0x1] =	stream.linear.gather [hbm4b:s20+s3], $0x7D0, $0x38;
	[tilespmem:$0x1C520] =	vst v63  }
0x1c: {  	s31 =	sadd.s32 $0xBB000, s0;
	s24 =	simm.s32 $0xFA0;
	s12 =	rddreg [dreg:$0x9]  }
0x1d: {  	[tilespmem:s24], [sflag:$0x1] =	stream.linear.gather [hbm4b:s23+s3], $0x7D0, $0x38;
	[tilespmem:$0x1C520] =	vst v63  }
0x1e: {  	s8 =	simm.s32 $0x36B0;
	s11 =	smul.u32 $0x4E20, s4;
	s13 =	rddreg [dreg:$0xa]  }
0x1f: {  	[tilespmem:s8], [sflag:$0x1] =	stream.linear.gather [hbm4b:s10+s3], $0x7D0, $0x38;
	[tilespmem:$0x1C520] =	vst v63  }
0x20: {  	s9 =	simm.s32 $0x1770;
	s1 =	sadd.s32 $0x157400, s0;
	s26 =	rddreg [dreg:$0xb]  }
0x21: {  	[tilespmem:s9], [sflag:$0x1] =	stream.linear.gather [hbm4b:s12+s3], $0x7D0, $0x38;
	[tilespmem:$0x1C520] =	vst v63  }
0x22: {  	s0 =	simm.s32 $0x3E80;
	s14 =	rddreg [dreg:$0xc];
	s4 =	sadd.s32 s31, s11  }
0x23: {  	[tilespmem:s0], [sflag:$0x1] =	stream.linear.gather [hbm4b:s13+s3], $0x7D0, $0x38;
	[tilespmem:$0x1C520] =	vst v63  }
0x24: {  	[dreg:$0xd] =	wrdreg s4;
	s10 =	sadd.s32 s1, s11;
	s11 =	simm.s32 $0x1F40  }
0x25: {  	[tilespmem:s11], [sflag:$0x1] =	stream.linear.gather [hbm4b:s26+s3], $0x7D0, $0x38;
	[tilespmem:$0x1C520] =	vst v63  }
0x26: {  	[dreg:$0xe] =	wrdreg s10;
	s12 =	simm.s32 $0x4650;
	s13 =	simm.s32 $0x1  }
0x27: {  	[tilespmem:s12], [sflag:$0x1] =	stream.linear.gather [hbm4b:s14+s3], $0x7D0, $0x38;
	[tilespmem:$0x1C520] =	vst v63  }
0x28: {  	_ =	swait.ge [sflag:s13], $0x7D0  }
0x29: {  	[sflag:s13] =	ssyncset.done $0x0  }
0x2a: {  	s14 =	simm.s32 $0x4E20;
	[sflag:s13] =	ssyncadd.s32 $0xFFFFF830  }
0x2b: {  	[tilespmem:s14], [sflag:$0x2] =	stream.indirect.gather [hbm4b:s2+s5], $0x10, s3, s5, $0xb8;
	[tilespmem:$0x1C520] =	vst v63  }
0x2c: {  	_ =	swait.ge [sflag:s13], $0x7D0  }
0x2d: {  	[sflag:s13] =	ssyncset.done $0x0  }
0x2e: {  	s15 =	simm.s32 $0xCB20;
	s16 =	simm.s32 $0x2;
	[sflag:s13] =	ssyncadd.s32 $0xFFFFF830  }
0x2f: {  	[tilespmem:s15], [sflag:$0x3] =	stream.indirect.gather [hbm4b:s2+s5], $0x10, s18, s5, $0xb8;
	[tilespmem:$0x1C520] =	vst v63  }
0x30: {  	_ =	swait.ge [sflag:s16], $0x7D00  }
0x31: {  	[sflag:s16] =	ssyncset.done $0x0  }
0x32: {  	s17 =	rddreg [dreg:$0xd];
	[sflag:s16] =	ssyncadd.s32 $0xFFFF8300  }
0x33: {  	[hbm4b:s17+s3] =	stream.linear.scatter [tilespmem:s14], [sflag:$0x5], $0x7D00, $0x38;
	[tilespmem:$0x1C520] =	vst v63  }
0x34: {  	_ =	swait.ge [sflag:s13], $0x7D0  }
0x35: {  	[sflag:s13] =	ssyncset.done $0x0  }
0x36: {  	s18 =	simm.s32 $0x3;
	s17 =	simm.s32 $0x14820;
	[sflag:s13] =	ssyncadd.s32 $0xFFFFF830  }
0x37: {  	[tilespmem:s17], [sflag:$0x4] =	stream.indirect.gather [hbm4b:s2+s5], $0x10, s5, s5, $0xb8;
	[tilespmem:$0x1C520] =	vst v63  }
0x38: {  	_ =	swait.ge [sflag:s18], $0x7D00  }
0x39: {  	[sflag:s18] =	ssyncset.done $0x0  }
0x3a: {  	s19 =	rddreg [dreg:$0xe];
	[sflag:s18] =	ssyncadd.s32 $0xFFFF8300  }
0x3b: {  	[hbm4b:s19+s3] =	stream.linear.scatter [tilespmem:s15], [sflag:$0x6], $0x7D00, $0x38;
	[tilespmem:$0x1C520] =	vst v63  }
0x3c: {  	s19 =	simm.s32 $0x5  }
0x3d: {  	_ =	swait.ge [sflag:s19], $0x7D00  }
0x3e: {  	[sflag:s19] =	ssyncset.done $0x0  }
0x3f: {  	[sflag:s19] =	ssyncadd.s32 $0xFFFF8300  }
0x40: {  	_ =	swait.ge [sflag:s13], $0x7D0  }
0x41: {  	[sflag:s13] =	ssyncset.done $0x0  }
0x42: {  	s20 =	simm.s32 $0x4;
	[sflag:s13] =	ssyncadd.s32 $0xFFFFF830  }
0x43: {  	[tilespmem:s14], [sflag:$0x2] =	stream.indirect.gather [hbm4b:s2+s5], $0x10, s22, s5, $0xb8;
	[tilespmem:$0x1C520] =	vst v63  }
0x44: {  	s23 =	sshll.u32 s21, $0x1;
	_ =	swait.ge [sflag:s20], $0x7D00  }
0x45: {  	s6 =	sadd.s32 s31, s23;
	[sflag:s20] =	ssyncset.done $0x0  }
0x46: {  	s22 =	simm.s32 $0x6;
	[dreg:$0xf] =	wrdreg s6;
	[sflag:s20] =	ssyncadd.s32 $0xFFFF8300  }
0x47: {  	[hbm4b:s6+s3] =	stream.linear.scatter [tilespmem:s17], [sflag:$0x7], $0x7D00, $0x38;
	[tilespmem:$0x1C520] =	vst v63  }
0x48: {  	_ =	swait.ge [sflag:s22], $0x7D00  }
0x49: {  	[sflag:s22] =	ssyncset.done $0x0  }
0x4a: {  	[sflag:s22] =	ssyncadd.s32 $0xFFFF8300  }
0x4b: {  	_ =	swait.ge [sflag:s13], $0x7D0  }
0x4c: {  	[sflag:s13] =	ssyncset.done $0x0  }
0x4d: {  	[sflag:s13] =	ssyncadd.s32 $0xFFFFF830  }
0x4e: {  	[tilespmem:s15], [sflag:$0x3] =	stream.indirect.gather [hbm4b:s2+s5], $0x10, s24, s5, $0xb8;
	[tilespmem:$0x1C520] =	vst v63  }
0x4f: {  	_ =	swait.ge [sflag:s16], $0x7D00  }
0x50: {  	[sflag:s16] =	ssyncset.done $0x0  }
0x51: {  	s23 =	sadd.s32 s1, s23;
	s24 =	simm.s32 $0x7;
	[sflag:s16] =	ssyncadd.s32 $0xFFFF8300  }
0x52: {  	[hbm4b:s23+s3] =	stream.linear.scatter [tilespmem:s14], [sflag:$0x5], $0x7D00, $0x38;
	[tilespmem:$0x1C520] =	vst v63  }
0x53: {  	_ =	swait.ge [sflag:s24], $0x7D00  }
0x54: {  	[sflag:s24] =	ssyncset.done $0x0  }
0x55: {  	[sflag:s24] =	ssyncadd.s32 $0xFFFF8300  }
0x56: {  	_ =	swait.ge [sflag:s13], $0x7D0  }
0x57: {  	[sflag:s13] =	ssyncset.done $0x0  }
0x58: {  	[sflag:s13] =	ssyncadd.s32 $0xFFFFF830  }
0x59: {  	[tilespmem:s17], [sflag:$0x4] =	stream.indirect.gather [hbm4b:s2+s5], $0x10, s8, s5, $0xb8;
	[tilespmem:$0x1C520] =	vst v63  }
0x5a: {  	_ =	swait.ge [sflag:s18], $0x7D00  }
0x5b: {  	s26 =	sshll.u32 s25, $0x1;
	[sflag:s18] =	ssyncset.done $0x0  }
0x5c: {  	s25 =	sadd.s32 s31, s26;
	[sflag:s18] =	ssyncadd.s32 $0xFFFF8300  }
0x5d: {  	[hbm4b:s25+s3] =	stream.linear.scatter [tilespmem:s15], [sflag:$0x6], $0x7D00, $0x38;
	[tilespmem:$0x1C520] =	vst v63  }
0x5e: {  	_ =	swait.ge [sflag:s19], $0x7D00  }
0x5f: {  	[sflag:s19] =	ssyncset.done $0x0  }
0x60: {  	[sflag:s19] =	ssyncadd.s32 $0xFFFF8300  }
0x61: {  	_ =	swait.ge [sflag:s13], $0x7D0  }
0x62: {  	[sflag:s13] =	ssyncset.done $0x0  }
0x63: {  	[sflag:s13] =	ssyncadd.s32 $0xFFFFF830  }
0x64: {  	[tilespmem:s14], [sflag:$0x2] =	stream.indirect.gather [hbm4b:s2+s5], $0x10, s9, s5, $0xb8;
	[tilespmem:$0x1C520] =	vst v63  }
0x65: {  	_ =	swait.ge [sflag:s20], $0x7D00  }
0x66: {  	[sflag:s20] =	ssyncset.done $0x0  }
0x67: {  	s26 =	sadd.s32 s1, s26;
	[sflag:s20] =	ssyncadd.s32 $0xFFFF8300  }
0x68: {  	[hbm4b:s26+s3] =	stream.linear.scatter [tilespmem:s17], [sflag:$0x7], $0x7D00, $0x38;
	[tilespmem:$0x1C520] =	vst v63  }
0x69: {  	_ =	swait.ge [sflag:s22], $0x7D00  }
0x6a: {  	[sflag:s22] =	ssyncset.done $0x0  }
0x6b: {  	[sflag:s22] =	ssyncadd.s32 $0xFFFF8300  }
0x6c: {  	_ =	swait.ge [sflag:s13], $0x7D0  }
0x6d: {  	[sflag:s13] =	ssyncset.done $0x0  }
0x6e: {  	[sflag:s13] =	ssyncadd.s32 $0xFFFFF830  }
0x6f: {  	[tilespmem:s15], [sflag:$0x3] =	stream.indirect.gather [hbm4b:s2+s5], $0x10, s0, s5, $0xb8;
	[tilespmem:$0x1C520] =	vst v63  }
0x70: {  	_ =	swait.ge [sflag:s16], $0x7D00  }
0x71: {  	s29 =	sshll.u32 s28, $0x1;
	[sflag:s16] =	ssyncset.done $0x0  }
0x72: {  	s28 =	sadd.s32 s31, s29;
	[sflag:s16] =	ssyncadd.s32 $0xFFFF8300  }
0x73: {  	[hbm4b:s28+s3] =	stream.linear.scatter [tilespmem:s14], [sflag:$0x5], $0x7D00, $0x38;
	[tilespmem:$0x1C520] =	vst v63  }
0x74: {  	_ =	swait.ge [sflag:s24], $0x7D00  }
0x75: {  	[sflag:s24] =	ssyncset.done $0x0  }
0x76: {  	[sflag:s24] =	ssyncadd.s32 $0xFFFF8300  }
0x77: {  	_ =	swait.ge [sflag:s13], $0x7D0  }
0x78: {  	[sflag:s13] =	ssyncset.done $0x0  }
0x79: {  	[sflag:s13] =	ssyncadd.s32 $0xFFFFF830  }
0x7a: {  	[tilespmem:s17], [sflag:$0x4] =	stream.indirect.gather [hbm4b:s2+s5], $0x10, s11, s5, $0xb8;
	[tilespmem:$0x1C520] =	vst v63  }
0x7b: {  	_ =	swait.ge [sflag:s18], $0x7D00  }
0x7c: {  	[sflag:s18] =	ssyncset.done $0x0  }
0x7d: {  	s29 =	sadd.s32 s1, s29;
	[sflag:s18] =	ssyncadd.s32 $0xFFFF8300  }
0x7e: {  	[hbm4b:s29+s3] =	stream.linear.scatter [tilespmem:s15], [sflag:$0x6], $0x7D00, $0x38;
	[tilespmem:$0x1C520] =	vst v63  }
0x7f: {  	_ =	swait.ge [sflag:s19], $0x7D00  }
0x80: {  	[sflag:s19] =	ssyncset.done $0x0  }
0x81: {  	[sflag:s19] =	ssyncadd.s32 $0xFFFF8300  }
0x82: {  	_ =	swait.ge [sflag:s13], $0x7D0  }
0x83: {  	[sflag:s13] =	ssyncset.done $0x0  }
0x84: {  	[sflag:s13] =	ssyncadd.s32 $0xFFFFF830  }
0x85: {  	[tilespmem:s14], [sflag:$0x2] =	stream.indirect.gather [hbm4b:s2+s5], $0x10, s12, s5, $0xb8;
	[tilespmem:$0x1C520] =	vst v63  }
0x86: {  	_ =	swait.ge [sflag:s20], $0x7D00  }
0x87: {  	s11 =	sshll.u32 s30, $0x1;
	[sflag:s20] =	ssyncset.done $0x0  }
0x88: {  	s30 =	sadd.s32 s31, s11;
	[sflag:s20] =	ssyncadd.s32 $0xFFFF8300  }
0x89: {  	[hbm4b:s30+s3] =	stream.linear.scatter [tilespmem:s17], [sflag:$0x7], $0x7D00, $0x38;
	[tilespmem:$0x1C520] =	vst v63  }
0x8a: {  	_ =	swait.ge [sflag:s16], $0x7D00  }
0x8b: {  	[sflag:s16] =	ssyncset.done $0x0  }
0x8c: {  	s31 =	sadd.s32 s1, s11;
	[sflag:s16] =	ssyncadd.s32 $0xFFFF8300  }
0x8d: {  	[hbm4b:s31+s3] =	stream.linear.scatter [tilespmem:s14], [sflag:$0x5], $0x7D00, $0x38;
	[tilespmem:$0x1C520] =	vst v63  }
0x8e: {  	_ =	swait.ge [sflag:s19], $0x7D00  }
0x8f: {  	s12 =	rddreg [dreg:$0x10]  }
0x90: {  	s0 =	ssub.s32 $0x2, s12  }
0x91: {  	s21 =	sshrl.u32 s0, $0x1  }
0x92: {  	s0 =	ssub.s32 s0, s21  }
0x93: {  	s0 =	smax.u32 s0, $0x1  }
0x94: {  	[sflag:s19] =	ssyncset.done $0x0;
	p0 =	sne.s32 s0, $0x1  }
.Ltmp0:
0x95: {  	[sflag:s19] =	ssyncadd.s32 $0xFFFF8300;
	(pc) =	sbr.rel @!p0 .LBB2_3-.Ltmp0, $4  }
0x96: {  	_ =	swait.ge [sflag:s22], $0x7D00  }
0x97: {  	[sflag:s22] =	ssyncset.done $0x0  }
0x98: {  	[sflag:s22] =	ssyncadd.s32 $0xFFFF8300  }
0x99: {  	s1 =	sadd.s32 $0xFFFFFFFF, s0;
	_ =	swait.ge [sflag:s24], $0x7D00  }
0x9a: {  	s6 =	simm.s32 $0x2710;
	s7 =	simm.s32 $0x2EE0  }
0x9b: {  	s8 =	simm.s32 $0xFA0;
	s9 =	simm.s32 $0x36B0;
	s10 =	simm.s32 $0x1770  }
0x9c: {  	s11 =	simm.s32 $0x3E80;
	s12 =	simm.s32 $0x1F40;
	s21 =	simm.s32 $0x4650  }
.LBB2_2:
0x9d: {  	[sflag:s24] =	ssyncset.done $0x0  }
0x9e: {  	s0 =	rddreg [dreg:$0x3];
	[sflag:s24] =	ssyncadd.s32 $0xFFFF8300  }
0x9f: {  	[tilespmem:s3], [sflag:$0x1] =	stream.linear.gather [hbm4b:s0+s3], $0x7D0, $0x38;
	[tilespmem:$0x1C520] =	vst v63  }
0xa0: {  	s4 =	rddreg [dreg:$0x4]  }
0xa1: {  	[tilespmem:s6], [sflag:$0x1] =	stream.linear.gather [hbm4b:s4+s3], $0x7D0, $0x38;
	[tilespmem:$0x1C520] =	vst v63  }
0xa2: {  	s0 =	rddreg [dreg:$0x5]  }
0xa3: {  	[tilespmem:s5], [sflag:$0x1] =	stream.linear.gather [hbm4b:s0+s3], $0x7D0, $0x38;
	[tilespmem:$0x1C520] =	vst v63  }
0xa4: {  	s4 =	rddreg [dreg:$0x6]  }
0xa5: {  	[tilespmem:s7], [sflag:$0x1] =	stream.linear.gather [hbm4b:s4+s3], $0x7D0, $0x38;
	[tilespmem:$0x1C520] =	vst v63  }
0xa6: {  	s0 =	rddreg [dreg:$0x7]  }
0xa7: {  	[tilespmem:s8], [sflag:$0x1] =	stream.linear.gather [hbm4b:s0+s3], $0x7D0, $0x38;
	[tilespmem:$0x1C520] =	vst v63  }
0xa8: {  	s4 =	rddreg [dreg:$0x8]  }
0xa9: {  	[tilespmem:s9], [sflag:$0x1] =	stream.linear.gather [hbm4b:s4+s3], $0x7D0, $0x38;
	[tilespmem:$0x1C520] =	vst v63  }
0xaa: {  	s0 =	rddreg [dreg:$0x9]  }
0xab: {  	[tilespmem:s10], [sflag:$0x1] =	stream.linear.gather [hbm4b:s0+s3], $0x7D0, $0x38;
	[tilespmem:$0x1C520] =	vst v63  }
0xac: {  	s4 =	rddreg [dreg:$0xa]  }
0xad: {  	[tilespmem:s11], [sflag:$0x1] =	stream.linear.gather [hbm4b:s4+s3], $0x7D0, $0x38;
	[tilespmem:$0x1C520] =	vst v63  }
0xae: {  	s0 =	rddreg [dreg:$0xb]  }
0xaf: {  	[tilespmem:s12], [sflag:$0x1] =	stream.linear.gather [hbm4b:s0+s3], $0x7D0, $0x38;
	[tilespmem:$0x1C520] =	vst v63  }
0xb0: {  	s4 =	rddreg [dreg:$0xc]  }
0xb1: {  	[tilespmem:s21], [sflag:$0x1] =	stream.linear.gather [hbm4b:s4+s3], $0x7D0, $0x38;
	[tilespmem:$0x1C520] =	vst v63  }
0xb2: {  	_ =	swait.ge [sflag:s13], $0x7D0  }
0xb3: {  	[sflag:s13] =	ssyncset.done $0x0  }
0xb4: {  	[sflag:s13] =	ssyncadd.s32 $0xFFFFF830  }
0xb5: {  	[tilespmem:s14], [sflag:$0x2] =	stream.indirect.gather [hbm4b:s2+s5], $0x10, s3, s5, $0xb8;
	[tilespmem:$0x1C520] =	vst v63  }
0xb6: {  	_ =	swait.ge [sflag:s13], $0x7D0  }
0xb7: {  	[sflag:s13] =	ssyncset.done $0x0  }
0xb8: {  	[sflag:s13] =	ssyncadd.s32 $0xFFFFF830  }
0xb9: {  	[tilespmem:s15], [sflag:$0x3] =	stream.indirect.gather [hbm4b:s2+s5], $0x10, s6, s5, $0xb8;
	[tilespmem:$0x1C520] =	vst v63  }
0xba: {  	_ =	swait.ge [sflag:s16], $0x7D00  }
0xbb: {  	[sflag:s16] =	ssyncset.done $0x0  }
0xbc: {  	s4 =	rddreg [dreg:$0xd];
	[sflag:s16] =	ssyncadd.s32 $0xFFFF8300  }
0xbd: {  	[hbm4b:s4+s3] =	stream.linear.scatter [tilespmem:s14], [sflag:$0x5], $0x7D00, $0x38;
	[tilespmem:$0x1C520] =	vst v63  }
0xbe: {  	_ =	swait.ge [sflag:s13], $0x7D0  }
0xbf: {  	[sflag:s13] =	ssyncset.done $0x0  }
0xc0: {  	[sflag:s13] =	ssyncadd.s32 $0xFFFFF830  }
0xc1: {  	[tilespmem:s17], [sflag:$0x4] =	stream.indirect.gather [hbm4b:s2+s5], $0x10, s5, s5, $0xb8;
	[tilespmem:$0x1C520] =	vst v63  }
0xc2: {  	_ =	swait.ge [sflag:s18], $0x7D00  }
0xc3: {  	[sflag:s18] =	ssyncset.done $0x0  }
0xc4: {  	s4 =	rddreg [dreg:$0xe];
	[sflag:s18] =	ssyncadd.s32 $0xFFFF8300  }
0xc5: {  	[hbm4b:s4+s3] =	stream.linear.scatter [tilespmem:s15], [sflag:$0x6], $0x7D00, $0x38;
	[tilespmem:$0x1C520] =	vst v63  }
0xc6: {  	_ =	swait.ge [sflag:s19], $0x7D00  }
0xc7: {  	[sflag:s19] =	ssyncset.done $0x0  }
0xc8: {  	[sflag:s19] =	ssyncadd.s32 $0xFFFF8300  }
0xc9: {  	_ =	swait.ge [sflag:s13], $0x7D0  }
0xca: {  	[sflag:s13] =	ssyncset.done $0x0  }
0xcb: {  	[sflag:s13] =	ssyncadd.s32 $0xFFFFF830  }
0xcc: {  	[tilespmem:s14], [sflag:$0x2] =	stream.indirect.gather [hbm4b:s2+s5], $0x10, s7, s5, $0xb8;
	[tilespmem:$0x1C520] =	vst v63  }
0xcd: {  	_ =	swait.ge [sflag:s20], $0x7D00  }
0xce: {  	[sflag:s20] =	ssyncset.done $0x0  }
0xcf: {  	s4 =	rddreg [dreg:$0xf];
	[sflag:s20] =	ssyncadd.s32 $0xFFFF8300  }
0xd0: {  	[hbm4b:s4+s3] =	stream.linear.scatter [tilespmem:s17], [sflag:$0x7], $0x7D00, $0x38;
	[tilespmem:$0x1C520] =	vst v63  }
0xd1: {  	_ =	swait.ge [sflag:s22], $0x7D00  }
0xd2: {  	[sflag:s22] =	ssyncset.done $0x0  }
0xd3: {  	[sflag:s22] =	ssyncadd.s32 $0xFFFF8300  }
0xd4: {  	_ =	swait.ge [sflag:s13], $0x7D0  }
0xd5: {  	[sflag:s13] =	ssyncset.done $0x0  }
0xd6: {  	[sflag:s13] =	ssyncadd.s32 $0xFFFFF830  }
0xd7: {  	[tilespmem:s15], [sflag:$0x3] =	stream.indirect.gather [hbm4b:s2+s5], $0x10, s8, s5, $0xb8;
	[tilespmem:$0x1C520] =	vst v63  }
0xd8: {  	_ =	swait.ge [sflag:s16], $0x7D00  }
0xd9: {  	[sflag:s16] =	ssyncset.done $0x0  }
0xda: {  	[sflag:s16] =	ssyncadd.s32 $0xFFFF8300  }
0xdb: {  	[hbm4b:s23+s3] =	stream.linear.scatter [tilespmem:s14], [sflag:$0x5], $0x7D00, $0x38;
	[tilespmem:$0x1C520] =	vst v63  }
0xdc: {  	_ =	swait.ge [sflag:s24], $0x7D00  }
0xdd: {  	[sflag:s24] =	ssyncset.done $0x0  }
0xde: {  	[sflag:s24] =	ssyncadd.s32 $0xFFFF8300  }
0xdf: {  	_ =	swait.ge [sflag:s13], $0x7D0  }
0xe0: {  	[sflag:s13] =	ssyncset.done $0x0  }
0xe1: {  	[sflag:s13] =	ssyncadd.s32 $0xFFFFF830  }
0xe2: {  	[tilespmem:s17], [sflag:$0x4] =	stream.indirect.gather [hbm4b:s2+s5], $0x10, s9, s5, $0xb8;
	[tilespmem:$0x1C520] =	vst v63  }
0xe3: {  	_ =	swait.ge [sflag:s18], $0x7D00  }
0xe4: {  	[sflag:s18] =	ssyncset.done $0x0  }
0xe5: {  	[sflag:s18] =	ssyncadd.s32 $0xFFFF8300  }
0xe6: {  	[hbm4b:s25+s3] =	stream.linear.scatter [tilespmem:s15], [sflag:$0x6], $0x7D00, $0x38;
	[tilespmem:$0x1C520] =	vst v63  }
0xe7: {  	_ =	swait.ge [sflag:s19], $0x7D00  }
0xe8: {  	[sflag:s19] =	ssyncset.done $0x0  }
0xe9: {  	[sflag:s19] =	ssyncadd.s32 $0xFFFF8300  }
0xea: {  	_ =	swait.ge [sflag:s13], $0x7D0  }
0xeb: {  	[sflag:s13] =	ssyncset.done $0x0  }
0xec: {  	[sflag:s13] =	ssyncadd.s32 $0xFFFFF830  }
0xed: {  	[tilespmem:s14], [sflag:$0x2] =	stream.indirect.gather [hbm4b:s2+s5], $0x10, s10, s5, $0xb8;
	[tilespmem:$0x1C520] =	vst v63  }
0xee: {  	_ =	swait.ge [sflag:s20], $0x7D00  }
0xef: {  	[sflag:s20] =	ssyncset.done $0x0  }
0xf0: {  	[sflag:s20] =	ssyncadd.s32 $0xFFFF8300  }
0xf1: {  	[hbm4b:s26+s3] =	stream.linear.scatter [tilespmem:s17], [sflag:$0x7], $0x7D00, $0x38;
	[tilespmem:$0x1C520] =	vst v63  }
0xf2: {  	_ =	swait.ge [sflag:s22], $0x7D00  }
0xf3: {  	[sflag:s22] =	ssyncset.done $0x0  }
0xf4: {  	[sflag:s22] =	ssyncadd.s32 $0xFFFF8300  }
0xf5: {  	_ =	swait.ge [sflag:s13], $0x7D0  }
0xf6: {  	[sflag:s13] =	ssyncset.done $0x0  }
0xf7: {  	[sflag:s13] =	ssyncadd.s32 $0xFFFFF830  }
0xf8: {  	[tilespmem:s15], [sflag:$0x3] =	stream.indirect.gather [hbm4b:s2+s5], $0x10, s11, s5, $0xb8;
	[tilespmem:$0x1C520] =	vst v63  }
0xf9: {  	_ =	swait.ge [sflag:s16], $0x7D00  }
0xfa: {  	[sflag:s16] =	ssyncset.done $0x0  }
0xfb: {  	[sflag:s16] =	ssyncadd.s32 $0xFFFF8300  }
0xfc: {  	[hbm4b:s28+s3] =	stream.linear.scatter [tilespmem:s14], [sflag:$0x5], $0x7D00, $0x38;
	[tilespmem:$0x1C520] =	vst v63  }
0xfd: {  	_ =	swait.ge [sflag:s24], $0x7D00  }
0xfe: {  	[sflag:s24] =	ssyncset.done $0x0  }
0xff: {  	[sflag:s24] =	ssyncadd.s32 $0xFFFF8300  }
0x100: {  	_ =	swait.ge [sflag:s13], $0x7D0  }
0x101: {  	[sflag:s13] =	ssyncset.done $0x0  }
0x102: {  	[sflag:s13] =	ssyncadd.s32 $0xFFFFF830  }
0x103: {  	[tilespmem:s17], [sflag:$0x4] =	stream.indirect.gather [hbm4b:s2+s5], $0x10, s12, s5, $0xb8;
	[tilespmem:$0x1C520] =	vst v63  }
0x104: {  	_ =	swait.ge [sflag:s18], $0x7D00  }
0x105: {  	[sflag:s18] =	ssyncset.done $0x0  }
0x106: {  	[sflag:s18] =	ssyncadd.s32 $0xFFFF8300  }
0x107: {  	[hbm4b:s29+s3] =	stream.linear.scatter [tilespmem:s15], [sflag:$0x6], $0x7D00, $0x38;
	[tilespmem:$0x1C520] =	vst v63  }
0x108: {  	_ =	swait.ge [sflag:s19], $0x7D00  }
0x109: {  	[sflag:s19] =	ssyncset.done $0x0  }
0x10a: {  	[sflag:s19] =	ssyncadd.s32 $0xFFFF8300  }
0x10b: {  	_ =	swait.ge [sflag:s13], $0x7D0  }
0x10c: {  	[sflag:s13] =	ssyncset.done $0x0  }
0x10d: {  	[sflag:s13] =	ssyncadd.s32 $0xFFFFF830  }
0x10e: {  	[tilespmem:s14], [sflag:$0x2] =	stream.indirect.gather [hbm4b:s2+s5], $0x10, s21, s5, $0xb8;
	[tilespmem:$0x1C520] =	vst v63  }
0x10f: {  	_ =	swait.ge [sflag:s20], $0x7D00  }
0x110: {  	[sflag:s20] =	ssyncset.done $0x0  }
0x111: {  	[sflag:s20] =	ssyncadd.s32 $0xFFFF8300  }
0x112: {  	[hbm4b:s30+s3] =	stream.linear.scatter [tilespmem:s17], [sflag:$0x7], $0x7D00, $0x38;
	[tilespmem:$0x1C520] =	vst v63  }
0x113: {  	_ =	swait.ge [sflag:s16], $0x7D00  }
0x114: {  	[sflag:s16] =	ssyncset.done $0x0  }
0x115: {  	[sflag:s16] =	ssyncadd.s32 $0xFFFF8300  }
0x116: {  	[hbm4b:s31+s3] =	stream.linear.scatter [tilespmem:s14], [sflag:$0x5], $0x7D00, $0x38;
	[tilespmem:$0x1C520] =	vst v63  }
0x117: {  	_ =	swait.ge [sflag:s19], $0x7D00  }
0x118: {  	p0 =	sne.s32 s1, $0x1;
	[sflag:s19] =	ssyncset.done $0x0  }
.Ltmp1:
0x119: {  	[sflag:s19] =	ssyncadd.s32 $0xFFFF8300;
	(pc) =	sbr.rel @p0 .LBB2_2-.Ltmp1, $4  }
0x11a: {  	_ =	swait.ge [sflag:s22], $0x7D00  }
0x11b: {  	[sflag:s22] =	ssyncset.done $0x0  }
0x11c: {  	[sflag:s22] =	ssyncadd.s32 $0xFFFF8300  }
0x11d: {  	s1 =	sadd.s32 $0xFFFFFFFF, s1;
	_ =	swait.ge [sflag:s24], $0x7D00  }
.LBB2_3:
0x11e: {  	[sflag:s24] =	ssyncset.done $0x0  }
0x11f: {  	[sflag:s24] =	ssyncadd.s32 $0xFFFF8300  }
0x120: {  	_ =	sfence.sel $0x180000  }
0x121: {  	[bflag:$0x0] =	sbarrier.arrive $0xFFFF  }
0x122: {  	_ =	strace $0x9000004D  }
0x123: {  	s0 =	stileid.u32;
	[bflag:$0x2] =	sbarrier.arrive $0xFFFF  }
0x124: {  	p0 =	sne.s32 s0, $0x0;
	s0 =	rddreg [dreg:$0x2]  }
0x125: {  	s0 =	sadd.s32 @!p0 $0x100000, s0  }
0x126: {  	[sflag:s0] =	ssyncadd.tile.s32 @!p0 $0x1;
	_ =	shalt  }
.Lfunc_end2:
_tile_overlayer_lowered:
.L_overlay_start_2:
0x127: {  	(tag) =	ssettag $0x2  }
0x128: {  	s0 =	rddreg [dreg:$0x0];
	s2 =	stileid.u32  }
0x129: {  	s1 =	rddreg [dreg:$0x1];
	p0 =	sne.s32 s2, $0x0  }
0x12a: {  	s3 =	rddreg [dreg:$0x2];
	[bflag:$0x3] =	sbarrier.arrive $0xFFFF;
	s2 =	simm.s32 @!p0 $0x1C08  }
0x12b: {  	[timem:s3], [sflag:s2] =	dma.local @!p0 [hbm:s0], s1  }
0x12c: {  	s0 =	simm.s32 @!p0 $0x8  }
0x12d: {  	_ =	swait.ge @!p0 [sflag:s0], s1  }
0x12e: {  	s1 =	ssub.s32 @!p0 $0x0, s1;
	[sflag:s0] =	ssyncset.done @!p0 $0x0  }
0x12f: {  	[sflag:s0] =	ssyncadd.s32 @!p0 s1  }
0x130: {  	[bflag:$0x3] =	sbarrier.arrive $0xFFFF  }
0x131: {  	_ =	shalt  }

// kernel: kernel.20.cloned.1.call-start
scs
__scs_entry_jumppad:
0x0: {  	(pc) =	sbr.rel $0x88, $3  }
0x1: {  	(tag) =	ssettag $0x0;
	lr =	simm.s32 $0x1  }
0x2: {  	[smem:$0x3F85] =	sst lr;
	_ =	strace $0xD0000000  }
0x3: {  	_ = 	snop  }
0x4: {  	_ = 	snop  }
0x5: {  	_ = 	snop  }
0x6: {  	_ = 	snop  }
0x7: {  	_ = 	snop  }
__scs_overlays_trampoline_lowered:
0x8: {  	[smem:$0x3F94] =	sst s0  }
0x9: {  	[smem:$0x3F95] =	sst s1  }
0xa: {  	[smem:$0x3F96] =	sst s2  }
0xb: {  	[smem:$0x3F97] =	sst s3  }
0xc: {  	[smem:$0x3F98] =	sst s4  }
0xd: {  	[smem:$0x3F99] =	sst s5  }
0xe: {  	[smem:$0x3F9A] =	sst s6  }
0xf: {  	[smem:$0x3F9B] =	sst s7  }
0x10: {  	[smem:$0x3F9C] =	sst s8  }
0x11: {  	[smem:$0x3F9D] =	sst s9;
	s0 =	simm.s32 @!p0 $0x0  }
0x12: {  	s1 =	sld [smem:$0x3F83];
	s0 =	simm.s32 @p0 $0x1  }
0x13: {  	[smem:$0x3F9E] =	sst s0;
	s0 =	simm.s32 @!p1 $0x0  }
0x14: {  	s2 =	sld [smem:$0x3F82];
	s0 =	simm.s32 @p1 $0x1  }
0x15: {  	[smem:$0x3F9F] =	sst s0;
	s0 =	simm.s32 @!p2 $0x0  }
0x16: {  	s3 =	sld [smem:$0x3FDB];
	s0 =	simm.s32 @p2 $0x1  }
0x17: {  	s4 =	simm.s32 $0x1BF5;
	[smem:$0x3FA1] =	sst s0  }
0x18: {  	s0 =	sld [smem:$0x3F84];
	_ =	swait.ge [sflag:s4], $0x0  }
0x19: {  	s7 =	sld [smem:$0x3F85]  }
0x1a: {  	s8 =	sadd.s32 $0xFFFFE003, lr  }
0x1b: {  	s9 =	sadd.s32 $0xFFFFFEF7, lr;
	s5 =	simm.s32 $0xFFFFFFFF;
	p2 =	slt.u32 s8, $0xFFFFF086  }
0x1c: {  	p1 =	slt.u32 s9, $0xF7A;
	s5 =	simm.s32 @!p2 $0x0  }
0x1d: {  	s5 =	simm.s32 @p1 $0x1;
	p0 =	seq.s32 s7, s2  }
0x1e: {  	s7 =	smul.u32 @!p0 $0xF7A, s2;
	p2 =	seq.s32 @!p0 s5, $0x0  }
0x1f: {  	s9 =	smul.u32 $0xF7A, s1;
	s8 =	simm.s32 @!p0 $0x1BF5;
	p2 =	por !p2, p0  }
0x20: {  	[sflag:s8] =	ssyncset.s32 @!p0 $0xFFFFF086;
	s6 =	sadd.s32 @!p0 s3, s7;
	s7 =	simm.s32 @!p0 $0x108  }
0x21: {  	s3 =	sadd.s32 s3, s9;
	s6 =	sadd.s32 @!p0 $0x88, s6;
	s7 =	simm.s32 @p2 $0x1082  }
0x22: {  	[simem:s7], [sflag:s8] =	dma.local @!p0 [hbm:s6], $0xF7A  }
0x23: {  	s9 =	sor.u32 $0xD0000000, s2;
	s6 =	simm.s32 $0x108;
	_ =	swait.ge @!p0 [sflag:s8], $0x0  }
0x24: {  	s3 =	sadd.s32 $0x88, s3;
	s6 =	simm.s32 @!p1 $0x1082;
	[sflag:s4] =	ssyncset.s32 $0xFFFFF086  }
0x25: {  	[simem:s6], [sflag:s4] =	dma.local [hbm:s3], $0xF7A  }
0x26: {  	[smem:$0x3F85] =	sst s1;
	(tag) =	ssettag s2;
	_ =	strace s9  }
0x27: {  	s1 =	sld [smem:$0x3F95]  }
0x28: {  	s2 =	sld [smem:$0x3F96]  }
0x29: {  	s4 =	sld [smem:$0x3F98]  }
0x2a: {  	p0 =	seq.s32 s5, $0x0;
	s5 =	sld [smem:$0x3F99]  }
0x2b: {  	s6 =	sld [smem:$0x3F9A]  }
0x2c: {  	s7 =	sld [smem:$0x3F9B]  }
0x2d: {  	s3 =	simm.s32 $0x108;
	s8 =	sld [smem:$0x3F9C]  }
0x2e: {  	s3 =	simm.s32 @!p0 $0x1082;
	s9 =	sld [smem:$0x3F9D]  }
0x2f: {  	lr =	sadd.s32 s0, s3;
	s0 =	sld [smem:$0x3F94]  }
0x30: {  	s3 =	sld [smem:$0x3F97]  }
0x31: {  	[smem:$0x3FA0] =	sst s10  }
0x32: {  	s10 =	sld [smem:$0x3F9E];
	_ =	sdelay $0x3  }
0x33: {  	p0 =	seq.s32 s10, $0x1;
	s10 =	sld [smem:$0x3FA0];
	_ =	sdelay $0x3  }
0x34: {  	[smem:$0x3FA0] =	sst s10  }
0x35: {  	s10 =	sld [smem:$0x3F9F];
	_ =	sdelay $0x3  }
0x36: {  	p1 =	seq.s32 s10, $0x1;
	s10 =	sld [smem:$0x3FA0];
	_ =	sdelay $0x3  }
0x37: {  	[smem:$0x3FA0] =	sst s10  }
0x38: {  	s10 =	sld [smem:$0x3FA1]  }
0x39: {  	_ = 	snop;
	(pc) =	sbr.ind lr, $3  }
0x3a: {  	_ = 	snop  }
0x3b: {  	_ = 	snop  }
0x3c: {  	p2 =	seq.s32 s10, $0x1;
	s10 =	sld [smem:$0x3FA0]  }
0x3d: {  	_ =	shalt  }
0x3e: {  	_ =	shalt  }
0x3f: {  	_ =	shalt  }
0x40: {  	_ =	shalt  }
0x41: {  	_ =	shalt  }
0x42: {  	_ =	shalt  }
0x43: {  	_ =	shalt  }
0x44: {  	_ =	shalt  }
0x45: {  	_ =	shalt  }
0x46: {  	_ =	shalt  }
0x47: {  	_ =	shalt  }
0x48: {  	_ =	shalt  }
0x49: {  	_ =	shalt  }
0x4a: {  	_ =	shalt  }
0x4b: {  	_ =	shalt  }
0x4c: {  	_ =	shalt  }
0x4d: {  	_ =	shalt  }
0x4e: {  	_ =	shalt  }
0x4f: {  	_ =	shalt  }
0x50: {  	_ =	shalt  }
0x51: {  	_ =	shalt  }
0x52: {  	_ =	shalt  }
0x53: {  	_ =	shalt  }
0x54: {  	_ =	shalt  }
0x55: {  	_ =	shalt  }
0x56: {  	_ =	shalt  }
0x57: {  	_ =	shalt  }
0x58: {  	_ =	shalt  }
0x59: {  	_ =	shalt  }
0x5a: {  	_ =	shalt  }
0x5b: {  	_ =	shalt  }
0x5c: {  	_ =	shalt  }
0x5d: {  	_ =	shalt  }
0x5e: {  	_ =	shalt  }
0x5f: {  	_ =	shalt  }
0x60: {  	_ =	shalt  }
0x61: {  	_ =	shalt  }
0x62: {  	_ =	shalt  }
0x63: {  	_ =	shalt  }
0x64: {  	_ =	shalt  }
0x65: {  	_ =	shalt  }
0x66: {  	_ =	shalt  }
0x67: {  	_ =	shalt  }
0x68: {  	_ =	shalt  }
0x69: {  	_ =	shalt  }
0x6a: {  	_ =	shalt  }
0x6b: {  	_ =	shalt  }
0x6c: {  	_ =	shalt  }
0x6d: {  	_ =	shalt  }
0x6e: {  	_ =	shalt  }
0x6f: {  	_ =	shalt  }
0x70: {  	_ =	shalt  }
0x71: {  	_ =	shalt  }
0x72: {  	_ =	shalt  }
0x73: {  	_ =	shalt  }
0x74: {  	_ =	shalt  }
0x75: {  	_ =	shalt  }
0x76: {  	_ =	shalt  }
0x77: {  	_ =	shalt  }
0x78: {  	_ =	shalt  }
0x79: {  	_ =	shalt  }
0x7a: {  	_ =	shalt  }
0x7b: {  	_ =	shalt  }
0x7c: {  	_ =	shalt  }
0x7d: {  	_ =	shalt  }
0x7e: {  	_ =	shalt  }
0x7f: {  	_ =	shalt  }
0x80: {  	_ =	shalt  }
0x81: {  	_ =	shalt  }
0x82: {  	_ =	shalt  }
0x83: {  	_ =	shalt  }
0x84: {  	_ =	shalt  }
0x85: {  	_ =	shalt  }
0x86: {  	_ =	shalt  }
0x87: {  	_ =	shalt  }
.Lfunc_end0:
.L_simem_size_0:
called_computation.3_lowered:
.L_overlay_start_0:
0x88: {  	s2 =	sld [smem:$0x3FD9]  }
0x89: {  	s3 =	sld [smem:$0x3FFE];
	_ =	sdelay $0x1  }
0x8a: {  	s1 =	srdreg.scid  }
0x8b: {  	s0 =	sand.u32 $0x1, s1  }
0x8c: {  	s17 =	sshll.u32 s0, $0xA;
	s2 =	sadd.s32 s3, s2  }
0x8d: {  	s2 =	sadd.s32 s2, s17  }
0x8e: {  	[smem:$0x3FAC] =	sst s2  }
0x8f: {  	_ = 	snop  }
0x90: {  	s2 =	sld [smem:$0x3FD0];
	(tm) =	ssettm $0x1  }
0x91: {  	s18 =	sld [smem:$0x3FFB];
	_ =	sdelay $0x3  }
0x92: {  	_ =	strace s18  }
0x93: {  	s3 =	sld [smem:$0x3FFC];
	_ =	sdelay $0x3  }
0x94: {  	_ =	strace s3  }
0x95: {  	s3 =	sld [smem:$0x3FFD];
	_ =	sdelay $0x3  }
0x96: {  	_ =	strace s3  }
0x97: {  	_ =	strace $0x8FFFFFFF  }
0x98: {  	s19 =	sld [smem:$0x3FDB];
	_ =	sdelay $0x1  }
0x99: {  	s4 =	simm.s32 $_scs_section_size  }
0x9a: {  	s5 =	simm.s32 $_size__tile_overlayer_lowered;
	s6 =	simm.s32 $_tile_overlayer_lowered  }
0x9b: {  	s22 =	simm.s32 $0x1BFF;
	s21 =	sshll.u32 s6, $0x1;
	s3 =	sadd.s32 s4, s19  }
0x9c: {  	s7 =	simm.s32 $0x0;
	s20 =	sshll.u32 s5, $0x1;
	s5 =	sadd.s32 s21, s3  }
0x9d: {  	[timem:s7], [sflag:s22] =	dma.local [hbm:s5], s20  }
0x9e: {  	_ =	swait.ge [sflag:s22], s20  }
0x9f: {  	s4 =	ssub.s32 $0x0, s20;
	[sflag:s22] =	ssyncset.done $0x0  }
0xa0: {  	[sflag:s22] =	ssyncadd.s32 s4;
	_ =	sdelay $0x1  }
0xa1: {  	s23 =	simm.s32 $0x1B8B  }
0xa2: {  	_ =	swait.ge [sflag:s23], $0x1  }
0xa3: {  	[sflag:s23] =	ssyncset.done $0x0  }
0xa4: {  	s25 =	simm.s32 $0x1B8E;
	s24 =	sld [smem:$0x3FFE];
	[sflag:s23] =	ssyncadd.s32 $0xFFFFFFFF  }
0xa5: {  	s26 =	simm.s32 $execute0_lowered;
	[smem:$0x3FD2] =	sst s25  }
0xa6: {  	s5 =	sshll.u32 s26, $0x1;
	_ =	strace $0x8000004F;
	[dreg:$0x1] =	wrdreg $0xFFFFFFFF  }
0xa7: {  	s28 =	simm.s32 $_size_execute0_lowered;
	s3 =	sadd.s32 s3, s5;
	[dreg:$0x0] =	wrdreg $0x0  }
0xa8: {  	s5 =	sshll.u32 s28, $0x1;
	[dreg:$0x2] =	wrdreg s3  }
0xa9: {  	[dreg:$0x3] =	wrdreg s5  }
0xaa: {  	[dreg:$0x4] =	wrdreg $0xC0  }
0xab: {  	_ =	task [dreg:s7], $0x5FFFF  }
0xac: {  	[dreg:$0x1] =	wrdreg $0xFFFFFFFF  }
0xad: {  	[dreg:$0x0] =	wrdreg $0x60  }
0xae: {  	[dreg:$0x2] =	wrdreg s24  }
0xaf: {  	[dreg:$0x3] =	wrdreg s2  }
0xb0: {  	[dreg:$0x4] =	wrdreg $0x121100  }
0xb1: {  	[dreg:$0x5] =	wrdreg $0x9  }
0xb2: {  	_ =	task.clear_ibuf [dreg:s7], $0x6FFFF;
	_ =	strace $0x9000004F  }
0xb3: {  	s29 =	simm.s32 $0x9;
	_ =	strace $0x80000051  }
0xb4: {  	_ =	swait.ge [sflag:s29], $0x1  }
0xb5: {  	[sflag:s29] =	ssyncadd.s32 $0xFFFFFFFF  }
0xb6: {  	_ =	strace $0x90000051  }
0xb7: {  	_ =	sfence  }
0xb8: {  	s30 =	sld [smem:$0x0];
	_ =	sdelay $0x2  }
0xb9: {  	s31 =	sshll.u32 s1, $0xD;
	s1 =	sshrl.u32 s1, $0x2  }
0xba: {  	s3 =	sand.u32 $0x4000, s31;
	s1 =	sadd.s32 s1, s30  }
0xbb: {  	s0 =	sor.u32 s3, s0;
	s1 =	sshll.u32 s1, $0x11  }
0xbc: {  	s0 =	sor.u32 s1, s0  }
0xbd: {  	s0 =	sadd.s32 $0x8F2B, s0  }
0xbe: {  	[sflag:s0] =	ssyncadd.remote.s32 $0x1  }
0xbf: {  	_ =	sfence.sel $0xFFFF  }
0xc0: {  	[dreg:$0x0] =	wrdreg $0xFFFFFFFF;
	(pc) =	sbr.abs _section_cstart, $3  }
0xc1: {  	[dreg:$0x1] =	wrdreg $0xFFFFFFFF  }
0xc2: {  	_ =	task.clear_ibuf [dreg:s7], $0x2FFFF;
	_ =	strace $0x9FFFFFFF  }
0xc3: {  	(tm) =	ssettm $0x7FFFFFFF  }
tec
execute0_lowered:
.L_overlay_start_1:
0x0: {  	(tag) =	ssettag $0x1  }
0x1: {  	s18 =	rddreg [dreg:$0x0]  }
0x2: {  	s30 =	rddreg [dreg:$0x1]  }
0x3: {  	s1 =	stileid.u32;
	s0 =	srdreg.scid  }
0x4: {  	s31 =	sand.u32 $0x1, s0;
	s4 =	sshll.u32 s1, $0x1;
	s0 =	smul.u32 $0x2710, s1  }
0x5: {  	s2 =	rddreg [dreg:$0x2];
	s3 =	simm.s32 $0x0;
	s19 =	sor.u32 s31, s4  }
0x6: {  	[smem:$0x7FF] =	sst s3;
	s6 =	smul.u32 $0x2710, s19;
	s24 =	sshrl.u32 s0, $0x3  }
0x7: {  	s8 =	sadd.s32 $0x14E00, s18;
	_ =	strace $0x80000050;
	s11 =	sadd.s32 s24, s18  }
0x8: {  	s20 =	sadd.s32 $0x7D0, s6;
	s25 =	sshrl.u32 s6, $0x3;
	s24 =	sadd.s32 $0xFA0, s6  }
0x9: {  	s28 =	sadd.s32 $0x1770, s6;
	s29 =	sadd.s32 $0x1F40, s6;
	s5 =	sshrl.u32 s20, $0x3  }
0xa: {  	s4 =	sadd.s32 s8, s25;
	s7 =	sshrl.u32 s24, $0x3;
	s26 =	sshrl.u32 s28, $0x3  }
0xb: {  	s9 =	sshrl.u32 s29, $0x3;
	s5 =	sadd.s32 s8, s5;
	s6 =	sadd.s32 s8, s7  }
0xc: {  	[tilespmem:s3], [sflag:$0x1] =	stream.linear.gather [hbm4b:s4+s3], $0x7D0, $0x38;
	[tilespmem:$0x14820] =	vst v63  }
0xd: {  	s7 =	sadd.s32 s8, s26;
	s8 =	sadd.s32 s8, s9;
	s9 =	simm.s32 $0x7D0  }
0xe: {  	[tilespmem:s9], [sflag:$0x1] =	stream.linear.gather [hbm4b:s5+s3], $0x7D0, $0x38;
	[tilespmem:$0x14820] =	vst v63  }
0xf: {  	s10 =	simm.s32 $0xFA0;
	s13 =	simm.s32 $0x1770;
	s12 =	sshll.u32 s1, $0x6  }
0x10: {  	[tilespmem:s10], [sflag:$0x1] =	stream.linear.gather [hbm4b:s6+s3], $0x7D0, $0x38;
	[tilespmem:$0x14820] =	vst v63  }
0x11: {  	s14 =	simm.s32 $0x1F40;
	s12 =	sor.u32 $0x1C06, s12;
	s15 =	sadd.s32 s0, s2  }
0x12: {  	[tilespmem:s13], [sflag:$0x1] =	stream.linear.gather [hbm4b:s7+s3], $0x7D0, $0x38;
	[tilespmem:$0x14820] =	vst v63  }
0x13: {  	s16 =	sshrl.u32 s15, $0x3;
	s15 =	simm.s32 $0x6;
	s11 =	sadd.s32 $0x6000, s11  }
0x14: {  	[tilespmem:s14], [sflag:$0x1] =	stream.linear.gather [hbm4b:s8+s3], $0x7D0, $0x38;
	[tilespmem:$0x14820] =	vst v63  }
0x15: {  	[spmem:s16], [sflag:s12] =	dma.local [hbm:s11], $0x4E2  }
0x16: {  	_ =	swait.ge [sflag:s15], $0x4E2  }
0x17: {  	[sflag:s15] =	ssyncset.done $0x0  }
0x18: {  	s17 =	simm.s32 $0x1;
	[sflag:s15] =	ssyncadd.s32 $0xFFFFFB1E  }
0x19: {  	_ =	swait.ge [sflag:s17], $0x7D0  }
0x1a: {  	[sflag:s17] =	ssyncset.done $0x0  }
0x1b: {  	[sflag:s17] =	ssyncadd.s32 $0xFFFFF830  }
0x1c: {  	_ =	swait.ge [sflag:s17], $0x7D0  }
0x1d: {  	[sflag:s17] =	ssyncset.done $0x0  }
0x1e: {  	[sflag:s17] =	ssyncadd.s32 $0xFFFFF830  }
0x1f: {  	_ =	swait.ge [sflag:s17], $0x7D0  }
0x20: {  	[sflag:s17] =	ssyncset.done $0x0  }
0x21: {  	[sflag:s17] =	ssyncadd.s32 $0xFFFFF830  }
0x22: {  	_ =	swait.ge [sflag:s17], $0x7D0  }
0x23: {  	[sflag:s17] =	ssyncset.done $0x0  }
0x24: {  	[sflag:s17] =	ssyncadd.s32 $0xFFFFF830  }
0x25: {  	s19 =	smul.u32 $0x4E20, s19;
	_ =	swait.ge [sflag:s17], $0x7D0  }
0x26: {  	s1 =	sadd.s32 $0x1EC00, s18;
	[sflag:s17] =	ssyncset.done $0x0  }
0x27: {  	s18 =	sadd.s32 s1, s19;
	[sflag:s17] =	ssyncadd.s32 $0xFFFFF830  }
0x28: {  	s19 =	simm.s32 $0x2710;
	s20 =	sshll.u32 s20, $0x1;
	[bflag:$0x0] =	sbarrier.arrive $0xFFFF  }
0x29: {  	[tilespmem:s19], [sflag:$0x2] =	stream.linear.gather [hbm4b:s18+s3], $0x7D00, $0x38;
	[tilespmem:$0x14820] =	vst v63  }
0x2a: {  	s21 =	simm.s32 $0xA410;
	s22 =	simm.s32 $0x2;
	s20 =	sadd.s32 s1, s20  }
0x2b: {  	[tilespmem:s21], [sflag:$0x3] =	stream.linear.gather [hbm4b:s20+s3], $0x7D00, $0x38;
	[tilespmem:$0x14820] =	vst v63  }
0x2c: {  	_ =	swait.ge [sflag:s22], $0x7D00  }
0x2d: {  	[sflag:s22] =	ssyncset.done $0x0  }
0x2e: {  	s23 =	simm.s32 $0x4;
	[sflag:s22] =	ssyncadd.s32 $0xFFFF8300  }
0x2f: {  	[spmem:s2] =	stream.indirect.scatter.add.f32 [tilespmem:s19], [sflag:$0x4], $0x10, s3, s9, $0xb8;
	[tilespmem:$0x14820] =	vst v63  }
0x30: {  	_ =	swait.ge [sflag:s23], $0x7D00  }
0x31: {  	s24 =	sshll.u32 s24, $0x1;
	[sflag:s23] =	ssyncset.done $0x0  }
0x32: {  	s25 =	simm.s32 $0x3;
	s24 =	sadd.s32 s1, s24;
	[sflag:s23] =	ssyncadd.s32 $0xFFFF8300  }
0x33: {  	[tilespmem:s19], [sflag:$0x2] =	stream.linear.gather [hbm4b:s24+s3], $0x7D00, $0x38;
	[tilespmem:$0x14820] =	vst v63  }
0x34: {  	_ =	swait.ge [sflag:s25], $0x7D00  }
0x35: {  	[sflag:s25] =	ssyncset.done $0x0  }
0x36: {  	s26 =	simm.s32 $0x5;
	[sflag:s25] =	ssyncadd.s32 $0xFFFF8300  }
0x37: {  	[spmem:s2] =	stream.indirect.scatter.add.f32 [tilespmem:s21], [sflag:$0x5], $0x10, s9, s9, $0xb8;
	[tilespmem:$0x14820] =	vst v63  }
0x38: {  	_ =	swait.ge [sflag:s26], $0x7D00  }
0x39: {  	s28 =	sshll.u32 s28, $0x1;
	[sflag:s26] =	ssyncset.done $0x0  }
0x3a: {  	s28 =	sadd.s32 s1, s28;
	[sflag:s26] =	ssyncadd.s32 $0xFFFF8300  }
0x3b: {  	[tilespmem:s21], [sflag:$0x3] =	stream.linear.gather [hbm4b:s28+s3], $0x7D00, $0x38;
	[tilespmem:$0x14820] =	vst v63  }
0x3c: {  	_ =	swait.ge [sflag:s22], $0x7D00  }
0x3d: {  	[sflag:s22] =	ssyncset.done $0x0  }
0x3e: {  	[sflag:s22] =	ssyncadd.s32 $0xFFFF8300  }
0x3f: {  	[spmem:s2] =	stream.indirect.scatter.add.f32 [tilespmem:s19], [sflag:$0x4], $0x10, s10, s9, $0xb8;
	[tilespmem:$0x14820] =	vst v63  }
0x40: {  	_ =	swait.ge [sflag:s23], $0x7D00  }
0x41: {  	s29 =	sshll.u32 s29, $0x1;
	[sflag:s23] =	ssyncset.done $0x0  }
0x42: {  	s29 =	sadd.s32 s1, s29;
	[sflag:s23] =	ssyncadd.s32 $0xFFFF8300  }
0x43: {  	[tilespmem:s19], [sflag:$0x2] =	stream.linear.gather [hbm4b:s29+s3], $0x7D00, $0x38;
	[tilespmem:$0x14820] =	vst v63  }
0x44: {  	_ =	swait.ge [sflag:s25], $0x7D00  }
0x45: {  	[sflag:s25] =	ssyncset.done $0x0  }
0x46: {  	[sflag:s25] =	ssyncadd.s32 $0xFFFF8300  }
0x47: {  	[spmem:s2] =	stream.indirect.scatter.add.f32 [tilespmem:s21], [sflag:$0x5], $0x10, s13, s9, $0xb8;
	[tilespmem:$0x14820] =	vst v63  }
0x48: {  	_ =	swait.ge [sflag:s22], $0x7D00  }
0x49: {  	[sflag:s22] =	ssyncset.done $0x0  }
0x4a: {  	s1 =	smul.u32 $0x27100, s31;
	[sflag:s22] =	ssyncadd.s32 $0xFFFF8300  }
0x4b: {  	[spmem:s2] =	stream.indirect.scatter.add.f32 [tilespmem:s19], [sflag:$0x4], $0x10, s14, s9, $0xb8;
	[tilespmem:$0x14820] =	vst v63  }
0x4c: {  	s31 =	ssub.s32 $0x2, s31;
	_ =	swait.ge [sflag:s23], $0x7D00  }
0x4d: {  	s0 =	sadd.s32 s0, s1;
	s1 =	sshrl.u32 s31, $0x1;
	[sflag:s23] =	ssyncset.done $0x0  }
0x4e: {  	s1 =	ssub.s32 s31, s1;
	[sflag:s23] =	ssyncadd.s32 $0xFFFF8300  }
0x4f: {  	s1 =	smax.u32 s1, $0x1;
	_ =	swait.ge [sflag:s26], $0x7D00  }
0x50: {  	p0 =	sne.s32 s1, $0x1;
	[sflag:s26] =	ssyncset.done $0x0  }
.Ltmp0:
0x51: {  	s0 =	sshrl.u32 s0, $0x3;
	[sflag:s26] =	ssyncadd.s32 $0xFFFF8300;
	(pc) =	sbr.rel @!p0 .LBB2_2-.Ltmp0, $4  }
0x52: {  	s30 =	sadd.s32 s30, s0;
	[bflag:$0x0] =	sbarrier.arrive $0xFFFF  }
0x53: {  	[hbm:s30], [sflag:s12] =	dma.local [spmem:s16], $0x4E2  }
0x54: {  	_ =	swait.ge [sflag:s15], $0x4E2  }
0x55: {  	s31 =	sadd.s32 $0xFFFFFFFF, s1;
	[sflag:s15] =	ssyncset.done $0x0  }
.LBB2_1:
0x56: {  	p0 =	sne.s32 s31, $0x1;
	s31 =	sadd.s32 $0xFFFFFFFF, s31;
	[sflag:s15] =	ssyncadd.s32 $0xFFFFFB1E  }
0x57: {  	[tilespmem:s3], [sflag:$0x1] =	stream.linear.gather [hbm4b:s4+s3], $0x7D0, $0x38;
	[tilespmem:$0x14820] =	vst v63  }
0x58: {  	_ = 	snop  }
0x59: {  	[tilespmem:s9], [sflag:$0x1] =	stream.linear.gather [hbm4b:s5+s3], $0x7D0, $0x38;
	[tilespmem:$0x14820] =	vst v63  }
0x5a: {  	_ = 	snop  }
0x5b: {  	[tilespmem:s10], [sflag:$0x1] =	stream.linear.gather [hbm4b:s6+s3], $0x7D0, $0x38;
	[tilespmem:$0x14820] =	vst v63  }
0x5c: {  	_ = 	snop  }
0x5d: {  	[tilespmem:s13], [sflag:$0x1] =	stream.linear.gather [hbm4b:s7+s3], $0x7D0, $0x38;
	[tilespmem:$0x14820] =	vst v63  }
0x5e: {  	_ = 	snop  }
0x5f: {  	[tilespmem:s14], [sflag:$0x1] =	stream.linear.gather [hbm4b:s8+s3], $0x7D0, $0x38;
	[tilespmem:$0x14820] =	vst v63  }
0x60: {  	[spmem:s16], [sflag:s12] =	dma.local [hbm:s11], $0x4E2  }
0x61: {  	_ =	swait.ge [sflag:s15], $0x4E2  }
0x62: {  	[sflag:s15] =	ssyncset.done $0x0  }
0x63: {  	[sflag:s15] =	ssyncadd.s32 $0xFFFFFB1E  }
0x64: {  	_ =	swait.ge [sflag:s17], $0x7D0  }
0x65: {  	[sflag:s17] =	ssyncset.done $0x0  }
0x66: {  	[sflag:s17] =	ssyncadd.s32 $0xFFFFF830  }
0x67: {  	_ =	swait.ge [sflag:s17], $0x7D0  }
0x68: {  	[sflag:s17] =	ssyncset.done $0x0  }
0x69: {  	[sflag:s17] =	ssyncadd.s32 $0xFFFFF830  }
0x6a: {  	_ =	swait.ge [sflag:s17], $0x7D0  }
0x6b: {  	[sflag:s17] =	ssyncset.done $0x0  }
0x6c: {  	[sflag:s17] =	ssyncadd.s32 $0xFFFFF830  }
0x6d: {  	_ =	swait.ge [sflag:s17], $0x7D0  }
0x6e: {  	[sflag:s17] =	ssyncset.done $0x0  }
0x6f: {  	[sflag:s17] =	ssyncadd.s32 $0xFFFFF830  }
0x70: {  	_ =	swait.ge [sflag:s17], $0x7D0  }
0x71: {  	[sflag:s17] =	ssyncset.done $0x0  }
0x72: {  	[sflag:s17] =	ssyncadd.s32 $0xFFFFF830  }
0x73: {  	[bflag:$0x0] =	sbarrier.arrive $0xFFFF  }
0x74: {  	[tilespmem:s19], [sflag:$0x2] =	stream.linear.gather [hbm4b:s18+s3], $0x7D00, $0x38;
	[tilespmem:$0x14820] =	vst v63  }
0x75: {  	_ = 	snop  }
0x76: {  	[tilespmem:s21], [sflag:$0x3] =	stream.linear.gather [hbm4b:s20+s3], $0x7D00, $0x38;
	[tilespmem:$0x14820] =	vst v63  }
0x77: {  	_ =	swait.ge [sflag:s22], $0x7D00  }
0x78: {  	[sflag:s22] =	ssyncset.done $0x0  }
0x79: {  	[sflag:s22] =	ssyncadd.s32 $0xFFFF8300  }
0x7a: {  	[spmem:s2] =	stream.indirect.scatter.add.f32 [tilespmem:s19], [sflag:$0x4], $0x10, s3, s9, $0xb8;
	[tilespmem:$0x14820] =	vst v63  }
0x7b: {  	_ =	swait.ge [sflag:s23], $0x7D00  }
0x7c: {  	[sflag:s23] =	ssyncset.done $0x0  }
0x7d: {  	[sflag:s23] =	ssyncadd.s32 $0xFFFF8300  }
0x7e: {  	[tilespmem:s19], [sflag:$0x2] =	stream.linear.gather [hbm4b:s24+s3], $0x7D00, $0x38;
	[tilespmem:$0x14820] =	vst v63  }
0x7f: {  	_ =	swait.ge [sflag:s25], $0x7D00  }
0x80: {  	[sflag:s25] =	ssyncset.done $0x0  }
0x81: {  	[sflag:s25] =	ssyncadd.s32 $0xFFFF8300  }
0x82: {  	[spmem:s2] =	stream.indirect.scatter.add.f32 [tilespmem:s21], [sflag:$0x5], $0x10, s9, s9, $0xb8;
	[tilespmem:$0x14820] =	vst v63  }
0x83: {  	_ =	swait.ge [sflag:s26], $0x7D00  }
0x84: {  	[sflag:s26] =	ssyncset.done $0x0  }
0x85: {  	[sflag:s26] =	ssyncadd.s32 $0xFFFF8300  }
0x86: {  	[tilespmem:s21], [sflag:$0x3] =	stream.linear.gather [hbm4b:s28+s3], $0x7D00, $0x38;
	[tilespmem:$0x14820] =	vst v63  }
0x87: {  	_ =	swait.ge [sflag:s22], $0x7D00  }
0x88: {  	[sflag:s22] =	ssyncset.done $0x0  }
0x89: {  	[sflag:s22] =	ssyncadd.s32 $0xFFFF8300  }
0x8a: {  	[spmem:s2] =	stream.indirect.scatter.add.f32 [tilespmem:s19], [sflag:$0x4], $0x10, s10, s9, $0xb8;
	[tilespmem:$0x14820] =	vst v63  }
0x8b: {  	_ =	swait.ge [sflag:s23], $0x7D00  }
0x8c: {  	[sflag:s23] =	ssyncset.done $0x0  }
0x8d: {  	[sflag:s23] =	ssyncadd.s32 $0xFFFF8300  }
0x8e: {  	[tilespmem:s19], [sflag:$0x2] =	stream.linear.gather [hbm4b:s29+s3], $0x7D00, $0x38;
	[tilespmem:$0x14820] =	vst v63  }
0x8f: {  	_ =	swait.ge [sflag:s25], $0x7D00  }
0x90: {  	[sflag:s25] =	ssyncset.done $0x0  }
0x91: {  	[sflag:s25] =	ssyncadd.s32 $0xFFFF8300  }
0x92: {  	[spmem:s2] =	stream.indirect.scatter.add.f32 [tilespmem:s21], [sflag:$0x5], $0x10, s13, s9, $0xb8;
	[tilespmem:$0x14820] =	vst v63  }
0x93: {  	_ =	swait.ge [sflag:s22], $0x7D00  }
0x94: {  	[sflag:s22] =	ssyncset.done $0x0  }
0x95: {  	[sflag:s22] =	ssyncadd.s32 $0xFFFF8300  }
0x96: {  	[spmem:s2] =	stream.indirect.scatter.add.f32 [tilespmem:s19], [sflag:$0x4], $0x10, s14, s9, $0xb8;
	[tilespmem:$0x14820] =	vst v63  }
0x97: {  	_ =	swait.ge [sflag:s23], $0x7D00  }
0x98: {  	[sflag:s23] =	ssyncset.done $0x0  }
0x99: {  	[sflag:s23] =	ssyncadd.s32 $0xFFFF8300  }
0x9a: {  	_ =	swait.ge [sflag:s26], $0x7D00  }
0x9b: {  	[sflag:s26] =	ssyncset.done $0x0  }
.Ltmp1:
0x9c: {  	[sflag:s26] =	ssyncadd.s32 $0xFFFF8300;
	(pc) =	sbr.rel @p0 .LBB2_1-.Ltmp1, $4  }
0x9d: {  	[bflag:$0x0] =	sbarrier.arrive $0xFFFF  }
0x9e: {  	[hbm:s30], [sflag:s12] =	dma.local [spmem:s16], $0x4E2  }
0x9f: {  	_ =	swait.ge [sflag:s15], $0x4E2  }
0xa0: {  	[sflag:s15] =	ssyncset.done $0x0  }
.LBB2_2:
0xa1: {  	[sflag:s15] =	ssyncadd.s32 $0xFFFFFB1E  }
0xa2: {  	_ =	sfence.sel $0x180000  }
0xa3: {  	[bflag:$0x0] =	sbarrier.arrive $0xFFFF  }
0xa4: {  	_ =	strace $0x90000050  }
0xa5: {  	s0 =	stileid.u32;
	[bflag:$0x2] =	sbarrier.arrive $0xFFFF  }
0xa6: {  	p0 =	sne.s32 s0, $0x0;
	s0 =	rddreg [dreg:$0x3]  }
0xa7: {  	s0 =	sadd.s32 @!p0 $0x100000, s0  }
0xa8: {  	[sflag:s0] =	ssyncadd.tile.s32 @!p0 $0x1;
	_ =	shalt  }
.Lfunc_end2:
_tile_overlayer_lowered:
.L_overlay_start_2:
0xa9: {  	(tag) =	ssettag $0x2  }
0xaa: {  	s0 =	rddreg [dreg:$0x0];
	s2 =	stileid.u32  }
0xab: {  	s1 =	rddreg [dreg:$0x1];
	p0 =	sne.s32 s2, $0x0  }
0xac: {  	s3 =	rddreg [dreg:$0x2];
	[bflag:$0x3] =	sbarrier.arrive $0xFFFF;
	s2 =	simm.s32 @!p0 $0x1C06  }
0xad: {  	[timem:s3], [sflag:s2] =	dma.local @!p0 [hbm:s0], s1  }
0xae: {  	s0 =	simm.s32 @!p0 $0x6  }
0xaf: {  	_ =	swait.ge @!p0 [sflag:s0], s1  }
0xb0: {  	s1 =	ssub.s32 @!p0 $0x0, s1;
	[sflag:s0] =	ssyncset.done @!p0 $0x0  }
0xb1: {  	[sflag:s0] =	ssyncadd.s32 @!p0 s1  }
0xb2: {  	[bflag:$0x3] =	sbarrier.arrive $0xFFFF  }
0xb3: {  	_ =	shalt  }

</sc_bundles>
